<compile_context>
chip_gen: v7x
topology: tpu7x:2x2x1
jax: 0.10.2.dev20260603
libtpu: 0.0.44.dev20260713+nightly
codegen_flags: <defaults>
</compile_context>

<pallas_src>
import jax
import jax.numpy as jnp
from jax import lax
from jax.experimental import pallas as pl
from jax.experimental.pallas import tpu as pltpu
from jax.experimental.pallas import tpu_sc as plsc

L = 16
D = 128
B = 4096
SEQ = 50
NW = 32
B_W = B // NW
NG = D // L
NBG = B_W // L


def _body(s_hbm, w_hbm, e_hbm, out_hbm,
          w_v, e_v, s_v, buf0, buf1, semo0, semo1):
    wid = lax.axis_index("s") * 2 + lax.axis_index("c")
    bbase = wid * B_W

    pltpu.sync_copy(s_hbm.at[:, pl.ds(bbase, B_W)], s_v)
    pltpu.sync_copy(w_hbm, w_v)
    pltpu.sync_copy(e_hbm, e_v)

    wg = [w_v[pl.ds(g * L, L)] for g in range(NG)]
    e0g = [e_v[0, pl.ds(g * L, L)] for g in range(NG)]
    e1g = [e_v[1, pl.ds(g * L, L)] for g in range(NG)]

    bufs = (buf0, buf1)
    semos = (semo0, semo1)

    @pl.loop(0, SEQ // 2)
    def _outer(i):
        for b in range(2):
            c = 2 * i + b
            buf = bufs[b]
            semo = semos[b]

            @pl.when(c >= 2)
            def _wait_prev_out():
                pltpu.make_async_copy(
                    buf, out_hbm.at[c - 2, pl.ds(bbase, B_W)], semo
                ).wait()

            @pl.loop(0, NBG)
            def _grp(g):
                sv = s_v[c, pl.ds(g * L, L)]
                for j in range(L):
                    sb = jnp.full((L,), sv[j], jnp.float32)
                    nanb = sb != sb
                    r = g * L + j
                    for d in range(NG):
                        buf[r, pl.ds(d * L, L)] = jnp.where(
                            nanb, e1g[d], sb * wg[d] + e0g[d]
                        )

            pltpu.make_async_copy(
                buf, out_hbm.at[c, pl.ds(bbase, B_W)], semo
            ).start()

    pltpu.make_async_copy(
        buf0, out_hbm.at[SEQ - 2, pl.ds(bbase, B_W)], semo0
    ).wait()
    pltpu.make_async_copy(
        buf1, out_hbm.at[SEQ - 1, pl.ds(bbase, B_W)], semo1
    ).wait()


@jax.jit
def kernel(scalar, W_fc, emb_nan):
    s_t = jnp.transpose(scalar.reshape(B, SEQ), (1, 0))
    w_flat = W_fc.reshape(D)

    run = pl.kernel(
        _body,
        out_type=jax.ShapeDtypeStruct((SEQ, B, D), jnp.float32),
        mesh=plsc.VectorSubcoreMesh(core_axis_name="c", subcore_axis_name="s"),
        scratch_types=[
            pltpu.VMEM((D,), jnp.float32),
            pltpu.VMEM((2, D), jnp.float32),
            pltpu.VMEM((SEQ, B_W), jnp.float32),
            pltpu.VMEM((B_W, D), jnp.float32),
            pltpu.VMEM((B_W, D), jnp.float32),
            pltpu.SemaphoreType.DMA,
            pltpu.SemaphoreType.DMA,
        ],
        compiler_params=pltpu.CompilerParams(needs_layout_passes=False),
    )
    out_t = run(s_t, w_flat, emb_nan)
    return jnp.transpose(out_t, (1, 0, 2))

# --- scband reference (transcript-rebuilt; emitter-appended) ---
"""Pipeline reference for scband-scalar-embedding-67010079752554 (READ-ONLY COPY).

The authoritative reference and input builder live on the scoring server;
editing this copy changes nothing except your own understanding.
"""

import jax, jax.numpy as jnp
import numpy as np


def setup_inputs(seed: int = 0) -> dict:
    key = jax.random.key(seed)
    k1, k2, k3 = jax.random.split(key, 3)
    scalar = jax.random.normal(k1, (4096, 50, 1), dtype=jnp.float32)
    # nn.Linear(1, model_dim, bias=False) weight: [model_dim, 1]
    W_fc = jax.random.normal(k2, (128, 1), dtype=jnp.float32)
    # nn.Embedding(2, model_dim) table
    emb_nan = jax.random.normal(k3, (2, 128), dtype=jnp.float32)
    return {"scalar": scalar, "W_fc": W_fc, "emb_nan": emb_nan}


def reference(scalar, W_fc, emb_nan):
    # mask NaNs, replace with 0.0, build nan-indicator indices
    mask = jnp.isnan(scalar)
    scalar_clean = jnp.where(mask, 0.0, scalar)
    nan_idx = mask.astype(jnp.int32)  # [B, L, 1] in {0,1}
    # fc: [B, L, 1] @ [1, D] -> [B, L, D]
    emb_scalar = scalar_clean @ W_fc.T
    # embedding lookup: [B, L, 1] -> [B, L, 1, D] -> squeeze(-2) -> [B, L, D]
    emb_nan_out = jnp.take(emb_nan, nan_idx, axis=0)
    emb_nan_out = jnp.squeeze(emb_nan_out, axis=-2)
    # dropout is identity in inference mode
    return emb_scalar + emb_nan_out

if __name__ == "__main__":
    import jax
    _d = setup_inputs()
    print(jax.jit(kernel)(*tuple(_d.values())))

</pallas_src>

<mosaic_0001>
#map = affine_map<(d0, d1) -> (0, 0)>
#map1 = affine_map<(d0, d1) -> (0)>
#map2 = affine_map<(d0, d1) -> (0, 0, 0)>
module attributes {stable_mosaic.version = 14 : i64} {
  func.func @_body(%arg0: i32, %arg1: i32, %arg2: memref<50x4096xf32, #tpu.memory_space<hbm>>, %arg3: memref<128xf32, #tpu.memory_space<hbm>>, %arg4: memref<2x128xf32, #tpu.memory_space<hbm>>, %arg5: memref<50x4096x128xf32, #tpu.memory_space<hbm>>, %arg6: memref<128xf32, #tpu.memory_space<vmem>>, %arg7: memref<2x128xf32, #tpu.memory_space<vmem>>, %arg8: memref<50x128xf32, #tpu.memory_space<vmem>>, %arg9: memref<128x128xf32, #tpu.memory_space<vmem>>, %arg10: memref<128x128xf32, #tpu.memory_space<vmem>>, %arg11: memref<!tpu.dma_semaphore, #tpu.memory_space<semaphore_mem>>, %arg12: memref<!tpu.dma_semaphore, #tpu.memory_space<semaphore_mem>>) attributes {dimension_semantics = [#tpu.dimension_semantics<core_parallel>, #tpu.dimension_semantics<subcore_parallel>], iteration_bounds = array<i64: 2, 16>, scalar_prefetch = 0 : i64, scratch_operands = 7 : i64, tpu.core_type = #tpu.core_type<sc_vector_subcore>, window_params = [{transform_indices = #map}, {transform_indices = #map1}, {transform_indices = #map}, {transform_indices = #map2}]} {
    %mul3A = arith.constant 2 : i32
    %mul3A_0 = arith.muli %arg1, %mul3A : i32
    %add3A = arith.addi %mul3A_0, %arg0 : i32
    %mul3A_1 = arith.constant 128 : i32
    %mul3A_2 = arith.muli %add3A, %mul3A_1 : i32
    "tpu.region"() ({
      %run_scoped3A = tpu.sem_alloc : memref<!tpu.dma_semaphore, #tpu.memory_space<semaphore_mem>>
      %dma_start3A = arith.constant 0 : i32
      %dma_start3A_99 = tpu.memref_slice %arg2[%dma_start3A, %mul3A_2] : memref<50x4096xf32, #tpu.memory_space<hbm>> -> memref<50x128xf32, #tpu.memory_space<hbm>>
      %dma_start3A_100 = arith.constant 0 : i32
      %dma_start3A_101 = tpu.memref_slice %arg2[%dma_start3A_100, %mul3A_2] : memref<50x4096xf32, #tpu.memory_space<hbm>> -> memref<50x128xf32, #tpu.memory_space<hbm>>
      tpu.enqueue_dma source(%dma_start3A_101 : memref<50x128xf32, #tpu.memory_space<hbm>>) target(%arg8 : memref<50x128xf32, #tpu.memory_space<vmem>>) target_semaphore(%run_scoped3A : memref<!tpu.dma_semaphore, #tpu.memory_space<semaphore_mem>>)
      %dma_wait3A_102 = arith.constant 0 : i32
      %dma_wait3A_103 = tpu.memref_slice %arg2[%dma_wait3A_102, %mul3A_2] : memref<50x4096xf32, #tpu.memory_space<hbm>> -> memref<50x128xf32, #tpu.memory_space<hbm>>
      %dma_wait3A_104 = arith.constant 0 : i32
      %dma_wait3A_105 = tpu.memref_slice %arg2[%dma_wait3A_104, %mul3A_2] : memref<50x4096xf32, #tpu.memory_space<hbm>> -> memref<50x128xf32, #tpu.memory_space<hbm>>
      tpu.wait_dma2 semaphore(%run_scoped3A : memref<!tpu.dma_semaphore, #tpu.memory_space<semaphore_mem>>) src(%dma_wait3A_105 : memref<50x128xf32, #tpu.memory_space<hbm>>) dst(%arg8 : memref<50x128xf32, #tpu.memory_space<vmem>>)
      tpu.yield
    }) : () -> ()
    "tpu.region"() ({
      %run_scoped3A = tpu.sem_alloc : memref<!tpu.dma_semaphore, #tpu.memory_space<semaphore_mem>>
      tpu.enqueue_dma source(%arg3 : memref<128xf32, #tpu.memory_space<hbm>>) target(%arg6 : memref<128xf32, #tpu.memory_space<vmem>>) target_semaphore(%run_scoped3A : memref<!tpu.dma_semaphore, #tpu.memory_space<semaphore_mem>>)
      tpu.wait_dma2 semaphore(%run_scoped3A : memref<!tpu.dma_semaphore, #tpu.memory_space<semaphore_mem>>) src(%arg3 : memref<128xf32, #tpu.memory_space<hbm>>) dst(%arg6 : memref<128xf32, #tpu.memory_space<vmem>>)
      tpu.yield
    }) : () -> ()
    "tpu.region"() ({
      %run_scoped3A = tpu.sem_alloc : memref<!tpu.dma_semaphore, #tpu.memory_space<semaphore_mem>>
      tpu.enqueue_dma source(%arg4 : memref<2x128xf32, #tpu.memory_space<hbm>>) target(%arg7 : memref<2x128xf32, #tpu.memory_space<vmem>>) target_semaphore(%run_scoped3A : memref<!tpu.dma_semaphore, #tpu.memory_space<semaphore_mem>>)
      tpu.wait_dma2 semaphore(%run_scoped3A : memref<!tpu.dma_semaphore, #tpu.memory_space<semaphore_mem>>) src(%arg4 : memref<2x128xf32, #tpu.memory_space<hbm>>) dst(%arg7 : memref<2x128xf32, #tpu.memory_space<vmem>>)
      tpu.yield
    }) : () -> ()
    %get3A = arith.constant 0 : index
    %get3A_3 = tpu.vector_load %arg6[%get3A] {strides = array<i32>} : memref<128xf32, #tpu.memory_space<vmem>>, vector<16xf32>,
    %get3A_4 = arith.constant 16 : index
    %get3A_5 = tpu.vector_load %arg6[%get3A_4] {strides = array<i32>} : memref<128xf32, #tpu.memory_space<vmem>>, vector<16xf32>,
    %get3A_6 = arith.constant 32 : index
    %get3A_7 = tpu.vector_load %arg6[%get3A_6] {strides = array<i32>} : memref<128xf32, #tpu.memory_space<vmem>>, vector<16xf32>,
    %get3A_8 = arith.constant 48 : index
    %get3A_9 = tpu.vector_load %arg6[%get3A_8] {strides = array<i32>} : memref<128xf32, #tpu.memory_space<vmem>>, vector<16xf32>,
    %get3A_10 = arith.constant 64 : index
    %get3A_11 = tpu.vector_load %arg6[%get3A_10] {strides = array<i32>} : memref<128xf32, #tpu.memory_space<vmem>>, vector<16xf32>,
    %get3A_12 = arith.constant 80 : index
    %get3A_13 = tpu.vector_load %arg6[%get3A_12] {strides = array<i32>} : memref<128xf32, #tpu.memory_space<vmem>>, vector<16xf32>,
    %get3A_14 = arith.constant 96 : index
    %get3A_15 = tpu.vector_load %arg6[%get3A_14] {strides = array<i32>} : memref<128xf32, #tpu.memory_space<vmem>>, vector<16xf32>,
    %get3A_16 = arith.constant 112 : index
    %get3A_17 = tpu.vector_load %arg6[%get3A_16] {strides = array<i32>} : memref<128xf32, #tpu.memory_space<vmem>>, vector<16xf32>,
    %get3A_18 = arith.constant 0 : i32
    %get3A_19 = arith.index_cast %get3A_18 : i32 to index
    %get3A_20 = arith.constant 0 : index
    %get3A_21 = tpu.vector_load %arg7[%get3A_19, %get3A_20] {strides = array<i32>} : memref<2x128xf32, #tpu.memory_space<vmem>>, vector<16xf32>,
    %get3A_22 = arith.constant 0 : i32
    %get3A_23 = arith.index_cast %get3A_22 : i32 to index
    %get3A_24 = arith.constant 16 : index
    %get3A_25 = tpu.vector_load %arg7[%get3A_23, %get3A_24] {strides = array<i32>} : memref<2x128xf32, #tpu.memory_space<vmem>>, vector<16xf32>,
    %get3A_26 = arith.constant 0 : i32
    %get3A_27 = arith.index_cast %get3A_26 : i32 to index
    %get3A_28 = arith.constant 32 : index
    %get3A_29 = tpu.vector_load %arg7[%get3A_27, %get3A_28] {strides = array<i32>} : memref<2x128xf32, #tpu.memory_space<vmem>>, vector<16xf32>,
    %get3A_30 = arith.constant 0 : i32
    %get3A_31 = arith.index_cast %get3A_30 : i32 to index
    %get3A_32 = arith.constant 48 : index
    %get3A_33 = tpu.vector_load %arg7[%get3A_31, %get3A_32] {strides = array<i32>} : memref<2x128xf32, #tpu.memory_space<vmem>>, vector<16xf32>,
    %get3A_34 = arith.constant 0 : i32
    %get3A_35 = arith.index_cast %get3A_34 : i32 to index
    %get3A_36 = arith.constant 64 : index
    %get3A_37 = tpu.vector_load %arg7[%get3A_35, %get3A_36] {strides = array<i32>} : memref<2x128xf32, #tpu.memory_space<vmem>>, vector<16xf32>,
    %get3A_38 = arith.constant 0 : i32
    %get3A_39 = arith.index_cast %get3A_38 : i32 to index
    %get3A_40 = arith.constant 80 : index
    %get3A_41 = tpu.vector_load %arg7[%get3A_39, %get3A_40] {strides = array<i32>} : memref<2x128xf32, #tpu.memory_space<vmem>>, vector<16xf32>,
    %get3A_42 = arith.constant 0 : i32
    %get3A_43 = arith.index_cast %get3A_42 : i32 to index
    %get3A_44 = arith.constant 96 : index
    %get3A_45 = tpu.vector_load %arg7[%get3A_43, %get3A_44] {strides = array<i32>} : memref<2x128xf32, #tpu.memory_space<vmem>>, vector<16xf32>,
    %get3A_46 = arith.constant 0 : i32
    %get3A_47 = arith.index_cast %get3A_46 : i32 to index
    %get3A_48 = arith.constant 112 : index
    %get3A_49 = tpu.vector_load %arg7[%get3A_47, %get3A_48] {strides = array<i32>} : memref<2x128xf32, #tpu.memory_space<vmem>>, vector<16xf32>,
    %get3A_50 = arith.constant 1 : i32
    %get3A_51 = arith.index_cast %get3A_50 : i32 to index
    %get3A_52 = arith.constant 0 : index
    %get3A_53 = tpu.vector_load %arg7[%get3A_51, %get3A_52] {strides = array<i32>} : memref<2x128xf32, #tpu.memory_space<vmem>>, vector<16xf32>,
    %get3A_54 = arith.constant 1 : i32
    %get3A_55 = arith.index_cast %get3A_54 : i32 to index
    %get3A_56 = arith.constant 16 : index
    %get3A_57 = tpu.vector_load %arg7[%get3A_55, %get3A_56] {strides = array<i32>} : memref<2x128xf32, #tpu.memory_space<vmem>>, vector<16xf32>,
    %get3A_58 = arith.constant 1 : i32
    %get3A_59 = arith.index_cast %get3A_58 : i32 to index
    %get3A_60 = arith.constant 32 : index
    %get3A_61 = tpu.vector_load %arg7[%get3A_59, %get3A_60] {strides = array<i32>} : memref<2x128xf32, #tpu.memory_space<vmem>>, vector<16xf32>,
    %get3A_62 = arith.constant 1 : i32
    %get3A_63 = arith.index_cast %get3A_62 : i32 to index
    %get3A_64 = arith.constant 48 : index
    %get3A_65 = tpu.vector_load %arg7[%get3A_63, %get3A_64] {strides = array<i32>} : memref<2x128xf32, #tpu.memory_space<vmem>>, vector<16xf32>,
    %get3A_66 = arith.constant 1 : i32
    %get3A_67 = arith.index_cast %get3A_66 : i32 to index
    %get3A_68 = arith.constant 64 : index
    %get3A_69 = tpu.vector_load %arg7[%get3A_67, %get3A_68] {strides = array<i32>} : memref<2x128xf32, #tpu.memory_space<vmem>>, vector<16xf32>,
    %get3A_70 = arith.constant 1 : i32
    %get3A_71 = arith.index_cast %get3A_70 : i32 to index
    %get3A_72 = arith.constant 80 : index
    %get3A_73 = tpu.vector_load %arg7[%get3A_71, %get3A_72] {strides = array<i32>} : memref<2x128xf32, #tpu.memory_space<vmem>>, vector<16xf32>,
    %get3A_74 = arith.constant 1 : i32
    %get3A_75 = arith.index_cast %get3A_74 : i32 to index
    %get3A_76 = arith.constant 96 : index
    %get3A_77 = tpu.vector_load %arg7[%get3A_75, %get3A_76] {strides = array<i32>} : memref<2x128xf32, #tpu.memory_space<vmem>>, vector<16xf32>,
    %get3A_78 = arith.constant 1 : i32
    %get3A_79 = arith.index_cast %get3A_78 : i32 to index
    %get3A_80 = arith.constant 112 : index
    %get3A_81 = tpu.vector_load %arg7[%get3A_79, %get3A_80] {strides = array<i32>} : memref<2x128xf32, #tpu.memory_space<vmem>>, vector<16xf32>,
    %scan3A = arith.constant 0 : i32
    %scan3A_82 = arith.constant 25 : i32
    %scan3A_83 = arith.addi %scan3A, %scan3A_82 : i32
    %scan3A_84 = arith.constant 1 : i32
    scf.for %scan3A_99 = %scan3A to %scan3A_83 step %scan3A_84  : i32 {
      %mul3A_100 = arith.constant 1 : i32
      %mul3A_101 = arith.muli %scan3A_99, %mul3A_100 : i32
      %add3A_102 = arith.constant 0 : i32
      %add3A_103 = arith.addi %add3A_102, %mul3A_101 : i32
      %mul3A_104 = arith.constant 2 : i32
      %mul3A_105 = arith.muli %mul3A_104, %add3A_103 : i32
      %add3A_106 = arith.constant 0 : i32
      %add3A_107 = arith.addi %mul3A_105, %add3A_106 : i32
      %ge3A = arith.constant 2 : i32
      %ge3A_108 = arith.cmpi sge, %add3A_107, %ge3A : i32
      %convert_element_type3A = arith.extui %ge3A_108 : i1 to i32
      %cond3A = arith.constant 0 : i32
      %cond3A_109 = arith.cmpi ne, %convert_element_type3A, %cond3A : i32
      scf.if %cond3A_109 {
        %sub3A = arith.constant 2 : i32
        %sub3A_140 = arith.subi %add3A_107, %sub3A : i32
        %dma_wait3A_141 = arith.constant 0 : i32
        %dma_wait3A_142 = tpu.memref_slice %arg5[%sub3A_140, %mul3A_2, %dma_wait3A_141] : memref<50x4096x128xf32, #tpu.memory_space<hbm>> -> memref<1x128x128xf32, #tpu.memory_space<hbm>>
        %dma_wait3A_143 = tpu.memref_squeeze %dma_wait3A_142 : memref<1x128x128xf32, #tpu.memory_space<hbm>> -> memref<128x128xf32, #tpu.memory_space<hbm>>
        %dma_wait3A_144 = arith.constant 0 : i32
        %dma_wait3A_145 = tpu.memref_slice %arg5[%sub3A_140, %mul3A_2, %dma_wait3A_144] : memref<50x4096x128xf32, #tpu.memory_space<hbm>> -> memref<1x128x128xf32, #tpu.memory_space<hbm>>
        %dma_wait3A_146 = tpu.memref_squeeze %dma_wait3A_145 : memref<1x128x128xf32, #tpu.memory_space<hbm>> -> memref<128x128xf32, #tpu.memory_space<hbm>>
        tpu.wait_dma2 semaphore(%arg11 : memref<!tpu.dma_semaphore, #tpu.memory_space<semaphore_mem>>) src(%arg9 : memref<128x128xf32, #tpu.memory_space<vmem>>) dst(%dma_wait3A_146 : memref<128x128xf32, #tpu.memory_space<hbm>>)
      } else {
      }
      %scan3A_110 = arith.constant 0 : i32
      %scan3A_111 = arith.constant 8 : i32
      %scan3A_112 = arith.addi %scan3A_110, %scan3A_111 : i32
      %scan3A_113 = arith.constant 1 : i32
      scf.for %scan3A_140 = %scan3A_110 to %scan3A_112 step %scan3A_113  : i32 {
        %mul3A_141 = arith.constant 1 : i32
        %mul3A_142 = arith.muli %scan3A_140, %mul3A_141 : i32
        %add3A_143 = arith.constant 0 : i32
        %add3A_144 = arith.addi %add3A_143, %mul3A_142 : i32
        %mul3A_145 = arith.constant 16 : i32
        %mul3A_146 = arith.muli %add3A_144, %mul3A_145 : i32
        %get3A_147 = arith.index_cast %add3A_107 : i32 to index
        %get3A_148 = arith.index_cast %mul3A_146 : i32 to index
        %get3A_149 = tpu.vector_load %arg8[%get3A_147, %get3A_148] {strides = array<i32>} : memref<50x128xf32, #tpu.memory_space<vmem>>, vector<16xf32>,
        %slice3A = vector.extract_strided_slice %get3A_149 {offsets = [0], sizes = [1], strides = [1]} : vector<16xf32> to vector<1xf32>
        %squeeze3A = vector.extract %slice3A[0] : f32 from vector<1xf32>
        %broadcast_in_dim3A = vector.broadcast %squeeze3A : f32 to vector<16xf32>
        %ne3A = arith.cmpf one, %broadcast_in_dim3A, %broadcast_in_dim3A : vector<16xf32>
        %mul3A_150 = arith.constant 16 : i32
        %mul3A_151 = arith.muli %add3A_144, %mul3A_150 : i32
        %add3A_152 = arith.constant 0 : i32
        %add3A_153 = arith.addi %mul3A_151, %add3A_152 : i32
        %mul3A_154 = arith.mulf %broadcast_in_dim3A, %get3A_3 : vector<16xf32>
        %add3A_155 = arith.addf %mul3A_154, %get3A_21 : vector<16xf32>
        %select_n3A = arith.select %ne3A, %get3A_53, %add3A_155 : vector<16xi1>, vector<16xf32>
        %swap3A = arith.index_cast %add3A_153 : i32 to index
        %swap3A_156 = arith.constant 0 : index
        %swap3A_157 = tpu.vector_load %arg9[%swap3A, %swap3A_156] {strides = array<i32>} : memref<128x128xf32, #tpu.memory_space<vmem>>, vector<16xf32>,
        tpu.vector_store %arg9[%swap3A, %swap3A_156], %select_n3A {strides = array<i32>} : memref<128x128xf32, #tpu.memory_space<vmem>>, vector<16xf32>,
        %mul3A_158 = arith.mulf %broadcast_in_dim3A, %get3A_5 : vector<16xf32>
        %add3A_159 = arith.addf %mul3A_158, %get3A_25 : vector<16xf32>
        %select_n3A_160 = arith.select %ne3A, %get3A_57, %add3A_159 : vector<16xi1>, vector<16xf32>
        %swap3A_161 = arith.index_cast %add3A_153 : i32 to index
        %swap3A_162 = arith.constant 16 : index
        %swap3A_163 = tpu.vector_load %arg9[%swap3A_161, %swap3A_162] {strides = array<i32>} : memref<128x128xf32, #tpu.memory_space<vmem>>, vector<16xf32>,
        tpu.vector_store %arg9[%swap3A_161, %swap3A_162], %select_n3A_160 {strides = array<i32>} : memref<128x128xf32, #tpu.memory_space<vmem>>, vector<16xf32>,
        %mul3A_164 = arith.mulf %broadcast_in_dim3A, %get3A_7 : vector<16xf32>
        %add3A_165 = arith.addf %mul3A_164, %get3A_29 : vector<16xf32>
        %select_n3A_166 = arith.select %ne3A, %get3A_61, %add3A_165 : vector<16xi1>, vector<16xf32>
        %swap3A_167 = arith.index_cast %add3A_153 : i32 to index
        %swap3A_168 = arith.constant 32 : index
        %swap3A_169 = tpu.vector_load %arg9[%swap3A_167, %swap3A_168] {strides = array<i32>} : memref<128x128xf32, #tpu.memory_space<vmem>>, vector<16xf32>,
        tpu.vector_store %arg9[%swap3A_167, %swap3A_168], %select_n3A_166 {strides = array<i32>} : memref<128x128xf32, #tpu.memory_space<vmem>>, vector<16xf32>,
        %mul3A_170 = arith.mulf %broadcast_in_dim3A, %get3A_9 : vector<16xf32>
        %add3A_171 = arith.addf %mul3A_170, %get3A_33 : vector<16xf32>
        %select_n3A_172 = arith.select %ne3A, %get3A_65, %add3A_171 : vector<16xi1>, vector<16xf32>
        %swap3A_173 = arith.index_cast %add3A_153 : i32 to index
        %swap3A_174 = arith.constant 48 : index
        %swap3A_175 = tpu.vector_load %arg9[%swap3A_173, %swap3A_174] {strides = array<i32>} : memref<128x128xf32, #tpu.memory_space<vmem>>, vector<16xf32>,
        tpu.vector_store %arg9[%swap3A_173, %swap3A_174], %select_n3A_172 {strides = array<i32>} : memref<128x128xf32, #tpu.memory_space<vmem>>, vector<16xf32>,
        %mul3A_176 = arith.mulf %broadcast_in_dim3A, %get3A_11 : vector<16xf32>
        %add3A_177 = arith.addf %mul3A_176, %get3A_37 : vector<16xf32>
        %select_n3A_178 = arith.select %ne3A, %get3A_69, %add3A_177 : vector<16xi1>, vector<16xf32>
        %swap3A_179 = arith.index_cast %add3A_153 : i32 to index
        %swap3A_180 = arith.constant 64 : index
        %swap3A_181 = tpu.vector_load %arg9[%swap3A_179, %swap3A_180] {strides = array<i32>} : memref<128x128xf32, #tpu.memory_space<vmem>>, vector<16xf32>,
        tpu.vector_store %arg9[%swap3A_179, %swap3A_180], %select_n3A_178 {strides = array<i32>} : memref<128x128xf32, #tpu.memory_space<vmem>>, vector<16xf32>,
        %mul3A_182 = arith.mulf %broadcast_in_dim3A, %get3A_13 : vector<16xf32>
        %add3A_183 = arith.addf %mul3A_182, %get3A_41 : vector<16xf32>
        %select_n3A_184 = arith.select %ne3A, %get3A_73, %add3A_183 : vector<16xi1>, vector<16xf32>
        %swap3A_185 = arith.index_cast %add3A_153 : i32 to index
        %swap3A_186 = arith.constant 80 : index
        %swap3A_187 = tpu.vector_load %arg9[%swap3A_185, %swap3A_186] {strides = array<i32>} : memref<128x128xf32, #tpu.memory_space<vmem>>, vector<16xf32>,
        tpu.vector_store %arg9[%swap3A_185, %swap3A_186], %select_n3A_184 {strides = array<i32>} : memref<128x128xf32, #tpu.memory_space<vmem>>, vector<16xf32>,
        %mul3A_188 = arith.mulf %broadcast_in_dim3A, %get3A_15 : vector<16xf32>
        %add3A_189 = arith.addf %mul3A_188, %get3A_45 : vector<16xf32>
        %select_n3A_190 = arith.select %ne3A, %get3A_77, %add3A_189 : vector<16xi1>, vector<16xf32>
        %swap3A_191 = arith.index_cast %add3A_153 : i32 to index
        %swap3A_192 = arith.constant 96 : index
        %swap3A_193 = tpu.vector_load %arg9[%swap3A_191, %swap3A_192] {strides = array<i32>} : memref<128x128xf32, #tpu.memory_space<vmem>>, vector<16xf32>,
        tpu.vector_store %arg9[%swap3A_191, %swap3A_192], %select_n3A_190 {strides = array<i32>} : memref<128x128xf32, #tpu.memory_space<vmem>>, vector<16xf32>,
        %mul3A_194 = arith.mulf %broadcast_in_dim3A, %get3A_17 : vector<16xf32>
        %add3A_195 = arith.addf %mul3A_194, %get3A_49 : vector<16xf32>
        %select_n3A_196 = arith.select %ne3A, %get3A_81, %add3A_195 : vector<16xi1>, vector<16xf32>
        %swap3A_197 = arith.index_cast %add3A_153 : i32 to index
        %swap3A_198 = arith.constant 112 : index
        %swap3A_199 = tpu.vector_load %arg9[%swap3A_197, %swap3A_198] {strides = array<i32>} : memref<128x128xf32, #tpu.memory_space<vmem>>, vector<16xf32>,
        tpu.vector_store %arg9[%swap3A_197, %swap3A_198], %select_n3A_196 {strides = array<i32>} : memref<128x128xf32, #tpu.memory_space<vmem>>, vector<16xf32>,
        %slice3A_200 = vector.extract_strided_slice %get3A_149 {offsets = [1], sizes = [1], strides = [1]} : vector<16xf32> to vector<1xf32>
        %squeeze3A_201 = vector.extract %slice3A_200[0] : f32 from vector<1xf32>
        %broadcast_in_dim3A_202 = vector.broadcast %squeeze3A_201 : f32 to vector<16xf32>
        %ne3A_203 = arith.cmpf one, %broadcast_in_dim3A_202, %broadcast_in_dim3A_202 : vector<16xf32>
        %mul3A_204 = arith.constant 16 : i32
        %mul3A_205 = arith.muli %add3A_144, %mul3A_204 : i32
        %add3A_206 = arith.constant 1 : i32
        %add3A_207 = arith.addi %mul3A_205, %add3A_206 : i32
        %mul3A_208 = arith.mulf %broadcast_in_dim3A_202, %get3A_3 : vector<16xf32>
        %add3A_209 = arith.addf %mul3A_208, %get3A_21 : vector<16xf32>
        %select_n3A_210 = arith.select %ne3A_203, %get3A_53, %add3A_209 : vector<16xi1>, vector<16xf32>
        %swap3A_211 = arith.index_cast %add3A_207 : i32 to index
        %swap3A_212 = arith.constant 0 : index
        %swap3A_213 = tpu.vector_load %arg9[%swap3A_211, %swap3A_212] {strides = array<i32>} : memref<128x128xf32, #tpu.memory_space<vmem>>, vector<16xf32>,
        tpu.vector_store %arg9[%swap3A_211, %swap3A_212], %select_n3A_210 {strides = array<i32>} : memref<128x128xf32, #tpu.memory_space<vmem>>, vector<16xf32>,
        %mul3A_214 = arith.mulf %broadcast_in_dim3A_202, %get3A_5 : vector<16xf32>
        %add3A_215 = arith.addf %mul3A_214, %get3A_25 : vector<16xf32>
        %select_n3A_216 = arith.select %ne3A_203, %get3A_57, %add3A_215 : vector<16xi1>, vector<16xf32>
        %swap3A_217 = arith.index_cast %add3A_207 : i32 to index
        %swap3A_218 = arith.constant 16 : index
        %swap3A_219 = tpu.vector_load %arg9[%swap3A_217, %swap3A_218] {strides = array<i32>} : memref<128x128xf32, #tpu.memory_space<vmem>>, vector<16xf32>,
        tpu.vector_store %arg9[%swap3A_217, %swap3A_218], %select_n3A_216 {strides = array<i32>} : memref<128x128xf32, #tpu.memory_space<vmem>>, vector<16xf32>,
        %mul3A_220 = arith.mulf %broadcast_in_dim3A_202, %get3A_7 : vector<16xf32>
        %add3A_221 = arith.addf %mul3A_220, %get3A_29 : vector<16xf32>
        %select_n3A_222 = arith.select %ne3A_203, %get3A_61, %add3A_221 : vector<16xi1>, vector<16xf32>
        %swap3A_223 = arith.index_cast %add3A_207 : i32 to index
        %swap3A_224 = arith.constant 32 : index
        %swap3A_225 = tpu.vector_load %arg9[%swap3A_223, %swap3A_224] {strides = array<i32>} : memref<128x128xf32, #tpu.memory_space<vmem>>, vector<16xf32>,
        tpu.vector_store %arg9[%swap3A_223, %swap3A_224], %select_n3A_222 {strides = array<i32>} : memref<128x128xf32, #tpu.memory_space<vmem>>, vector<16xf32>,
        %mul3A_226 = arith.mulf %broadcast_in_dim3A_202, %get3A_9 : vector<16xf32>
        %add3A_227 = arith.addf %mul3A_226, %get3A_33 : vector<16xf32>
        %select_n3A_228 = arith.select %ne3A_203, %get3A_65, %add3A_227 : vector<16xi1>, vector<16xf32>
        %swap3A_229 = arith.index_cast %add3A_207 : i32 to index
        %swap3A_230 = arith.constant 48 : index
        %swap3A_231 = tpu.vector_load %arg9[%swap3A_229, %swap3A_230] {strides = array<i32>} : memref<128x128xf32, #tpu.memory_space<vmem>>, vector<16xf32>,
        tpu.vector_store %arg9[%swap3A_229, %swap3A_230], %select_n3A_228 {strides = array<i32>} : memref<128x128xf32, #tpu.memory_space<vmem>>, vector<16xf32>,
        %mul3A_232 = arith.mulf %broadcast_in_dim3A_202, %get3A_11 : vector<16xf32>
        %add3A_233 = arith.addf %mul3A_232, %get3A_37 : vector<16xf32>
        %select_n3A_234 = arith.select %ne3A_203, %get3A_69, %add3A_233 : vector<16xi1>, vector<16xf32>
        %swap3A_235 = arith.index_cast %add3A_207 : i32 to index
        %swap3A_236 = arith.constant 64 : index
        %swap3A_237 = tpu.vector_load %arg9[%swap3A_235, %swap3A_236] {strides = array<i32>} : memref<128x128xf32, #tpu.memory_space<vmem>>, vector<16xf32>,
        tpu.vector_store %arg9[%swap3A_235, %swap3A_236], %select_n3A_234 {strides = array<i32>} : memref<128x128xf32, #tpu.memory_space<vmem>>, vector<16xf32>,
        %mul3A_238 = arith.mulf %broadcast_in_dim3A_202, %get3A_13 : vector<16xf32>
        %add3A_239 = arith.addf %mul3A_238, %get3A_41 : vector<16xf32>
        %select_n3A_240 = arith.select %ne3A_203, %get3A_73, %add3A_239 : vector<16xi1>, vector<16xf32>
        %swap3A_241 = arith.index_cast %add3A_207 : i32 to index
        %swap3A_242 = arith.constant 80 : index
        %swap3A_243 = tpu.vector_load %arg9[%swap3A_241, %swap3A_242] {strides = array<i32>} : memref<128x128xf32, #tpu.memory_space<vmem>>, vector<16xf32>,
        tpu.vector_store %arg9[%swap3A_241, %swap3A_242], %select_n3A_240 {strides = array<i32>} : memref<128x128xf32, #tpu.memory_space<vmem>>, vector<16xf32>,
        %mul3A_244 = arith.mulf %broadcast_in_dim3A_202, %get3A_15 : vector<16xf32>
        %add3A_245 = arith.addf %mul3A_244, %get3A_45 : vector<16xf32>
        %select_n3A_246 = arith.select %ne3A_203, %get3A_77, %add3A_245 : vector<16xi1>, vector<16xf32>
        %swap3A_247 = arith.index_cast %add3A_207 : i32 to index
        %swap3A_248 = arith.constant 96 : index
        %swap3A_249 = tpu.vector_load %arg9[%swap3A_247, %swap3A_248] {strides = array<i32>} : memref<128x128xf32, #tpu.memory_space<vmem>>, vector<16xf32>,
        tpu.vector_store %arg9[%swap3A_247, %swap3A_248], %select_n3A_246 {strides = array<i32>} : memref<128x128xf32, #tpu.memory_space<vmem>>, vector<16xf32>,
        %mul3A_250 = arith.mulf %broadcast_in_dim3A_202, %get3A_17 : vector<16xf32>
        %add3A_251 = arith.addf %mul3A_250, %get3A_49 : vector<16xf32>
        %select_n3A_252 = arith.select %ne3A_203, %get3A_81, %add3A_251 : vector<16xi1>, vector<16xf32>
        %swap3A_253 = arith.index_cast %add3A_207 : i32 to index
        %swap3A_254 = arith.constant 112 : index
        %swap3A_255 = tpu.vector_load %arg9[%swap3A_253, %swap3A_254] {strides = array<i32>} : memref<128x128xf32, #tpu.memory_space<vmem>>, vector<16xf32>,
        tpu.vector_store %arg9[%swap3A_253, %swap3A_254], %select_n3A_252 {strides = array<i32>} : memref<128x128xf32, #tpu.memory_space<vmem>>, vector<16xf32>,
        %slice3A_256 = vector.extract_strided_slice %get3A_149 {offsets = [2], sizes = [1], strides = [1]} : vector<16xf32> to vector<1xf32>
        %squeeze3A_257 = vector.extract %slice3A_256[0] : f32 from vector<1xf32>
        %broadcast_in_dim3A_258 = vector.broadcast %squeeze3A_257 : f32 to vector<16xf32>
        %ne3A_259 = arith.cmpf one, %broadcast_in_dim3A_258, %broadcast_in_dim3A_258 : vector<16xf32>
        %mul3A_260 = arith.constant 16 : i32
        %mul3A_261 = arith.muli %add3A_144, %mul3A_260 : i32
        %add3A_262 = arith.constant 2 : i32
        %add3A_263 = arith.addi %mul3A_261, %add3A_262 : i32
        %mul3A_264 = arith.mulf %broadcast_in_dim3A_258, %get3A_3 : vector<16xf32>
        %add3A_265 = arith.addf %mul3A_264, %get3A_21 : vector<16xf32>
        %select_n3A_266 = arith.select %ne3A_259, %get3A_53, %add3A_265 : vector<16xi1>, vector<16xf32>
        %swap3A_267 = arith.index_cast %add3A_263 : i32 to index
        %swap3A_268 = arith.constant 0 : index
        %swap3A_269 = tpu.vector_load %arg9[%swap3A_267, %swap3A_268] {strides = array<i32>} : memref<128x128xf32, #tpu.memory_space<vmem>>, vector<16xf32>,
        tpu.vector_store %arg9[%swap3A_267, %swap3A_268], %select_n3A_266 {strides = array<i32>} : memref<128x128xf32, #tpu.memory_space<vmem>>, vector<16xf32>,
        %mul3A_270 = arith.mulf %broadcast_in_dim3A_258, %get3A_5 : vector<16xf32>
        %add3A_271 = arith.addf %mul3A_270, %get3A_25 : vector<16xf32>
        %select_n3A_272 = arith.select %ne3A_259, %get3A_57, %add3A_271 : vector<16xi1>, vector<16xf32>
        %swap3A_273 = arith.index_cast %add3A_263 : i32 to index
        %swap3A_274 = arith.constant 16 : index
        %swap3A_275 = tpu.vector_load %arg9[%swap3A_273, %swap3A_274] {strides = array<i32>} : memref<128x128xf32, #tpu.memory_space<vmem>>, vector<16xf32>,
        tpu.vector_store %arg9[%swap3A_273, %swap3A_274], %select_n3A_272 {strides = array<i32>} : memref<128x128xf32, #tpu.memory_space<vmem>>, vector<16xf32>,
        %mul3A_276 = arith.mulf %broadcast_in_dim3A_258, %get3A_7 : vector<16xf32>
        %add3A_277 = arith.addf %mul3A_276, %get3A_29 : vector<16xf32>
        %select_n3A_278 = arith.select %ne3A_259, %get3A_61, %add3A_277 : vector<16xi1>, vector<16xf32>
        %swap3A_279 = arith.index_cast %add3A_263 : i32 to index
        %swap3A_280 = arith.constant 32 : index
        %swap3A_281 = tpu.vector_load %arg9[%swap3A_279, %swap3A_280] {strides = array<i32>} : memref<128x128xf32, #tpu.memory_space<vmem>>, vector<16xf32>,
        tpu.vector_store %arg9[%swap3A_279, %swap3A_280], %select_n3A_278 {strides = array<i32>} : memref<128x128xf32, #tpu.memory_space<vmem>>, vector<16xf32>,
        %mul3A_282 = arith.mulf %broadcast_in_dim3A_258, %get3A_9 : vector<16xf32>
        %add3A_283 = arith.addf %mul3A_282, %get3A_33 : vector<16xf32>
        %select_n3A_284 = arith.select %ne3A_259, %get3A_65, %add3A_283 : vector<16xi1>, vector<16xf32>
        %swap3A_285 = arith.index_cast %add3A_263 : i32 to index
        %swap3A_286 = arith.constant 48 : index
        %swap3A_287 = tpu.vector_load %arg9[%swap3A_285, %swap3A_286] {strides = array<i32>} : memref<128x128xf32, #tpu.memory_space<vmem>>, vector<16xf32>,
        tpu.vector_store %arg9[%swap3A_285, %swap3A_286], %select_n3A_284 {strides = array<i32>} : memref<128x128xf32, #tpu.memory_space<vmem>>, vector<16xf32>,
        %mul3A_288 = arith.mulf %broadcast_in_dim3A_258, %get3A_11 : vector<16xf32>
        %add3A_289 = arith.addf %mul3A_288, %get3A_37 : vector<16xf32>
        %select_n3A_290 = arith.select %ne3A_259, %get3A_69, %add3A_289 : vector<16xi1>, vector<16xf32>
        %swap3A_291 = arith.index_cast %add3A_263 : i32 to index
        %swap3A_292 = arith.constant 64 : index
        %swap3A_293 = tpu.vector_load %arg9[%swap3A_291, %swap3A_292] {strides = array<i32>} : memref<128x128xf32, #tpu.memory_space<vmem>>, vector<16xf32>,
        tpu.vector_store %arg9[%swap3A_291, %swap3A_292], %select_n3A_290 {strides = array<i32>} : memref<128x128xf32, #tpu.memory_space<vmem>>, vector<16xf32>,
        %mul3A_294 = arith.mulf %broadcast_in_dim3A_258, %get3A_13 : vector<16xf32>
        %add3A_295 = arith.addf %mul3A_294, %get3A_41 : vector<16xf32>
        %select_n3A_296 = arith.select %ne3A_259, %get3A_73, %add3A_295 : vector<16xi1>, vector<16xf32>
        %swap3A_297 = arith.index_cast %add3A_263 : i32 to index
        %swap3A_298 = arith.constant 80 : index
        %swap3A_299 = tpu.vector_load %arg9[%swap3A_297, %swap3A_298] {strides = array<i32>} : memref<128x128xf32, #tpu.memory_space<vmem>>, vector<16xf32>,
        tpu.vector_store %arg9[%swap3A_297, %swap3A_298], %select_n3A_296 {strides = array<i32>} : memref<128x128xf32, #tpu.memory_space<vmem>>, vector<16xf32>,
        %mul3A_300 = arith.mulf %broadcast_in_dim3A_258, %get3A_15 : vector<16xf32>
        %add3A_301 = arith.addf %mul3A_300, %get3A_45 : vector<16xf32>
        %select_n3A_302 = arith.select %ne3A_259, %get3A_77, %add3A_301 : vector<16xi1>, vector<16xf32>
        %swap3A_303 = arith.index_cast %add3A_263 : i32 to index
        %swap3A_304 = arith.constant 96 : index
        %swap3A_305 = tpu.vector_load %arg9[%swap3A_303, %swap3A_304] {strides = array<i32>} : memref<128x128xf32, #tpu.memory_space<vmem>>, vector<16xf32>,
        tpu.vector_store %arg9[%swap3A_303, %swap3A_304], %select_n3A_302 {strides = array<i32>} : memref<128x128xf32, #tpu.memory_space<vmem>>, vector<16xf32>,
        %mul3A_306 = arith.mulf %broadcast_in_dim3A_258, %get3A_17 : vector<16xf32>
        %add3A_307 = arith.addf %mul3A_306, %get3A_49 : vector<16xf32>
        %select_n3A_308 = arith.select %ne3A_259, %get3A_81, %add3A_307 : vector<16xi1>, vector<16xf32>
        %swap3A_309 = arith.index_cast %add3A_263 : i32 to index
        %swap3A_310 = arith.constant 112 : index
        %swap3A_311 = tpu.vector_load %arg9[%swap3A_309, %swap3A_310] {strides = array<i32>} : memref<128x128xf32, #tpu.memory_space<vmem>>, vector<16xf32>,
        tpu.vector_store %arg9[%swap3A_309, %swap3A_310], %select_n3A_308 {strides = array<i32>} : memref<128x128xf32, #tpu.memory_space<vmem>>, vector<16xf32>,
        %slice3A_312 = vector.extract_strided_slice %get3A_149 {offsets = [3], sizes = [1], strides = [1]} : vector<16xf32> to vector<1xf32>
        %squeeze3A_313 = vector.extract %slice3A_312[0] : f32 from vector<1xf32>
        %broadcast_in_dim3A_314 = vector.broadcast %squeeze3A_313 : f32 to vector<16xf32>
        %ne3A_315 = arith.cmpf one, %broadcast_in_dim3A_314, %broadcast_in_dim3A_314 : vector<16xf32>
        %mul3A_316 = arith.constant 16 : i32
        %mul3A_317 = arith.muli %add3A_144, %mul3A_316 : i32
        %add3A_318 = arith.constant 3 : i32
        %add3A_319 = arith.addi %mul3A_317, %add3A_318 : i32
        %mul3A_320 = arith.mulf %broadcast_in_dim3A_314, %get3A_3 : vector<16xf32>
        %add3A_321 = arith.addf %mul3A_320, %get3A_21 : vector<16xf32>
        %select_n3A_322 = arith.select %ne3A_315, %get3A_53, %add3A_321 : vector<16xi1>, vector<16xf32>
        %swap3A_323 = arith.index_cast %add3A_319 : i32 to index
        %swap3A_324 = arith.constant 0 : index
        %swap3A_325 = tpu.vector_load %arg9[%swap3A_323, %swap3A_324] {strides = array<i32>} : memref<128x128xf32, #tpu.memory_space<vmem>>, vector<16xf32>,
        tpu.vector_store %arg9[%swap3A_323, %swap3A_324], %select_n3A_322 {strides = array<i32>} : memref<128x128xf32, #tpu.memory_space<vmem>>, vector<16xf32>,
        %mul3A_326 = arith.mulf %broadcast_in_dim3A_314, %get3A_5 : vector<16xf32>
        %add3A_327 = arith.addf %mul3A_326, %get3A_25 : vector<16xf32>
        %select_n3A_328 = arith.select %ne3A_315, %get3A_57, %add3A_327 : vector<16xi1>, vector<16xf32>
        %swap3A_329 = arith.index_cast %add3A_319 : i32 to index
        %swap3A_330 = arith.constant 16 : index
        %swap3A_331 = tpu.vector_load %arg9[%swap3A_329, %swap3A_330] {strides = array<i32>} : memref<128x128xf32, #tpu.memory_space<vmem>>, vector<16xf32>,
        tpu.vector_store %arg9[%swap3A_329, %swap3A_330], %select_n3A_328 {strides = array<i32>} : memref<128x128xf32, #tpu.memory_space<vmem>>, vector<16xf32>,
        %mul3A_332 = arith.mulf %broadcast_in_dim3A_314, %get3A_7 : vector<16xf32>
        %add3A_333 = arith.addf %mul3A_332, %get3A_29 : vector<16xf32>
        %select_n3A_334 = arith.select %ne3A_315, %get3A_61, %add3A_333 : vector<16xi1>, vector<16xf32>
        %swap3A_335 = arith.index_cast %add3A_319 : i32 to index
        %swap3A_336 = arith.constant 32 : index
        %swap3A_337 = tpu.vector_load %arg9[%swap3A_335, %swap3A_336] {strides = array<i32>} : memref<128x128xf32, #tpu.memory_space<vmem>>, vector<16xf32>,
        tpu.vector_store %arg9[%swap3A_335, %swap3A_336], %select_n3A_334 {strides = array<i32>} : memref<128x128xf32, #tpu.memory_space<vmem>>, vector<16xf32>,
        %mul3A_338 = arith.mulf %broadcast_in_dim3A_314, %get3A_9 : vector<16xf32>
        %add3A_339 = arith.addf %mul3A_338, %get3A_33 : vector<16xf32>
        %select_n3A_340 = arith.select %ne3A_315, %get3A_65, %add3A_339 : vector<16xi1>, vector<16xf32>
        %swap3A_341 = arith.index_cast %add3A_319 : i32 to index
        %swap3A_342 = arith.constant 48 : index
        %swap3A_343 = tpu.vector_load %arg9[%swap3A_341, %swap3A_342] {strides = array<i32>} : memref<128x128xf32, #tpu.memory_space<vmem>>, vector<16xf32>,
        tpu.vector_store %arg9[%swap3A_341, %swap3A_342], %select_n3A_340 {strides = array<i32>} : memref<128x128xf32, #tpu.memory_space<vmem>>, vector<16xf32>,
        %mul3A_344 = arith.mulf %broadcast_in_dim3A_314, %get3A_11 : vector<16xf32>
        %add3A_345 = arith.addf %mul3A_344, %get3A_37 : vector<16xf32>
        %select_n3A_346 = arith.select %ne3A_315, %get3A_69, %add3A_345 : vector<16xi1>, vector<16xf32>
        %swap3A_347 = arith.index_cast %add3A_319 : i32 to index
        %swap3A_348 = arith.constant 64 : index
        %swap3A_349 = tpu.vector_load %arg9[%swap3A_347, %swap3A_348] {strides = array<i32>} : memref<128x128xf32, #tpu.memory_space<vmem>>, vector<16xf32>,
        tpu.vector_store %arg9[%swap3A_347, %swap3A_348], %select_n3A_346 {strides = array<i32>} : memref<128x128xf32, #tpu.memory_space<vmem>>, vector<16xf32>,
        %mul3A_350 = arith.mulf %broadcast_in_dim3A_314, %get3A_13 : vector<16xf32>
        %add3A_351 = arith.addf %mul3A_350, %get3A_41 : vector<16xf32>
        %select_n3A_352 = arith.select %ne3A_315, %get3A_73, %add3A_351 : vector<16xi1>, vector<16xf32>
        %swap3A_353 = arith.index_cast %add3A_319 : i32 to index
        %swap3A_354 = arith.constant 80 : index
        %swap3A_355 = tpu.vector_load %arg9[%swap3A_353, %swap3A_354] {strides = array<i32>} : memref<128x128xf32, #tpu.memory_space<vmem>>, vector<16xf32>,
        tpu.vector_store %arg9[%swap3A_353, %swap3A_354], %select_n3A_352 {strides = array<i32>} : memref<128x128xf32, #tpu.memory_space<vmem>>, vector<16xf32>,
        %mul3A_356 = arith.mulf %broadcast_in_dim3A_314, %get3A_15 : vector<16xf32>
        %add3A_357 = arith.addf %mul3A_356, %get3A_45 : vector<16xf32>
        %select_n3A_358 = arith.select %ne3A_315, %get3A_77, %add3A_357 : vector<16xi1>, vector<16xf32>
        %swap3A_359 = arith.index_cast %add3A_319 : i32 to index
        %swap3A_360 = arith.constant 96 : index
        %swap3A_361 = tpu.vector_load %arg9[%swap3A_359, %swap3A_360] {strides = array<i32>} : memref<128x128xf32, #tpu.memory_space<vmem>>, vector<16xf32>,
        tpu.vector_store %arg9[%swap3A_359, %swap3A_360], %select_n3A_358 {strides = array<i32>} : memref<128x128xf32, #tpu.memory_space<vmem>>, vector<16xf32>,
        %mul3A_362 = arith.mulf %broadcast_in_dim3A_314, %get3A_17 : vector<16xf32>
        %add3A_363 = arith.addf %mul3A_362, %get3A_49 : vector<16xf32>
        %select_n3A_364 = arith.select %ne3A_315, %get3A_81, %add3A_363 : vector<16xi1>, vector<16xf32>
        %swap3A_365 = arith.index_cast %add3A_319 : i32 to index
        %swap3A_366 = arith.constant 112 : index
        %swap3A_367 = tpu.vector_load %arg9[%swap3A_365, %swap3A_366] {strides = array<i32>} : memref<128x128xf32, #tpu.memory_space<vmem>>, vector<16xf32>,
        tpu.vector_store %arg9[%swap3A_365, %swap3A_366], %select_n3A_364 {strides = array<i32>} : memref<128x128xf32, #tpu.memory_space<vmem>>, vector<16xf32>,
        %slice3A_368 = vector.extract_strided_slice %get3A_149 {offsets = [4], sizes = [1], strides = [1]} : vector<16xf32> to vector<1xf32>
        %squeeze3A_369 = vector.extract %slice3A_368[0] : f32 from vector<1xf32>
        %broadcast_in_dim3A_370 = vector.broadcast %squeeze3A_369 : f32 to vector<16xf32>
        %ne3A_371 = arith.cmpf one, %broadcast_in_dim3A_370, %broadcast_in_dim3A_370 : vector<16xf32>
        %mul3A_372 = arith.constant 16 : i32
        %mul3A_373 = arith.muli %add3A_144, %mul3A_372 : i32
        %add3A_374 = arith.constant 4 : i32
        %add3A_375 = arith.addi %mul3A_373, %add3A_374 : i32
        %mul3A_376 = arith.mulf %broadcast_in_dim3A_370, %get3A_3 : vector<16xf32>
        %add3A_377 = arith.addf %mul3A_376, %get3A_21 : vector<16xf32>
        %select_n3A_378 = arith.select %ne3A_371, %get3A_53, %add3A_377 : vector<16xi1>, vector<16xf32>
        %swap3A_379 = arith.index_cast %add3A_375 : i32 to index
        %swap3A_380 = arith.constant 0 : index
        %swap3A_381 = tpu.vector_load %arg9[%swap3A_379, %swap3A_380] {strides = array<i32>} : memref<128x128xf32, #tpu.memory_space<vmem>>, vector<16xf32>,
        tpu.vector_store %arg9[%swap3A_379, %swap3A_380], %select_n3A_378 {strides = array<i32>} : memref<128x128xf32, #tpu.memory_space<vmem>>, vector<16xf32>,
        %mul3A_382 = arith.mulf %broadcast_in_dim3A_370, %get3A_5 : vector<16xf32>
        %add3A_383 = arith.addf %mul3A_382, %get3A_25 : vector<16xf32>
        %select_n3A_384 = arith.select %ne3A_371, %get3A_57, %add3A_383 : vector<16xi1>, vector<16xf32>
        %swap3A_385 = arith.index_cast %add3A_375 : i32 to index
        %swap3A_386 = arith.constant 16 : index
        %swap3A_387 = tpu.vector_load %arg9[%swap3A_385, %swap3A_386] {strides = array<i32>} : memref<128x128xf32, #tpu.memory_space<vmem>>, vector<16xf32>,
        tpu.vector_store %arg9[%swap3A_385, %swap3A_386], %select_n3A_384 {strides = array<i32>} : memref<128x128xf32, #tpu.memory_space<vmem>>, vector<16xf32>,
        %mul3A_388 = arith.mulf %broadcast_in_dim3A_370, %get3A_7 : vector<16xf32>
        %add3A_389 = arith.addf %mul3A_388, %get3A_29 : vector<16xf32>
        %select_n3A_390 = arith.select %ne3A_371, %get3A_61, %add3A_389 : vector<16xi1>, vector<16xf32>
        %swap3A_391 = arith.index_cast %add3A_375 : i32 to index
        %swap3A_392 = arith.constant 32 : index
        %swap3A_393 = tpu.vector_load %arg9[%swap3A_391, %swap3A_392] {strides = array<i32>} : memref<128x128xf32, #tpu.memory_space<vmem>>, vector<16xf32>,
        tpu.vector_store %arg9[%swap3A_391, %swap3A_392], %select_n3A_390 {strides = array<i32>} : memref<128x128xf32, #tpu.memory_space<vmem>>, vector<16xf32>,
        %mul3A_394 = arith.mulf %broadcast_in_dim3A_370, %get3A_9 : vector<16xf32>
        %add3A_395 = arith.addf %mul3A_394, %get3A_33 : vector<16xf32>
        %select_n3A_396 = arith.select %ne3A_371, %get3A_65, %add3A_395 : vector<16xi1>, vector<16xf32>
        %swap3A_397 = arith.index_cast %add3A_375 : i32 to index
        %swap3A_398 = arith.constant 48 : index
        %swap3A_399 = tpu.vector_load %arg9[%swap3A_397, %swap3A_398] {strides = array<i32>} : memref<128x128xf32, #tpu.memory_space<vmem>>, vector<16xf32>,
        tpu.vector_store %arg9[%swap3A_397, %swap3A_398], %select_n3A_396 {strides = array<i32>} : memref<128x128xf32, #tpu.memory_space<vmem>>, vector<16xf32>,
        %mul3A_400 = arith.mulf %broadcast_in_dim3A_370, %get3A_11 : vector<16xf32>
        %add3A_401 = arith.addf %mul3A_400, %get3A_37 : vector<16xf32>
        %select_n3A_402 = arith.select %ne3A_371, %get3A_69, %add3A_401 : vector<16xi1>, vector<16xf32>
        %swap3A_403 = arith.index_cast %add3A_375 : i32 to index
        %swap3A_404 = arith.constant 64 : index
        %swap3A_405 = tpu.vector_load %arg9[%swap3A_403, %swap3A_404] {strides = array<i32>} : memref<128x128xf32, #tpu.memory_space<vmem>>, vector<16xf32>,
        tpu.vector_store %arg9[%swap3A_403, %swap3A_404], %select_n3A_402 {strides = array<i32>} : memref<128x128xf32, #tpu.memory_space<vmem>>, vector<16xf32>,
        %mul3A_406 = arith.mulf %broadcast_in_dim3A_370, %get3A_13 : vector<16xf32>
        %add3A_407 = arith.addf %mul3A_406, %get3A_41 : vector<16xf32>
        %select_n3A_408 = arith.select %ne3A_371, %get3A_73, %add3A_407 : vector<16xi1>, vector<16xf32>
        %swap3A_409 = arith.index_cast %add3A_375 : i32 to index
        %swap3A_410 = arith.constant 80 : index
        %swap3A_411 = tpu.vector_load %arg9[%swap3A_409, %swap3A_410] {strides = array<i32>} : memref<128x128xf32, #tpu.memory_space<vmem>>, vector<16xf32>,
        tpu.vector_store %arg9[%swap3A_409, %swap3A_410], %select_n3A_408 {strides = array<i32>} : memref<128x128xf32, #tpu.memory_space<vmem>>, vector<16xf32>,
        %mul3A_412 = arith.mulf %broadcast_in_dim3A_370, %get3A_15 : vector<16xf32>
        %add3A_413 = arith.addf %mul3A_412, %get3A_45 : vector<16xf32>
        %select_n3A_414 = arith.select %ne3A_371, %get3A_77, %add3A_413 : vector<16xi1>, vector<16xf32>
        %swap3A_415 = arith.index_cast %add3A_375 : i32 to index
        %swap3A_416 = arith.constant 96 : index
        %swap3A_417 = tpu.vector_load %arg9[%swap3A_415, %swap3A_416] {strides = array<i32>} : memref<128x128xf32, #tpu.memory_space<vmem>>, vector<16xf32>,
        tpu.vector_store %arg9[%swap3A_415, %swap3A_416], %select_n3A_414 {strides = array<i32>} : memref<128x128xf32, #tpu.memory_space<vmem>>, vector<16xf32>,
        %mul3A_418 = arith.mulf %broadcast_in_dim3A_370, %get3A_17 : vector<16xf32>
        %add3A_419 = arith.addf %mul3A_418, %get3A_49 : vector<16xf32>
        %select_n3A_420 = arith.select %ne3A_371, %get3A_81, %add3A_419 : vector<16xi1>, vector<16xf32>
        %swap3A_421 = arith.index_cast %add3A_375 : i32 to index
        %swap3A_422 = arith.constant 112 : index
        %swap3A_423 = tpu.vector_load %arg9[%swap3A_421, %swap3A_422] {strides = array<i32>} : memref<128x128xf32, #tpu.memory_space<vmem>>, vector<16xf32>,
        tpu.vector_store %arg9[%swap3A_421, %swap3A_422], %select_n3A_420 {strides = array<i32>} : memref<128x128xf32, #tpu.memory_space<vmem>>, vector<16xf32>,
        %slice3A_424 = vector.extract_strided_slice %get3A_149 {offsets = [5], sizes = [1], strides = [1]} : vector<16xf32> to vector<1xf32>
        %squeeze3A_425 = vector.extract %slice3A_424[0] : f32 from vector<1xf32>
        %broadcast_in_dim3A_426 = vector.broadcast %squeeze3A_425 : f32 to vector<16xf32>
        %ne3A_427 = arith.cmpf one, %broadcast_in_dim3A_426, %broadcast_in_dim3A_426 : vector<16xf32>
        %mul3A_428 = arith.constant 16 : i32
        %mul3A_429 = arith.muli %add3A_144, %mul3A_428 : i32
        %add3A_430 = arith.constant 5 : i32
        %add3A_431 = arith.addi %mul3A_429, %add3A_430 : i32
        %mul3A_432 = arith.mulf %broadcast_in_dim3A_426, %get3A_3 : vector<16xf32>
        %add3A_433 = arith.addf %mul3A_432, %get3A_21 : vector<16xf32>
        %select_n3A_434 = arith.select %ne3A_427, %get3A_53, %add3A_433 : vector<16xi1>, vector<16xf32>
        %swap3A_435 = arith.index_cast %add3A_431 : i32 to index
        %swap3A_436 = arith.constant 0 : index
        %swap3A_437 = tpu.vector_load %arg9[%swap3A_435, %swap3A_436] {strides = array<i32>} : memref<128x128xf32, #tpu.memory_space<vmem>>, vector<16xf32>,
        tpu.vector_store %arg9[%swap3A_435, %swap3A_436], %select_n3A_434 {strides = array<i32>} : memref<128x128xf32, #tpu.memory_space<vmem>>, vector<16xf32>,
        %mul3A_438 = arith.mulf %broadcast_in_dim3A_426, %get3A_5 : vector<16xf32>
        %add3A_439 = arith.addf %mul3A_438, %get3A_25 : vector<16xf32>
        %select_n3A_440 = arith.select %ne3A_427, %get3A_57, %add3A_439 : vector<16xi1>, vector<16xf32>
        %swap3A_441 = arith.index_cast %add3A_431 : i32 to index
        %swap3A_442 = arith.constant 16 : index
        %swap3A_443 = tpu.vector_load %arg9[%swap3A_441, %swap3A_442] {strides = array<i32>} : memref<128x128xf32, #tpu.memory_space<vmem>>, vector<16xf32>,
        tpu.vector_store %arg9[%swap3A_441, %swap3A_442], %select_n3A_440 {strides = array<i32>} : memref<128x128xf32, #tpu.memory_space<vmem>>, vector<16xf32>,
        %mul3A_444 = arith.mulf %broadcast_in_dim3A_426, %get3A_7 : vector<16xf32>
        %add3A_445 = arith.addf %mul3A_444, %get3A_29 : vector<16xf32>
        %select_n3A_446 = arith.select %ne3A_427, %get3A_61, %add3A_445 : vector<16xi1>, vector<16xf32>
        %swap3A_447 = arith.index_cast %add3A_431 : i32 to index
        %swap3A_448 = arith.constant 32 : index
        %swap3A_449 = tpu.vector_load %arg9[%swap3A_447, %swap3A_448] {strides = array<i32>} : memref<128x128xf32, #tpu.memory_space<vmem>>, vector<16xf32>,
        tpu.vector_store %arg9[%swap3A_447, %swap3A_448], %select_n3A_446 {strides = array<i32>} : memref<128x128xf32, #tpu.memory_space<vmem>>, vector<16xf32>,
        %mul3A_450 = arith.mulf %broadcast_in_dim3A_426, %get3A_9 : vector<16xf32>
        %add3A_451 = arith.addf %mul3A_450, %get3A_33 : vector<16xf32>
        %select_n3A_452 = arith.select %ne3A_427, %get3A_65, %add3A_451 : vector<16xi1>, vector<16xf32>
        %swap3A_453 = arith.index_cast %add3A_431 : i32 to index
        %swap3A_454 = arith.constant 48 : index
        %swap3A_455 = tpu.vector_load %arg9[%swap3A_453, %swap3A_454] {strides = array<i32>} : memref<128x128xf32, #tpu.memory_space<vmem>>, vector<16xf32>,
        tpu.vector_store %arg9[%swap3A_453, %swap3A_454], %select_n3A_452 {strides = array<i32>} : memref<128x128xf32, #tpu.memory_space<vmem>>, vector<16xf32>,
        %mul3A_456 = arith.mulf %broadcast_in_dim3A_426, %get3A_11 : vector<16xf32>
        %add3A_457 = arith.addf %mul3A_456, %get3A_37 : vector<16xf32>
        %select_n3A_458 = arith.select %ne3A_427, %get3A_69, %add3A_457 : vector<16xi1>, vector<16xf32>
        %swap3A_459 = arith.index_cast %add3A_431 : i32 to index
        %swap3A_460 = arith.constant 64 : index
        %swap3A_461 = tpu.vector_load %arg9[%swap3A_459, %swap3A_460] {strides = array<i32>} : memref<128x128xf32, #tpu.memory_space<vmem>>, vector<16xf32>,
        tpu.vector_store %arg9[%swap3A_459, %swap3A_460], %select_n3A_458 {strides = array<i32>} : memref<128x128xf32, #tpu.memory_space<vmem>>, vector<16xf32>,
        %mul3A_462 = arith.mulf %broadcast_in_dim3A_426, %get3A_13 : vector<16xf32>
        %add3A_463 = arith.addf %mul3A_462, %get3A_41 : vector<16xf32>
        %select_n3A_464 = arith.select %ne3A_427, %get3A_73, %add3A_463 : vector<16xi1>, vector<16xf32>
        %swap3A_465 = arith.index_cast %add3A_431 : i32 to index
        %swap3A_466 = arith.constant 80 : index
        %swap3A_467 = tpu.vector_load %arg9[%swap3A_465, %swap3A_466] {strides = array<i32>} : memref<128x128xf32, #tpu.memory_space<vmem>>, vector<16xf32>,
        tpu.vector_store %arg9[%swap3A_465, %swap3A_466], %select_n3A_464 {strides = array<i32>} : memref<128x128xf32, #tpu.memory_space<vmem>>, vector<16xf32>,
        %mul3A_468 = arith.mulf %broadcast_in_dim3A_426, %get3A_15 : vector<16xf32>
        %add3A_469 = arith.addf %mul3A_468, %get3A_45 : vector<16xf32>
        %select_n3A_470 = arith.select %ne3A_427, %get3A_77, %add3A_469 : vector<16xi1>, vector<16xf32>
        %swap3A_471 = arith.index_cast %add3A_431 : i32 to index
        %swap3A_472 = arith.constant 96 : index
        %swap3A_473 = tpu.vector_load %arg9[%swap3A_471, %swap3A_472] {strides = array<i32>} : memref<128x128xf32, #tpu.memory_space<vmem>>, vector<16xf32>,
        tpu.vector_store %arg9[%swap3A_471, %swap3A_472], %select_n3A_470 {strides = array<i32>} : memref<128x128xf32, #tpu.memory_space<vmem>>, vector<16xf32>,
        %mul3A_474 = arith.mulf %broadcast_in_dim3A_426, %get3A_17 : vector<16xf32>
        %add3A_475 = arith.addf %mul3A_474, %get3A_49 : vector<16xf32>
        %select_n3A_476 = arith.select %ne3A_427, %get3A_81, %add3A_475 : vector<16xi1>, vector<16xf32>
        %swap3A_477 = arith.index_cast %add3A_431 : i32 to index
        %swap3A_478 = arith.constant 112 : index
        %swap3A_479 = tpu.vector_load %arg9[%swap3A_477, %swap3A_478] {strides = array<i32>} : memref<128x128xf32, #tpu.memory_space<vmem>>, vector<16xf32>,
        tpu.vector_store %arg9[%swap3A_477, %swap3A_478], %select_n3A_476 {strides = array<i32>} : memref<128x128xf32, #tpu.memory_space<vmem>>, vector<16xf32>,
        %slice3A_480 = vector.extract_strided_slice %get3A_149 {offsets = [6], sizes = [1], strides = [1]} : vector<16xf32> to vector<1xf32>
        %squeeze3A_481 = vector.extract %slice3A_480[0] : f32 from vector<1xf32>
        %broadcast_in_dim3A_482 = vector.broadcast %squeeze3A_481 : f32 to vector<16xf32>
        %ne3A_483 = arith.cmpf one, %broadcast_in_dim3A_482, %broadcast_in_dim3A_482 : vector<16xf32>
        %mul3A_484 = arith.constant 16 : i32
        %mul3A_485 = arith.muli %add3A_144, %mul3A_484 : i32
        %add3A_486 = arith.constant 6 : i32
        %add3A_487 = arith.addi %mul3A_485, %add3A_486 : i32
        %mul3A_488 = arith.mulf %broadcast_in_dim3A_482, %get3A_3 : vector<16xf32>
        %add3A_489 = arith.addf %mul3A_488, %get3A_21 : vector<16xf32>
        %select_n3A_490 = arith.select %ne3A_483, %get3A_53, %add3A_489 : vector<16xi1>, vector<16xf32>
        %swap3A_491 = arith.index_cast %add3A_487 : i32 to index
        %swap3A_492 = arith.constant 0 : index
        %swap3A_493 = tpu.vector_load %arg9[%swap3A_491, %swap3A_492] {strides = array<i32>} : memref<128x128xf32, #tpu.memory_space<vmem>>, vector<16xf32>,
        tpu.vector_store %arg9[%swap3A_491, %swap3A_492], %select_n3A_490 {strides = array<i32>} : memref<128x128xf32, #tpu.memory_space<vmem>>, vector<16xf32>,
        %mul3A_494 = arith.mulf %broadcast_in_dim3A_482, %get3A_5 : vector<16xf32>
        %add3A_495 = arith.addf %mul3A_494, %get3A_25 : vector<16xf32>
        %select_n3A_496 = arith.select %ne3A_483, %get3A_57, %add3A_495 : vector<16xi1>, vector<16xf32>
        %swap3A_497 = arith.index_cast %add3A_487 : i32 to index
        %swap3A_498 = arith.constant 16 : index
        %swap3A_499 = tpu.vector_load %arg9[%swap3A_497, %swap3A_498] {strides = array<i32>} : memref<128x128xf32, #tpu.memory_space<vmem>>, vector<16xf32>,
        tpu.vector_store %arg9[%swap3A_497, %swap3A_498], %select_n3A_496 {strides = array<i32>} : memref<128x128xf32, #tpu.memory_space<vmem>>, vector<16xf32>,
        %mul3A_500 = arith.mulf %broadcast_in_dim3A_482, %get3A_7 : vector<16xf32>
        %add3A_501 = arith.addf %mul3A_500, %get3A_29 : vector<16xf32>
        %select_n3A_502 = arith.select %ne3A_483, %get3A_61, %add3A_501 : vector<16xi1>, vector<16xf32>
        %swap3A_503 = arith.index_cast %add3A_487 : i32 to index
        %swap3A_504 = arith.constant 32 : index
        %swap3A_505 = tpu.vector_load %arg9[%swap3A_503, %swap3A_504] {strides = array<i32>} : memref<128x128xf32, #tpu.memory_space<vmem>>, vector<16xf32>,
        tpu.vector_store %arg9[%swap3A_503, %swap3A_504], %select_n3A_502 {strides = array<i32>} : memref<128x128xf32, #tpu.memory_space<vmem>>, vector<16xf32>,
        %mul3A_506 = arith.mulf %broadcast_in_dim3A_482, %get3A_9 : vector<16xf32>
        %add3A_507 = arith.addf %mul3A_506, %get3A_33 : vector<16xf32>
        %select_n3A_508 = arith.select %ne3A_483, %get3A_65, %add3A_507 : vector<16xi1>, vector<16xf32>
        %swap3A_509 = arith.index_cast %add3A_487 : i32 to index
        %swap3A_510 = arith.constant 48 : index
        %swap3A_511 = tpu.vector_load %arg9[%swap3A_509, %swap3A_510] {strides = array<i32>} : memref<128x128xf32, #tpu.memory_space<vmem>>, vector<16xf32>,
        tpu.vector_store %arg9[%swap3A_509, %swap3A_510], %select_n3A_508 {strides = array<i32>} : memref<128x128xf32, #tpu.memory_space<vmem>>, vector<16xf32>,
        %mul3A_512 = arith.mulf %broadcast_in_dim3A_482, %get3A_11 : vector<16xf32>
        %add3A_513 = arith.addf %mul3A_512, %get3A_37 : vector<16xf32>
        %select_n3A_514 = arith.select %ne3A_483, %get3A_69, %add3A_513 : vector<16xi1>, vector<16xf32>
        %swap3A_515 = arith.index_cast %add3A_487 : i32 to index
        %swap3A_516 = arith.constant 64 : index
        %swap3A_517 = tpu.vector_load %arg9[%swap3A_515, %swap3A_516] {strides = array<i32>} : memref<128x128xf32, #tpu.memory_space<vmem>>, vector<16xf32>,
        tpu.vector_store %arg9[%swap3A_515, %swap3A_516], %select_n3A_514 {strides = array<i32>} : memref<128x128xf32, #tpu.memory_space<vmem>>, vector<16xf32>,
        %mul3A_518 = arith.mulf %broadcast_in_dim3A_482, %get3A_13 : vector<16xf32>
        %add3A_519 = arith.addf %mul3A_518, %get3A_41 : vector<16xf32>
        %select_n3A_520 = arith.select %ne3A_483, %get3A_73, %add3A_519 : vector<16xi1>, vector<16xf32>
        %swap3A_521 = arith.index_cast %add3A_487 : i32 to index
        %swap3A_522 = arith.constant 80 : index
        %swap3A_523 = tpu.vector_load %arg9[%swap3A_521, %swap3A_522] {strides = array<i32>} : memref<128x128xf32, #tpu.memory_space<vmem>>, vector<16xf32>,
        tpu.vector_store %arg9[%swap3A_521, %swap3A_522], %select_n3A_520 {strides = array<i32>} : memref<128x128xf32, #tpu.memory_space<vmem>>, vector<16xf32>,
        %mul3A_524 = arith.mulf %broadcast_in_dim3A_482, %get3A_15 : vector<16xf32>
        %add3A_525 = arith.addf %mul3A_524, %get3A_45 : vector<16xf32>
        %select_n3A_526 = arith.select %ne3A_483, %get3A_77, %add3A_525 : vector<16xi1>, vector<16xf32>
        %swap3A_527 = arith.index_cast %add3A_487 : i32 to index
        %swap3A_528 = arith.constant 96 : index
        %swap3A_529 = tpu.vector_load %arg9[%swap3A_527, %swap3A_528] {strides = array<i32>} : memref<128x128xf32, #tpu.memory_space<vmem>>, vector<16xf32>,
        tpu.vector_store %arg9[%swap3A_527, %swap3A_528], %select_n3A_526 {strides = array<i32>} : memref<128x128xf32, #tpu.memory_space<vmem>>, vector<16xf32>,
        %mul3A_530 = arith.mulf %broadcast_in_dim3A_482, %get3A_17 : vector<16xf32>
        %add3A_531 = arith.addf %mul3A_530, %get3A_49 : vector<16xf32>
        %select_n3A_532 = arith.select %ne3A_483, %get3A_81, %add3A_531 : vector<16xi1>, vector<16xf32>
        %swap3A_533 = arith.index_cast %add3A_487 : i32 to index
        %swap3A_534 = arith.constant 112 : index
        %swap3A_535 = tpu.vector_load %arg9[%swap3A_533, %swap3A_534] {strides = array<i32>} : memref<128x128xf32, #tpu.memory_space<vmem>>, vector<16xf32>,
        tpu.vector_store %arg9[%swap3A_533, %swap3A_534], %select_n3A_532 {strides = array<i32>} : memref<128x128xf32, #tpu.memory_space<vmem>>, vector<16xf32>,
        %slice3A_536 = vector.extract_strided_slice %get3A_149 {offsets = [7], sizes = [1], strides = [1]} : vector<16xf32> to vector<1xf32>
        %squeeze3A_537 = vector.extract %slice3A_536[0] : f32 from vector<1xf32>
        %broadcast_in_dim3A_538 = vector.broadcast %squeeze3A_537 : f32 to vector<16xf32>
        %ne3A_539 = arith.cmpf one, %broadcast_in_dim3A_538, %broadcast_in_dim3A_538 : vector<16xf32>
        %mul3A_540 = arith.constant 16 : i32
        %mul3A_541 = arith.muli %add3A_144, %mul3A_540 : i32
        %add3A_542 = arith.constant 7 : i32
        %add3A_543 = arith.addi %mul3A_541, %add3A_542 : i32
        %mul3A_544 = arith.mulf %broadcast_in_dim3A_538, %get3A_3 : vector<16xf32>
        %add3A_545 = arith.addf %mul3A_544, %get3A_21 : vector<16xf32>
        %select_n3A_546 = arith.select %ne3A_539, %get3A_53, %add3A_545 : vector<16xi1>, vector<16xf32>
        %swap3A_547 = arith.index_cast %add3A_543 : i32 to index
        %swap3A_548 = arith.constant 0 : index
        %swap3A_549 = tpu.vector_load %arg9[%swap3A_547, %swap3A_548] {strides = array<i32>} : memref<128x128xf32, #tpu.memory_space<vmem>>, vector<16xf32>,
        tpu.vector_store %arg9[%swap3A_547, %swap3A_548], %select_n3A_546 {strides = array<i32>} : memref<128x128xf32, #tpu.memory_space<vmem>>, vector<16xf32>,
        %mul3A_550 = arith.mulf %broadcast_in_dim3A_538, %get3A_5 : vector<16xf32>
        %add3A_551 = arith.addf %mul3A_550, %get3A_25 : vector<16xf32>
        %select_n3A_552 = arith.select %ne3A_539, %get3A_57, %add3A_551 : vector<16xi1>, vector<16xf32>
        %swap3A_553 = arith.index_cast %add3A_543 : i32 to index
        %swap3A_554 = arith.constant 16 : index
        %swap3A_555 = tpu.vector_load %arg9[%swap3A_553, %swap3A_554] {strides = array<i32>} : memref<128x128xf32, #tpu.memory_space<vmem>>, vector<16xf32>,
        tpu.vector_store %arg9[%swap3A_553, %swap3A_554], %select_n3A_552 {strides = array<i32>} : memref<128x128xf32, #tpu.memory_space<vmem>>, vector<16xf32>,
        %mul3A_556 = arith.mulf %broadcast_in_dim3A_538, %get3A_7 : vector<16xf32>
        %add3A_557 = arith.addf %mul3A_556, %get3A_29 : vector<16xf32>
        %select_n3A_558 = arith.select %ne3A_539, %get3A_61, %add3A_557 : vector<16xi1>, vector<16xf32>
        %swap3A_559 = arith.index_cast %add3A_543 : i32 to index
        %swap3A_560 = arith.constant 32 : index
        %swap3A_561 = tpu.vector_load %arg9[%swap3A_559, %swap3A_560] {strides = array<i32>} : memref<128x128xf32, #tpu.memory_space<vmem>>, vector<16xf32>,
        tpu.vector_store %arg9[%swap3A_559, %swap3A_560], %select_n3A_558 {strides = array<i32>} : memref<128x128xf32, #tpu.memory_space<vmem>>, vector<16xf32>,
        %mul3A_562 = arith.mulf %broadcast_in_dim3A_538, %get3A_9 : vector<16xf32>
        %add3A_563 = arith.addf %mul3A_562, %get3A_33 : vector<16xf32>
        %select_n3A_564 = arith.select %ne3A_539, %get3A_65, %add3A_563 : vector<16xi1>, vector<16xf32>
        %swap3A_565 = arith.index_cast %add3A_543 : i32 to index
        %swap3A_566 = arith.constant 48 : index
        %swap3A_567 = tpu.vector_load %arg9[%swap3A_565, %swap3A_566] {strides = array<i32>} : memref<128x128xf32, #tpu.memory_space<vmem>>, vector<16xf32>,
        tpu.vector_store %arg9[%swap3A_565, %swap3A_566], %select_n3A_564 {strides = array<i32>} : memref<128x128xf32, #tpu.memory_space<vmem>>, vector<16xf32>,
        %mul3A_568 = arith.mulf %broadcast_in_dim3A_538, %get3A_11 : vector<16xf32>
        %add3A_569 = arith.addf %mul3A_568, %get3A_37 : vector<16xf32>
        %select_n3A_570 = arith.select %ne3A_539, %get3A_69, %add3A_569 : vector<16xi1>, vector<16xf32>
        %swap3A_571 = arith.index_cast %add3A_543 : i32 to index
        %swap3A_572 = arith.constant 64 : index
        %swap3A_573 = tpu.vector_load %arg9[%swap3A_571, %swap3A_572] {strides = array<i32>} : memref<128x128xf32, #tpu.memory_space<vmem>>, vector<16xf32>,
        tpu.vector_store %arg9[%swap3A_571, %swap3A_572], %select_n3A_570 {strides = array<i32>} : memref<128x128xf32, #tpu.memory_space<vmem>>, vector<16xf32>,
        %mul3A_574 = arith.mulf %broadcast_in_dim3A_538, %get3A_13 : vector<16xf32>
        %add3A_575 = arith.addf %mul3A_574, %get3A_41 : vector<16xf32>
        %select_n3A_576 = arith.select %ne3A_539, %get3A_73, %add3A_575 : vector<16xi1>, vector<16xf32>
        %swap3A_577 = arith.index_cast %add3A_543 : i32 to index
        %swap3A_578 = arith.constant 80 : index
        %swap3A_579 = tpu.vector_load %arg9[%swap3A_577, %swap3A_578] {strides = array<i32>} : memref<128x128xf32, #tpu.memory_space<vmem>>, vector<16xf32>,
        tpu.vector_store %arg9[%swap3A_577, %swap3A_578], %select_n3A_576 {strides = array<i32>} : memref<128x128xf32, #tpu.memory_space<vmem>>, vector<16xf32>,
        %mul3A_580 = arith.mulf %broadcast_in_dim3A_538, %get3A_15 : vector<16xf32>
        %add3A_581 = arith.addf %mul3A_580, %get3A_45 : vector<16xf32>
        %select_n3A_582 = arith.select %ne3A_539, %get3A_77, %add3A_581 : vector<16xi1>, vector<16xf32>
        %swap3A_583 = arith.index_cast %add3A_543 : i32 to index
        %swap3A_584 = arith.constant 96 : index
        %swap3A_585 = tpu.vector_load %arg9[%swap3A_583, %swap3A_584] {strides = array<i32>} : memref<128x128xf32, #tpu.memory_space<vmem>>, vector<16xf32>,
        tpu.vector_store %arg9[%swap3A_583, %swap3A_584], %select_n3A_582 {strides = array<i32>} : memref<128x128xf32, #tpu.memory_space<vmem>>, vector<16xf32>,
        %mul3A_586 = arith.mulf %broadcast_in_dim3A_538, %get3A_17 : vector<16xf32>
        %add3A_587 = arith.addf %mul3A_586, %get3A_49 : vector<16xf32>
        %select_n3A_588 = arith.select %ne3A_539, %get3A_81, %add3A_587 : vector<16xi1>, vector<16xf32>
        %swap3A_589 = arith.index_cast %add3A_543 : i32 to index
        %swap3A_590 = arith.constant 112 : index
        %swap3A_591 = tpu.vector_load %arg9[%swap3A_589, %swap3A_590] {strides = array<i32>} : memref<128x128xf32, #tpu.memory_space<vmem>>, vector<16xf32>,
        tpu.vector_store %arg9[%swap3A_589, %swap3A_590], %select_n3A_588 {strides = array<i32>} : memref<128x128xf32, #tpu.memory_space<vmem>>, vector<16xf32>,
        %slice3A_592 = vector.extract_strided_slice %get3A_149 {offsets = [8], sizes = [1], strides = [1]} : vector<16xf32> to vector<1xf32>
        %squeeze3A_593 = vector.extract %slice3A_592[0] : f32 from vector<1xf32>
        %broadcast_in_dim3A_594 = vector.broadcast %squeeze3A_593 : f32 to vector<16xf32>
        %ne3A_595 = arith.cmpf one, %broadcast_in_dim3A_594, %broadcast_in_dim3A_594 : vector<16xf32>
        %mul3A_596 = arith.constant 16 : i32
        %mul3A_597 = arith.muli %add3A_144, %mul3A_596 : i32
        %add3A_598 = arith.constant 8 : i32
        %add3A_599 = arith.addi %mul3A_597, %add3A_598 : i32
        %mul3A_600 = arith.mulf %broadcast_in_dim3A_594, %get3A_3 : vector<16xf32>
        %add3A_601 = arith.addf %mul3A_600, %get3A_21 : vector<16xf32>
        %select_n3A_602 = arith.select %ne3A_595, %get3A_53, %add3A_601 : vector<16xi1>, vector<16xf32>
        %swap3A_603 = arith.index_cast %add3A_599 : i32 to index
        %swap3A_604 = arith.constant 0 : index
        %swap3A_605 = tpu.vector_load %arg9[%swap3A_603, %swap3A_604] {strides = array<i32>} : memref<128x128xf32, #tpu.memory_space<vmem>>, vector<16xf32>,
        tpu.vector_store %arg9[%swap3A_603, %swap3A_604], %select_n3A_602 {strides = array<i32>} : memref<128x128xf32, #tpu.memory_space<vmem>>, vector<16xf32>,
        %mul3A_606 = arith.mulf %broadcast_in_dim3A_594, %get3A_5 : vector<16xf32>
        %add3A_607 = arith.addf %mul3A_606, %get3A_25 : vector<16xf32>
        %select_n3A_608 = arith.select %ne3A_595, %get3A_57, %add3A_607 : vector<16xi1>, vector<16xf32>
        %swap3A_609 = arith.index_cast %add3A_599 : i32 to index
        %swap3A_610 = arith.constant 16 : index
        %swap3A_611 = tpu.vector_load %arg9[%swap3A_609, %swap3A_610] {strides = array<i32>} : memref<128x128xf32, #tpu.memory_space<vmem>>, vector<16xf32>,
        tpu.vector_store %arg9[%swap3A_609, %swap3A_610], %select_n3A_608 {strides = array<i32>} : memref<128x128xf32, #tpu.memory_space<vmem>>, vector<16xf32>,
        %mul3A_612 = arith.mulf %broadcast_in_dim3A_594, %get3A_7 : vector<16xf32>
        %add3A_613 = arith.addf %mul3A_612, %get3A_29 : vector<16xf32>
        %select_n3A_614 = arith.select %ne3A_595, %get3A_61, %add3A_613 : vector<16xi1>, vector<16xf32>
        %swap3A_615 = arith.index_cast %add3A_599 : i32 to index
        %swap3A_616 = arith.constant 32 : index
        %swap3A_617 = tpu.vector_load %arg9[%swap3A_615, %swap3A_616] {strides = array<i32>} : memref<128x128xf32, #tpu.memory_space<vmem>>, vector<16xf32>,
        tpu.vector_store %arg9[%swap3A_615, %swap3A_616], %select_n3A_614 {strides = array<i32>} : memref<128x128xf32, #tpu.memory_space<vmem>>, vector<16xf32>,
        %mul3A_618 = arith.mulf %broadcast_in_dim3A_594, %get3A_9 : vector<16xf32>
        %add3A_619 = arith.addf %mul3A_618, %get3A_33 : vector<16xf32>
        %select_n3A_620 = arith.select %ne3A_595, %get3A_65, %add3A_619 : vector<16xi1>, vector<16xf32>
        %swap3A_621 = arith.index_cast %add3A_599 : i32 to index
        %swap3A_622 = arith.constant 48 : index
        %swap3A_623 = tpu.vector_load %arg9[%swap3A_621, %swap3A_622] {strides = array<i32>} : memref<128x128xf32, #tpu.memory_space<vmem>>, vector<16xf32>,
        tpu.vector_store %arg9[%swap3A_621, %swap3A_622], %select_n3A_620 {strides = array<i32>} : memref<128x128xf32, #tpu.memory_space<vmem>>, vector<16xf32>,
        %mul3A_624 = arith.mulf %broadcast_in_dim3A_594, %get3A_11 : vector<16xf32>
        %add3A_625 = arith.addf %mul3A_624, %get3A_37 : vector<16xf32>
        %select_n3A_626 = arith.select %ne3A_595, %get3A_69, %add3A_625 : vector<16xi1>, vector<16xf32>
        %swap3A_627 = arith.index_cast %add3A_599 : i32 to index
        %swap3A_628 = arith.constant 64 : index
        %swap3A_629 = tpu.vector_load %arg9[%swap3A_627, %swap3A_628] {strides = array<i32>} : memref<128x128xf32, #tpu.memory_space<vmem>>, vector<16xf32>,
        tpu.vector_store %arg9[%swap3A_627, %swap3A_628], %select_n3A_626 {strides = array<i32>} : memref<128x128xf32, #tpu.memory_space<vmem>>, vector<16xf32>,
        %mul3A_630 = arith.mulf %broadcast_in_dim3A_594, %get3A_13 : vector<16xf32>
        %add3A_631 = arith.addf %mul3A_630, %get3A_41 : vector<16xf32>
        %select_n3A_632 = arith.select %ne3A_595, %get3A_73, %add3A_631 : vector<16xi1>, vector<16xf32>
        %swap3A_633 = arith.index_cast %add3A_599 : i32 to index
        %swap3A_634 = arith.constant 80 : index
        %swap3A_635 = tpu.vector_load %arg9[%swap3A_633, %swap3A_634] {strides = array<i32>} : memref<128x128xf32, #tpu.memory_space<vmem>>, vector<16xf32>,
        tpu.vector_store %arg9[%swap3A_633, %swap3A_634], %select_n3A_632 {strides = array<i32>} : memref<128x128xf32, #tpu.memory_space<vmem>>, vector<16xf32>,
        %mul3A_636 = arith.mulf %broadcast_in_dim3A_594, %get3A_15 : vector<16xf32>
        %add3A_637 = arith.addf %mul3A_636, %get3A_45 : vector<16xf32>
        %select_n3A_638 = arith.select %ne3A_595, %get3A_77, %add3A_637 : vector<16xi1>, vector<16xf32>
        %swap3A_639 = arith.index_cast %add3A_599 : i32 to index
        %swap3A_640 = arith.constant 96 : index
        %swap3A_641 = tpu.vector_load %arg9[%swap3A_639, %swap3A_640] {strides = array<i32>} : memref<128x128xf32, #tpu.memory_space<vmem>>, vector<16xf32>,
        tpu.vector_store %arg9[%swap3A_639, %swap3A_640], %select_n3A_638 {strides = array<i32>} : memref<128x128xf32, #tpu.memory_space<vmem>>, vector<16xf32>,
        %mul3A_642 = arith.mulf %broadcast_in_dim3A_594, %get3A_17 : vector<16xf32>
        %add3A_643 = arith.addf %mul3A_642, %get3A_49 : vector<16xf32>
        %select_n3A_644 = arith.select %ne3A_595, %get3A_81, %add3A_643 : vector<16xi1>, vector<16xf32>
        %swap3A_645 = arith.index_cast %add3A_599 : i32 to index
        %swap3A_646 = arith.constant 112 : index
        %swap3A_647 = tpu.vector_load %arg9[%swap3A_645, %swap3A_646] {strides = array<i32>} : memref<128x128xf32, #tpu.memory_space<vmem>>, vector<16xf32>,
        tpu.vector_store %arg9[%swap3A_645, %swap3A_646], %select_n3A_644 {strides = array<i32>} : memref<128x128xf32, #tpu.memory_space<vmem>>, vector<16xf32>,
        %slice3A_648 = vector.extract_strided_slice %get3A_149 {offsets = [9], sizes = [1], strides = [1]} : vector<16xf32> to vector<1xf32>
        %squeeze3A_649 = vector.extract %slice3A_648[0] : f32 from vector<1xf32>
        %broadcast_in_dim3A_650 = vector.broadcast %squeeze3A_649 : f32 to vector<16xf32>
        %ne3A_651 = arith.cmpf one, %broadcast_in_dim3A_650, %broadcast_in_dim3A_650 : vector<16xf32>
        %mul3A_652 = arith.constant 16 : i32
        %mul3A_653 = arith.muli %add3A_144, %mul3A_652 : i32
        %add3A_654 = arith.constant 9 : i32
        %add3A_655 = arith.addi %mul3A_653, %add3A_654 : i32
        %mul3A_656 = arith.mulf %broadcast_in_dim3A_650, %get3A_3 : vector<16xf32>
        %add3A_657 = arith.addf %mul3A_656, %get3A_21 : vector<16xf32>
        %select_n3A_658 = arith.select %ne3A_651, %get3A_53, %add3A_657 : vector<16xi1>, vector<16xf32>
        %swap3A_659 = arith.index_cast %add3A_655 : i32 to index
        %swap3A_660 = arith.constant 0 : index
        %swap3A_661 = tpu.vector_load %arg9[%swap3A_659, %swap3A_660] {strides = array<i32>} : memref<128x128xf32, #tpu.memory_space<vmem>>, vector<16xf32>,
        tpu.vector_store %arg9[%swap3A_659, %swap3A_660], %select_n3A_658 {strides = array<i32>} : memref<128x128xf32, #tpu.memory_space<vmem>>, vector<16xf32>,
        %mul3A_662 = arith.mulf %broadcast_in_dim3A_650, %get3A_5 : vector<16xf32>
        %add3A_663 = arith.addf %mul3A_662, %get3A_25 : vector<16xf32>
        %select_n3A_664 = arith.select %ne3A_651, %get3A_57, %add3A_663 : vector<16xi1>, vector<16xf32>
        %swap3A_665 = arith.index_cast %add3A_655 : i32 to index
        %swap3A_666 = arith.constant 16 : index
        %swap3A_667 = tpu.vector_load %arg9[%swap3A_665, %swap3A_666] {strides = array<i32>} : memref<128x128xf32, #tpu.memory_space<vmem>>, vector<16xf32>,
        tpu.vector_store %arg9[%swap3A_665, %swap3A_666], %select_n3A_664 {strides = array<i32>} : memref<128x128xf32, #tpu.memory_space<vmem>>, vector<16xf32>,
        %mul3A_668 = arith.mulf %broadcast_in_dim3A_650, %get3A_7 : vector<16xf32>
        %add3A_669 = arith.addf %mul3A_668, %get3A_29 : vector<16xf32>
        %select_n3A_670 = arith.select %ne3A_651, %get3A_61, %add3A_669 : vector<16xi1>, vector<16xf32>
        %swap3A_671 = arith.index_cast %add3A_655 : i32 to index
        %swap3A_672 = arith.constant 32 : index
        %swap3A_673 = tpu.vector_load %arg9[%swap3A_671, %swap3A_672] {strides = array<i32>} : memref<128x128xf32, #tpu.memory_space<vmem>>, vector<16xf32>,
        tpu.vector_store %arg9[%swap3A_671, %swap3A_672], %select_n3A_670 {strides = array<i32>} : memref<128x128xf32, #tpu.memory_space<vmem>>, vector<16xf32>,
        %mul3A_674 = arith.mulf %broadcast_in_dim3A_650, %get3A_9 : vector<16xf32>
        %add3A_675 = arith.addf %mul3A_674, %get3A_33 : vector<16xf32>
        %select_n3A_676 = arith.select %ne3A_651, %get3A_65, %add3A_675 : vector<16xi1>, vector<16xf32>
        %swap3A_677 = arith.index_cast %add3A_655 : i32 to index
        %swap3A_678 = arith.constant 48 : index
        %swap3A_679 = tpu.vector_load %arg9[%swap3A_677, %swap3A_678] {strides = array<i32>} : memref<128x128xf32, #tpu.memory_space<vmem>>, vector<16xf32>,
        tpu.vector_store %arg9[%swap3A_677, %swap3A_678], %select_n3A_676 {strides = array<i32>} : memref<128x128xf32, #tpu.memory_space<vmem>>, vector<16xf32>,
        %mul3A_680 = arith.mulf %broadcast_in_dim3A_650, %get3A_11 : vector<16xf32>
        %add3A_681 = arith.addf %mul3A_680, %get3A_37 : vector<16xf32>
        %select_n3A_682 = arith.select %ne3A_651, %get3A_69, %add3A_681 : vector<16xi1>, vector<16xf32>
        %swap3A_683 = arith.index_cast %add3A_655 : i32 to index
        %swap3A_684 = arith.constant 64 : index
        %swap3A_685 = tpu.vector_load %arg9[%swap3A_683, %swap3A_684] {strides = array<i32>} : memref<128x128xf32, #tpu.memory_space<vmem>>, vector<16xf32>,
        tpu.vector_store %arg9[%swap3A_683, %swap3A_684], %select_n3A_682 {strides = array<i32>} : memref<128x128xf32, #tpu.memory_space<vmem>>, vector<16xf32>,
        %mul3A_686 = arith.mulf %broadcast_in_dim3A_650, %get3A_13 : vector<16xf32>
        %add3A_687 = arith.addf %mul3A_686, %get3A_41 : vector<16xf32>
        %select_n3A_688 = arith.select %ne3A_651, %get3A_73, %add3A_687 : vector<16xi1>, vector<16xf32>
        %swap3A_689 = arith.index_cast %add3A_655 : i32 to index
        %swap3A_690 = arith.constant 80 : index
        %swap3A_691 = tpu.vector_load %arg9[%swap3A_689, %swap3A_690] {strides = array<i32>} : memref<128x128xf32, #tpu.memory_space<vmem>>, vector<16xf32>,
        tpu.vector_store %arg9[%swap3A_689, %swap3A_690], %select_n3A_688 {strides = array<i32>} : memref<128x128xf32, #tpu.memory_space<vmem>>, vector<16xf32>,
        %mul3A_692 = arith.mulf %broadcast_in_dim3A_650, %get3A_15 : vector<16xf32>
        %add3A_693 = arith.addf %mul3A_692, %get3A_45 : vector<16xf32>
        %select_n3A_694 = arith.select %ne3A_651, %get3A_77, %add3A_693 : vector<16xi1>, vector<16xf32>
        %swap3A_695 = arith.index_cast %add3A_655 : i32 to index
        %swap3A_696 = arith.constant 96 : index
        %swap3A_697 = tpu.vector_load %arg9[%swap3A_695, %swap3A_696] {strides = array<i32>} : memref<128x128xf32, #tpu.memory_space<vmem>>, vector<16xf32>,
        tpu.vector_store %arg9[%swap3A_695, %swap3A_696], %select_n3A_694 {strides = array<i32>} : memref<128x128xf32, #tpu.memory_space<vmem>>, vector<16xf32>,
        %mul3A_698 = arith.mulf %broadcast_in_dim3A_650, %get3A_17 : vector<16xf32>
        %add3A_699 = arith.addf %mul3A_698, %get3A_49 : vector<16xf32>
        %select_n3A_700 = arith.select %ne3A_651, %get3A_81, %add3A_699 : vector<16xi1>, vector<16xf32>
        %swap3A_701 = arith.index_cast %add3A_655 : i32 to index
        %swap3A_702 = arith.constant 112 : index
        %swap3A_703 = tpu.vector_load %arg9[%swap3A_701, %swap3A_702] {strides = array<i32>} : memref<128x128xf32, #tpu.memory_space<vmem>>, vector<16xf32>,
        tpu.vector_store %arg9[%swap3A_701, %swap3A_702], %select_n3A_700 {strides = array<i32>} : memref<128x128xf32, #tpu.memory_space<vmem>>, vector<16xf32>,
        %slice3A_704 = vector.extract_strided_slice %get3A_149 {offsets = [10], sizes = [1], strides = [1]} : vector<16xf32> to vector<1xf32>
        %squeeze3A_705 = vector.extract %slice3A_704[0] : f32 from vector<1xf32>
        %broadcast_in_dim3A_706 = vector.broadcast %squeeze3A_705 : f32 to vector<16xf32>
        %ne3A_707 = arith.cmpf one, %broadcast_in_dim3A_706, %broadcast_in_dim3A_706 : vector<16xf32>
        %mul3A_708 = arith.constant 16 : i32
        %mul3A_709 = arith.muli %add3A_144, %mul3A_708 : i32
        %add3A_710 = arith.constant 10 : i32
        %add3A_711 = arith.addi %mul3A_709, %add3A_710 : i32
        %mul3A_712 = arith.mulf %broadcast_in_dim3A_706, %get3A_3 : vector<16xf32>
        %add3A_713 = arith.addf %mul3A_712, %get3A_21 : vector<16xf32>
        %select_n3A_714 = arith.select %ne3A_707, %get3A_53, %add3A_713 : vector<16xi1>, vector<16xf32>
        %swap3A_715 = arith.index_cast %add3A_711 : i32 to index
        %swap3A_716 = arith.constant 0 : index
        %swap3A_717 = tpu.vector_load %arg9[%swap3A_715, %swap3A_716] {strides = array<i32>} : memref<128x128xf32, #tpu.memory_space<vmem>>, vector<16xf32>,
        tpu.vector_store %arg9[%swap3A_715, %swap3A_716], %select_n3A_714 {strides = array<i32>} : memref<128x128xf32, #tpu.memory_space<vmem>>, vector<16xf32>,
        %mul3A_718 = arith.mulf %broadcast_in_dim3A_706, %get3A_5 : vector<16xf32>
        %add3A_719 = arith.addf %mul3A_718, %get3A_25 : vector<16xf32>
        %select_n3A_720 = arith.select %ne3A_707, %get3A_57, %add3A_719 : vector<16xi1>, vector<16xf32>
        %swap3A_721 = arith.index_cast %add3A_711 : i32 to index
        %swap3A_722 = arith.constant 16 : index
        %swap3A_723 = tpu.vector_load %arg9[%swap3A_721, %swap3A_722] {strides = array<i32>} : memref<128x128xf32, #tpu.memory_space<vmem>>, vector<16xf32>,
        tpu.vector_store %arg9[%swap3A_721, %swap3A_722], %select_n3A_720 {strides = array<i32>} : memref<128x128xf32, #tpu.memory_space<vmem>>, vector<16xf32>,
        %mul3A_724 = arith.mulf %broadcast_in_dim3A_706, %get3A_7 : vector<16xf32>
        %add3A_725 = arith.addf %mul3A_724, %get3A_29 : vector<16xf32>
        %select_n3A_726 = arith.select %ne3A_707, %get3A_61, %add3A_725 : vector<16xi1>, vector<16xf32>
        %swap3A_727 = arith.index_cast %add3A_711 : i32 to index
        %swap3A_728 = arith.constant 32 : index
        %swap3A_729 = tpu.vector_load %arg9[%swap3A_727, %swap3A_728] {strides = array<i32>} : memref<128x128xf32, #tpu.memory_space<vmem>>, vector<16xf32>,
        tpu.vector_store %arg9[%swap3A_727, %swap3A_728], %select_n3A_726 {strides = array<i32>} : memref<128x128xf32, #tpu.memory_space<vmem>>, vector<16xf32>,
        %mul3A_730 = arith.mulf %broadcast_in_dim3A_706, %get3A_9 : vector<16xf32>
        %add3A_731 = arith.addf %mul3A_730, %get3A_33 : vector<16xf32>
        %select_n3A_732 = arith.select %ne3A_707, %get3A_65, %add3A_731 : vector<16xi1>, vector<16xf32>
        %swap3A_733 = arith.index_cast %add3A_711 : i32 to index
        %swap3A_734 = arith.constant 48 : index
        %swap3A_735 = tpu.vector_load %arg9[%swap3A_733, %swap3A_734] {strides = array<i32>} : memref<128x128xf32, #tpu.memory_space<vmem>>, vector<16xf32>,
        tpu.vector_store %arg9[%swap3A_733, %swap3A_734], %select_n3A_732 {strides = array<i32>} : memref<128x128xf32, #tpu.memory_space<vmem>>, vector<16xf32>,
        %mul3A_736 = arith.mulf %broadcast_in_dim3A_706, %get3A_11 : vector<16xf32>
        %add3A_737 = arith.addf %mul3A_736, %get3A_37 : vector<16xf32>
        %select_n3A_738 = arith.select %ne3A_707, %get3A_69, %add3A_737 : vector<16xi1>, vector<16xf32>
        %swap3A_739 = arith.index_cast %add3A_711 : i32 to index
        %swap3A_740 = arith.constant 64 : index
        %swap3A_741 = tpu.vector_load %arg9[%swap3A_739, %swap3A_740] {strides = array<i32>} : memref<128x128xf32, #tpu.memory_space<vmem>>, vector<16xf32>,
        tpu.vector_store %arg9[%swap3A_739, %swap3A_740], %select_n3A_738 {strides = array<i32>} : memref<128x128xf32, #tpu.memory_space<vmem>>, vector<16xf32>,
        %mul3A_742 = arith.mulf %broadcast_in_dim3A_706, %get3A_13 : vector<16xf32>
        %add3A_743 = arith.addf %mul3A_742, %get3A_41 : vector<16xf32>
        %select_n3A_744 = arith.select %ne3A_707, %get3A_73, %add3A_743 : vector<16xi1>, vector<16xf32>
        %swap3A_745 = arith.index_cast %add3A_711 : i32 to index
        %swap3A_746 = arith.constant 80 : index
        %swap3A_747 = tpu.vector_load %arg9[%swap3A_745, %swap3A_746] {strides = array<i32>} : memref<128x128xf32, #tpu.memory_space<vmem>>, vector<16xf32>,
        tpu.vector_store %arg9[%swap3A_745, %swap3A_746], %select_n3A_744 {strides = array<i32>} : memref<128x128xf32, #tpu.memory_space<vmem>>, vector<16xf32>,
        %mul3A_748 = arith.mulf %broadcast_in_dim3A_706, %get3A_15 : vector<16xf32>
        %add3A_749 = arith.addf %mul3A_748, %get3A_45 : vector<16xf32>
        %select_n3A_750 = arith.select %ne3A_707, %get3A_77, %add3A_749 : vector<16xi1>, vector<16xf32>
        %swap3A_751 = arith.index_cast %add3A_711 : i32 to index
        %swap3A_752 = arith.constant 96 : index
        %swap3A_753 = tpu.vector_load %arg9[%swap3A_751, %swap3A_752] {strides = array<i32>} : memref<128x128xf32, #tpu.memory_space<vmem>>, vector<16xf32>,
        tpu.vector_store %arg9[%swap3A_751, %swap3A_752], %select_n3A_750 {strides = array<i32>} : memref<128x128xf32, #tpu.memory_space<vmem>>, vector<16xf32>,
        %mul3A_754 = arith.mulf %broadcast_in_dim3A_706, %get3A_17 : vector<16xf32>
        %add3A_755 = arith.addf %mul3A_754, %get3A_49 : vector<16xf32>
        %select_n3A_756 = arith.select %ne3A_707, %get3A_81, %add3A_755 : vector<16xi1>, vector<16xf32>
        %swap3A_757 = arith.index_cast %add3A_711 : i32 to index
        %swap3A_758 = arith.constant 112 : index
        %swap3A_759 = tpu.vector_load %arg9[%swap3A_757, %swap3A_758] {strides = array<i32>} : memref<128x128xf32, #tpu.memory_space<vmem>>, vector<16xf32>,
        tpu.vector_store %arg9[%swap3A_757, %swap3A_758], %select_n3A_756 {strides = array<i32>} : memref<128x128xf32, #tpu.memory_space<vmem>>, vector<16xf32>,
        %slice3A_760 = vector.extract_strided_slice %get3A_149 {offsets = [11], sizes = [1], strides = [1]} : vector<16xf32> to vector<1xf32>
        %squeeze3A_761 = vector.extract %slice3A_760[0] : f32 from vector<1xf32>
        %broadcast_in_dim3A_762 = vector.broadcast %squeeze3A_761 : f32 to vector<16xf32>
        %ne3A_763 = arith.cmpf one, %broadcast_in_dim3A_762, %broadcast_in_dim3A_762 : vector<16xf32>
        %mul3A_764 = arith.constant 16 : i32
        %mul3A_765 = arith.muli %add3A_144, %mul3A_764 : i32
        %add3A_766 = arith.constant 11 : i32
        %add3A_767 = arith.addi %mul3A_765, %add3A_766 : i32
        %mul3A_768 = arith.mulf %broadcast_in_dim3A_762, %get3A_3 : vector<16xf32>
        %add3A_769 = arith.addf %mul3A_768, %get3A_21 : vector<16xf32>
        %select_n3A_770 = arith.select %ne3A_763, %get3A_53, %add3A_769 : vector<16xi1>, vector<16xf32>
        %swap3A_771 = arith.index_cast %add3A_767 : i32 to index
        %swap3A_772 = arith.constant 0 : index
        %swap3A_773 = tpu.vector_load %arg9[%swap3A_771, %swap3A_772] {strides = array<i32>} : memref<128x128xf32, #tpu.memory_space<vmem>>, vector<16xf32>,
        tpu.vector_store %arg9[%swap3A_771, %swap3A_772], %select_n3A_770 {strides = array<i32>} : memref<128x128xf32, #tpu.memory_space<vmem>>, vector<16xf32>,
        %mul3A_774 = arith.mulf %broadcast_in_dim3A_762, %get3A_5 : vector<16xf32>
        %add3A_775 = arith.addf %mul3A_774, %get3A_25 : vector<16xf32>
        %select_n3A_776 = arith.select %ne3A_763, %get3A_57, %add3A_775 : vector<16xi1>, vector<16xf32>
        %swap3A_777 = arith.index_cast %add3A_767 : i32 to index
        %swap3A_778 = arith.constant 16 : index
        %swap3A_779 = tpu.vector_load %arg9[%swap3A_777, %swap3A_778] {strides = array<i32>} : memref<128x128xf32, #tpu.memory_space<vmem>>, vector<16xf32>,
        tpu.vector_store %arg9[%swap3A_777, %swap3A_778], %select_n3A_776 {strides = array<i32>} : memref<128x128xf32, #tpu.memory_space<vmem>>, vector<16xf32>,
        %mul3A_780 = arith.mulf %broadcast_in_dim3A_762, %get3A_7 : vector<16xf32>
        %add3A_781 = arith.addf %mul3A_780, %get3A_29 : vector<16xf32>
        %select_n3A_782 = arith.select %ne3A_763, %get3A_61, %add3A_781 : vector<16xi1>, vector<16xf32>
        %swap3A_783 = arith.index_cast %add3A_767 : i32 to index
        %swap3A_784 = arith.constant 32 : index
        %swap3A_785 = tpu.vector_load %arg9[%swap3A_783, %swap3A_784] {strides = array<i32>} : memref<128x128xf32, #tpu.memory_space<vmem>>, vector<16xf32>,
        tpu.vector_store %arg9[%swap3A_783, %swap3A_784], %select_n3A_782 {strides = array<i32>} : memref<128x128xf32, #tpu.memory_space<vmem>>, vector<16xf32>,
        %mul3A_786 = arith.mulf %broadcast_in_dim3A_762, %get3A_9 : vector<16xf32>
        %add3A_787 = arith.addf %mul3A_786, %get3A_33 : vector<16xf32>
        %select_n3A_788 = arith.select %ne3A_763, %get3A_65, %add3A_787 : vector<16xi1>, vector<16xf32>
        %swap3A_789 = arith.index_cast %add3A_767 : i32 to index
        %swap3A_790 = arith.constant 48 : index
        %swap3A_791 = tpu.vector_load %arg9[%swap3A_789, %swap3A_790] {strides = array<i32>} : memref<128x128xf32, #tpu.memory_space<vmem>>, vector<16xf32>,
        tpu.vector_store %arg9[%swap3A_789, %swap3A_790], %select_n3A_788 {strides = array<i32>} : memref<128x128xf32, #tpu.memory_space<vmem>>, vector<16xf32>,
        %mul3A_792 = arith.mulf %broadcast_in_dim3A_762, %get3A_11 : vector<16xf32>
        %add3A_793 = arith.addf %mul3A_792, %get3A_37 : vector<16xf32>
        %select_n3A_794 = arith.select %ne3A_763, %get3A_69, %add3A_793 : vector<16xi1>, vector<16xf32>
        %swap3A_795 = arith.index_cast %add3A_767 : i32 to index
        %swap3A_796 = arith.constant 64 : index
        %swap3A_797 = tpu.vector_load %arg9[%swap3A_795, %swap3A_796] {strides = array<i32>} : memref<128x128xf32, #tpu.memory_space<vmem>>, vector<16xf32>,
        tpu.vector_store %arg9[%swap3A_795, %swap3A_796], %select_n3A_794 {strides = array<i32>} : memref<128x128xf32, #tpu.memory_space<vmem>>, vector<16xf32>,
        %mul3A_798 = arith.mulf %broadcast_in_dim3A_762, %get3A_13 : vector<16xf32>
        %add3A_799 = arith.addf %mul3A_798, %get3A_41 : vector<16xf32>
        %select_n3A_800 = arith.select %ne3A_763, %get3A_73, %add3A_799 : vector<16xi1>, vector<16xf32>
        %swap3A_801 = arith.index_cast %add3A_767 : i32 to index
        %swap3A_802 = arith.constant 80 : index
        %swap3A_803 = tpu.vector_load %arg9[%swap3A_801, %swap3A_802] {strides = array<i32>} : memref<128x128xf32, #tpu.memory_space<vmem>>, vector<16xf32>,
        tpu.vector_store %arg9[%swap3A_801, %swap3A_802], %select_n3A_800 {strides = array<i32>} : memref<128x128xf32, #tpu.memory_space<vmem>>, vector<16xf32>,
        %mul3A_804 = arith.mulf %broadcast_in_dim3A_762, %get3A_15 : vector<16xf32>
        %add3A_805 = arith.addf %mul3A_804, %get3A_45 : vector<16xf32>
        %select_n3A_806 = arith.select %ne3A_763, %get3A_77, %add3A_805 : vector<16xi1>, vector<16xf32>
        %swap3A_807 = arith.index_cast %add3A_767 : i32 to index
        %swap3A_808 = arith.constant 96 : index
        %swap3A_809 = tpu.vector_load %arg9[%swap3A_807, %swap3A_808] {strides = array<i32>} : memref<128x128xf32, #tpu.memory_space<vmem>>, vector<16xf32>,
        tpu.vector_store %arg9[%swap3A_807, %swap3A_808], %select_n3A_806 {strides = array<i32>} : memref<128x128xf32, #tpu.memory_space<vmem>>, vector<16xf32>,
        %mul3A_810 = arith.mulf %broadcast_in_dim3A_762, %get3A_17 : vector<16xf32>
        %add3A_811 = arith.addf %mul3A_810, %get3A_49 : vector<16xf32>
        %select_n3A_812 = arith.select %ne3A_763, %get3A_81, %add3A_811 : vector<16xi1>, vector<16xf32>
        %swap3A_813 = arith.index_cast %add3A_767 : i32 to index
        %swap3A_814 = arith.constant 112 : index
        %swap3A_815 = tpu.vector_load %arg9[%swap3A_813, %swap3A_814] {strides = array<i32>} : memref<128x128xf32, #tpu.memory_space<vmem>>, vector<16xf32>,
        tpu.vector_store %arg9[%swap3A_813, %swap3A_814], %select_n3A_812 {strides = array<i32>} : memref<128x128xf32, #tpu.memory_space<vmem>>, vector<16xf32>,
        %slice3A_816 = vector.extract_strided_slice %get3A_149 {offsets = [12], sizes = [1], strides = [1]} : vector<16xf32> to vector<1xf32>
        %squeeze3A_817 = vector.extract %slice3A_816[0] : f32 from vector<1xf32>
        %broadcast_in_dim3A_818 = vector.broadcast %squeeze3A_817 : f32 to vector<16xf32>
        %ne3A_819 = arith.cmpf one, %broadcast_in_dim3A_818, %broadcast_in_dim3A_818 : vector<16xf32>
        %mul3A_820 = arith.constant 16 : i32
        %mul3A_821 = arith.muli %add3A_144, %mul3A_820 : i32
        %add3A_822 = arith.constant 12 : i32
        %add3A_823 = arith.addi %mul3A_821, %add3A_822 : i32
        %mul3A_824 = arith.mulf %broadcast_in_dim3A_818, %get3A_3 : vector<16xf32>
        %add3A_825 = arith.addf %mul3A_824, %get3A_21 : vector<16xf32>
        %select_n3A_826 = arith.select %ne3A_819, %get3A_53, %add3A_825 : vector<16xi1>, vector<16xf32>
        %swap3A_827 = arith.index_cast %add3A_823 : i32 to index
        %swap3A_828 = arith.constant 0 : index
        %swap3A_829 = tpu.vector_load %arg9[%swap3A_827, %swap3A_828] {strides = array<i32>} : memref<128x128xf32, #tpu.memory_space<vmem>>, vector<16xf32>,
        tpu.vector_store %arg9[%swap3A_827, %swap3A_828], %select_n3A_826 {strides = array<i32>} : memref<128x128xf32, #tpu.memory_space<vmem>>, vector<16xf32>,
        %mul3A_830 = arith.mulf %broadcast_in_dim3A_818, %get3A_5 : vector<16xf32>
        %add3A_831 = arith.addf %mul3A_830, %get3A_25 : vector<16xf32>
        %select_n3A_832 = arith.select %ne3A_819, %get3A_57, %add3A_831 : vector<16xi1>, vector<16xf32>
        %swap3A_833 = arith.index_cast %add3A_823 : i32 to index
        %swap3A_834 = arith.constant 16 : index
        %swap3A_835 = tpu.vector_load %arg9[%swap3A_833, %swap3A_834] {strides = array<i32>} : memref<128x128xf32, #tpu.memory_space<vmem>>, vector<16xf32>,
        tpu.vector_store %arg9[%swap3A_833, %swap3A_834], %select_n3A_832 {strides = array<i32>} : memref<128x128xf32, #tpu.memory_space<vmem>>, vector<16xf32>,
        %mul3A_836 = arith.mulf %broadcast_in_dim3A_818, %get3A_7 : vector<16xf32>
        %add3A_837 = arith.addf %mul3A_836, %get3A_29 : vector<16xf32>
        %select_n3A_838 = arith.select %ne3A_819, %get3A_61, %add3A_837 : vector<16xi1>, vector<16xf32>
        %swap3A_839 = arith.index_cast %add3A_823 : i32 to index
        %swap3A_840 = arith.constant 32 : index
        %swap3A_841 = tpu.vector_load %arg9[%swap3A_839, %swap3A_840] {strides = array<i32>} : memref<128x128xf32, #tpu.memory_space<vmem>>, vector<16xf32>,
        tpu.vector_store %arg9[%swap3A_839, %swap3A_840], %select_n3A_838 {strides = array<i32>} : memref<128x128xf32, #tpu.memory_space<vmem>>, vector<16xf32>,
        %mul3A_842 = arith.mulf %broadcast_in_dim3A_818, %get3A_9 : vector<16xf32>
        %add3A_843 = arith.addf %mul3A_842, %get3A_33 : vector<16xf32>
        %select_n3A_844 = arith.select %ne3A_819, %get3A_65, %add3A_843 : vector<16xi1>, vector<16xf32>
        %swap3A_845 = arith.index_cast %add3A_823 : i32 to index
        %swap3A_846 = arith.constant 48 : index
        %swap3A_847 = tpu.vector_load %arg9[%swap3A_845, %swap3A_846] {strides = array<i32>} : memref<128x128xf32, #tpu.memory_space<vmem>>, vector<16xf32>,
        tpu.vector_store %arg9[%swap3A_845, %swap3A_846], %select_n3A_844 {strides = array<i32>} : memref<128x128xf32, #tpu.memory_space<vmem>>, vector<16xf32>,
        %mul3A_848 = arith.mulf %broadcast_in_dim3A_818, %get3A_11 : vector<16xf32>
        %add3A_849 = arith.addf %mul3A_848, %get3A_37 : vector<16xf32>
        %select_n3A_850 = arith.select %ne3A_819, %get3A_69, %add3A_849 : vector<16xi1>, vector<16xf32>
        %swap3A_851 = arith.index_cast %add3A_823 : i32 to index
        %swap3A_852 = arith.constant 64 : index
        %swap3A_853 = tpu.vector_load %arg9[%swap3A_851, %swap3A_852] {strides = array<i32>} : memref<128x128xf32, #tpu.memory_space<vmem>>, vector<16xf32>,
        tpu.vector_store %arg9[%swap3A_851, %swap3A_852], %select_n3A_850 {strides = array<i32>} : memref<128x128xf32, #tpu.memory_space<vmem>>, vector<16xf32>,
        %mul3A_854 = arith.mulf %broadcast_in_dim3A_818, %get3A_13 : vector<16xf32>
        %add3A_855 = arith.addf %mul3A_854, %get3A_41 : vector<16xf32>
        %select_n3A_856 = arith.select %ne3A_819, %get3A_73, %add3A_855 : vector<16xi1>, vector<16xf32>
        %swap3A_857 = arith.index_cast %add3A_823 : i32 to index
        %swap3A_858 = arith.constant 80 : index
        %swap3A_859 = tpu.vector_load %arg9[%swap3A_857, %swap3A_858] {strides = array<i32>} : memref<128x128xf32, #tpu.memory_space<vmem>>, vector<16xf32>,
        tpu.vector_store %arg9[%swap3A_857, %swap3A_858], %select_n3A_856 {strides = array<i32>} : memref<128x128xf32, #tpu.memory_space<vmem>>, vector<16xf32>,
        %mul3A_860 = arith.mulf %broadcast_in_dim3A_818, %get3A_15 : vector<16xf32>
        %add3A_861 = arith.addf %mul3A_860, %get3A_45 : vector<16xf32>
        %select_n3A_862 = arith.select %ne3A_819, %get3A_77, %add3A_861 : vector<16xi1>, vector<16xf32>
        %swap3A_863 = arith.index_cast %add3A_823 : i32 to index
        %swap3A_864 = arith.constant 96 : index
        %swap3A_865 = tpu.vector_load %arg9[%swap3A_863, %swap3A_864] {strides = array<i32>} : memref<128x128xf32, #tpu.memory_space<vmem>>, vector<16xf32>,
        tpu.vector_store %arg9[%swap3A_863, %swap3A_864], %select_n3A_862 {strides = array<i32>} : memref<128x128xf32, #tpu.memory_space<vmem>>, vector<16xf32>,
        %mul3A_866 = arith.mulf %broadcast_in_dim3A_818, %get3A_17 : vector<16xf32>
        %add3A_867 = arith.addf %mul3A_866, %get3A_49 : vector<16xf32>
        %select_n3A_868 = arith.select %ne3A_819, %get3A_81, %add3A_867 : vector<16xi1>, vector<16xf32>
        %swap3A_869 = arith.index_cast %add3A_823 : i32 to index
        %swap3A_870 = arith.constant 112 : index
        %swap3A_871 = tpu.vector_load %arg9[%swap3A_869, %swap3A_870] {strides = array<i32>} : memref<128x128xf32, #tpu.memory_space<vmem>>, vector<16xf32>,
        tpu.vector_store %arg9[%swap3A_869, %swap3A_870], %select_n3A_868 {strides = array<i32>} : memref<128x128xf32, #tpu.memory_space<vmem>>, vector<16xf32>,
        %slice3A_872 = vector.extract_strided_slice %get3A_149 {offsets = [13], sizes = [1], strides = [1]} : vector<16xf32> to vector<1xf32>
        %squeeze3A_873 = vector.extract %slice3A_872[0] : f32 from vector<1xf32>
        %broadcast_in_dim3A_874 = vector.broadcast %squeeze3A_873 : f32 to vector<16xf32>
        %ne3A_875 = arith.cmpf one, %broadcast_in_dim3A_874, %broadcast_in_dim3A_874 : vector<16xf32>
        %mul3A_876 = arith.constant 16 : i32
        %mul3A_877 = arith.muli %add3A_144, %mul3A_876 : i32
        %add3A_878 = arith.constant 13 : i32
        %add3A_879 = arith.addi %mul3A_877, %add3A_878 : i32
        %mul3A_880 = arith.mulf %broadcast_in_dim3A_874, %get3A_3 : vector<16xf32>
        %add3A_881 = arith.addf %mul3A_880, %get3A_21 : vector<16xf32>
        %select_n3A_882 = arith.select %ne3A_875, %get3A_53, %add3A_881 : vector<16xi1>, vector<16xf32>
        %swap3A_883 = arith.index_cast %add3A_879 : i32 to index
        %swap3A_884 = arith.constant 0 : index
        %swap3A_885 = tpu.vector_load %arg9[%swap3A_883, %swap3A_884] {strides = array<i32>} : memref<128x128xf32, #tpu.memory_space<vmem>>, vector<16xf32>,
        tpu.vector_store %arg9[%swap3A_883, %swap3A_884], %select_n3A_882 {strides = array<i32>} : memref<128x128xf32, #tpu.memory_space<vmem>>, vector<16xf32>,
        %mul3A_886 = arith.mulf %broadcast_in_dim3A_874, %get3A_5 : vector<16xf32>
        %add3A_887 = arith.addf %mul3A_886, %get3A_25 : vector<16xf32>
        %select_n3A_888 = arith.select %ne3A_875, %get3A_57, %add3A_887 : vector<16xi1>, vector<16xf32>
        %swap3A_889 = arith.index_cast %add3A_879 : i32 to index
        %swap3A_890 = arith.constant 16 : index
        %swap3A_891 = tpu.vector_load %arg9[%swap3A_889, %swap3A_890] {strides = array<i32>} : memref<128x128xf32, #tpu.memory_space<vmem>>, vector<16xf32>,
        tpu.vector_store %arg9[%swap3A_889, %swap3A_890], %select_n3A_888 {strides = array<i32>} : memref<128x128xf32, #tpu.memory_space<vmem>>, vector<16xf32>,
        %mul3A_892 = arith.mulf %broadcast_in_dim3A_874, %get3A_7 : vector<16xf32>
        %add3A_893 = arith.addf %mul3A_892, %get3A_29 : vector<16xf32>
        %select_n3A_894 = arith.select %ne3A_875, %get3A_61, %add3A_893 : vector<16xi1>, vector<16xf32>
        %swap3A_895 = arith.index_cast %add3A_879 : i32 to index
        %swap3A_896 = arith.constant 32 : index
        %swap3A_897 = tpu.vector_load %arg9[%swap3A_895, %swap3A_896] {strides = array<i32>} : memref<128x128xf32, #tpu.memory_space<vmem>>, vector<16xf32>,
        tpu.vector_store %arg9[%swap3A_895, %swap3A_896], %select_n3A_894 {strides = array<i32>} : memref<128x128xf32, #tpu.memory_space<vmem>>, vector<16xf32>,
        %mul3A_898 = arith.mulf %broadcast_in_dim3A_874, %get3A_9 : vector<16xf32>
        %add3A_899 = arith.addf %mul3A_898, %get3A_33 : vector<16xf32>
        %select_n3A_900 = arith.select %ne3A_875, %get3A_65, %add3A_899 : vector<16xi1>, vector<16xf32>
        %swap3A_901 = arith.index_cast %add3A_879 : i32 to index
        %swap3A_902 = arith.constant 48 : index
        %swap3A_903 = tpu.vector_load %arg9[%swap3A_901, %swap3A_902] {strides = array<i32>} : memref<128x128xf32, #tpu.memory_space<vmem>>, vector<16xf32>,
        tpu.vector_store %arg9[%swap3A_901, %swap3A_902], %select_n3A_900 {strides = array<i32>} : memref<128x128xf32, #tpu.memory_space<vmem>>, vector<16xf32>,
        %mul3A_904 = arith.mulf %broadcast_in_dim3A_874, %get3A_11 : vector<16xf32>
        %add3A_905 = arith.addf %mul3A_904, %get3A_37 : vector<16xf32>
        %select_n3A_906 = arith.select %ne3A_875, %get3A_69, %add3A_905 : vector<16xi1>, vector<16xf32>
        %swap3A_907 = arith.index_cast %add3A_879 : i32 to index
        %swap3A_908 = arith.constant 64 : index
        %swap3A_909 = tpu.vector_load %arg9[%swap3A_907, %swap3A_908] {strides = array<i32>} : memref<128x128xf32, #tpu.memory_space<vmem>>, vector<16xf32>,
        tpu.vector_store %arg9[%swap3A_907, %swap3A_908], %select_n3A_906 {strides = array<i32>} : memref<128x128xf32, #tpu.memory_space<vmem>>, vector<16xf32>,
        %mul3A_910 = arith.mulf %broadcast_in_dim3A_874, %get3A_13 : vector<16xf32>
        %add3A_911 = arith.addf %mul3A_910, %get3A_41 : vector<16xf32>
        %select_n3A_912 = arith.select %ne3A_875, %get3A_73, %add3A_911 : vector<16xi1>, vector<16xf32>
        %swap3A_913 = arith.index_cast %add3A_879 : i32 to index
        %swap3A_914 = arith.constant 80 : index
        %swap3A_915 = tpu.vector_load %arg9[%swap3A_913, %swap3A_914] {strides = array<i32>} : memref<128x128xf32, #tpu.memory_space<vmem>>, vector<16xf32>,
        tpu.vector_store %arg9[%swap3A_913, %swap3A_914], %select_n3A_912 {strides = array<i32>} : memref<128x128xf32, #tpu.memory_space<vmem>>, vector<16xf32>,
        %mul3A_916 = arith.mulf %broadcast_in_dim3A_874, %get3A_15 : vector<16xf32>
        %add3A_917 = arith.addf %mul3A_916, %get3A_45 : vector<16xf32>
        %select_n3A_918 = arith.select %ne3A_875, %get3A_77, %add3A_917 : vector<16xi1>, vector<16xf32>
        %swap3A_919 = arith.index_cast %add3A_879 : i32 to index
        %swap3A_920 = arith.constant 96 : index
        %swap3A_921 = tpu.vector_load %arg9[%swap3A_919, %swap3A_920] {strides = array<i32>} : memref<128x128xf32, #tpu.memory_space<vmem>>, vector<16xf32>,
        tpu.vector_store %arg9[%swap3A_919, %swap3A_920], %select_n3A_918 {strides = array<i32>} : memref<128x128xf32, #tpu.memory_space<vmem>>, vector<16xf32>,
        %mul3A_922 = arith.mulf %broadcast_in_dim3A_874, %get3A_17 : vector<16xf32>
        %add3A_923 = arith.addf %mul3A_922, %get3A_49 : vector<16xf32>
        %select_n3A_924 = arith.select %ne3A_875, %get3A_81, %add3A_923 : vector<16xi1>, vector<16xf32>
        %swap3A_925 = arith.index_cast %add3A_879 : i32 to index
        %swap3A_926 = arith.constant 112 : index
        %swap3A_927 = tpu.vector_load %arg9[%swap3A_925, %swap3A_926] {strides = array<i32>} : memref<128x128xf32, #tpu.memory_space<vmem>>, vector<16xf32>,
        tpu.vector_store %arg9[%swap3A_925, %swap3A_926], %select_n3A_924 {strides = array<i32>} : memref<128x128xf32, #tpu.memory_space<vmem>>, vector<16xf32>,
        %slice3A_928 = vector.extract_strided_slice %get3A_149 {offsets = [14], sizes = [1], strides = [1]} : vector<16xf32> to vector<1xf32>
        %squeeze3A_929 = vector.extract %slice3A_928[0] : f32 from vector<1xf32>
        %broadcast_in_dim3A_930 = vector.broadcast %squeeze3A_929 : f32 to vector<16xf32>
        %ne3A_931 = arith.cmpf one, %broadcast_in_dim3A_930, %broadcast_in_dim3A_930 : vector<16xf32>
        %mul3A_932 = arith.constant 16 : i32
        %mul3A_933 = arith.muli %add3A_144, %mul3A_932 : i32
        %add3A_934 = arith.constant 14 : i32
        %add3A_935 = arith.addi %mul3A_933, %add3A_934 : i32
        %mul3A_936 = arith.mulf %broadcast_in_dim3A_930, %get3A_3 : vector<16xf32>
        %add3A_937 = arith.addf %mul3A_936, %get3A_21 : vector<16xf32>
        %select_n3A_938 = arith.select %ne3A_931, %get3A_53, %add3A_937 : vector<16xi1>, vector<16xf32>
        %swap3A_939 = arith.index_cast %add3A_935 : i32 to index
        %swap3A_940 = arith.constant 0 : index
        %swap3A_941 = tpu.vector_load %arg9[%swap3A_939, %swap3A_940] {strides = array<i32>} : memref<128x128xf32, #tpu.memory_space<vmem>>, vector<16xf32>,
        tpu.vector_store %arg9[%swap3A_939, %swap3A_940], %select_n3A_938 {strides = array<i32>} : memref<128x128xf32, #tpu.memory_space<vmem>>, vector<16xf32>,
        %mul3A_942 = arith.mulf %broadcast_in_dim3A_930, %get3A_5 : vector<16xf32>
        %add3A_943 = arith.addf %mul3A_942, %get3A_25 : vector<16xf32>
        %select_n3A_944 = arith.select %ne3A_931, %get3A_57, %add3A_943 : vector<16xi1>, vector<16xf32>
        %swap3A_945 = arith.index_cast %add3A_935 : i32 to index
        %swap3A_946 = arith.constant 16 : index
        %swap3A_947 = tpu.vector_load %arg9[%swap3A_945, %swap3A_946] {strides = array<i32>} : memref<128x128xf32, #tpu.memory_space<vmem>>, vector<16xf32>,
        tpu.vector_store %arg9[%swap3A_945, %swap3A_946], %select_n3A_944 {strides = array<i32>} : memref<128x128xf32, #tpu.memory_space<vmem>>, vector<16xf32>,
        %mul3A_948 = arith.mulf %broadcast_in_dim3A_930, %get3A_7 : vector<16xf32>
        %add3A_949 = arith.addf %mul3A_948, %get3A_29 : vector<16xf32>
        %select_n3A_950 = arith.select %ne3A_931, %get3A_61, %add3A_949 : vector<16xi1>, vector<16xf32>
        %swap3A_951 = arith.index_cast %add3A_935 : i32 to index
        %swap3A_952 = arith.constant 32 : index
        %swap3A_953 = tpu.vector_load %arg9[%swap3A_951, %swap3A_952] {strides = array<i32>} : memref<128x128xf32, #tpu.memory_space<vmem>>, vector<16xf32>,
        tpu.vector_store %arg9[%swap3A_951, %swap3A_952], %select_n3A_950 {strides = array<i32>} : memref<128x128xf32, #tpu.memory_space<vmem>>, vector<16xf32>,
        %mul3A_954 = arith.mulf %broadcast_in_dim3A_930, %get3A_9 : vector<16xf32>
        %add3A_955 = arith.addf %mul3A_954, %get3A_33 : vector<16xf32>
        %select_n3A_956 = arith.select %ne3A_931, %get3A_65, %add3A_955 : vector<16xi1>, vector<16xf32>
        %swap3A_957 = arith.index_cast %add3A_935 : i32 to index
        %swap3A_958 = arith.constant 48 : index
        %swap3A_959 = tpu.vector_load %arg9[%swap3A_957, %swap3A_958] {strides = array<i32>} : memref<128x128xf32, #tpu.memory_space<vmem>>, vector<16xf32>,
        tpu.vector_store %arg9[%swap3A_957, %swap3A_958], %select_n3A_956 {strides = array<i32>} : memref<128x128xf32, #tpu.memory_space<vmem>>, vector<16xf32>,
        %mul3A_960 = arith.mulf %broadcast_in_dim3A_930, %get3A_11 : vector<16xf32>
        %add3A_961 = arith.addf %mul3A_960, %get3A_37 : vector<16xf32>
        %select_n3A_962 = arith.select %ne3A_931, %get3A_69, %add3A_961 : vector<16xi1>, vector<16xf32>
        %swap3A_963 = arith.index_cast %add3A_935 : i32 to index
        %swap3A_964 = arith.constant 64 : index
        %swap3A_965 = tpu.vector_load %arg9[%swap3A_963, %swap3A_964] {strides = array<i32>} : memref<128x128xf32, #tpu.memory_space<vmem>>, vector<16xf32>,
        tpu.vector_store %arg9[%swap3A_963, %swap3A_964], %select_n3A_962 {strides = array<i32>} : memref<128x128xf32, #tpu.memory_space<vmem>>, vector<16xf32>,
        %mul3A_966 = arith.mulf %broadcast_in_dim3A_930, %get3A_13 : vector<16xf32>
        %add3A_967 = arith.addf %mul3A_966, %get3A_41 : vector<16xf32>
        %select_n3A_968 = arith.select %ne3A_931, %get3A_73, %add3A_967 : vector<16xi1>, vector<16xf32>
        %swap3A_969 = arith.index_cast %add3A_935 : i32 to index
        %swap3A_970 = arith.constant 80 : index
        %swap3A_971 = tpu.vector_load %arg9[%swap3A_969, %swap3A_970] {strides = array<i32>} : memref<128x128xf32, #tpu.memory_space<vmem>>, vector<16xf32>,
        tpu.vector_store %arg9[%swap3A_969, %swap3A_970], %select_n3A_968 {strides = array<i32>} : memref<128x128xf32, #tpu.memory_space<vmem>>, vector<16xf32>,
        %mul3A_972 = arith.mulf %broadcast_in_dim3A_930, %get3A_15 : vector<16xf32>
        %add3A_973 = arith.addf %mul3A_972, %get3A_45 : vector<16xf32>
        %select_n3A_974 = arith.select %ne3A_931, %get3A_77, %add3A_973 : vector<16xi1>, vector<16xf32>
        %swap3A_975 = arith.index_cast %add3A_935 : i32 to index
        %swap3A_976 = arith.constant 96 : index
        %swap3A_977 = tpu.vector_load %arg9[%swap3A_975, %swap3A_976] {strides = array<i32>} : memref<128x128xf32, #tpu.memory_space<vmem>>, vector<16xf32>,
        tpu.vector_store %arg9[%swap3A_975, %swap3A_976], %select_n3A_974 {strides = array<i32>} : memref<128x128xf32, #tpu.memory_space<vmem>>, vector<16xf32>,
        %mul3A_978 = arith.mulf %broadcast_in_dim3A_930, %get3A_17 : vector<16xf32>
        %add3A_979 = arith.addf %mul3A_978, %get3A_49 : vector<16xf32>
        %select_n3A_980 = arith.select %ne3A_931, %get3A_81, %add3A_979 : vector<16xi1>, vector<16xf32>
        %swap3A_981 = arith.index_cast %add3A_935 : i32 to index
        %swap3A_982 = arith.constant 112 : index
        %swap3A_983 = tpu.vector_load %arg9[%swap3A_981, %swap3A_982] {strides = array<i32>} : memref<128x128xf32, #tpu.memory_space<vmem>>, vector<16xf32>,
        tpu.vector_store %arg9[%swap3A_981, %swap3A_982], %select_n3A_980 {strides = array<i32>} : memref<128x128xf32, #tpu.memory_space<vmem>>, vector<16xf32>,
        %slice3A_984 = vector.extract_strided_slice %get3A_149 {offsets = [15], sizes = [1], strides = [1]} : vector<16xf32> to vector<1xf32>
        %squeeze3A_985 = vector.extract %slice3A_984[0] : f32 from vector<1xf32>
        %broadcast_in_dim3A_986 = vector.broadcast %squeeze3A_985 : f32 to vector<16xf32>
        %ne3A_987 = arith.cmpf one, %broadcast_in_dim3A_986, %broadcast_in_dim3A_986 : vector<16xf32>
        %mul3A_988 = arith.constant 16 : i32
        %mul3A_989 = arith.muli %add3A_144, %mul3A_988 : i32
        %add3A_990 = arith.constant 15 : i32
        %add3A_991 = arith.addi %mul3A_989, %add3A_990 : i32
        %mul3A_992 = arith.mulf %broadcast_in_dim3A_986, %get3A_3 : vector<16xf32>
        %add3A_993 = arith.addf %mul3A_992, %get3A_21 : vector<16xf32>
        %select_n3A_994 = arith.select %ne3A_987, %get3A_53, %add3A_993 : vector<16xi1>, vector<16xf32>
        %swap3A_995 = arith.index_cast %add3A_991 : i32 to index
        %swap3A_996 = arith.constant 0 : index
        %swap3A_997 = tpu.vector_load %arg9[%swap3A_995, %swap3A_996] {strides = array<i32>} : memref<128x128xf32, #tpu.memory_space<vmem>>, vector<16xf32>,
        tpu.vector_store %arg9[%swap3A_995, %swap3A_996], %select_n3A_994 {strides = array<i32>} : memref<128x128xf32, #tpu.memory_space<vmem>>, vector<16xf32>,
        %mul3A_998 = arith.mulf %broadcast_in_dim3A_986, %get3A_5 : vector<16xf32>
        %add3A_999 = arith.addf %mul3A_998, %get3A_25 : vector<16xf32>
        %select_n3A_1000 = arith.select %ne3A_987, %get3A_57, %add3A_999 : vector<16xi1>, vector<16xf32>
        %swap3A_1001 = arith.index_cast %add3A_991 : i32 to index
        %swap3A_1002 = arith.constant 16 : index
        %swap3A_1003 = tpu.vector_load %arg9[%swap3A_1001, %swap3A_1002] {strides = array<i32>} : memref<128x128xf32, #tpu.memory_space<vmem>>, vector<16xf32>,
        tpu.vector_store %arg9[%swap3A_1001, %swap3A_1002], %select_n3A_1000 {strides = array<i32>} : memref<128x128xf32, #tpu.memory_space<vmem>>, vector<16xf32>,
        %mul3A_1004 = arith.mulf %broadcast_in_dim3A_986, %get3A_7 : vector<16xf32>
        %add3A_1005 = arith.addf %mul3A_1004, %get3A_29 : vector<16xf32>
        %select_n3A_1006 = arith.select %ne3A_987, %get3A_61, %add3A_1005 : vector<16xi1>, vector<16xf32>
        %swap3A_1007 = arith.index_cast %add3A_991 : i32 to index
        %swap3A_1008 = arith.constant 32 : index
        %swap3A_1009 = tpu.vector_load %arg9[%swap3A_1007, %swap3A_1008] {strides = array<i32>} : memref<128x128xf32, #tpu.memory_space<vmem>>, vector<16xf32>,
        tpu.vector_store %arg9[%swap3A_1007, %swap3A_1008], %select_n3A_1006 {strides = array<i32>} : memref<128x128xf32, #tpu.memory_space<vmem>>, vector<16xf32>,
        %mul3A_1010 = arith.mulf %broadcast_in_dim3A_986, %get3A_9 : vector<16xf32>
        %add3A_1011 = arith.addf %mul3A_1010, %get3A_33 : vector<16xf32>
        %select_n3A_1012 = arith.select %ne3A_987, %get3A_65, %add3A_1011 : vector<16xi1>, vector<16xf32>
        %swap3A_1013 = arith.index_cast %add3A_991 : i32 to index
        %swap3A_1014 = arith.constant 48 : index
        %swap3A_1015 = tpu.vector_load %arg9[%swap3A_1013, %swap3A_1014] {strides = array<i32>} : memref<128x128xf32, #tpu.memory_space<vmem>>, vector<16xf32>,
        tpu.vector_store %arg9[%swap3A_1013, %swap3A_1014], %select_n3A_1012 {strides = array<i32>} : memref<128x128xf32, #tpu.memory_space<vmem>>, vector<16xf32>,
        %mul3A_1016 = arith.mulf %broadcast_in_dim3A_986, %get3A_11 : vector<16xf32>
        %add3A_1017 = arith.addf %mul3A_1016, %get3A_37 : vector<16xf32>
        %select_n3A_1018 = arith.select %ne3A_987, %get3A_69, %add3A_1017 : vector<16xi1>, vector<16xf32>
        %swap3A_1019 = arith.index_cast %add3A_991 : i32 to index
        %swap3A_1020 = arith.constant 64 : index
        %swap3A_1021 = tpu.vector_load %arg9[%swap3A_1019, %swap3A_1020] {strides = array<i32>} : memref<128x128xf32, #tpu.memory_space<vmem>>, vector<16xf32>,
        tpu.vector_store %arg9[%swap3A_1019, %swap3A_1020], %select_n3A_1018 {strides = array<i32>} : memref<128x128xf32, #tpu.memory_space<vmem>>, vector<16xf32>,
        %mul3A_1022 = arith.mulf %broadcast_in_dim3A_986, %get3A_13 : vector<16xf32>
        %add3A_1023 = arith.addf %mul3A_1022, %get3A_41 : vector<16xf32>
        %select_n3A_1024 = arith.select %ne3A_987, %get3A_73, %add3A_1023 : vector<16xi1>, vector<16xf32>
        %swap3A_1025 = arith.index_cast %add3A_991 : i32 to index
        %swap3A_1026 = arith.constant 80 : index
        %swap3A_1027 = tpu.vector_load %arg9[%swap3A_1025, %swap3A_1026] {strides = array<i32>} : memref<128x128xf32, #tpu.memory_space<vmem>>, vector<16xf32>,
        tpu.vector_store %arg9[%swap3A_1025, %swap3A_1026], %select_n3A_1024 {strides = array<i32>} : memref<128x128xf32, #tpu.memory_space<vmem>>, vector<16xf32>,
        %mul3A_1028 = arith.mulf %broadcast_in_dim3A_986, %get3A_15 : vector<16xf32>
        %add3A_1029 = arith.addf %mul3A_1028, %get3A_45 : vector<16xf32>
        %select_n3A_1030 = arith.select %ne3A_987, %get3A_77, %add3A_1029 : vector<16xi1>, vector<16xf32>
        %swap3A_1031 = arith.index_cast %add3A_991 : i32 to index
        %swap3A_1032 = arith.constant 96 : index
        %swap3A_1033 = tpu.vector_load %arg9[%swap3A_1031, %swap3A_1032] {strides = array<i32>} : memref<128x128xf32, #tpu.memory_space<vmem>>, vector<16xf32>,
        tpu.vector_store %arg9[%swap3A_1031, %swap3A_1032], %select_n3A_1030 {strides = array<i32>} : memref<128x128xf32, #tpu.memory_space<vmem>>, vector<16xf32>,
        %mul3A_1034 = arith.mulf %broadcast_in_dim3A_986, %get3A_17 : vector<16xf32>
        %add3A_1035 = arith.addf %mul3A_1034, %get3A_49 : vector<16xf32>
        %select_n3A_1036 = arith.select %ne3A_987, %get3A_81, %add3A_1035 : vector<16xi1>, vector<16xf32>
        %swap3A_1037 = arith.index_cast %add3A_991 : i32 to index
        %swap3A_1038 = arith.constant 112 : index
        %swap3A_1039 = tpu.vector_load %arg9[%swap3A_1037, %swap3A_1038] {strides = array<i32>} : memref<128x128xf32, #tpu.memory_space<vmem>>, vector<16xf32>,
        tpu.vector_store %arg9[%swap3A_1037, %swap3A_1038], %select_n3A_1036 {strides = array<i32>} : memref<128x128xf32, #tpu.memory_space<vmem>>, vector<16xf32>,
      }
      %scan3A_114 = arith.constant 8 : i32
      %dma_start3A = arith.constant 0 : i32
      %dma_start3A_115 = tpu.memref_slice %arg5[%add3A_107, %mul3A_2, %dma_start3A] : memref<50x4096x128xf32, #tpu.memory_space<hbm>> -> memref<1x128x128xf32, #tpu.memory_space<hbm>>
      %dma_start3A_116 = tpu.memref_squeeze %dma_start3A_115 : memref<1x128x128xf32, #tpu.memory_space<hbm>> -> memref<128x128xf32, #tpu.memory_space<hbm>>
      %dma_start3A_117 = arith.constant 0 : i32
      %dma_start3A_118 = tpu.memref_slice %arg5[%add3A_107, %mul3A_2, %dma_start3A_117] : memref<50x4096x128xf32, #tpu.memory_space<hbm>> -> memref<1x128x128xf32, #tpu.memory_space<hbm>>
      %dma_start3A_119 = tpu.memref_squeeze %dma_start3A_118 : memref<1x128x128xf32, #tpu.memory_space<hbm>> -> memref<128x128xf32, #tpu.memory_space<hbm>>
      tpu.enqueue_dma source(%arg9 : memref<128x128xf32, #tpu.memory_space<vmem>>) target(%dma_start3A_119 : memref<128x128xf32, #tpu.memory_space<hbm>>) target_semaphore(%arg11 : memref<!tpu.dma_semaphore, #tpu.memory_space<semaphore_mem>>)
      %mul3A_120 = arith.constant 2 : i32
      %mul3A_121 = arith.muli %mul3A_120, %add3A_103 : i32
      %add3A_122 = arith.constant 1 : i32
      %add3A_123 = arith.addi %mul3A_121, %add3A_122 : i32
      %ge3A_124 = arith.constant 2 : i32
      %ge3A_125 = arith.cmpi sge, %add3A_123, %ge3A_124 : i32
      %convert_element_type3A_126 = arith.extui %ge3A_125 : i1 to i32
      %cond3A_127 = arith.constant 0 : i32
      %cond3A_128 = arith.cmpi ne, %convert_element_type3A_126, %cond3A_127 : i32
      scf.if %cond3A_128 {
        %sub3A = arith.constant 2 : i32
        %sub3A_140 = arith.subi %add3A_123, %sub3A : i32
        %dma_wait3A_141 = arith.constant 0 : i32
        %dma_wait3A_142 = tpu.memref_slice %arg5[%sub3A_140, %mul3A_2, %dma_wait3A_141] : memref<50x4096x128xf32, #tpu.memory_space<hbm>> -> memref<1x128x128xf32, #tpu.memory_space<hbm>>
        %dma_wait3A_143 = tpu.memref_squeeze %dma_wait3A_142 : memref<1x128x128xf32, #tpu.memory_space<hbm>> -> memref<128x128xf32, #tpu.memory_space<hbm>>
        %dma_wait3A_144 = arith.constant 0 : i32
        %dma_wait3A_145 = tpu.memref_slice %arg5[%sub3A_140, %mul3A_2, %dma_wait3A_144] : memref<50x4096x128xf32, #tpu.memory_space<hbm>> -> memref<1x128x128xf32, #tpu.memory_space<hbm>>
        %dma_wait3A_146 = tpu.memref_squeeze %dma_wait3A_145 : memref<1x128x128xf32, #tpu.memory_space<hbm>> -> memref<128x128xf32, #tpu.memory_space<hbm>>
        tpu.wait_dma2 semaphore(%arg12 : memref<!tpu.dma_semaphore, #tpu.memory_space<semaphore_mem>>) src(%arg10 : memref<128x128xf32, #tpu.memory_space<vmem>>) dst(%dma_wait3A_146 : memref<128x128xf32, #tpu.memory_space<hbm>>)
      } else {
      }
      %scan3A_129 = arith.constant 0 : i32
      %scan3A_130 = arith.constant 8 : i32
      %scan3A_131 = arith.addi %scan3A_129, %scan3A_130 : i32
      %scan3A_132 = arith.constant 1 : i32
      scf.for %scan3A_140 = %scan3A_129 to %scan3A_131 step %scan3A_132  : i32 {
        %mul3A_141 = arith.constant 1 : i32
        %mul3A_142 = arith.muli %scan3A_140, %mul3A_141 : i32
        %add3A_143 = arith.constant 0 : i32
        %add3A_144 = arith.addi %add3A_143, %mul3A_142 : i32
        %mul3A_145 = arith.constant 16 : i32
        %mul3A_146 = arith.muli %add3A_144, %mul3A_145 : i32
        %get3A_147 = arith.index_cast %add3A_123 : i32 to index
        %get3A_148 = arith.index_cast %mul3A_146 : i32 to index
        %get3A_149 = tpu.vector_load %arg8[%get3A_147, %get3A_148] {strides = array<i32>} : memref<50x128xf32, #tpu.memory_space<vmem>>, vector<16xf32>,
        %slice3A = vector.extract_strided_slice %get3A_149 {offsets = [0], sizes = [1], strides = [1]} : vector<16xf32> to vector<1xf32>
        %squeeze3A = vector.extract %slice3A[0] : f32 from vector<1xf32>
        %broadcast_in_dim3A = vector.broadcast %squeeze3A : f32 to vector<16xf32>
        %ne3A = arith.cmpf one, %broadcast_in_dim3A, %broadcast_in_dim3A : vector<16xf32>
        %mul3A_150 = arith.constant 16 : i32
        %mul3A_151 = arith.muli %add3A_144, %mul3A_150 : i32
        %add3A_152 = arith.constant 0 : i32
        %add3A_153 = arith.addi %mul3A_151, %add3A_152 : i32
        %mul3A_154 = arith.mulf %broadcast_in_dim3A, %get3A_3 : vector<16xf32>
        %add3A_155 = arith.addf %mul3A_154, %get3A_21 : vector<16xf32>
        %select_n3A = arith.select %ne3A, %get3A_53, %add3A_155 : vector<16xi1>, vector<16xf32>
        %swap3A = arith.index_cast %add3A_153 : i32 to index
        %swap3A_156 = arith.constant 0 : index
        %swap3A_157 = tpu.vector_load %arg10[%swap3A, %swap3A_156] {strides = array<i32>} : memref<128x128xf32, #tpu.memory_space<vmem>>, vector<16xf32>,
        tpu.vector_store %arg10[%swap3A, %swap3A_156], %select_n3A {strides = array<i32>} : memref<128x128xf32, #tpu.memory_space<vmem>>, vector<16xf32>,
        %mul3A_158 = arith.mulf %broadcast_in_dim3A, %get3A_5 : vector<16xf32>
        %add3A_159 = arith.addf %mul3A_158, %get3A_25 : vector<16xf32>
        %select_n3A_160 = arith.select %ne3A, %get3A_57, %add3A_159 : vector<16xi1>, vector<16xf32>
        %swap3A_161 = arith.index_cast %add3A_153 : i32 to index
        %swap3A_162 = arith.constant 16 : index
        %swap3A_163 = tpu.vector_load %arg10[%swap3A_161, %swap3A_162] {strides = array<i32>} : memref<128x128xf32, #tpu.memory_space<vmem>>, vector<16xf32>,
        tpu.vector_store %arg10[%swap3A_161, %swap3A_162], %select_n3A_160 {strides = array<i32>} : memref<128x128xf32, #tpu.memory_space<vmem>>, vector<16xf32>,
        %mul3A_164 = arith.mulf %broadcast_in_dim3A, %get3A_7 : vector<16xf32>
        %add3A_165 = arith.addf %mul3A_164, %get3A_29 : vector<16xf32>
        %select_n3A_166 = arith.select %ne3A, %get3A_61, %add3A_165 : vector<16xi1>, vector<16xf32>
        %swap3A_167 = arith.index_cast %add3A_153 : i32 to index
        %swap3A_168 = arith.constant 32 : index
        %swap3A_169 = tpu.vector_load %arg10[%swap3A_167, %swap3A_168] {strides = array<i32>} : memref<128x128xf32, #tpu.memory_space<vmem>>, vector<16xf32>,
        tpu.vector_store %arg10[%swap3A_167, %swap3A_168], %select_n3A_166 {strides = array<i32>} : memref<128x128xf32, #tpu.memory_space<vmem>>, vector<16xf32>,
        %mul3A_170 = arith.mulf %broadcast_in_dim3A, %get3A_9 : vector<16xf32>
        %add3A_171 = arith.addf %mul3A_170, %get3A_33 : vector<16xf32>
        %select_n3A_172 = arith.select %ne3A, %get3A_65, %add3A_171 : vector<16xi1>, vector<16xf32>
        %swap3A_173 = arith.index_cast %add3A_153 : i32 to index
        %swap3A_174 = arith.constant 48 : index
        %swap3A_175 = tpu.vector_load %arg10[%swap3A_173, %swap3A_174] {strides = array<i32>} : memref<128x128xf32, #tpu.memory_space<vmem>>, vector<16xf32>,
        tpu.vector_store %arg10[%swap3A_173, %swap3A_174], %select_n3A_172 {strides = array<i32>} : memref<128x128xf32, #tpu.memory_space<vmem>>, vector<16xf32>,
        %mul3A_176 = arith.mulf %broadcast_in_dim3A, %get3A_11 : vector<16xf32>
        %add3A_177 = arith.addf %mul3A_176, %get3A_37 : vector<16xf32>
        %select_n3A_178 = arith.select %ne3A, %get3A_69, %add3A_177 : vector<16xi1>, vector<16xf32>
        %swap3A_179 = arith.index_cast %add3A_153 : i32 to index
        %swap3A_180 = arith.constant 64 : index
        %swap3A_181 = tpu.vector_load %arg10[%swap3A_179, %swap3A_180] {strides = array<i32>} : memref<128x128xf32, #tpu.memory_space<vmem>>, vector<16xf32>,
        tpu.vector_store %arg10[%swap3A_179, %swap3A_180], %select_n3A_178 {strides = array<i32>} : memref<128x128xf32, #tpu.memory_space<vmem>>, vector<16xf32>,
        %mul3A_182 = arith.mulf %broadcast_in_dim3A, %get3A_13 : vector<16xf32>
        %add3A_183 = arith.addf %mul3A_182, %get3A_41 : vector<16xf32>
        %select_n3A_184 = arith.select %ne3A, %get3A_73, %add3A_183 : vector<16xi1>, vector<16xf32>
        %swap3A_185 = arith.index_cast %add3A_153 : i32 to index
        %swap3A_186 = arith.constant 80 : index
        %swap3A_187 = tpu.vector_load %arg10[%swap3A_185, %swap3A_186] {strides = array<i32>} : memref<128x128xf32, #tpu.memory_space<vmem>>, vector<16xf32>,
        tpu.vector_store %arg10[%swap3A_185, %swap3A_186], %select_n3A_184 {strides = array<i32>} : memref<128x128xf32, #tpu.memory_space<vmem>>, vector<16xf32>,
        %mul3A_188 = arith.mulf %broadcast_in_dim3A, %get3A_15 : vector<16xf32>
        %add3A_189 = arith.addf %mul3A_188, %get3A_45 : vector<16xf32>
        %select_n3A_190 = arith.select %ne3A, %get3A_77, %add3A_189 : vector<16xi1>, vector<16xf32>
        %swap3A_191 = arith.index_cast %add3A_153 : i32 to index
        %swap3A_192 = arith.constant 96 : index
        %swap3A_193 = tpu.vector_load %arg10[%swap3A_191, %swap3A_192] {strides = array<i32>} : memref<128x128xf32, #tpu.memory_space<vmem>>, vector<16xf32>,
        tpu.vector_store %arg10[%swap3A_191, %swap3A_192], %select_n3A_190 {strides = array<i32>} : memref<128x128xf32, #tpu.memory_space<vmem>>, vector<16xf32>,
        %mul3A_194 = arith.mulf %broadcast_in_dim3A, %get3A_17 : vector<16xf32>
        %add3A_195 = arith.addf %mul3A_194, %get3A_49 : vector<16xf32>
        %select_n3A_196 = arith.select %ne3A, %get3A_81, %add3A_195 : vector<16xi1>, vector<16xf32>
        %swap3A_197 = arith.index_cast %add3A_153 : i32 to index
        %swap3A_198 = arith.constant 112 : index
        %swap3A_199 = tpu.vector_load %arg10[%swap3A_197, %swap3A_198] {strides = array<i32>} : memref<128x128xf32, #tpu.memory_space<vmem>>, vector<16xf32>,
        tpu.vector_store %arg10[%swap3A_197, %swap3A_198], %select_n3A_196 {strides = array<i32>} : memref<128x128xf32, #tpu.memory_space<vmem>>, vector<16xf32>,
        %slice3A_200 = vector.extract_strided_slice %get3A_149 {offsets = [1], sizes = [1], strides = [1]} : vector<16xf32> to vector<1xf32>
        %squeeze3A_201 = vector.extract %slice3A_200[0] : f32 from vector<1xf32>
        %broadcast_in_dim3A_202 = vector.broadcast %squeeze3A_201 : f32 to vector<16xf32>
        %ne3A_203 = arith.cmpf one, %broadcast_in_dim3A_202, %broadcast_in_dim3A_202 : vector<16xf32>
        %mul3A_204 = arith.constant 16 : i32
        %mul3A_205 = arith.muli %add3A_144, %mul3A_204 : i32
        %add3A_206 = arith.constant 1 : i32
        %add3A_207 = arith.addi %mul3A_205, %add3A_206 : i32
        %mul3A_208 = arith.mulf %broadcast_in_dim3A_202, %get3A_3 : vector<16xf32>
        %add3A_209 = arith.addf %mul3A_208, %get3A_21 : vector<16xf32>
        %select_n3A_210 = arith.select %ne3A_203, %get3A_53, %add3A_209 : vector<16xi1>, vector<16xf32>
        %swap3A_211 = arith.index_cast %add3A_207 : i32 to index
        %swap3A_212 = arith.constant 0 : index
        %swap3A_213 = tpu.vector_load %arg10[%swap3A_211, %swap3A_212] {strides = array<i32>} : memref<128x128xf32, #tpu.memory_space<vmem>>, vector<16xf32>,
        tpu.vector_store %arg10[%swap3A_211, %swap3A_212], %select_n3A_210 {strides = array<i32>} : memref<128x128xf32, #tpu.memory_space<vmem>>, vector<16xf32>,
        %mul3A_214 = arith.mulf %broadcast_in_dim3A_202, %get3A_5 : vector<16xf32>
        %add3A_215 = arith.addf %mul3A_214, %get3A_25 : vector<16xf32>
        %select_n3A_216 = arith.select %ne3A_203, %get3A_57, %add3A_215 : vector<16xi1>, vector<16xf32>
        %swap3A_217 = arith.index_cast %add3A_207 : i32 to index
        %swap3A_218 = arith.constant 16 : index
        %swap3A_219 = tpu.vector_load %arg10[%swap3A_217, %swap3A_218] {strides = array<i32>} : memref<128x128xf32, #tpu.memory_space<vmem>>, vector<16xf32>,
        tpu.vector_store %arg10[%swap3A_217, %swap3A_218], %select_n3A_216 {strides = array<i32>} : memref<128x128xf32, #tpu.memory_space<vmem>>, vector<16xf32>,
        %mul3A_220 = arith.mulf %broadcast_in_dim3A_202, %get3A_7 : vector<16xf32>
        %add3A_221 = arith.addf %mul3A_220, %get3A_29 : vector<16xf32>
        %select_n3A_222 = arith.select %ne3A_203, %get3A_61, %add3A_221 : vector<16xi1>, vector<16xf32>
        %swap3A_223 = arith.index_cast %add3A_207 : i32 to index
        %swap3A_224 = arith.constant 32 : index
        %swap3A_225 = tpu.vector_load %arg10[%swap3A_223, %swap3A_224] {strides = array<i32>} : memref<128x128xf32, #tpu.memory_space<vmem>>, vector<16xf32>,
        tpu.vector_store %arg10[%swap3A_223, %swap3A_224], %select_n3A_222 {strides = array<i32>} : memref<128x128xf32, #tpu.memory_space<vmem>>, vector<16xf32>,
        %mul3A_226 = arith.mulf %broadcast_in_dim3A_202, %get3A_9 : vector<16xf32>
        %add3A_227 = arith.addf %mul3A_226, %get3A_33 : vector<16xf32>
        %select_n3A_228 = arith.select %ne3A_203, %get3A_65, %add3A_227 : vector<16xi1>, vector<16xf32>
        %swap3A_229 = arith.index_cast %add3A_207 : i32 to index
        %swap3A_230 = arith.constant 48 : index
        %swap3A_231 = tpu.vector_load %arg10[%swap3A_229, %swap3A_230] {strides = array<i32>} : memref<128x128xf32, #tpu.memory_space<vmem>>, vector<16xf32>,
        tpu.vector_store %arg10[%swap3A_229, %swap3A_230], %select_n3A_228 {strides = array<i32>} : memref<128x128xf32, #tpu.memory_space<vmem>>, vector<16xf32>,
        %mul3A_232 = arith.mulf %broadcast_in_dim3A_202, %get3A_11 : vector<16xf32>
        %add3A_233 = arith.addf %mul3A_232, %get3A_37 : vector<16xf32>
        %select_n3A_234 = arith.select %ne3A_203, %get3A_69, %add3A_233 : vector<16xi1>, vector<16xf32>
        %swap3A_235 = arith.index_cast %add3A_207 : i32 to index
        %swap3A_236 = arith.constant 64 : index
        %swap3A_237 = tpu.vector_load %arg10[%swap3A_235, %swap3A_236] {strides = array<i32>} : memref<128x128xf32, #tpu.memory_space<vmem>>, vector<16xf32>,
        tpu.vector_store %arg10[%swap3A_235, %swap3A_236], %select_n3A_234 {strides = array<i32>} : memref<128x128xf32, #tpu.memory_space<vmem>>, vector<16xf32>,
        %mul3A_238 = arith.mulf %broadcast_in_dim3A_202, %get3A_13 : vector<16xf32>
        %add3A_239 = arith.addf %mul3A_238, %get3A_41 : vector<16xf32>
        %select_n3A_240 = arith.select %ne3A_203, %get3A_73, %add3A_239 : vector<16xi1>, vector<16xf32>
        %swap3A_241 = arith.index_cast %add3A_207 : i32 to index
        %swap3A_242 = arith.constant 80 : index
        %swap3A_243 = tpu.vector_load %arg10[%swap3A_241, %swap3A_242] {strides = array<i32>} : memref<128x128xf32, #tpu.memory_space<vmem>>, vector<16xf32>,
        tpu.vector_store %arg10[%swap3A_241, %swap3A_242], %select_n3A_240 {strides = array<i32>} : memref<128x128xf32, #tpu.memory_space<vmem>>, vector<16xf32>,
        %mul3A_244 = arith.mulf %broadcast_in_dim3A_202, %get3A_15 : vector<16xf32>
        %add3A_245 = arith.addf %mul3A_244, %get3A_45 : vector<16xf32>
        %select_n3A_246 = arith.select %ne3A_203, %get3A_77, %add3A_245 : vector<16xi1>, vector<16xf32>
        %swap3A_247 = arith.index_cast %add3A_207 : i32 to index
        %swap3A_248 = arith.constant 96 : index
        %swap3A_249 = tpu.vector_load %arg10[%swap3A_247, %swap3A_248] {strides = array<i32>} : memref<128x128xf32, #tpu.memory_space<vmem>>, vector<16xf32>,
        tpu.vector_store %arg10[%swap3A_247, %swap3A_248], %select_n3A_246 {strides = array<i32>} : memref<128x128xf32, #tpu.memory_space<vmem>>, vector<16xf32>,
        %mul3A_250 = arith.mulf %broadcast_in_dim3A_202, %get3A_17 : vector<16xf32>
        %add3A_251 = arith.addf %mul3A_250, %get3A_49 : vector<16xf32>
        %select_n3A_252 = arith.select %ne3A_203, %get3A_81, %add3A_251 : vector<16xi1>, vector<16xf32>
        %swap3A_253 = arith.index_cast %add3A_207 : i32 to index
        %swap3A_254 = arith.constant 112 : index
        %swap3A_255 = tpu.vector_load %arg10[%swap3A_253, %swap3A_254] {strides = array<i32>} : memref<128x128xf32, #tpu.memory_space<vmem>>, vector<16xf32>,
        tpu.vector_store %arg10[%swap3A_253, %swap3A_254], %select_n3A_252 {strides = array<i32>} : memref<128x128xf32, #tpu.memory_space<vmem>>, vector<16xf32>,
        %slice3A_256 = vector.extract_strided_slice %get3A_149 {offsets = [2], sizes = [1], strides = [1]} : vector<16xf32> to vector<1xf32>
        %squeeze3A_257 = vector.extract %slice3A_256[0] : f32 from vector<1xf32>
        %broadcast_in_dim3A_258 = vector.broadcast %squeeze3A_257 : f32 to vector<16xf32>
        %ne3A_259 = arith.cmpf one, %broadcast_in_dim3A_258, %broadcast_in_dim3A_258 : vector<16xf32>
        %mul3A_260 = arith.constant 16 : i32
        %mul3A_261 = arith.muli %add3A_144, %mul3A_260 : i32
        %add3A_262 = arith.constant 2 : i32
        %add3A_263 = arith.addi %mul3A_261, %add3A_262 : i32
        %mul3A_264 = arith.mulf %broadcast_in_dim3A_258, %get3A_3 : vector<16xf32>
        %add3A_265 = arith.addf %mul3A_264, %get3A_21 : vector<16xf32>
        %select_n3A_266 = arith.select %ne3A_259, %get3A_53, %add3A_265 : vector<16xi1>, vector<16xf32>
        %swap3A_267 = arith.index_cast %add3A_263 : i32 to index
        %swap3A_268 = arith.constant 0 : index
        %swap3A_269 = tpu.vector_load %arg10[%swap3A_267, %swap3A_268] {strides = array<i32>} : memref<128x128xf32, #tpu.memory_space<vmem>>, vector<16xf32>,
        tpu.vector_store %arg10[%swap3A_267, %swap3A_268], %select_n3A_266 {strides = array<i32>} : memref<128x128xf32, #tpu.memory_space<vmem>>, vector<16xf32>,
        %mul3A_270 = arith.mulf %broadcast_in_dim3A_258, %get3A_5 : vector<16xf32>
        %add3A_271 = arith.addf %mul3A_270, %get3A_25 : vector<16xf32>
        %select_n3A_272 = arith.select %ne3A_259, %get3A_57, %add3A_271 : vector<16xi1>, vector<16xf32>
        %swap3A_273 = arith.index_cast %add3A_263 : i32 to index
        %swap3A_274 = arith.constant 16 : index
        %swap3A_275 = tpu.vector_load %arg10[%swap3A_273, %swap3A_274] {strides = array<i32>} : memref<128x128xf32, #tpu.memory_space<vmem>>, vector<16xf32>,
        tpu.vector_store %arg10[%swap3A_273, %swap3A_274], %select_n3A_272 {strides = array<i32>} : memref<128x128xf32, #tpu.memory_space<vmem>>, vector<16xf32>,
        %mul3A_276 = arith.mulf %broadcast_in_dim3A_258, %get3A_7 : vector<16xf32>
        %add3A_277 = arith.addf %mul3A_276, %get3A_29 : vector<16xf32>
        %select_n3A_278 = arith.select %ne3A_259, %get3A_61, %add3A_277 : vector<16xi1>, vector<16xf32>
        %swap3A_279 = arith.index_cast %add3A_263 : i32 to index
        %swap3A_280 = arith.constant 32 : index
        %swap3A_281 = tpu.vector_load %arg10[%swap3A_279, %swap3A_280] {strides = array<i32>} : memref<128x128xf32, #tpu.memory_space<vmem>>, vector<16xf32>,
        tpu.vector_store %arg10[%swap3A_279, %swap3A_280], %select_n3A_278 {strides = array<i32>} : memref<128x128xf32, #tpu.memory_space<vmem>>, vector<16xf32>,
        %mul3A_282 = arith.mulf %broadcast_in_dim3A_258, %get3A_9 : vector<16xf32>
        %add3A_283 = arith.addf %mul3A_282, %get3A_33 : vector<16xf32>
        %select_n3A_284 = arith.select %ne3A_259, %get3A_65, %add3A_283 : vector<16xi1>, vector<16xf32>
        %swap3A_285 = arith.index_cast %add3A_263 : i32 to index
        %swap3A_286 = arith.constant 48 : index
        %swap3A_287 = tpu.vector_load %arg10[%swap3A_285, %swap3A_286] {strides = array<i32>} : memref<128x128xf32, #tpu.memory_space<vmem>>, vector<16xf32>,
        tpu.vector_store %arg10[%swap3A_285, %swap3A_286], %select_n3A_284 {strides = array<i32>} : memref<128x128xf32, #tpu.memory_space<vmem>>, vector<16xf32>,
        %mul3A_288 = arith.mulf %broadcast_in_dim3A_258, %get3A_11 : vector<16xf32>
        %add3A_289 = arith.addf %mul3A_288, %get3A_37 : vector<16xf32>
        %select_n3A_290 = arith.select %ne3A_259, %get3A_69, %add3A_289 : vector<16xi1>, vector<16xf32>
        %swap3A_291 = arith.index_cast %add3A_263 : i32 to index
        %swap3A_292 = arith.constant 64 : index
        %swap3A_293 = tpu.vector_load %arg10[%swap3A_291, %swap3A_292] {strides = array<i32>} : memref<128x128xf32, #tpu.memory_space<vmem>>, vector<16xf32>,
        tpu.vector_store %arg10[%swap3A_291, %swap3A_292], %select_n3A_290 {strides = array<i32>} : memref<128x128xf32, #tpu.memory_space<vmem>>, vector<16xf32>,
        %mul3A_294 = arith.mulf %broadcast_in_dim3A_258, %get3A_13 : vector<16xf32>
        %add3A_295 = arith.addf %mul3A_294, %get3A_41 : vector<16xf32>
        %select_n3A_296 = arith.select %ne3A_259, %get3A_73, %add3A_295 : vector<16xi1>, vector<16xf32>
        %swap3A_297 = arith.index_cast %add3A_263 : i32 to index
        %swap3A_298 = arith.constant 80 : index
        %swap3A_299 = tpu.vector_load %arg10[%swap3A_297, %swap3A_298] {strides = array<i32>} : memref<128x128xf32, #tpu.memory_space<vmem>>, vector<16xf32>,
        tpu.vector_store %arg10[%swap3A_297, %swap3A_298], %select_n3A_296 {strides = array<i32>} : memref<128x128xf32, #tpu.memory_space<vmem>>, vector<16xf32>,
        %mul3A_300 = arith.mulf %broadcast_in_dim3A_258, %get3A_15 : vector<16xf32>
        %add3A_301 = arith.addf %mul3A_300, %get3A_45 : vector<16xf32>
        %select_n3A_302 = arith.select %ne3A_259, %get3A_77, %add3A_301 : vector<16xi1>, vector<16xf32>
        %swap3A_303 = arith.index_cast %add3A_263 : i32 to index
        %swap3A_304 = arith.constant 96 : index
        %swap3A_305 = tpu.vector_load %arg10[%swap3A_303, %swap3A_304] {strides = array<i32>} : memref<128x128xf32, #tpu.memory_space<vmem>>, vector<16xf32>,
        tpu.vector_store %arg10[%swap3A_303, %swap3A_304], %select_n3A_302 {strides = array<i32>} : memref<128x128xf32, #tpu.memory_space<vmem>>, vector<16xf32>,
        %mul3A_306 = arith.mulf %broadcast_in_dim3A_258, %get3A_17 : vector<16xf32>
        %add3A_307 = arith.addf %mul3A_306, %get3A_49 : vector<16xf32>
        %select_n3A_308 = arith.select %ne3A_259, %get3A_81, %add3A_307 : vector<16xi1>, vector<16xf32>
        %swap3A_309 = arith.index_cast %add3A_263 : i32 to index
        %swap3A_310 = arith.constant 112 : index
        %swap3A_311 = tpu.vector_load %arg10[%swap3A_309, %swap3A_310] {strides = array<i32>} : memref<128x128xf32, #tpu.memory_space<vmem>>, vector<16xf32>,
        tpu.vector_store %arg10[%swap3A_309, %swap3A_310], %select_n3A_308 {strides = array<i32>} : memref<128x128xf32, #tpu.memory_space<vmem>>, vector<16xf32>,
        %slice3A_312 = vector.extract_strided_slice %get3A_149 {offsets = [3], sizes = [1], strides = [1]} : vector<16xf32> to vector<1xf32>
        %squeeze3A_313 = vector.extract %slice3A_312[0] : f32 from vector<1xf32>
        %broadcast_in_dim3A_314 = vector.broadcast %squeeze3A_313 : f32 to vector<16xf32>
        %ne3A_315 = arith.cmpf one, %broadcast_in_dim3A_314, %broadcast_in_dim3A_314 : vector<16xf32>
        %mul3A_316 = arith.constant 16 : i32
        %mul3A_317 = arith.muli %add3A_144, %mul3A_316 : i32
        %add3A_318 = arith.constant 3 : i32
        %add3A_319 = arith.addi %mul3A_317, %add3A_318 : i32
        %mul3A_320 = arith.mulf %broadcast_in_dim3A_314, %get3A_3 : vector<16xf32>
        %add3A_321 = arith.addf %mul3A_320, %get3A_21 : vector<16xf32>
        %select_n3A_322 = arith.select %ne3A_315, %get3A_53, %add3A_321 : vector<16xi1>, vector<16xf32>
        %swap3A_323 = arith.index_cast %add3A_319 : i32 to index
        %swap3A_324 = arith.constant 0 : index
        %swap3A_325 = tpu.vector_load %arg10[%swap3A_323, %swap3A_324] {strides = array<i32>} : memref<128x128xf32, #tpu.memory_space<vmem>>, vector<16xf32>,
        tpu.vector_store %arg10[%swap3A_323, %swap3A_324], %select_n3A_322 {strides = array<i32>} : memref<128x128xf32, #tpu.memory_space<vmem>>, vector<16xf32>,
        %mul3A_326 = arith.mulf %broadcast_in_dim3A_314, %get3A_5 : vector<16xf32>
        %add3A_327 = arith.addf %mul3A_326, %get3A_25 : vector<16xf32>
        %select_n3A_328 = arith.select %ne3A_315, %get3A_57, %add3A_327 : vector<16xi1>, vector<16xf32>
        %swap3A_329 = arith.index_cast %add3A_319 : i32 to index
        %swap3A_330 = arith.constant 16 : index
        %swap3A_331 = tpu.vector_load %arg10[%swap3A_329, %swap3A_330] {strides = array<i32>} : memref<128x128xf32, #tpu.memory_space<vmem>>, vector<16xf32>,
        tpu.vector_store %arg10[%swap3A_329, %swap3A_330], %select_n3A_328 {strides = array<i32>} : memref<128x128xf32, #tpu.memory_space<vmem>>, vector<16xf32>,
        %mul3A_332 = arith.mulf %broadcast_in_dim3A_314, %get3A_7 : vector<16xf32>
        %add3A_333 = arith.addf %mul3A_332, %get3A_29 : vector<16xf32>
        %select_n3A_334 = arith.select %ne3A_315, %get3A_61, %add3A_333 : vector<16xi1>, vector<16xf32>
        %swap3A_335 = arith.index_cast %add3A_319 : i32 to index
        %swap3A_336 = arith.constant 32 : index
        %swap3A_337 = tpu.vector_load %arg10[%swap3A_335, %swap3A_336] {strides = array<i32>} : memref<128x128xf32, #tpu.memory_space<vmem>>, vector<16xf32>,
        tpu.vector_store %arg10[%swap3A_335, %swap3A_336], %select_n3A_334 {strides = array<i32>} : memref<128x128xf32, #tpu.memory_space<vmem>>, vector<16xf32>,
        %mul3A_338 = arith.mulf %broadcast_in_dim3A_314, %get3A_9 : vector<16xf32>
        %add3A_339 = arith.addf %mul3A_338, %get3A_33 : vector<16xf32>
        %select_n3A_340 = arith.select %ne3A_315, %get3A_65, %add3A_339 : vector<16xi1>, vector<16xf32>
        %swap3A_341 = arith.index_cast %add3A_319 : i32 to index
        %swap3A_342 = arith.constant 48 : index
        %swap3A_343 = tpu.vector_load %arg10[%swap3A_341, %swap3A_342] {strides = array<i32>} : memref<128x128xf32, #tpu.memory_space<vmem>>, vector<16xf32>,
        tpu.vector_store %arg10[%swap3A_341, %swap3A_342], %select_n3A_340 {strides = array<i32>} : memref<128x128xf32, #tpu.memory_space<vmem>>, vector<16xf32>,
        %mul3A_344 = arith.mulf %broadcast_in_dim3A_314, %get3A_11 : vector<16xf32>
        %add3A_345 = arith.addf %mul3A_344, %get3A_37 : vector<16xf32>
        %select_n3A_346 = arith.select %ne3A_315, %get3A_69, %add3A_345 : vector<16xi1>, vector<16xf32>
        %swap3A_347 = arith.index_cast %add3A_319 : i32 to index
        %swap3A_348 = arith.constant 64 : index
        %swap3A_349 = tpu.vector_load %arg10[%swap3A_347, %swap3A_348] {strides = array<i32>} : memref<128x128xf32, #tpu.memory_space<vmem>>, vector<16xf32>,
        tpu.vector_store %arg10[%swap3A_347, %swap3A_348], %select_n3A_346 {strides = array<i32>} : memref<128x128xf32, #tpu.memory_space<vmem>>, vector<16xf32>,
        %mul3A_350 = arith.mulf %broadcast_in_dim3A_314, %get3A_13 : vector<16xf32>
        %add3A_351 = arith.addf %mul3A_350, %get3A_41 : vector<16xf32>
        %select_n3A_352 = arith.select %ne3A_315, %get3A_73, %add3A_351 : vector<16xi1>, vector<16xf32>
        %swap3A_353 = arith.index_cast %add3A_319 : i32 to index
        %swap3A_354 = arith.constant 80 : index
        %swap3A_355 = tpu.vector_load %arg10[%swap3A_353, %swap3A_354] {strides = array<i32>} : memref<128x128xf32, #tpu.memory_space<vmem>>, vector<16xf32>,
        tpu.vector_store %arg10[%swap3A_353, %swap3A_354], %select_n3A_352 {strides = array<i32>} : memref<128x128xf32, #tpu.memory_space<vmem>>, vector<16xf32>,
        %mul3A_356 = arith.mulf %broadcast_in_dim3A_314, %get3A_15 : vector<16xf32>
        %add3A_357 = arith.addf %mul3A_356, %get3A_45 : vector<16xf32>
        %select_n3A_358 = arith.select %ne3A_315, %get3A_77, %add3A_357 : vector<16xi1>, vector<16xf32>
        %swap3A_359 = arith.index_cast %add3A_319 : i32 to index
        %swap3A_360 = arith.constant 96 : index
        %swap3A_361 = tpu.vector_load %arg10[%swap3A_359, %swap3A_360] {strides = array<i32>} : memref<128x128xf32, #tpu.memory_space<vmem>>, vector<16xf32>,
        tpu.vector_store %arg10[%swap3A_359, %swap3A_360], %select_n3A_358 {strides = array<i32>} : memref<128x128xf32, #tpu.memory_space<vmem>>, vector<16xf32>,
        %mul3A_362 = arith.mulf %broadcast_in_dim3A_314, %get3A_17 : vector<16xf32>
        %add3A_363 = arith.addf %mul3A_362, %get3A_49 : vector<16xf32>
        %select_n3A_364 = arith.select %ne3A_315, %get3A_81, %add3A_363 : vector<16xi1>, vector<16xf32>
        %swap3A_365 = arith.index_cast %add3A_319 : i32 to index
        %swap3A_366 = arith.constant 112 : index
        %swap3A_367 = tpu.vector_load %arg10[%swap3A_365, %swap3A_366] {strides = array<i32>} : memref<128x128xf32, #tpu.memory_space<vmem>>, vector<16xf32>,
        tpu.vector_store %arg10[%swap3A_365, %swap3A_366], %select_n3A_364 {strides = array<i32>} : memref<128x128xf32, #tpu.memory_space<vmem>>, vector<16xf32>,
        %slice3A_368 = vector.extract_strided_slice %get3A_149 {offsets = [4], sizes = [1], strides = [1]} : vector<16xf32> to vector<1xf32>
        %squeeze3A_369 = vector.extract %slice3A_368[0] : f32 from vector<1xf32>
        %broadcast_in_dim3A_370 = vector.broadcast %squeeze3A_369 : f32 to vector<16xf32>
        %ne3A_371 = arith.cmpf one, %broadcast_in_dim3A_370, %broadcast_in_dim3A_370 : vector<16xf32>
        %mul3A_372 = arith.constant 16 : i32
        %mul3A_373 = arith.muli %add3A_144, %mul3A_372 : i32
        %add3A_374 = arith.constant 4 : i32
        %add3A_375 = arith.addi %mul3A_373, %add3A_374 : i32
        %mul3A_376 = arith.mulf %broadcast_in_dim3A_370, %get3A_3 : vector<16xf32>
        %add3A_377 = arith.addf %mul3A_376, %get3A_21 : vector<16xf32>
        %select_n3A_378 = arith.select %ne3A_371, %get3A_53, %add3A_377 : vector<16xi1>, vector<16xf32>
        %swap3A_379 = arith.index_cast %add3A_375 : i32 to index
        %swap3A_380 = arith.constant 0 : index
        %swap3A_381 = tpu.vector_load %arg10[%swap3A_379, %swap3A_380] {strides = array<i32>} : memref<128x128xf32, #tpu.memory_space<vmem>>, vector<16xf32>,
        tpu.vector_store %arg10[%swap3A_379, %swap3A_380], %select_n3A_378 {strides = array<i32>} : memref<128x128xf32, #tpu.memory_space<vmem>>, vector<16xf32>,
        %mul3A_382 = arith.mulf %broadcast_in_dim3A_370, %get3A_5 : vector<16xf32>
        %add3A_383 = arith.addf %mul3A_382, %get3A_25 : vector<16xf32>
        %select_n3A_384 = arith.select %ne3A_371, %get3A_57, %add3A_383 : vector<16xi1>, vector<16xf32>
        %swap3A_385 = arith.index_cast %add3A_375 : i32 to index
        %swap3A_386 = arith.constant 16 : index
        %swap3A_387 = tpu.vector_load %arg10[%swap3A_385, %swap3A_386] {strides = array<i32>} : memref<128x128xf32, #tpu.memory_space<vmem>>, vector<16xf32>,
        tpu.vector_store %arg10[%swap3A_385, %swap3A_386], %select_n3A_384 {strides = array<i32>} : memref<128x128xf32, #tpu.memory_space<vmem>>, vector<16xf32>,
        %mul3A_388 = arith.mulf %broadcast_in_dim3A_370, %get3A_7 : vector<16xf32>
        %add3A_389 = arith.addf %mul3A_388, %get3A_29 : vector<16xf32>
        %select_n3A_390 = arith.select %ne3A_371, %get3A_61, %add3A_389 : vector<16xi1>, vector<16xf32>
        %swap3A_391 = arith.index_cast %add3A_375 : i32 to index
        %swap3A_392 = arith.constant 32 : index
        %swap3A_393 = tpu.vector_load %arg10[%swap3A_391, %swap3A_392] {strides = array<i32>} : memref<128x128xf32, #tpu.memory_space<vmem>>, vector<16xf32>,
        tpu.vector_store %arg10[%swap3A_391, %swap3A_392], %select_n3A_390 {strides = array<i32>} : memref<128x128xf32, #tpu.memory_space<vmem>>, vector<16xf32>,
        %mul3A_394 = arith.mulf %broadcast_in_dim3A_370, %get3A_9 : vector<16xf32>
        %add3A_395 = arith.addf %mul3A_394, %get3A_33 : vector<16xf32>
        %select_n3A_396 = arith.select %ne3A_371, %get3A_65, %add3A_395 : vector<16xi1>, vector<16xf32>
        %swap3A_397 = arith.index_cast %add3A_375 : i32 to index
        %swap3A_398 = arith.constant 48 : index
        %swap3A_399 = tpu.vector_load %arg10[%swap3A_397, %swap3A_398] {strides = array<i32>} : memref<128x128xf32, #tpu.memory_space<vmem>>, vector<16xf32>,
        tpu.vector_store %arg10[%swap3A_397, %swap3A_398], %select_n3A_396 {strides = array<i32>} : memref<128x128xf32, #tpu.memory_space<vmem>>, vector<16xf32>,
        %mul3A_400 = arith.mulf %broadcast_in_dim3A_370, %get3A_11 : vector<16xf32>
        %add3A_401 = arith.addf %mul3A_400, %get3A_37 : vector<16xf32>
        %select_n3A_402 = arith.select %ne3A_371, %get3A_69, %add3A_401 : vector<16xi1>, vector<16xf32>
        %swap3A_403 = arith.index_cast %add3A_375 : i32 to index
        %swap3A_404 = arith.constant 64 : index
        %swap3A_405 = tpu.vector_load %arg10[%swap3A_403, %swap3A_404] {strides = array<i32>} : memref<128x128xf32, #tpu.memory_space<vmem>>, vector<16xf32>,
        tpu.vector_store %arg10[%swap3A_403, %swap3A_404], %select_n3A_402 {strides = array<i32>} : memref<128x128xf32, #tpu.memory_space<vmem>>, vector<16xf32>,
        %mul3A_406 = arith.mulf %broadcast_in_dim3A_370, %get3A_13 : vector<16xf32>
        %add3A_407 = arith.addf %mul3A_406, %get3A_41 : vector<16xf32>
        %select_n3A_408 = arith.select %ne3A_371, %get3A_73, %add3A_407 : vector<16xi1>, vector<16xf32>
        %swap3A_409 = arith.index_cast %add3A_375 : i32 to index
        %swap3A_410 = arith.constant 80 : index
        %swap3A_411 = tpu.vector_load %arg10[%swap3A_409, %swap3A_410] {strides = array<i32>} : memref<128x128xf32, #tpu.memory_space<vmem>>, vector<16xf32>,
        tpu.vector_store %arg10[%swap3A_409, %swap3A_410], %select_n3A_408 {strides = array<i32>} : memref<128x128xf32, #tpu.memory_space<vmem>>, vector<16xf32>,
        %mul3A_412 = arith.mulf %broadcast_in_dim3A_370, %get3A_15 : vector<16xf32>
        %add3A_413 = arith.addf %mul3A_412, %get3A_45 : vector<16xf32>
        %select_n3A_414 = arith.select %ne3A_371, %get3A_77, %add3A_413 : vector<16xi1>, vector<16xf32>
        %swap3A_415 = arith.index_cast %add3A_375 : i32 to index
        %swap3A_416 = arith.constant 96 : index
        %swap3A_417 = tpu.vector_load %arg10[%swap3A_415, %swap3A_416] {strides = array<i32>} : memref<128x128xf32, #tpu.memory_space<vmem>>, vector<16xf32>,
        tpu.vector_store %arg10[%swap3A_415, %swap3A_416], %select_n3A_414 {strides = array<i32>} : memref<128x128xf32, #tpu.memory_space<vmem>>, vector<16xf32>,
        %mul3A_418 = arith.mulf %broadcast_in_dim3A_370, %get3A_17 : vector<16xf32>
        %add3A_419 = arith.addf %mul3A_418, %get3A_49 : vector<16xf32>
        %select_n3A_420 = arith.select %ne3A_371, %get3A_81, %add3A_419 : vector<16xi1>, vector<16xf32>
        %swap3A_421 = arith.index_cast %add3A_375 : i32 to index
        %swap3A_422 = arith.constant 112 : index
        %swap3A_423 = tpu.vector_load %arg10[%swap3A_421, %swap3A_422] {strides = array<i32>} : memref<128x128xf32, #tpu.memory_space<vmem>>, vector<16xf32>,
        tpu.vector_store %arg10[%swap3A_421, %swap3A_422], %select_n3A_420 {strides = array<i32>} : memref<128x128xf32, #tpu.memory_space<vmem>>, vector<16xf32>,
        %slice3A_424 = vector.extract_strided_slice %get3A_149 {offsets = [5], sizes = [1], strides = [1]} : vector<16xf32> to vector<1xf32>
        %squeeze3A_425 = vector.extract %slice3A_424[0] : f32 from vector<1xf32>
        %broadcast_in_dim3A_426 = vector.broadcast %squeeze3A_425 : f32 to vector<16xf32>
        %ne3A_427 = arith.cmpf one, %broadcast_in_dim3A_426, %broadcast_in_dim3A_426 : vector<16xf32>
        %mul3A_428 = arith.constant 16 : i32
        %mul3A_429 = arith.muli %add3A_144, %mul3A_428 : i32
        %add3A_430 = arith.constant 5 : i32
        %add3A_431 = arith.addi %mul3A_429, %add3A_430 : i32
        %mul3A_432 = arith.mulf %broadcast_in_dim3A_426, %get3A_3 : vector<16xf32>
        %add3A_433 = arith.addf %mul3A_432, %get3A_21 : vector<16xf32>
        %select_n3A_434 = arith.select %ne3A_427, %get3A_53, %add3A_433 : vector<16xi1>, vector<16xf32>
        %swap3A_435 = arith.index_cast %add3A_431 : i32 to index
        %swap3A_436 = arith.constant 0 : index
        %swap3A_437 = tpu.vector_load %arg10[%swap3A_435, %swap3A_436] {strides = array<i32>} : memref<128x128xf32, #tpu.memory_space<vmem>>, vector<16xf32>,
        tpu.vector_store %arg10[%swap3A_435, %swap3A_436], %select_n3A_434 {strides = array<i32>} : memref<128x128xf32, #tpu.memory_space<vmem>>, vector<16xf32>,
        %mul3A_438 = arith.mulf %broadcast_in_dim3A_426, %get3A_5 : vector<16xf32>
        %add3A_439 = arith.addf %mul3A_438, %get3A_25 : vector<16xf32>
        %select_n3A_440 = arith.select %ne3A_427, %get3A_57, %add3A_439 : vector<16xi1>, vector<16xf32>
        %swap3A_441 = arith.index_cast %add3A_431 : i32 to index
        %swap3A_442 = arith.constant 16 : index
        %swap3A_443 = tpu.vector_load %arg10[%swap3A_441, %swap3A_442] {strides = array<i32>} : memref<128x128xf32, #tpu.memory_space<vmem>>, vector<16xf32>,
        tpu.vector_store %arg10[%swap3A_441, %swap3A_442], %select_n3A_440 {strides = array<i32>} : memref<128x128xf32, #tpu.memory_space<vmem>>, vector<16xf32>,
        %mul3A_444 = arith.mulf %broadcast_in_dim3A_426, %get3A_7 : vector<16xf32>
        %add3A_445 = arith.addf %mul3A_444, %get3A_29 : vector<16xf32>
        %select_n3A_446 = arith.select %ne3A_427, %get3A_61, %add3A_445 : vector<16xi1>, vector<16xf32>
        %swap3A_447 = arith.index_cast %add3A_431 : i32 to index
        %swap3A_448 = arith.constant 32 : index
        %swap3A_449 = tpu.vector_load %arg10[%swap3A_447, %swap3A_448] {strides = array<i32>} : memref<128x128xf32, #tpu.memory_space<vmem>>, vector<16xf32>,
        tpu.vector_store %arg10[%swap3A_447, %swap3A_448], %select_n3A_446 {strides = array<i32>} : memref<128x128xf32, #tpu.memory_space<vmem>>, vector<16xf32>,
        %mul3A_450 = arith.mulf %broadcast_in_dim3A_426, %get3A_9 : vector<16xf32>
        %add3A_451 = arith.addf %mul3A_450, %get3A_33 : vector<16xf32>
        %select_n3A_452 = arith.select %ne3A_427, %get3A_65, %add3A_451 : vector<16xi1>, vector<16xf32>
        %swap3A_453 = arith.index_cast %add3A_431 : i32 to index
        %swap3A_454 = arith.constant 48 : index
        %swap3A_455 = tpu.vector_load %arg10[%swap3A_453, %swap3A_454] {strides = array<i32>} : memref<128x128xf32, #tpu.memory_space<vmem>>, vector<16xf32>,
        tpu.vector_store %arg10[%swap3A_453, %swap3A_454], %select_n3A_452 {strides = array<i32>} : memref<128x128xf32, #tpu.memory_space<vmem>>, vector<16xf32>,
        %mul3A_456 = arith.mulf %broadcast_in_dim3A_426, %get3A_11 : vector<16xf32>
        %add3A_457 = arith.addf %mul3A_456, %get3A_37 : vector<16xf32>
        %select_n3A_458 = arith.select %ne3A_427, %get3A_69, %add3A_457 : vector<16xi1>, vector<16xf32>
        %swap3A_459 = arith.index_cast %add3A_431 : i32 to index
        %swap3A_460 = arith.constant 64 : index
        %swap3A_461 = tpu.vector_load %arg10[%swap3A_459, %swap3A_460] {strides = array<i32>} : memref<128x128xf32, #tpu.memory_space<vmem>>, vector<16xf32>,
        tpu.vector_store %arg10[%swap3A_459, %swap3A_460], %select_n3A_458 {strides = array<i32>} : memref<128x128xf32, #tpu.memory_space<vmem>>, vector<16xf32>,
        %mul3A_462 = arith.mulf %broadcast_in_dim3A_426, %get3A_13 : vector<16xf32>
        %add3A_463 = arith.addf %mul3A_462, %get3A_41 : vector<16xf32>
        %select_n3A_464 = arith.select %ne3A_427, %get3A_73, %add3A_463 : vector<16xi1>, vector<16xf32>
        %swap3A_465 = arith.index_cast %add3A_431 : i32 to index
        %swap3A_466 = arith.constant 80 : index
        %swap3A_467 = tpu.vector_load %arg10[%swap3A_465, %swap3A_466] {strides = array<i32>} : memref<128x128xf32, #tpu.memory_space<vmem>>, vector<16xf32>,
        tpu.vector_store %arg10[%swap3A_465, %swap3A_466], %select_n3A_464 {strides = array<i32>} : memref<128x128xf32, #tpu.memory_space<vmem>>, vector<16xf32>,
        %mul3A_468 = arith.mulf %broadcast_in_dim3A_426, %get3A_15 : vector<16xf32>
        %add3A_469 = arith.addf %mul3A_468, %get3A_45 : vector<16xf32>
        %select_n3A_470 = arith.select %ne3A_427, %get3A_77, %add3A_469 : vector<16xi1>, vector<16xf32>
        %swap3A_471 = arith.index_cast %add3A_431 : i32 to index
        %swap3A_472 = arith.constant 96 : index
        %swap3A_473 = tpu.vector_load %arg10[%swap3A_471, %swap3A_472] {strides = array<i32>} : memref<128x128xf32, #tpu.memory_space<vmem>>, vector<16xf32>,
        tpu.vector_store %arg10[%swap3A_471, %swap3A_472], %select_n3A_470 {strides = array<i32>} : memref<128x128xf32, #tpu.memory_space<vmem>>, vector<16xf32>,
        %mul3A_474 = arith.mulf %broadcast_in_dim3A_426, %get3A_17 : vector<16xf32>
        %add3A_475 = arith.addf %mul3A_474, %get3A_49 : vector<16xf32>
        %select_n3A_476 = arith.select %ne3A_427, %get3A_81, %add3A_475 : vector<16xi1>, vector<16xf32>
        %swap3A_477 = arith.index_cast %add3A_431 : i32 to index
        %swap3A_478 = arith.constant 112 : index
        %swap3A_479 = tpu.vector_load %arg10[%swap3A_477, %swap3A_478] {strides = array<i32>} : memref<128x128xf32, #tpu.memory_space<vmem>>, vector<16xf32>,
        tpu.vector_store %arg10[%swap3A_477, %swap3A_478], %select_n3A_476 {strides = array<i32>} : memref<128x128xf32, #tpu.memory_space<vmem>>, vector<16xf32>,
        %slice3A_480 = vector.extract_strided_slice %get3A_149 {offsets = [6], sizes = [1], strides = [1]} : vector<16xf32> to vector<1xf32>
        %squeeze3A_481 = vector.extract %slice3A_480[0] : f32 from vector<1xf32>
        %broadcast_in_dim3A_482 = vector.broadcast %squeeze3A_481 : f32 to vector<16xf32>
        %ne3A_483 = arith.cmpf one, %broadcast_in_dim3A_482, %broadcast_in_dim3A_482 : vector<16xf32>
        %mul3A_484 = arith.constant 16 : i32
        %mul3A_485 = arith.muli %add3A_144, %mul3A_484 : i32
        %add3A_486 = arith.constant 6 : i32
        %add3A_487 = arith.addi %mul3A_485, %add3A_486 : i32
        %mul3A_488 = arith.mulf %broadcast_in_dim3A_482, %get3A_3 : vector<16xf32>
        %add3A_489 = arith.addf %mul3A_488, %get3A_21 : vector<16xf32>
        %select_n3A_490 = arith.select %ne3A_483, %get3A_53, %add3A_489 : vector<16xi1>, vector<16xf32>
        %swap3A_491 = arith.index_cast %add3A_487 : i32 to index
        %swap3A_492 = arith.constant 0 : index
        %swap3A_493 = tpu.vector_load %arg10[%swap3A_491, %swap3A_492] {strides = array<i32>} : memref<128x128xf32, #tpu.memory_space<vmem>>, vector<16xf32>,
        tpu.vector_store %arg10[%swap3A_491, %swap3A_492], %select_n3A_490 {strides = array<i32>} : memref<128x128xf32, #tpu.memory_space<vmem>>, vector<16xf32>,
        %mul3A_494 = arith.mulf %broadcast_in_dim3A_482, %get3A_5 : vector<16xf32>
        %add3A_495 = arith.addf %mul3A_494, %get3A_25 : vector<16xf32>
        %select_n3A_496 = arith.select %ne3A_483, %get3A_57, %add3A_495 : vector<16xi1>, vector<16xf32>
        %swap3A_497 = arith.index_cast %add3A_487 : i32 to index
        %swap3A_498 = arith.constant 16 : index
        %swap3A_499 = tpu.vector_load %arg10[%swap3A_497, %swap3A_498] {strides = array<i32>} : memref<128x128xf32, #tpu.memory_space<vmem>>, vector<16xf32>,
        tpu.vector_store %arg10[%swap3A_497, %swap3A_498], %select_n3A_496 {strides = array<i32>} : memref<128x128xf32, #tpu.memory_space<vmem>>, vector<16xf32>,
        %mul3A_500 = arith.mulf %broadcast_in_dim3A_482, %get3A_7 : vector<16xf32>
        %add3A_501 = arith.addf %mul3A_500, %get3A_29 : vector<16xf32>
        %select_n3A_502 = arith.select %ne3A_483, %get3A_61, %add3A_501 : vector<16xi1>, vector<16xf32>
        %swap3A_503 = arith.index_cast %add3A_487 : i32 to index
        %swap3A_504 = arith.constant 32 : index
        %swap3A_505 = tpu.vector_load %arg10[%swap3A_503, %swap3A_504] {strides = array<i32>} : memref<128x128xf32, #tpu.memory_space<vmem>>, vector<16xf32>,
        tpu.vector_store %arg10[%swap3A_503, %swap3A_504], %select_n3A_502 {strides = array<i32>} : memref<128x128xf32, #tpu.memory_space<vmem>>, vector<16xf32>,
        %mul3A_506 = arith.mulf %broadcast_in_dim3A_482, %get3A_9 : vector<16xf32>
        %add3A_507 = arith.addf %mul3A_506, %get3A_33 : vector<16xf32>
        %select_n3A_508 = arith.select %ne3A_483, %get3A_65, %add3A_507 : vector<16xi1>, vector<16xf32>
        %swap3A_509 = arith.index_cast %add3A_487 : i32 to index
        %swap3A_510 = arith.constant 48 : index
        %swap3A_511 = tpu.vector_load %arg10[%swap3A_509, %swap3A_510] {strides = array<i32>} : memref<128x128xf32, #tpu.memory_space<vmem>>, vector<16xf32>,
        tpu.vector_store %arg10[%swap3A_509, %swap3A_510], %select_n3A_508 {strides = array<i32>} : memref<128x128xf32, #tpu.memory_space<vmem>>, vector<16xf32>,
        %mul3A_512 = arith.mulf %broadcast_in_dim3A_482, %get3A_11 : vector<16xf32>
        %add3A_513 = arith.addf %mul3A_512, %get3A_37 : vector<16xf32>
        %select_n3A_514 = arith.select %ne3A_483, %get3A_69, %add3A_513 : vector<16xi1>, vector<16xf32>
        %swap3A_515 = arith.index_cast %add3A_487 : i32 to index
        %swap3A_516 = arith.constant 64 : index
        %swap3A_517 = tpu.vector_load %arg10[%swap3A_515, %swap3A_516] {strides = array<i32>} : memref<128x128xf32, #tpu.memory_space<vmem>>, vector<16xf32>,
        tpu.vector_store %arg10[%swap3A_515, %swap3A_516], %select_n3A_514 {strides = array<i32>} : memref<128x128xf32, #tpu.memory_space<vmem>>, vector<16xf32>,
        %mul3A_518 = arith.mulf %broadcast_in_dim3A_482, %get3A_13 : vector<16xf32>
        %add3A_519 = arith.addf %mul3A_518, %get3A_41 : vector<16xf32>
        %select_n3A_520 = arith.select %ne3A_483, %get3A_73, %add3A_519 : vector<16xi1>, vector<16xf32>
        %swap3A_521 = arith.index_cast %add3A_487 : i32 to index
        %swap3A_522 = arith.constant 80 : index
        %swap3A_523 = tpu.vector_load %arg10[%swap3A_521, %swap3A_522] {strides = array<i32>} : memref<128x128xf32, #tpu.memory_space<vmem>>, vector<16xf32>,
        tpu.vector_store %arg10[%swap3A_521, %swap3A_522], %select_n3A_520 {strides = array<i32>} : memref<128x128xf32, #tpu.memory_space<vmem>>, vector<16xf32>,
        %mul3A_524 = arith.mulf %broadcast_in_dim3A_482, %get3A_15 : vector<16xf32>
        %add3A_525 = arith.addf %mul3A_524, %get3A_45 : vector<16xf32>
        %select_n3A_526 = arith.select %ne3A_483, %get3A_77, %add3A_525 : vector<16xi1>, vector<16xf32>
        %swap3A_527 = arith.index_cast %add3A_487 : i32 to index
        %swap3A_528 = arith.constant 96 : index
        %swap3A_529 = tpu.vector_load %arg10[%swap3A_527, %swap3A_528] {strides = array<i32>} : memref<128x128xf32, #tpu.memory_space<vmem>>, vector<16xf32>,
        tpu.vector_store %arg10[%swap3A_527, %swap3A_528], %select_n3A_526 {strides = array<i32>} : memref<128x128xf32, #tpu.memory_space<vmem>>, vector<16xf32>,
        %mul3A_530 = arith.mulf %broadcast_in_dim3A_482, %get3A_17 : vector<16xf32>
        %add3A_531 = arith.addf %mul3A_530, %get3A_49 : vector<16xf32>
        %select_n3A_532 = arith.select %ne3A_483, %get3A_81, %add3A_531 : vector<16xi1>, vector<16xf32>
        %swap3A_533 = arith.index_cast %add3A_487 : i32 to index
        %swap3A_534 = arith.constant 112 : index
        %swap3A_535 = tpu.vector_load %arg10[%swap3A_533, %swap3A_534] {strides = array<i32>} : memref<128x128xf32, #tpu.memory_space<vmem>>, vector<16xf32>,
        tpu.vector_store %arg10[%swap3A_533, %swap3A_534], %select_n3A_532 {strides = array<i32>} : memref<128x128xf32, #tpu.memory_space<vmem>>, vector<16xf32>,
        %slice3A_536 = vector.extract_strided_slice %get3A_149 {offsets = [7], sizes = [1], strides = [1]} : vector<16xf32> to vector<1xf32>
        %squeeze3A_537 = vector.extract %slice3A_536[0] : f32 from vector<1xf32>
        %broadcast_in_dim3A_538 = vector.broadcast %squeeze3A_537 : f32 to vector<16xf32>
        %ne3A_539 = arith.cmpf one, %broadcast_in_dim3A_538, %broadcast_in_dim3A_538 : vector<16xf32>
        %mul3A_540 = arith.constant 16 : i32
        %mul3A_541 = arith.muli %add3A_144, %mul3A_540 : i32
        %add3A_542 = arith.constant 7 : i32
        %add3A_543 = arith.addi %mul3A_541, %add3A_542 : i32
        %mul3A_544 = arith.mulf %broadcast_in_dim3A_538, %get3A_3 : vector<16xf32>
        %add3A_545 = arith.addf %mul3A_544, %get3A_21 : vector<16xf32>
        %select_n3A_546 = arith.select %ne3A_539, %get3A_53, %add3A_545 : vector<16xi1>, vector<16xf32>
        %swap3A_547 = arith.index_cast %add3A_543 : i32 to index
        %swap3A_548 = arith.constant 0 : index
        %swap3A_549 = tpu.vector_load %arg10[%swap3A_547, %swap3A_548] {strides = array<i32>} : memref<128x128xf32, #tpu.memory_space<vmem>>, vector<16xf32>,
        tpu.vector_store %arg10[%swap3A_547, %swap3A_548], %select_n3A_546 {strides = array<i32>} : memref<128x128xf32, #tpu.memory_space<vmem>>, vector<16xf32>,
        %mul3A_550 = arith.mulf %broadcast_in_dim3A_538, %get3A_5 : vector<16xf32>
        %add3A_551 = arith.addf %mul3A_550, %get3A_25 : vector<16xf32>
        %select_n3A_552 = arith.select %ne3A_539, %get3A_57, %add3A_551 : vector<16xi1>, vector<16xf32>
        %swap3A_553 = arith.index_cast %add3A_543 : i32 to index
        %swap3A_554 = arith.constant 16 : index
        %swap3A_555 = tpu.vector_load %arg10[%swap3A_553, %swap3A_554] {strides = array<i32>} : memref<128x128xf32, #tpu.memory_space<vmem>>, vector<16xf32>,
        tpu.vector_store %arg10[%swap3A_553, %swap3A_554], %select_n3A_552 {strides = array<i32>} : memref<128x128xf32, #tpu.memory_space<vmem>>, vector<16xf32>,
        %mul3A_556 = arith.mulf %broadcast_in_dim3A_538, %get3A_7 : vector<16xf32>
        %add3A_557 = arith.addf %mul3A_556, %get3A_29 : vector<16xf32>
        %select_n3A_558 = arith.select %ne3A_539, %get3A_61, %add3A_557 : vector<16xi1>, vector<16xf32>
        %swap3A_559 = arith.index_cast %add3A_543 : i32 to index
        %swap3A_560 = arith.constant 32 : index
        %swap3A_561 = tpu.vector_load %arg10[%swap3A_559, %swap3A_560] {strides = array<i32>} : memref<128x128xf32, #tpu.memory_space<vmem>>, vector<16xf32>,
        tpu.vector_store %arg10[%swap3A_559, %swap3A_560], %select_n3A_558 {strides = array<i32>} : memref<128x128xf32, #tpu.memory_space<vmem>>, vector<16xf32>,
        %mul3A_562 = arith.mulf %broadcast_in_dim3A_538, %get3A_9 : vector<16xf32>
        %add3A_563 = arith.addf %mul3A_562, %get3A_33 : vector<16xf32>
        %select_n3A_564 = arith.select %ne3A_539, %get3A_65, %add3A_563 : vector<16xi1>, vector<16xf32>
        %swap3A_565 = arith.index_cast %add3A_543 : i32 to index
        %swap3A_566 = arith.constant 48 : index
        %swap3A_567 = tpu.vector_load %arg10[%swap3A_565, %swap3A_566] {strides = array<i32>} : memref<128x128xf32, #tpu.memory_space<vmem>>, vector<16xf32>,
        tpu.vector_store %arg10[%swap3A_565, %swap3A_566], %select_n3A_564 {strides = array<i32>} : memref<128x128xf32, #tpu.memory_space<vmem>>, vector<16xf32>,
        %mul3A_568 = arith.mulf %broadcast_in_dim3A_538, %get3A_11 : vector<16xf32>
        %add3A_569 = arith.addf %mul3A_568, %get3A_37 : vector<16xf32>
        %select_n3A_570 = arith.select %ne3A_539, %get3A_69, %add3A_569 : vector<16xi1>, vector<16xf32>
        %swap3A_571 = arith.index_cast %add3A_543 : i32 to index
        %swap3A_572 = arith.constant 64 : index
        %swap3A_573 = tpu.vector_load %arg10[%swap3A_571, %swap3A_572] {strides = array<i32>} : memref<128x128xf32, #tpu.memory_space<vmem>>, vector<16xf32>,
        tpu.vector_store %arg10[%swap3A_571, %swap3A_572], %select_n3A_570 {strides = array<i32>} : memref<128x128xf32, #tpu.memory_space<vmem>>, vector<16xf32>,
        %mul3A_574 = arith.mulf %broadcast_in_dim3A_538, %get3A_13 : vector<16xf32>
        %add3A_575 = arith.addf %mul3A_574, %get3A_41 : vector<16xf32>
        %select_n3A_576 = arith.select %ne3A_539, %get3A_73, %add3A_575 : vector<16xi1>, vector<16xf32>
        %swap3A_577 = arith.index_cast %add3A_543 : i32 to index
        %swap3A_578 = arith.constant 80 : index
        %swap3A_579 = tpu.vector_load %arg10[%swap3A_577, %swap3A_578] {strides = array<i32>} : memref<128x128xf32, #tpu.memory_space<vmem>>, vector<16xf32>,
        tpu.vector_store %arg10[%swap3A_577, %swap3A_578], %select_n3A_576 {strides = array<i32>} : memref<128x128xf32, #tpu.memory_space<vmem>>, vector<16xf32>,
        %mul3A_580 = arith.mulf %broadcast_in_dim3A_538, %get3A_15 : vector<16xf32>
        %add3A_581 = arith.addf %mul3A_580, %get3A_45 : vector<16xf32>
        %select_n3A_582 = arith.select %ne3A_539, %get3A_77, %add3A_581 : vector<16xi1>, vector<16xf32>
        %swap3A_583 = arith.index_cast %add3A_543 : i32 to index
        %swap3A_584 = arith.constant 96 : index
        %swap3A_585 = tpu.vector_load %arg10[%swap3A_583, %swap3A_584] {strides = array<i32>} : memref<128x128xf32, #tpu.memory_space<vmem>>, vector<16xf32>,
        tpu.vector_store %arg10[%swap3A_583, %swap3A_584], %select_n3A_582 {strides = array<i32>} : memref<128x128xf32, #tpu.memory_space<vmem>>, vector<16xf32>,
        %mul3A_586 = arith.mulf %broadcast_in_dim3A_538, %get3A_17 : vector<16xf32>
        %add3A_587 = arith.addf %mul3A_586, %get3A_49 : vector<16xf32>
        %select_n3A_588 = arith.select %ne3A_539, %get3A_81, %add3A_587 : vector<16xi1>, vector<16xf32>
        %swap3A_589 = arith.index_cast %add3A_543 : i32 to index
        %swap3A_590 = arith.constant 112 : index
        %swap3A_591 = tpu.vector_load %arg10[%swap3A_589, %swap3A_590] {strides = array<i32>} : memref<128x128xf32, #tpu.memory_space<vmem>>, vector<16xf32>,
        tpu.vector_store %arg10[%swap3A_589, %swap3A_590], %select_n3A_588 {strides = array<i32>} : memref<128x128xf32, #tpu.memory_space<vmem>>, vector<16xf32>,
        %slice3A_592 = vector.extract_strided_slice %get3A_149 {offsets = [8], sizes = [1], strides = [1]} : vector<16xf32> to vector<1xf32>
        %squeeze3A_593 = vector.extract %slice3A_592[0] : f32 from vector<1xf32>
        %broadcast_in_dim3A_594 = vector.broadcast %squeeze3A_593 : f32 to vector<16xf32>
        %ne3A_595 = arith.cmpf one, %broadcast_in_dim3A_594, %broadcast_in_dim3A_594 : vector<16xf32>
        %mul3A_596 = arith.constant 16 : i32
        %mul3A_597 = arith.muli %add3A_144, %mul3A_596 : i32
        %add3A_598 = arith.constant 8 : i32
        %add3A_599 = arith.addi %mul3A_597, %add3A_598 : i32
        %mul3A_600 = arith.mulf %broadcast_in_dim3A_594, %get3A_3 : vector<16xf32>
        %add3A_601 = arith.addf %mul3A_600, %get3A_21 : vector<16xf32>
        %select_n3A_602 = arith.select %ne3A_595, %get3A_53, %add3A_601 : vector<16xi1>, vector<16xf32>
        %swap3A_603 = arith.index_cast %add3A_599 : i32 to index
        %swap3A_604 = arith.constant 0 : index
        %swap3A_605 = tpu.vector_load %arg10[%swap3A_603, %swap3A_604] {strides = array<i32>} : memref<128x128xf32, #tpu.memory_space<vmem>>, vector<16xf32>,
        tpu.vector_store %arg10[%swap3A_603, %swap3A_604], %select_n3A_602 {strides = array<i32>} : memref<128x128xf32, #tpu.memory_space<vmem>>, vector<16xf32>,
        %mul3A_606 = arith.mulf %broadcast_in_dim3A_594, %get3A_5 : vector<16xf32>
        %add3A_607 = arith.addf %mul3A_606, %get3A_25 : vector<16xf32>
        %select_n3A_608 = arith.select %ne3A_595, %get3A_57, %add3A_607 : vector<16xi1>, vector<16xf32>
        %swap3A_609 = arith.index_cast %add3A_599 : i32 to index
        %swap3A_610 = arith.constant 16 : index
        %swap3A_611 = tpu.vector_load %arg10[%swap3A_609, %swap3A_610] {strides = array<i32>} : memref<128x128xf32, #tpu.memory_space<vmem>>, vector<16xf32>,
        tpu.vector_store %arg10[%swap3A_609, %swap3A_610], %select_n3A_608 {strides = array<i32>} : memref<128x128xf32, #tpu.memory_space<vmem>>, vector<16xf32>,
        %mul3A_612 = arith.mulf %broadcast_in_dim3A_594, %get3A_7 : vector<16xf32>
        %add3A_613 = arith.addf %mul3A_612, %get3A_29 : vector<16xf32>
        %select_n3A_614 = arith.select %ne3A_595, %get3A_61, %add3A_613 : vector<16xi1>, vector<16xf32>
        %swap3A_615 = arith.index_cast %add3A_599 : i32 to index
        %swap3A_616 = arith.constant 32 : index
        %swap3A_617 = tpu.vector_load %arg10[%swap3A_615, %swap3A_616] {strides = array<i32>} : memref<128x128xf32, #tpu.memory_space<vmem>>, vector<16xf32>,
        tpu.vector_store %arg10[%swap3A_615, %swap3A_616], %select_n3A_614 {strides = array<i32>} : memref<128x128xf32, #tpu.memory_space<vmem>>, vector<16xf32>,
        %mul3A_618 = arith.mulf %broadcast_in_dim3A_594, %get3A_9 : vector<16xf32>
        %add3A_619 = arith.addf %mul3A_618, %get3A_33 : vector<16xf32>
        %select_n3A_620 = arith.select %ne3A_595, %get3A_65, %add3A_619 : vector<16xi1>, vector<16xf32>
        %swap3A_621 = arith.index_cast %add3A_599 : i32 to index
        %swap3A_622 = arith.constant 48 : index
        %swap3A_623 = tpu.vector_load %arg10[%swap3A_621, %swap3A_622] {strides = array<i32>} : memref<128x128xf32, #tpu.memory_space<vmem>>, vector<16xf32>,
        tpu.vector_store %arg10[%swap3A_621, %swap3A_622], %select_n3A_620 {strides = array<i32>} : memref<128x128xf32, #tpu.memory_space<vmem>>, vector<16xf32>,
        %mul3A_624 = arith.mulf %broadcast_in_dim3A_594, %get3A_11 : vector<16xf32>
        %add3A_625 = arith.addf %mul3A_624, %get3A_37 : vector<16xf32>
        %select_n3A_626 = arith.select %ne3A_595, %get3A_69, %add3A_625 : vector<16xi1>, vector<16xf32>
        %swap3A_627 = arith.index_cast %add3A_599 : i32 to index
        %swap3A_628 = arith.constant 64 : index
        %swap3A_629 = tpu.vector_load %arg10[%swap3A_627, %swap3A_628] {strides = array<i32>} : memref<128x128xf32, #tpu.memory_space<vmem>>, vector<16xf32>,
        tpu.vector_store %arg10[%swap3A_627, %swap3A_628], %select_n3A_626 {strides = array<i32>} : memref<128x128xf32, #tpu.memory_space<vmem>>, vector<16xf32>,
        %mul3A_630 = arith.mulf %broadcast_in_dim3A_594, %get3A_13 : vector<16xf32>
        %add3A_631 = arith.addf %mul3A_630, %get3A_41 : vector<16xf32>
        %select_n3A_632 = arith.select %ne3A_595, %get3A_73, %add3A_631 : vector<16xi1>, vector<16xf32>
        %swap3A_633 = arith.index_cast %add3A_599 : i32 to index
        %swap3A_634 = arith.constant 80 : index
        %swap3A_635 = tpu.vector_load %arg10[%swap3A_633, %swap3A_634] {strides = array<i32>} : memref<128x128xf32, #tpu.memory_space<vmem>>, vector<16xf32>,
        tpu.vector_store %arg10[%swap3A_633, %swap3A_634], %select_n3A_632 {strides = array<i32>} : memref<128x128xf32, #tpu.memory_space<vmem>>, vector<16xf32>,
        %mul3A_636 = arith.mulf %broadcast_in_dim3A_594, %get3A_15 : vector<16xf32>
        %add3A_637 = arith.addf %mul3A_636, %get3A_45 : vector<16xf32>
        %select_n3A_638 = arith.select %ne3A_595, %get3A_77, %add3A_637 : vector<16xi1>, vector<16xf32>
        %swap3A_639 = arith.index_cast %add3A_599 : i32 to index
        %swap3A_640 = arith.constant 96 : index
        %swap3A_641 = tpu.vector_load %arg10[%swap3A_639, %swap3A_640] {strides = array<i32>} : memref<128x128xf32, #tpu.memory_space<vmem>>, vector<16xf32>,
        tpu.vector_store %arg10[%swap3A_639, %swap3A_640], %select_n3A_638 {strides = array<i32>} : memref<128x128xf32, #tpu.memory_space<vmem>>, vector<16xf32>,
        %mul3A_642 = arith.mulf %broadcast_in_dim3A_594, %get3A_17 : vector<16xf32>
        %add3A_643 = arith.addf %mul3A_642, %get3A_49 : vector<16xf32>
        %select_n3A_644 = arith.select %ne3A_595, %get3A_81, %add3A_643 : vector<16xi1>, vector<16xf32>
        %swap3A_645 = arith.index_cast %add3A_599 : i32 to index
        %swap3A_646 = arith.constant 112 : index
        %swap3A_647 = tpu.vector_load %arg10[%swap3A_645, %swap3A_646] {strides = array<i32>} : memref<128x128xf32, #tpu.memory_space<vmem>>, vector<16xf32>,
        tpu.vector_store %arg10[%swap3A_645, %swap3A_646], %select_n3A_644 {strides = array<i32>} : memref<128x128xf32, #tpu.memory_space<vmem>>, vector<16xf32>,
        %slice3A_648 = vector.extract_strided_slice %get3A_149 {offsets = [9], sizes = [1], strides = [1]} : vector<16xf32> to vector<1xf32>
        %squeeze3A_649 = vector.extract %slice3A_648[0] : f32 from vector<1xf32>
        %broadcast_in_dim3A_650 = vector.broadcast %squeeze3A_649 : f32 to vector<16xf32>
        %ne3A_651 = arith.cmpf one, %broadcast_in_dim3A_650, %broadcast_in_dim3A_650 : vector<16xf32>
        %mul3A_652 = arith.constant 16 : i32
        %mul3A_653 = arith.muli %add3A_144, %mul3A_652 : i32
        %add3A_654 = arith.constant 9 : i32
        %add3A_655 = arith.addi %mul3A_653, %add3A_654 : i32
        %mul3A_656 = arith.mulf %broadcast_in_dim3A_650, %get3A_3 : vector<16xf32>
        %add3A_657 = arith.addf %mul3A_656, %get3A_21 : vector<16xf32>
        %select_n3A_658 = arith.select %ne3A_651, %get3A_53, %add3A_657 : vector<16xi1>, vector<16xf32>
        %swap3A_659 = arith.index_cast %add3A_655 : i32 to index
        %swap3A_660 = arith.constant 0 : index
        %swap3A_661 = tpu.vector_load %arg10[%swap3A_659, %swap3A_660] {strides = array<i32>} : memref<128x128xf32, #tpu.memory_space<vmem>>, vector<16xf32>,
        tpu.vector_store %arg10[%swap3A_659, %swap3A_660], %select_n3A_658 {strides = array<i32>} : memref<128x128xf32, #tpu.memory_space<vmem>>, vector<16xf32>,
        %mul3A_662 = arith.mulf %broadcast_in_dim3A_650, %get3A_5 : vector<16xf32>
        %add3A_663 = arith.addf %mul3A_662, %get3A_25 : vector<16xf32>
        %select_n3A_664 = arith.select %ne3A_651, %get3A_57, %add3A_663 : vector<16xi1>, vector<16xf32>
        %swap3A_665 = arith.index_cast %add3A_655 : i32 to index
        %swap3A_666 = arith.constant 16 : index
        %swap3A_667 = tpu.vector_load %arg10[%swap3A_665, %swap3A_666] {strides = array<i32>} : memref<128x128xf32, #tpu.memory_space<vmem>>, vector<16xf32>,
        tpu.vector_store %arg10[%swap3A_665, %swap3A_666], %select_n3A_664 {strides = array<i32>} : memref<128x128xf32, #tpu.memory_space<vmem>>, vector<16xf32>,
        %mul3A_668 = arith.mulf %broadcast_in_dim3A_650, %get3A_7 : vector<16xf32>
        %add3A_669 = arith.addf %mul3A_668, %get3A_29 : vector<16xf32>
        %select_n3A_670 = arith.select %ne3A_651, %get3A_61, %add3A_669 : vector<16xi1>, vector<16xf32>
        %swap3A_671 = arith.index_cast %add3A_655 : i32 to index
        %swap3A_672 = arith.constant 32 : index
        %swap3A_673 = tpu.vector_load %arg10[%swap3A_671, %swap3A_672] {strides = array<i32>} : memref<128x128xf32, #tpu.memory_space<vmem>>, vector<16xf32>,
        tpu.vector_store %arg10[%swap3A_671, %swap3A_672], %select_n3A_670 {strides = array<i32>} : memref<128x128xf32, #tpu.memory_space<vmem>>, vector<16xf32>,
        %mul3A_674 = arith.mulf %broadcast_in_dim3A_650, %get3A_9 : vector<16xf32>
        %add3A_675 = arith.addf %mul3A_674, %get3A_33 : vector<16xf32>
        %select_n3A_676 = arith.select %ne3A_651, %get3A_65, %add3A_675 : vector<16xi1>, vector<16xf32>
        %swap3A_677 = arith.index_cast %add3A_655 : i32 to index
        %swap3A_678 = arith.constant 48 : index
        %swap3A_679 = tpu.vector_load %arg10[%swap3A_677, %swap3A_678] {strides = array<i32>} : memref<128x128xf32, #tpu.memory_space<vmem>>, vector<16xf32>,
        tpu.vector_store %arg10[%swap3A_677, %swap3A_678], %select_n3A_676 {strides = array<i32>} : memref<128x128xf32, #tpu.memory_space<vmem>>, vector<16xf32>,
        %mul3A_680 = arith.mulf %broadcast_in_dim3A_650, %get3A_11 : vector<16xf32>
        %add3A_681 = arith.addf %mul3A_680, %get3A_37 : vector<16xf32>
        %select_n3A_682 = arith.select %ne3A_651, %get3A_69, %add3A_681 : vector<16xi1>, vector<16xf32>
        %swap3A_683 = arith.index_cast %add3A_655 : i32 to index
        %swap3A_684 = arith.constant 64 : index
        %swap3A_685 = tpu.vector_load %arg10[%swap3A_683, %swap3A_684] {strides = array<i32>} : memref<128x128xf32, #tpu.memory_space<vmem>>, vector<16xf32>,
        tpu.vector_store %arg10[%swap3A_683, %swap3A_684], %select_n3A_682 {strides = array<i32>} : memref<128x128xf32, #tpu.memory_space<vmem>>, vector<16xf32>,
        %mul3A_686 = arith.mulf %broadcast_in_dim3A_650, %get3A_13 : vector<16xf32>
        %add3A_687 = arith.addf %mul3A_686, %get3A_41 : vector<16xf32>
        %select_n3A_688 = arith.select %ne3A_651, %get3A_73, %add3A_687 : vector<16xi1>, vector<16xf32>
        %swap3A_689 = arith.index_cast %add3A_655 : i32 to index
        %swap3A_690 = arith.constant 80 : index
        %swap3A_691 = tpu.vector_load %arg10[%swap3A_689, %swap3A_690] {strides = array<i32>} : memref<128x128xf32, #tpu.memory_space<vmem>>, vector<16xf32>,
        tpu.vector_store %arg10[%swap3A_689, %swap3A_690], %select_n3A_688 {strides = array<i32>} : memref<128x128xf32, #tpu.memory_space<vmem>>, vector<16xf32>,
        %mul3A_692 = arith.mulf %broadcast_in_dim3A_650, %get3A_15 : vector<16xf32>
        %add3A_693 = arith.addf %mul3A_692, %get3A_45 : vector<16xf32>
        %select_n3A_694 = arith.select %ne3A_651, %get3A_77, %add3A_693 : vector<16xi1>, vector<16xf32>
        %swap3A_695 = arith.index_cast %add3A_655 : i32 to index
        %swap3A_696 = arith.constant 96 : index
        %swap3A_697 = tpu.vector_load %arg10[%swap3A_695, %swap3A_696] {strides = array<i32>} : memref<128x128xf32, #tpu.memory_space<vmem>>, vector<16xf32>,
        tpu.vector_store %arg10[%swap3A_695, %swap3A_696], %select_n3A_694 {strides = array<i32>} : memref<128x128xf32, #tpu.memory_space<vmem>>, vector<16xf32>,
        %mul3A_698 = arith.mulf %broadcast_in_dim3A_650, %get3A_17 : vector<16xf32>
        %add3A_699 = arith.addf %mul3A_698, %get3A_49 : vector<16xf32>
        %select_n3A_700 = arith.select %ne3A_651, %get3A_81, %add3A_699 : vector<16xi1>, vector<16xf32>
        %swap3A_701 = arith.index_cast %add3A_655 : i32 to index
        %swap3A_702 = arith.constant 112 : index
        %swap3A_703 = tpu.vector_load %arg10[%swap3A_701, %swap3A_702] {strides = array<i32>} : memref<128x128xf32, #tpu.memory_space<vmem>>, vector<16xf32>,
        tpu.vector_store %arg10[%swap3A_701, %swap3A_702], %select_n3A_700 {strides = array<i32>} : memref<128x128xf32, #tpu.memory_space<vmem>>, vector<16xf32>,
        %slice3A_704 = vector.extract_strided_slice %get3A_149 {offsets = [10], sizes = [1], strides = [1]} : vector<16xf32> to vector<1xf32>
        %squeeze3A_705 = vector.extract %slice3A_704[0] : f32 from vector<1xf32>
        %broadcast_in_dim3A_706 = vector.broadcast %squeeze3A_705 : f32 to vector<16xf32>
        %ne3A_707 = arith.cmpf one, %broadcast_in_dim3A_706, %broadcast_in_dim3A_706 : vector<16xf32>
        %mul3A_708 = arith.constant 16 : i32
        %mul3A_709 = arith.muli %add3A_144, %mul3A_708 : i32
        %add3A_710 = arith.constant 10 : i32
        %add3A_711 = arith.addi %mul3A_709, %add3A_710 : i32
        %mul3A_712 = arith.mulf %broadcast_in_dim3A_706, %get3A_3 : vector<16xf32>
        %add3A_713 = arith.addf %mul3A_712, %get3A_21 : vector<16xf32>
        %select_n3A_714 = arith.select %ne3A_707, %get3A_53, %add3A_713 : vector<16xi1>, vector<16xf32>
        %swap3A_715 = arith.index_cast %add3A_711 : i32 to index
        %swap3A_716 = arith.constant 0 : index
        %swap3A_717 = tpu.vector_load %arg10[%swap3A_715, %swap3A_716] {strides = array<i32>} : memref<128x128xf32, #tpu.memory_space<vmem>>, vector<16xf32>,
        tpu.vector_store %arg10[%swap3A_715, %swap3A_716], %select_n3A_714 {strides = array<i32>} : memref<128x128xf32, #tpu.memory_space<vmem>>, vector<16xf32>,
        %mul3A_718 = arith.mulf %broadcast_in_dim3A_706, %get3A_5 : vector<16xf32>
        %add3A_719 = arith.addf %mul3A_718, %get3A_25 : vector<16xf32>
        %select_n3A_720 = arith.select %ne3A_707, %get3A_57, %add3A_719 : vector<16xi1>, vector<16xf32>
        %swap3A_721 = arith.index_cast %add3A_711 : i32 to index
        %swap3A_722 = arith.constant 16 : index
        %swap3A_723 = tpu.vector_load %arg10[%swap3A_721, %swap3A_722] {strides = array<i32>} : memref<128x128xf32, #tpu.memory_space<vmem>>, vector<16xf32>,
        tpu.vector_store %arg10[%swap3A_721, %swap3A_722], %select_n3A_720 {strides = array<i32>} : memref<128x128xf32, #tpu.memory_space<vmem>>, vector<16xf32>,
        %mul3A_724 = arith.mulf %broadcast_in_dim3A_706, %get3A_7 : vector<16xf32>
        %add3A_725 = arith.addf %mul3A_724, %get3A_29 : vector<16xf32>
        %select_n3A_726 = arith.select %ne3A_707, %get3A_61, %add3A_725 : vector<16xi1>, vector<16xf32>
        %swap3A_727 = arith.index_cast %add3A_711 : i32 to index
        %swap3A_728 = arith.constant 32 : index
        %swap3A_729 = tpu.vector_load %arg10[%swap3A_727, %swap3A_728] {strides = array<i32>} : memref<128x128xf32, #tpu.memory_space<vmem>>, vector<16xf32>,
        tpu.vector_store %arg10[%swap3A_727, %swap3A_728], %select_n3A_726 {strides = array<i32>} : memref<128x128xf32, #tpu.memory_space<vmem>>, vector<16xf32>,
        %mul3A_730 = arith.mulf %broadcast_in_dim3A_706, %get3A_9 : vector<16xf32>
        %add3A_731 = arith.addf %mul3A_730, %get3A_33 : vector<16xf32>
        %select_n3A_732 = arith.select %ne3A_707, %get3A_65, %add3A_731 : vector<16xi1>, vector<16xf32>
        %swap3A_733 = arith.index_cast %add3A_711 : i32 to index
        %swap3A_734 = arith.constant 48 : index
        %swap3A_735 = tpu.vector_load %arg10[%swap3A_733, %swap3A_734] {strides = array<i32>} : memref<128x128xf32, #tpu.memory_space<vmem>>, vector<16xf32>,
        tpu.vector_store %arg10[%swap3A_733, %swap3A_734], %select_n3A_732 {strides = array<i32>} : memref<128x128xf32, #tpu.memory_space<vmem>>, vector<16xf32>,
        %mul3A_736 = arith.mulf %broadcast_in_dim3A_706, %get3A_11 : vector<16xf32>
        %add3A_737 = arith.addf %mul3A_736, %get3A_37 : vector<16xf32>
        %select_n3A_738 = arith.select %ne3A_707, %get3A_69, %add3A_737 : vector<16xi1>, vector<16xf32>
        %swap3A_739 = arith.index_cast %add3A_711 : i32 to index
        %swap3A_740 = arith.constant 64 : index
        %swap3A_741 = tpu.vector_load %arg10[%swap3A_739, %swap3A_740] {strides = array<i32>} : memref<128x128xf32, #tpu.memory_space<vmem>>, vector<16xf32>,
        tpu.vector_store %arg10[%swap3A_739, %swap3A_740], %select_n3A_738 {strides = array<i32>} : memref<128x128xf32, #tpu.memory_space<vmem>>, vector<16xf32>,
        %mul3A_742 = arith.mulf %broadcast_in_dim3A_706, %get3A_13 : vector<16xf32>
        %add3A_743 = arith.addf %mul3A_742, %get3A_41 : vector<16xf32>
        %select_n3A_744 = arith.select %ne3A_707, %get3A_73, %add3A_743 : vector<16xi1>, vector<16xf32>
        %swap3A_745 = arith.index_cast %add3A_711 : i32 to index
        %swap3A_746 = arith.constant 80 : index
        %swap3A_747 = tpu.vector_load %arg10[%swap3A_745, %swap3A_746] {strides = array<i32>} : memref<128x128xf32, #tpu.memory_space<vmem>>, vector<16xf32>,
        tpu.vector_store %arg10[%swap3A_745, %swap3A_746], %select_n3A_744 {strides = array<i32>} : memref<128x128xf32, #tpu.memory_space<vmem>>, vector<16xf32>,
        %mul3A_748 = arith.mulf %broadcast_in_dim3A_706, %get3A_15 : vector<16xf32>
        %add3A_749 = arith.addf %mul3A_748, %get3A_45 : vector<16xf32>
        %select_n3A_750 = arith.select %ne3A_707, %get3A_77, %add3A_749 : vector<16xi1>, vector<16xf32>
        %swap3A_751 = arith.index_cast %add3A_711 : i32 to index
        %swap3A_752 = arith.constant 96 : index
        %swap3A_753 = tpu.vector_load %arg10[%swap3A_751, %swap3A_752] {strides = array<i32>} : memref<128x128xf32, #tpu.memory_space<vmem>>, vector<16xf32>,
        tpu.vector_store %arg10[%swap3A_751, %swap3A_752], %select_n3A_750 {strides = array<i32>} : memref<128x128xf32, #tpu.memory_space<vmem>>, vector<16xf32>,
        %mul3A_754 = arith.mulf %broadcast_in_dim3A_706, %get3A_17 : vector<16xf32>
        %add3A_755 = arith.addf %mul3A_754, %get3A_49 : vector<16xf32>
        %select_n3A_756 = arith.select %ne3A_707, %get3A_81, %add3A_755 : vector<16xi1>, vector<16xf32>
        %swap3A_757 = arith.index_cast %add3A_711 : i32 to index
        %swap3A_758 = arith.constant 112 : index
        %swap3A_759 = tpu.vector_load %arg10[%swap3A_757, %swap3A_758] {strides = array<i32>} : memref<128x128xf32, #tpu.memory_space<vmem>>, vector<16xf32>,
        tpu.vector_store %arg10[%swap3A_757, %swap3A_758], %select_n3A_756 {strides = array<i32>} : memref<128x128xf32, #tpu.memory_space<vmem>>, vector<16xf32>,
        %slice3A_760 = vector.extract_strided_slice %get3A_149 {offsets = [11], sizes = [1], strides = [1]} : vector<16xf32> to vector<1xf32>
        %squeeze3A_761 = vector.extract %slice3A_760[0] : f32 from vector<1xf32>
        %broadcast_in_dim3A_762 = vector.broadcast %squeeze3A_761 : f32 to vector<16xf32>
        %ne3A_763 = arith.cmpf one, %broadcast_in_dim3A_762, %broadcast_in_dim3A_762 : vector<16xf32>
        %mul3A_764 = arith.constant 16 : i32
        %mul3A_765 = arith.muli %add3A_144, %mul3A_764 : i32
        %add3A_766 = arith.constant 11 : i32
        %add3A_767 = arith.addi %mul3A_765, %add3A_766 : i32
        %mul3A_768 = arith.mulf %broadcast_in_dim3A_762, %get3A_3 : vector<16xf32>
        %add3A_769 = arith.addf %mul3A_768, %get3A_21 : vector<16xf32>
        %select_n3A_770 = arith.select %ne3A_763, %get3A_53, %add3A_769 : vector<16xi1>, vector<16xf32>
        %swap3A_771 = arith.index_cast %add3A_767 : i32 to index
        %swap3A_772 = arith.constant 0 : index
        %swap3A_773 = tpu.vector_load %arg10[%swap3A_771, %swap3A_772] {strides = array<i32>} : memref<128x128xf32, #tpu.memory_space<vmem>>, vector<16xf32>,
        tpu.vector_store %arg10[%swap3A_771, %swap3A_772], %select_n3A_770 {strides = array<i32>} : memref<128x128xf32, #tpu.memory_space<vmem>>, vector<16xf32>,
        %mul3A_774 = arith.mulf %broadcast_in_dim3A_762, %get3A_5 : vector<16xf32>
        %add3A_775 = arith.addf %mul3A_774, %get3A_25 : vector<16xf32>
        %select_n3A_776 = arith.select %ne3A_763, %get3A_57, %add3A_775 : vector<16xi1>, vector<16xf32>
        %swap3A_777 = arith.index_cast %add3A_767 : i32 to index
        %swap3A_778 = arith.constant 16 : index
        %swap3A_779 = tpu.vector_load %arg10[%swap3A_777, %swap3A_778] {strides = array<i32>} : memref<128x128xf32, #tpu.memory_space<vmem>>, vector<16xf32>,
        tpu.vector_store %arg10[%swap3A_777, %swap3A_778], %select_n3A_776 {strides = array<i32>} : memref<128x128xf32, #tpu.memory_space<vmem>>, vector<16xf32>,
        %mul3A_780 = arith.mulf %broadcast_in_dim3A_762, %get3A_7 : vector<16xf32>
        %add3A_781 = arith.addf %mul3A_780, %get3A_29 : vector<16xf32>
        %select_n3A_782 = arith.select %ne3A_763, %get3A_61, %add3A_781 : vector<16xi1>, vector<16xf32>
        %swap3A_783 = arith.index_cast %add3A_767 : i32 to index
        %swap3A_784 = arith.constant 32 : index
        %swap3A_785 = tpu.vector_load %arg10[%swap3A_783, %swap3A_784] {strides = array<i32>} : memref<128x128xf32, #tpu.memory_space<vmem>>, vector<16xf32>,
        tpu.vector_store %arg10[%swap3A_783, %swap3A_784], %select_n3A_782 {strides = array<i32>} : memref<128x128xf32, #tpu.memory_space<vmem>>, vector<16xf32>,
        %mul3A_786 = arith.mulf %broadcast_in_dim3A_762, %get3A_9 : vector<16xf32>
        %add3A_787 = arith.addf %mul3A_786, %get3A_33 : vector<16xf32>
        %select_n3A_788 = arith.select %ne3A_763, %get3A_65, %add3A_787 : vector<16xi1>, vector<16xf32>
        %swap3A_789 = arith.index_cast %add3A_767 : i32 to index
        %swap3A_790 = arith.constant 48 : index
        %swap3A_791 = tpu.vector_load %arg10[%swap3A_789, %swap3A_790] {strides = array<i32>} : memref<128x128xf32, #tpu.memory_space<vmem>>, vector<16xf32>,
        tpu.vector_store %arg10[%swap3A_789, %swap3A_790], %select_n3A_788 {strides = array<i32>} : memref<128x128xf32, #tpu.memory_space<vmem>>, vector<16xf32>,
        %mul3A_792 = arith.mulf %broadcast_in_dim3A_762, %get3A_11 : vector<16xf32>
        %add3A_793 = arith.addf %mul3A_792, %get3A_37 : vector<16xf32>
        %select_n3A_794 = arith.select %ne3A_763, %get3A_69, %add3A_793 : vector<16xi1>, vector<16xf32>
        %swap3A_795 = arith.index_cast %add3A_767 : i32 to index
        %swap3A_796 = arith.constant 64 : index
        %swap3A_797 = tpu.vector_load %arg10[%swap3A_795, %swap3A_796] {strides = array<i32>} : memref<128x128xf32, #tpu.memory_space<vmem>>, vector<16xf32>,
        tpu.vector_store %arg10[%swap3A_795, %swap3A_796], %select_n3A_794 {strides = array<i32>} : memref<128x128xf32, #tpu.memory_space<vmem>>, vector<16xf32>,
        %mul3A_798 = arith.mulf %broadcast_in_dim3A_762, %get3A_13 : vector<16xf32>
        %add3A_799 = arith.addf %mul3A_798, %get3A_41 : vector<16xf32>
        %select_n3A_800 = arith.select %ne3A_763, %get3A_73, %add3A_799 : vector<16xi1>, vector<16xf32>
        %swap3A_801 = arith.index_cast %add3A_767 : i32 to index
        %swap3A_802 = arith.constant 80 : index
        %swap3A_803 = tpu.vector_load %arg10[%swap3A_801, %swap3A_802] {strides = array<i32>} : memref<128x128xf32, #tpu.memory_space<vmem>>, vector<16xf32>,
        tpu.vector_store %arg10[%swap3A_801, %swap3A_802], %select_n3A_800 {strides = array<i32>} : memref<128x128xf32, #tpu.memory_space<vmem>>, vector<16xf32>,
        %mul3A_804 = arith.mulf %broadcast_in_dim3A_762, %get3A_15 : vector<16xf32>
        %add3A_805 = arith.addf %mul3A_804, %get3A_45 : vector<16xf32>
        %select_n3A_806 = arith.select %ne3A_763, %get3A_77, %add3A_805 : vector<16xi1>, vector<16xf32>
        %swap3A_807 = arith.index_cast %add3A_767 : i32 to index
        %swap3A_808 = arith.constant 96 : index
        %swap3A_809 = tpu.vector_load %arg10[%swap3A_807, %swap3A_808] {strides = array<i32>} : memref<128x128xf32, #tpu.memory_space<vmem>>, vector<16xf32>,
        tpu.vector_store %arg10[%swap3A_807, %swap3A_808], %select_n3A_806 {strides = array<i32>} : memref<128x128xf32, #tpu.memory_space<vmem>>, vector<16xf32>,
        %mul3A_810 = arith.mulf %broadcast_in_dim3A_762, %get3A_17 : vector<16xf32>
        %add3A_811 = arith.addf %mul3A_810, %get3A_49 : vector<16xf32>
        %select_n3A_812 = arith.select %ne3A_763, %get3A_81, %add3A_811 : vector<16xi1>, vector<16xf32>
        %swap3A_813 = arith.index_cast %add3A_767 : i32 to index
        %swap3A_814 = arith.constant 112 : index
        %swap3A_815 = tpu.vector_load %arg10[%swap3A_813, %swap3A_814] {strides = array<i32>} : memref<128x128xf32, #tpu.memory_space<vmem>>, vector<16xf32>,
        tpu.vector_store %arg10[%swap3A_813, %swap3A_814], %select_n3A_812 {strides = array<i32>} : memref<128x128xf32, #tpu.memory_space<vmem>>, vector<16xf32>,
        %slice3A_816 = vector.extract_strided_slice %get3A_149 {offsets = [12], sizes = [1], strides = [1]} : vector<16xf32> to vector<1xf32>
        %squeeze3A_817 = vector.extract %slice3A_816[0] : f32 from vector<1xf32>
        %broadcast_in_dim3A_818 = vector.broadcast %squeeze3A_817 : f32 to vector<16xf32>
        %ne3A_819 = arith.cmpf one, %broadcast_in_dim3A_818, %broadcast_in_dim3A_818 : vector<16xf32>
        %mul3A_820 = arith.constant 16 : i32
        %mul3A_821 = arith.muli %add3A_144, %mul3A_820 : i32
        %add3A_822 = arith.constant 12 : i32
        %add3A_823 = arith.addi %mul3A_821, %add3A_822 : i32
        %mul3A_824 = arith.mulf %broadcast_in_dim3A_818, %get3A_3 : vector<16xf32>
        %add3A_825 = arith.addf %mul3A_824, %get3A_21 : vector<16xf32>
        %select_n3A_826 = arith.select %ne3A_819, %get3A_53, %add3A_825 : vector<16xi1>, vector<16xf32>
        %swap3A_827 = arith.index_cast %add3A_823 : i32 to index
        %swap3A_828 = arith.constant 0 : index
        %swap3A_829 = tpu.vector_load %arg10[%swap3A_827, %swap3A_828] {strides = array<i32>} : memref<128x128xf32, #tpu.memory_space<vmem>>, vector<16xf32>,
        tpu.vector_store %arg10[%swap3A_827, %swap3A_828], %select_n3A_826 {strides = array<i32>} : memref<128x128xf32, #tpu.memory_space<vmem>>, vector<16xf32>,
        %mul3A_830 = arith.mulf %broadcast_in_dim3A_818, %get3A_5 : vector<16xf32>
        %add3A_831 = arith.addf %mul3A_830, %get3A_25 : vector<16xf32>
        %select_n3A_832 = arith.select %ne3A_819, %get3A_57, %add3A_831 : vector<16xi1>, vector<16xf32>
        %swap3A_833 = arith.index_cast %add3A_823 : i32 to index
        %swap3A_834 = arith.constant 16 : index
        %swap3A_835 = tpu.vector_load %arg10[%swap3A_833, %swap3A_834] {strides = array<i32>} : memref<128x128xf32, #tpu.memory_space<vmem>>, vector<16xf32>,
        tpu.vector_store %arg10[%swap3A_833, %swap3A_834], %select_n3A_832 {strides = array<i32>} : memref<128x128xf32, #tpu.memory_space<vmem>>, vector<16xf32>,
        %mul3A_836 = arith.mulf %broadcast_in_dim3A_818, %get3A_7 : vector<16xf32>
        %add3A_837 = arith.addf %mul3A_836, %get3A_29 : vector<16xf32>
        %select_n3A_838 = arith.select %ne3A_819, %get3A_61, %add3A_837 : vector<16xi1>, vector<16xf32>
        %swap3A_839 = arith.index_cast %add3A_823 : i32 to index
        %swap3A_840 = arith.constant 32 : index
        %swap3A_841 = tpu.vector_load %arg10[%swap3A_839, %swap3A_840] {strides = array<i32>} : memref<128x128xf32, #tpu.memory_space<vmem>>, vector<16xf32>,
        tpu.vector_store %arg10[%swap3A_839, %swap3A_840], %select_n3A_838 {strides = array<i32>} : memref<128x128xf32, #tpu.memory_space<vmem>>, vector<16xf32>,
        %mul3A_842 = arith.mulf %broadcast_in_dim3A_818, %get3A_9 : vector<16xf32>
        %add3A_843 = arith.addf %mul3A_842, %get3A_33 : vector<16xf32>
        %select_n3A_844 = arith.select %ne3A_819, %get3A_65, %add3A_843 : vector<16xi1>, vector<16xf32>
        %swap3A_845 = arith.index_cast %add3A_823 : i32 to index
        %swap3A_846 = arith.constant 48 : index
        %swap3A_847 = tpu.vector_load %arg10[%swap3A_845, %swap3A_846] {strides = array<i32>} : memref<128x128xf32, #tpu.memory_space<vmem>>, vector<16xf32>,
        tpu.vector_store %arg10[%swap3A_845, %swap3A_846], %select_n3A_844 {strides = array<i32>} : memref<128x128xf32, #tpu.memory_space<vmem>>, vector<16xf32>,
        %mul3A_848 = arith.mulf %broadcast_in_dim3A_818, %get3A_11 : vector<16xf32>
        %add3A_849 = arith.addf %mul3A_848, %get3A_37 : vector<16xf32>
        %select_n3A_850 = arith.select %ne3A_819, %get3A_69, %add3A_849 : vector<16xi1>, vector<16xf32>
        %swap3A_851 = arith.index_cast %add3A_823 : i32 to index
        %swap3A_852 = arith.constant 64 : index
        %swap3A_853 = tpu.vector_load %arg10[%swap3A_851, %swap3A_852] {strides = array<i32>} : memref<128x128xf32, #tpu.memory_space<vmem>>, vector<16xf32>,
        tpu.vector_store %arg10[%swap3A_851, %swap3A_852], %select_n3A_850 {strides = array<i32>} : memref<128x128xf32, #tpu.memory_space<vmem>>, vector<16xf32>,
        %mul3A_854 = arith.mulf %broadcast_in_dim3A_818, %get3A_13 : vector<16xf32>
        %add3A_855 = arith.addf %mul3A_854, %get3A_41 : vector<16xf32>
        %select_n3A_856 = arith.select %ne3A_819, %get3A_73, %add3A_855 : vector<16xi1>, vector<16xf32>
        %swap3A_857 = arith.index_cast %add3A_823 : i32 to index
        %swap3A_858 = arith.constant 80 : index
        %swap3A_859 = tpu.vector_load %arg10[%swap3A_857, %swap3A_858] {strides = array<i32>} : memref<128x128xf32, #tpu.memory_space<vmem>>, vector<16xf32>,
        tpu.vector_store %arg10[%swap3A_857, %swap3A_858], %select_n3A_856 {strides = array<i32>} : memref<128x128xf32, #tpu.memory_space<vmem>>, vector<16xf32>,
        %mul3A_860 = arith.mulf %broadcast_in_dim3A_818, %get3A_15 : vector<16xf32>
        %add3A_861 = arith.addf %mul3A_860, %get3A_45 : vector<16xf32>
        %select_n3A_862 = arith.select %ne3A_819, %get3A_77, %add3A_861 : vector<16xi1>, vector<16xf32>
        %swap3A_863 = arith.index_cast %add3A_823 : i32 to index
        %swap3A_864 = arith.constant 96 : index
        %swap3A_865 = tpu.vector_load %arg10[%swap3A_863, %swap3A_864] {strides = array<i32>} : memref<128x128xf32, #tpu.memory_space<vmem>>, vector<16xf32>,
        tpu.vector_store %arg10[%swap3A_863, %swap3A_864], %select_n3A_862 {strides = array<i32>} : memref<128x128xf32, #tpu.memory_space<vmem>>, vector<16xf32>,
        %mul3A_866 = arith.mulf %broadcast_in_dim3A_818, %get3A_17 : vector<16xf32>
        %add3A_867 = arith.addf %mul3A_866, %get3A_49 : vector<16xf32>
        %select_n3A_868 = arith.select %ne3A_819, %get3A_81, %add3A_867 : vector<16xi1>, vector<16xf32>
        %swap3A_869 = arith.index_cast %add3A_823 : i32 to index
        %swap3A_870 = arith.constant 112 : index
        %swap3A_871 = tpu.vector_load %arg10[%swap3A_869, %swap3A_870] {strides = array<i32>} : memref<128x128xf32, #tpu.memory_space<vmem>>, vector<16xf32>,
        tpu.vector_store %arg10[%swap3A_869, %swap3A_870], %select_n3A_868 {strides = array<i32>} : memref<128x128xf32, #tpu.memory_space<vmem>>, vector<16xf32>,
        %slice3A_872 = vector.extract_strided_slice %get3A_149 {offsets = [13], sizes = [1], strides = [1]} : vector<16xf32> to vector<1xf32>
        %squeeze3A_873 = vector.extract %slice3A_872[0] : f32 from vector<1xf32>
        %broadcast_in_dim3A_874 = vector.broadcast %squeeze3A_873 : f32 to vector<16xf32>
        %ne3A_875 = arith.cmpf one, %broadcast_in_dim3A_874, %broadcast_in_dim3A_874 : vector<16xf32>
        %mul3A_876 = arith.constant 16 : i32
        %mul3A_877 = arith.muli %add3A_144, %mul3A_876 : i32
        %add3A_878 = arith.constant 13 : i32
        %add3A_879 = arith.addi %mul3A_877, %add3A_878 : i32
        %mul3A_880 = arith.mulf %broadcast_in_dim3A_874, %get3A_3 : vector<16xf32>
        %add3A_881 = arith.addf %mul3A_880, %get3A_21 : vector<16xf32>
        %select_n3A_882 = arith.select %ne3A_875, %get3A_53, %add3A_881 : vector<16xi1>, vector<16xf32>
        %swap3A_883 = arith.index_cast %add3A_879 : i32 to index
        %swap3A_884 = arith.constant 0 : index
        %swap3A_885 = tpu.vector_load %arg10[%swap3A_883, %swap3A_884] {strides = array<i32>} : memref<128x128xf32, #tpu.memory_space<vmem>>, vector<16xf32>,
        tpu.vector_store %arg10[%swap3A_883, %swap3A_884], %select_n3A_882 {strides = array<i32>} : memref<128x128xf32, #tpu.memory_space<vmem>>, vector<16xf32>,
        %mul3A_886 = arith.mulf %broadcast_in_dim3A_874, %get3A_5 : vector<16xf32>
        %add3A_887 = arith.addf %mul3A_886, %get3A_25 : vector<16xf32>
        %select_n3A_888 = arith.select %ne3A_875, %get3A_57, %add3A_887 : vector<16xi1>, vector<16xf32>
        %swap3A_889 = arith.index_cast %add3A_879 : i32 to index
        %swap3A_890 = arith.constant 16 : index
        %swap3A_891 = tpu.vector_load %arg10[%swap3A_889, %swap3A_890] {strides = array<i32>} : memref<128x128xf32, #tpu.memory_space<vmem>>, vector<16xf32>,
        tpu.vector_store %arg10[%swap3A_889, %swap3A_890], %select_n3A_888 {strides = array<i32>} : memref<128x128xf32, #tpu.memory_space<vmem>>, vector<16xf32>,
        %mul3A_892 = arith.mulf %broadcast_in_dim3A_874, %get3A_7 : vector<16xf32>
        %add3A_893 = arith.addf %mul3A_892, %get3A_29 : vector<16xf32>
        %select_n3A_894 = arith.select %ne3A_875, %get3A_61, %add3A_893 : vector<16xi1>, vector<16xf32>
        %swap3A_895 = arith.index_cast %add3A_879 : i32 to index
        %swap3A_896 = arith.constant 32 : index
        %swap3A_897 = tpu.vector_load %arg10[%swap3A_895, %swap3A_896] {strides = array<i32>} : memref<128x128xf32, #tpu.memory_space<vmem>>, vector<16xf32>,
        tpu.vector_store %arg10[%swap3A_895, %swap3A_896], %select_n3A_894 {strides = array<i32>} : memref<128x128xf32, #tpu.memory_space<vmem>>, vector<16xf32>,
        %mul3A_898 = arith.mulf %broadcast_in_dim3A_874, %get3A_9 : vector<16xf32>
        %add3A_899 = arith.addf %mul3A_898, %get3A_33 : vector<16xf32>
        %select_n3A_900 = arith.select %ne3A_875, %get3A_65, %add3A_899 : vector<16xi1>, vector<16xf32>
        %swap3A_901 = arith.index_cast %add3A_879 : i32 to index
        %swap3A_902 = arith.constant 48 : index
        %swap3A_903 = tpu.vector_load %arg10[%swap3A_901, %swap3A_902] {strides = array<i32>} : memref<128x128xf32, #tpu.memory_space<vmem>>, vector<16xf32>,
        tpu.vector_store %arg10[%swap3A_901, %swap3A_902], %select_n3A_900 {strides = array<i32>} : memref<128x128xf32, #tpu.memory_space<vmem>>, vector<16xf32>,
        %mul3A_904 = arith.mulf %broadcast_in_dim3A_874, %get3A_11 : vector<16xf32>
        %add3A_905 = arith.addf %mul3A_904, %get3A_37 : vector<16xf32>
        %select_n3A_906 = arith.select %ne3A_875, %get3A_69, %add3A_905 : vector<16xi1>, vector<16xf32>
        %swap3A_907 = arith.index_cast %add3A_879 : i32 to index
        %swap3A_908 = arith.constant 64 : index
        %swap3A_909 = tpu.vector_load %arg10[%swap3A_907, %swap3A_908] {strides = array<i32>} : memref<128x128xf32, #tpu.memory_space<vmem>>, vector<16xf32>,
        tpu.vector_store %arg10[%swap3A_907, %swap3A_908], %select_n3A_906 {strides = array<i32>} : memref<128x128xf32, #tpu.memory_space<vmem>>, vector<16xf32>,
        %mul3A_910 = arith.mulf %broadcast_in_dim3A_874, %get3A_13 : vector<16xf32>
        %add3A_911 = arith.addf %mul3A_910, %get3A_41 : vector<16xf32>
        %select_n3A_912 = arith.select %ne3A_875, %get3A_73, %add3A_911 : vector<16xi1>, vector<16xf32>
        %swap3A_913 = arith.index_cast %add3A_879 : i32 to index
        %swap3A_914 = arith.constant 80 : index
        %swap3A_915 = tpu.vector_load %arg10[%swap3A_913, %swap3A_914] {strides = array<i32>} : memref<128x128xf32, #tpu.memory_space<vmem>>, vector<16xf32>,
        tpu.vector_store %arg10[%swap3A_913, %swap3A_914], %select_n3A_912 {strides = array<i32>} : memref<128x128xf32, #tpu.memory_space<vmem>>, vector<16xf32>,
        %mul3A_916 = arith.mulf %broadcast_in_dim3A_874, %get3A_15 : vector<16xf32>
        %add3A_917 = arith.addf %mul3A_916, %get3A_45 : vector<16xf32>
        %select_n3A_918 = arith.select %ne3A_875, %get3A_77, %add3A_917 : vector<16xi1>, vector<16xf32>
        %swap3A_919 = arith.index_cast %add3A_879 : i32 to index
        %swap3A_920 = arith.constant 96 : index
        %swap3A_921 = tpu.vector_load %arg10[%swap3A_919, %swap3A_920] {strides = array<i32>} : memref<128x128xf32, #tpu.memory_space<vmem>>, vector<16xf32>,
        tpu.vector_store %arg10[%swap3A_919, %swap3A_920], %select_n3A_918 {strides = array<i32>} : memref<128x128xf32, #tpu.memory_space<vmem>>, vector<16xf32>,
        %mul3A_922 = arith.mulf %broadcast_in_dim3A_874, %get3A_17 : vector<16xf32>
        %add3A_923 = arith.addf %mul3A_922, %get3A_49 : vector<16xf32>
        %select_n3A_924 = arith.select %ne3A_875, %get3A_81, %add3A_923 : vector<16xi1>, vector<16xf32>
        %swap3A_925 = arith.index_cast %add3A_879 : i32 to index
        %swap3A_926 = arith.constant 112 : index
        %swap3A_927 = tpu.vector_load %arg10[%swap3A_925, %swap3A_926] {strides = array<i32>} : memref<128x128xf32, #tpu.memory_space<vmem>>, vector<16xf32>,
        tpu.vector_store %arg10[%swap3A_925, %swap3A_926], %select_n3A_924 {strides = array<i32>} : memref<128x128xf32, #tpu.memory_space<vmem>>, vector<16xf32>,
        %slice3A_928 = vector.extract_strided_slice %get3A_149 {offsets = [14], sizes = [1], strides = [1]} : vector<16xf32> to vector<1xf32>
        %squeeze3A_929 = vector.extract %slice3A_928[0] : f32 from vector<1xf32>
        %broadcast_in_dim3A_930 = vector.broadcast %squeeze3A_929 : f32 to vector<16xf32>
        %ne3A_931 = arith.cmpf one, %broadcast_in_dim3A_930, %broadcast_in_dim3A_930 : vector<16xf32>
        %mul3A_932 = arith.constant 16 : i32
        %mul3A_933 = arith.muli %add3A_144, %mul3A_932 : i32
        %add3A_934 = arith.constant 14 : i32
        %add3A_935 = arith.addi %mul3A_933, %add3A_934 : i32
        %mul3A_936 = arith.mulf %broadcast_in_dim3A_930, %get3A_3 : vector<16xf32>
        %add3A_937 = arith.addf %mul3A_936, %get3A_21 : vector<16xf32>
        %select_n3A_938 = arith.select %ne3A_931, %get3A_53, %add3A_937 : vector<16xi1>, vector<16xf32>
        %swap3A_939 = arith.index_cast %add3A_935 : i32 to index
        %swap3A_940 = arith.constant 0 : index
        %swap3A_941 = tpu.vector_load %arg10[%swap3A_939, %swap3A_940] {strides = array<i32>} : memref<128x128xf32, #tpu.memory_space<vmem>>, vector<16xf32>,
        tpu.vector_store %arg10[%swap3A_939, %swap3A_940], %select_n3A_938 {strides = array<i32>} : memref<128x128xf32, #tpu.memory_space<vmem>>, vector<16xf32>,
        %mul3A_942 = arith.mulf %broadcast_in_dim3A_930, %get3A_5 : vector<16xf32>
        %add3A_943 = arith.addf %mul3A_942, %get3A_25 : vector<16xf32>
        %select_n3A_944 = arith.select %ne3A_931, %get3A_57, %add3A_943 : vector<16xi1>, vector<16xf32>
        %swap3A_945 = arith.index_cast %add3A_935 : i32 to index
        %swap3A_946 = arith.constant 16 : index
        %swap3A_947 = tpu.vector_load %arg10[%swap3A_945, %swap3A_946] {strides = array<i32>} : memref<128x128xf32, #tpu.memory_space<vmem>>, vector<16xf32>,
        tpu.vector_store %arg10[%swap3A_945, %swap3A_946], %select_n3A_944 {strides = array<i32>} : memref<128x128xf32, #tpu.memory_space<vmem>>, vector<16xf32>,
        %mul3A_948 = arith.mulf %broadcast_in_dim3A_930, %get3A_7 : vector<16xf32>
        %add3A_949 = arith.addf %mul3A_948, %get3A_29 : vector<16xf32>
        %select_n3A_950 = arith.select %ne3A_931, %get3A_61, %add3A_949 : vector<16xi1>, vector<16xf32>
        %swap3A_951 = arith.index_cast %add3A_935 : i32 to index
        %swap3A_952 = arith.constant 32 : index
        %swap3A_953 = tpu.vector_load %arg10[%swap3A_951, %swap3A_952] {strides = array<i32>} : memref<128x128xf32, #tpu.memory_space<vmem>>, vector<16xf32>,
        tpu.vector_store %arg10[%swap3A_951, %swap3A_952], %select_n3A_950 {strides = array<i32>} : memref<128x128xf32, #tpu.memory_space<vmem>>, vector<16xf32>,
        %mul3A_954 = arith.mulf %broadcast_in_dim3A_930, %get3A_9 : vector<16xf32>
        %add3A_955 = arith.addf %mul3A_954, %get3A_33 : vector<16xf32>
        %select_n3A_956 = arith.select %ne3A_931, %get3A_65, %add3A_955 : vector<16xi1>, vector<16xf32>
        %swap3A_957 = arith.index_cast %add3A_935 : i32 to index
        %swap3A_958 = arith.constant 48 : index
        %swap3A_959 = tpu.vector_load %arg10[%swap3A_957, %swap3A_958] {strides = array<i32>} : memref<128x128xf32, #tpu.memory_space<vmem>>, vector<16xf32>,
        tpu.vector_store %arg10[%swap3A_957, %swap3A_958], %select_n3A_956 {strides = array<i32>} : memref<128x128xf32, #tpu.memory_space<vmem>>, vector<16xf32>,
        %mul3A_960 = arith.mulf %broadcast_in_dim3A_930, %get3A_11 : vector<16xf32>
        %add3A_961 = arith.addf %mul3A_960, %get3A_37 : vector<16xf32>
        %select_n3A_962 = arith.select %ne3A_931, %get3A_69, %add3A_961 : vector<16xi1>, vector<16xf32>
        %swap3A_963 = arith.index_cast %add3A_935 : i32 to index
        %swap3A_964 = arith.constant 64 : index
        %swap3A_965 = tpu.vector_load %arg10[%swap3A_963, %swap3A_964] {strides = array<i32>} : memref<128x128xf32, #tpu.memory_space<vmem>>, vector<16xf32>,
        tpu.vector_store %arg10[%swap3A_963, %swap3A_964], %select_n3A_962 {strides = array<i32>} : memref<128x128xf32, #tpu.memory_space<vmem>>, vector<16xf32>,
        %mul3A_966 = arith.mulf %broadcast_in_dim3A_930, %get3A_13 : vector<16xf32>
        %add3A_967 = arith.addf %mul3A_966, %get3A_41 : vector<16xf32>
        %select_n3A_968 = arith.select %ne3A_931, %get3A_73, %add3A_967 : vector<16xi1>, vector<16xf32>
        %swap3A_969 = arith.index_cast %add3A_935 : i32 to index
        %swap3A_970 = arith.constant 80 : index
        %swap3A_971 = tpu.vector_load %arg10[%swap3A_969, %swap3A_970] {strides = array<i32>} : memref<128x128xf32, #tpu.memory_space<vmem>>, vector<16xf32>,
        tpu.vector_store %arg10[%swap3A_969, %swap3A_970], %select_n3A_968 {strides = array<i32>} : memref<128x128xf32, #tpu.memory_space<vmem>>, vector<16xf32>,
        %mul3A_972 = arith.mulf %broadcast_in_dim3A_930, %get3A_15 : vector<16xf32>
        %add3A_973 = arith.addf %mul3A_972, %get3A_45 : vector<16xf32>
        %select_n3A_974 = arith.select %ne3A_931, %get3A_77, %add3A_973 : vector<16xi1>, vector<16xf32>
        %swap3A_975 = arith.index_cast %add3A_935 : i32 to index
        %swap3A_976 = arith.constant 96 : index
        %swap3A_977 = tpu.vector_load %arg10[%swap3A_975, %swap3A_976] {strides = array<i32>} : memref<128x128xf32, #tpu.memory_space<vmem>>, vector<16xf32>,
        tpu.vector_store %arg10[%swap3A_975, %swap3A_976], %select_n3A_974 {strides = array<i32>} : memref<128x128xf32, #tpu.memory_space<vmem>>, vector<16xf32>,
        %mul3A_978 = arith.mulf %broadcast_in_dim3A_930, %get3A_17 : vector<16xf32>
        %add3A_979 = arith.addf %mul3A_978, %get3A_49 : vector<16xf32>
        %select_n3A_980 = arith.select %ne3A_931, %get3A_81, %add3A_979 : vector<16xi1>, vector<16xf32>
        %swap3A_981 = arith.index_cast %add3A_935 : i32 to index
        %swap3A_982 = arith.constant 112 : index
        %swap3A_983 = tpu.vector_load %arg10[%swap3A_981, %swap3A_982] {strides = array<i32>} : memref<128x128xf32, #tpu.memory_space<vmem>>, vector<16xf32>,
        tpu.vector_store %arg10[%swap3A_981, %swap3A_982], %select_n3A_980 {strides = array<i32>} : memref<128x128xf32, #tpu.memory_space<vmem>>, vector<16xf32>,
        %slice3A_984 = vector.extract_strided_slice %get3A_149 {offsets = [15], sizes = [1], strides = [1]} : vector<16xf32> to vector<1xf32>
        %squeeze3A_985 = vector.extract %slice3A_984[0] : f32 from vector<1xf32>
        %broadcast_in_dim3A_986 = vector.broadcast %squeeze3A_985 : f32 to vector<16xf32>
        %ne3A_987 = arith.cmpf one, %broadcast_in_dim3A_986, %broadcast_in_dim3A_986 : vector<16xf32>
        %mul3A_988 = arith.constant 16 : i32
        %mul3A_989 = arith.muli %add3A_144, %mul3A_988 : i32
        %add3A_990 = arith.constant 15 : i32
        %add3A_991 = arith.addi %mul3A_989, %add3A_990 : i32
        %mul3A_992 = arith.mulf %broadcast_in_dim3A_986, %get3A_3 : vector<16xf32>
        %add3A_993 = arith.addf %mul3A_992, %get3A_21 : vector<16xf32>
        %select_n3A_994 = arith.select %ne3A_987, %get3A_53, %add3A_993 : vector<16xi1>, vector<16xf32>
        %swap3A_995 = arith.index_cast %add3A_991 : i32 to index
        %swap3A_996 = arith.constant 0 : index
        %swap3A_997 = tpu.vector_load %arg10[%swap3A_995, %swap3A_996] {strides = array<i32>} : memref<128x128xf32, #tpu.memory_space<vmem>>, vector<16xf32>,
        tpu.vector_store %arg10[%swap3A_995, %swap3A_996], %select_n3A_994 {strides = array<i32>} : memref<128x128xf32, #tpu.memory_space<vmem>>, vector<16xf32>,
        %mul3A_998 = arith.mulf %broadcast_in_dim3A_986, %get3A_5 : vector<16xf32>
        %add3A_999 = arith.addf %mul3A_998, %get3A_25 : vector<16xf32>
        %select_n3A_1000 = arith.select %ne3A_987, %get3A_57, %add3A_999 : vector<16xi1>, vector<16xf32>
        %swap3A_1001 = arith.index_cast %add3A_991 : i32 to index
        %swap3A_1002 = arith.constant 16 : index
        %swap3A_1003 = tpu.vector_load %arg10[%swap3A_1001, %swap3A_1002] {strides = array<i32>} : memref<128x128xf32, #tpu.memory_space<vmem>>, vector<16xf32>,
        tpu.vector_store %arg10[%swap3A_1001, %swap3A_1002], %select_n3A_1000 {strides = array<i32>} : memref<128x128xf32, #tpu.memory_space<vmem>>, vector<16xf32>,
        %mul3A_1004 = arith.mulf %broadcast_in_dim3A_986, %get3A_7 : vector<16xf32>
        %add3A_1005 = arith.addf %mul3A_1004, %get3A_29 : vector<16xf32>
        %select_n3A_1006 = arith.select %ne3A_987, %get3A_61, %add3A_1005 : vector<16xi1>, vector<16xf32>
        %swap3A_1007 = arith.index_cast %add3A_991 : i32 to index
        %swap3A_1008 = arith.constant 32 : index
        %swap3A_1009 = tpu.vector_load %arg10[%swap3A_1007, %swap3A_1008] {strides = array<i32>} : memref<128x128xf32, #tpu.memory_space<vmem>>, vector<16xf32>,
        tpu.vector_store %arg10[%swap3A_1007, %swap3A_1008], %select_n3A_1006 {strides = array<i32>} : memref<128x128xf32, #tpu.memory_space<vmem>>, vector<16xf32>,
        %mul3A_1010 = arith.mulf %broadcast_in_dim3A_986, %get3A_9 : vector<16xf32>
        %add3A_1011 = arith.addf %mul3A_1010, %get3A_33 : vector<16xf32>
        %select_n3A_1012 = arith.select %ne3A_987, %get3A_65, %add3A_1011 : vector<16xi1>, vector<16xf32>
        %swap3A_1013 = arith.index_cast %add3A_991 : i32 to index
        %swap3A_1014 = arith.constant 48 : index
        %swap3A_1015 = tpu.vector_load %arg10[%swap3A_1013, %swap3A_1014] {strides = array<i32>} : memref<128x128xf32, #tpu.memory_space<vmem>>, vector<16xf32>,
        tpu.vector_store %arg10[%swap3A_1013, %swap3A_1014], %select_n3A_1012 {strides = array<i32>} : memref<128x128xf32, #tpu.memory_space<vmem>>, vector<16xf32>,
        %mul3A_1016 = arith.mulf %broadcast_in_dim3A_986, %get3A_11 : vector<16xf32>
        %add3A_1017 = arith.addf %mul3A_1016, %get3A_37 : vector<16xf32>
        %select_n3A_1018 = arith.select %ne3A_987, %get3A_69, %add3A_1017 : vector<16xi1>, vector<16xf32>
        %swap3A_1019 = arith.index_cast %add3A_991 : i32 to index
        %swap3A_1020 = arith.constant 64 : index
        %swap3A_1021 = tpu.vector_load %arg10[%swap3A_1019, %swap3A_1020] {strides = array<i32>} : memref<128x128xf32, #tpu.memory_space<vmem>>, vector<16xf32>,
        tpu.vector_store %arg10[%swap3A_1019, %swap3A_1020], %select_n3A_1018 {strides = array<i32>} : memref<128x128xf32, #tpu.memory_space<vmem>>, vector<16xf32>,
        %mul3A_1022 = arith.mulf %broadcast_in_dim3A_986, %get3A_13 : vector<16xf32>
        %add3A_1023 = arith.addf %mul3A_1022, %get3A_41 : vector<16xf32>
        %select_n3A_1024 = arith.select %ne3A_987, %get3A_73, %add3A_1023 : vector<16xi1>, vector<16xf32>
        %swap3A_1025 = arith.index_cast %add3A_991 : i32 to index
        %swap3A_1026 = arith.constant 80 : index
        %swap3A_1027 = tpu.vector_load %arg10[%swap3A_1025, %swap3A_1026] {strides = array<i32>} : memref<128x128xf32, #tpu.memory_space<vmem>>, vector<16xf32>,
        tpu.vector_store %arg10[%swap3A_1025, %swap3A_1026], %select_n3A_1024 {strides = array<i32>} : memref<128x128xf32, #tpu.memory_space<vmem>>, vector<16xf32>,
        %mul3A_1028 = arith.mulf %broadcast_in_dim3A_986, %get3A_15 : vector<16xf32>
        %add3A_1029 = arith.addf %mul3A_1028, %get3A_45 : vector<16xf32>
        %select_n3A_1030 = arith.select %ne3A_987, %get3A_77, %add3A_1029 : vector<16xi1>, vector<16xf32>
        %swap3A_1031 = arith.index_cast %add3A_991 : i32 to index
        %swap3A_1032 = arith.constant 96 : index
        %swap3A_1033 = tpu.vector_load %arg10[%swap3A_1031, %swap3A_1032] {strides = array<i32>} : memref<128x128xf32, #tpu.memory_space<vmem>>, vector<16xf32>,
        tpu.vector_store %arg10[%swap3A_1031, %swap3A_1032], %select_n3A_1030 {strides = array<i32>} : memref<128x128xf32, #tpu.memory_space<vmem>>, vector<16xf32>,
        %mul3A_1034 = arith.mulf %broadcast_in_dim3A_986, %get3A_17 : vector<16xf32>
        %add3A_1035 = arith.addf %mul3A_1034, %get3A_49 : vector<16xf32>
        %select_n3A_1036 = arith.select %ne3A_987, %get3A_81, %add3A_1035 : vector<16xi1>, vector<16xf32>
        %swap3A_1037 = arith.index_cast %add3A_991 : i32 to index
        %swap3A_1038 = arith.constant 112 : index
        %swap3A_1039 = tpu.vector_load %arg10[%swap3A_1037, %swap3A_1038] {strides = array<i32>} : memref<128x128xf32, #tpu.memory_space<vmem>>, vector<16xf32>,
        tpu.vector_store %arg10[%swap3A_1037, %swap3A_1038], %select_n3A_1036 {strides = array<i32>} : memref<128x128xf32, #tpu.memory_space<vmem>>, vector<16xf32>,
      }
      %scan3A_133 = arith.constant 8 : i32
      %dma_start3A_134 = arith.constant 0 : i32
      %dma_start3A_135 = tpu.memref_slice %arg5[%add3A_123, %mul3A_2, %dma_start3A_134] : memref<50x4096x128xf32, #tpu.memory_space<hbm>> -> memref<1x128x128xf32, #tpu.memory_space<hbm>>
      %dma_start3A_136 = tpu.memref_squeeze %dma_start3A_135 : memref<1x128x128xf32, #tpu.memory_space<hbm>> -> memref<128x128xf32, #tpu.memory_space<hbm>>
      %dma_start3A_137 = arith.constant 0 : i32
      %dma_start3A_138 = tpu.memref_slice %arg5[%add3A_123, %mul3A_2, %dma_start3A_137] : memref<50x4096x128xf32, #tpu.memory_space<hbm>> -> memref<1x128x128xf32, #tpu.memory_space<hbm>>
      %dma_start3A_139 = tpu.memref_squeeze %dma_start3A_138 : memref<1x128x128xf32, #tpu.memory_space<hbm>> -> memref<128x128xf32, #tpu.memory_space<hbm>>
      tpu.enqueue_dma source(%arg10 : memref<128x128xf32, #tpu.memory_space<vmem>>) target(%dma_start3A_139 : memref<128x128xf32, #tpu.memory_space<hbm>>) target_semaphore(%arg12 : memref<!tpu.dma_semaphore, #tpu.memory_space<semaphore_mem>>)
    }
    %scan3A_85 = arith.constant 25 : i32
    %dma_wait3A = arith.constant 48 : i32
    %dma_wait3A_86 = arith.constant 0 : i32
    %dma_wait3A_87 = tpu.memref_slice %arg5[%dma_wait3A, %mul3A_2, %dma_wait3A_86] : memref<50x4096x128xf32, #tpu.memory_space<hbm>> -> memref<1x128x128xf32, #tpu.memory_space<hbm>>
    %dma_wait3A_88 = tpu.memref_squeeze %dma_wait3A_87 : memref<1x128x128xf32, #tpu.memory_space<hbm>> -> memref<128x128xf32, #tpu.memory_space<hbm>>
    %dma_wait3A_89 = arith.constant 0 : i32
    %dma_wait3A_90 = tpu.memref_slice %arg5[%dma_wait3A, %mul3A_2, %dma_wait3A_89] : memref<50x4096x128xf32, #tpu.memory_space<hbm>> -> memref<1x128x128xf32, #tpu.memory_space<hbm>>
    %dma_wait3A_91 = tpu.memref_squeeze %dma_wait3A_90 : memref<1x128x128xf32, #tpu.memory_space<hbm>> -> memref<128x128xf32, #tpu.memory_space<hbm>>
    tpu.wait_dma2 semaphore(%arg11 : memref<!tpu.dma_semaphore, #tpu.memory_space<semaphore_mem>>) src(%arg9 : memref<128x128xf32, #tpu.memory_space<vmem>>) dst(%dma_wait3A_91 : memref<128x128xf32, #tpu.memory_space<hbm>>)
    %dma_wait3A_92 = arith.constant 49 : i32
    %dma_wait3A_93 = arith.constant 0 : i32
    %dma_wait3A_94 = tpu.memref_slice %arg5[%dma_wait3A_92, %mul3A_2, %dma_wait3A_93] : memref<50x4096x128xf32, #tpu.memory_space<hbm>> -> memref<1x128x128xf32, #tpu.memory_space<hbm>>
    %dma_wait3A_95 = tpu.memref_squeeze %dma_wait3A_94 : memref<1x128x128xf32, #tpu.memory_space<hbm>> -> memref<128x128xf32, #tpu.memory_space<hbm>>
    %dma_wait3A_96 = arith.constant 0 : i32
    %dma_wait3A_97 = tpu.memref_slice %arg5[%dma_wait3A_92, %mul3A_2, %dma_wait3A_96] : memref<50x4096x128xf32, #tpu.memory_space<hbm>> -> memref<1x128x128xf32, #tpu.memory_space<hbm>>
    %dma_wait3A_98 = tpu.memref_squeeze %dma_wait3A_97 : memref<1x128x128xf32, #tpu.memory_space<hbm>> -> memref<128x128xf32, #tpu.memory_space<hbm>>
    tpu.wait_dma2 semaphore(%arg12 : memref<!tpu.dma_semaphore, #tpu.memory_space<semaphore_mem>>) src(%arg10 : memref<128x128xf32, #tpu.memory_space<vmem>>) dst(%dma_wait3A_98 : memref<128x128xf32, #tpu.memory_space<hbm>>)
    return
  }
}

</mosaic_0001>

<sc_bundles>
// kernel: kernel.3.cloned.1.call-start
scs
__scs_entry_jumppad:
0x0: {  	(pc) =	sbr.rel $0x88, $3  }
0x1: {  	(tag) =	ssettag $0x0;
	lr =	simm.s32 $0x1  }
0x2: {  	[smem:$0x3F9E] =	sst lr;
	_ =	strace $0xD0000000  }
0x3: {  	_ = 	snop  }
0x4: {  	_ = 	snop  }
0x5: {  	_ = 	snop  }
0x6: {  	_ = 	snop  }
0x7: {  	_ = 	snop  }
__scs_overlays_trampoline_lowered:
0x8: {  	[smem:$0x3FAD] =	sst s0  }
0x9: {  	[smem:$0x3FAE] =	sst s1  }
0xa: {  	[smem:$0x3FAF] =	sst s2  }
0xb: {  	[smem:$0x3FB0] =	sst s3  }
0xc: {  	[smem:$0x3FB1] =	sst s4  }
0xd: {  	[smem:$0x3FB2] =	sst s5  }
0xe: {  	[smem:$0x3FB3] =	sst s6  }
0xf: {  	[smem:$0x3FB4] =	sst s7  }
0x10: {  	[smem:$0x3FB5] =	sst s8  }
0x11: {  	[smem:$0x3FB6] =	sst s9;
	s0 =	simm.s32 @!p0 $0x0  }
0x12: {  	s1 =	sld [smem:$0x3F9C];
	s0 =	simm.s32 @p0 $0x1  }
0x13: {  	[smem:$0x3FB7] =	sst s0;
	s0 =	simm.s32 @!p1 $0x0  }
0x14: {  	s2 =	sld [smem:$0x3F9B];
	s0 =	simm.s32 @p1 $0x1  }
0x15: {  	[smem:$0x3FB8] =	sst s0;
	s0 =	simm.s32 @!p2 $0x0  }
0x16: {  	s3 =	sld [smem:$0x3FDB];
	s0 =	simm.s32 @p2 $0x1  }
0x17: {  	s4 =	simm.s32 $0x1BF5;
	[smem:$0x3FBA] =	sst s0  }
0x18: {  	s0 =	sld [smem:$0x3F9D];
	_ =	swait.ge [sflag:s4], $0x0  }
0x19: {  	s7 =	sld [smem:$0x3F9E]  }
0x1a: {  	s8 =	sadd.s32 $0xFFFFE003, lr  }
0x1b: {  	s9 =	sadd.s32 $0xFFFFFEF7, lr;
	s5 =	simm.s32 $0xFFFFFFFF;
	p2 =	slt.u32 s8, $0xFFFFF086  }
0x1c: {  	p1 =	slt.u32 s9, $0xF7A;
	s5 =	simm.s32 @!p2 $0x0  }
0x1d: {  	s5 =	simm.s32 @p1 $0x1;
	p0 =	seq.s32 s7, s2  }
0x1e: {  	s7 =	smul.u32 @!p0 $0xF7A, s2;
	p2 =	seq.s32 @!p0 s5, $0x0  }
0x1f: {  	s9 =	smul.u32 $0xF7A, s1;
	s8 =	simm.s32 @!p0 $0x1BF5;
	p2 =	por !p2, p0  }
0x20: {  	[sflag:s8] =	ssyncset.s32 @!p0 $0xFFFFF086;
	s6 =	sadd.s32 @!p0 s3, s7;
	s7 =	simm.s32 @!p0 $0x108  }
0x21: {  	s3 =	sadd.s32 s3, s9;
	s6 =	sadd.s32 @!p0 $0x88, s6;
	s7 =	simm.s32 @p2 $0x1082  }
0x22: {  	[simem:s7], [sflag:s8] =	dma.local @!p0 [hbm:s6], $0xF7A  }
0x23: {  	s9 =	sor.u32 $0xD0000000, s2;
	s6 =	simm.s32 $0x108;
	_ =	swait.ge @!p0 [sflag:s8], $0x0  }
0x24: {  	s3 =	sadd.s32 $0x88, s3;
	s6 =	simm.s32 @!p1 $0x1082;
	[sflag:s4] =	ssyncset.s32 $0xFFFFF086  }
0x25: {  	[simem:s6], [sflag:s4] =	dma.local [hbm:s3], $0xF7A  }
0x26: {  	[smem:$0x3F9E] =	sst s1;
	(tag) =	ssettag s2;
	_ =	strace s9  }
0x27: {  	s1 =	sld [smem:$0x3FAE]  }
0x28: {  	s2 =	sld [smem:$0x3FAF]  }
0x29: {  	s4 =	sld [smem:$0x3FB1]  }
0x2a: {  	p0 =	seq.s32 s5, $0x0;
	s5 =	sld [smem:$0x3FB2]  }
0x2b: {  	s6 =	sld [smem:$0x3FB3]  }
0x2c: {  	s7 =	sld [smem:$0x3FB4]  }
0x2d: {  	s3 =	simm.s32 $0x108;
	s8 =	sld [smem:$0x3FB5]  }
0x2e: {  	s3 =	simm.s32 @!p0 $0x1082;
	s9 =	sld [smem:$0x3FB6]  }
0x2f: {  	lr =	sadd.s32 s0, s3;
	s0 =	sld [smem:$0x3FAD]  }
0x30: {  	s3 =	sld [smem:$0x3FB0]  }
0x31: {  	[smem:$0x3FB9] =	sst s10  }
0x32: {  	s10 =	sld [smem:$0x3FB7];
	_ =	sdelay $0x3  }
0x33: {  	p0 =	seq.s32 s10, $0x1;
	s10 =	sld [smem:$0x3FB9];
	_ =	sdelay $0x3  }
0x34: {  	[smem:$0x3FB9] =	sst s10  }
0x35: {  	s10 =	sld [smem:$0x3FB8];
	_ =	sdelay $0x3  }
0x36: {  	p1 =	seq.s32 s10, $0x1;
	s10 =	sld [smem:$0x3FB9];
	_ =	sdelay $0x3  }
0x37: {  	[smem:$0x3FB9] =	sst s10  }
0x38: {  	s10 =	sld [smem:$0x3FBA]  }
0x39: {  	_ = 	snop;
	(pc) =	sbr.ind lr, $3  }
0x3a: {  	_ = 	snop  }
0x3b: {  	_ = 	snop  }
0x3c: {  	p2 =	seq.s32 s10, $0x1;
	s10 =	sld [smem:$0x3FB9]  }
0x3d: {  	_ =	shalt  }
0x3e: {  	_ =	shalt  }
0x3f: {  	_ =	shalt  }
0x40: {  	_ =	shalt  }
0x41: {  	_ =	shalt  }
0x42: {  	_ =	shalt  }
0x43: {  	_ =	shalt  }
0x44: {  	_ =	shalt  }
0x45: {  	_ =	shalt  }
0x46: {  	_ =	shalt  }
0x47: {  	_ =	shalt  }
0x48: {  	_ =	shalt  }
0x49: {  	_ =	shalt  }
0x4a: {  	_ =	shalt  }
0x4b: {  	_ =	shalt  }
0x4c: {  	_ =	shalt  }
0x4d: {  	_ =	shalt  }
0x4e: {  	_ =	shalt  }
0x4f: {  	_ =	shalt  }
0x50: {  	_ =	shalt  }
0x51: {  	_ =	shalt  }
0x52: {  	_ =	shalt  }
0x53: {  	_ =	shalt  }
0x54: {  	_ =	shalt  }
0x55: {  	_ =	shalt  }
0x56: {  	_ =	shalt  }
0x57: {  	_ =	shalt  }
0x58: {  	_ =	shalt  }
0x59: {  	_ =	shalt  }
0x5a: {  	_ =	shalt  }
0x5b: {  	_ =	shalt  }
0x5c: {  	_ =	shalt  }
0x5d: {  	_ =	shalt  }
0x5e: {  	_ =	shalt  }
0x5f: {  	_ =	shalt  }
0x60: {  	_ =	shalt  }
0x61: {  	_ =	shalt  }
0x62: {  	_ =	shalt  }
0x63: {  	_ =	shalt  }
0x64: {  	_ =	shalt  }
0x65: {  	_ =	shalt  }
0x66: {  	_ =	shalt  }
0x67: {  	_ =	shalt  }
0x68: {  	_ =	shalt  }
0x69: {  	_ =	shalt  }
0x6a: {  	_ =	shalt  }
0x6b: {  	_ =	shalt  }
0x6c: {  	_ =	shalt  }
0x6d: {  	_ =	shalt  }
0x6e: {  	_ =	shalt  }
0x6f: {  	_ =	shalt  }
0x70: {  	_ =	shalt  }
0x71: {  	_ =	shalt  }
0x72: {  	_ =	shalt  }
0x73: {  	_ =	shalt  }
0x74: {  	_ =	shalt  }
0x75: {  	_ =	shalt  }
0x76: {  	_ =	shalt  }
0x77: {  	_ =	shalt  }
0x78: {  	_ =	shalt  }
0x79: {  	_ =	shalt  }
0x7a: {  	_ =	shalt  }
0x7b: {  	_ =	shalt  }
0x7c: {  	_ =	shalt  }
0x7d: {  	_ =	shalt  }
0x7e: {  	_ =	shalt  }
0x7f: {  	_ =	shalt  }
0x80: {  	_ =	shalt  }
0x81: {  	_ =	shalt  }
0x82: {  	_ =	shalt  }
0x83: {  	_ =	shalt  }
0x84: {  	_ =	shalt  }
0x85: {  	_ =	shalt  }
0x86: {  	_ =	shalt  }
0x87: {  	_ =	shalt  }
.Lfunc_end0:
.L_simem_size_0:
called_computation_lowered:
.L_overlay_start_0:
0x88: {  	s2 =	sld [smem:$0x3FD9]  }
0x89: {  	s3 =	sld [smem:$0x3FFE];
	_ =	sdelay $0x1  }
0x8a: {  	s1 =	srdreg.scid  }
0x8b: {  	s0 =	sand.u32 $0x1, s1  }
0x8c: {  	s17 =	sshll.u32 s0, $0xA;
	s2 =	sadd.s32 s3, s2  }
0x8d: {  	s2 =	sadd.s32 s2, s17  }
0x8e: {  	[smem:$0x3FC5] =	sst s2  }
0x8f: {  	_ = 	snop  }
0x90: {  	s2 =	sld [smem:$0x3FC8]  }
0x91: {  	s18 =	sld [smem:$0x3FC7]  }
0x92: {  	s4 =	sld [smem:$0x3FD0];
	(tm) =	ssettm $0x1  }
0x93: {  	s5 =	sld [smem:$0x3FFB];
	_ =	sdelay $0x3  }
0x94: {  	_ =	strace s5  }
0x95: {  	s5 =	sld [smem:$0x3FFC];
	_ =	sdelay $0x3  }
0x96: {  	_ =	strace s5  }
0x97: {  	s5 =	sld [smem:$0x3FFD];
	_ =	sdelay $0x3  }
0x98: {  	_ =	strace s5  }
0x99: {  	_ =	strace $0x8FFFFFFF  }
0x9a: {  	s19 =	sld [smem:$0x3FDB];
	_ =	sdelay $0x1  }
0x9b: {  	s6 =	simm.s32 $_scs_section_size  }
0x9c: {  	s7 =	simm.s32 $_size__tile_overlayer_lowered;
	s8 =	simm.s32 $_tile_overlayer_lowered  }
0x9d: {  	s22 =	simm.s32 $0x1BFF;
	s21 =	sshll.u32 s8, $0x1;
	s5 =	sadd.s32 s6, s19  }
0x9e: {  	s9 =	simm.s32 $0x0;
	s20 =	sshll.u32 s7, $0x1;
	s7 =	sadd.s32 s21, s5  }
0x9f: {  	[timem:s9], [sflag:s22] =	dma.local [hbm:s7], s20  }
0xa0: {  	_ =	swait.ge [sflag:s22], s20  }
0xa1: {  	s6 =	ssub.s32 $0x0, s20;
	[sflag:s22] =	ssyncset.done $0x0  }
0xa2: {  	[sflag:s22] =	ssyncadd.s32 s6;
	_ =	sdelay $0x1  }
0xa3: {  	s23 =	simm.s32 $0x1B8B  }
0xa4: {  	_ =	swait.ge [sflag:s23], $0x1  }
0xa5: {  	[sflag:s23] =	ssyncset.done $0x0  }
0xa6: {  	s25 =	simm.s32 $0x1B8E;
	s24 =	sld [smem:$0x3FFE];
	[sflag:s23] =	ssyncadd.s32 $0xFFFFFFFF  }
0xa7: {  	s26 =	simm.s32 $execute0_lowered;
	[smem:$0x3FD2] =	sst s25  }
0xa8: {  	s7 =	sshll.u32 s26, $0x1;
	_ =	strace $0x80000046;
	[dreg:$0x1] =	wrdreg $0xFFFFFFFF  }
0xa9: {  	s28 =	simm.s32 $_size_execute0_lowered;
	s5 =	sadd.s32 s5, s7;
	[dreg:$0x0] =	wrdreg $0x0  }
0xaa: {  	s7 =	sshll.u32 s28, $0x1;
	[dreg:$0x2] =	wrdreg s5  }
0xab: {  	[dreg:$0x3] =	wrdreg s7  }
0xac: {  	[dreg:$0x4] =	wrdreg $0xC0  }
0xad: {  	_ =	task [dreg:s9], $0x5FFFF  }
0xae: {  	[dreg:$0x1] =	wrdreg $0xFFFFFFFF  }
0xaf: {  	[dreg:$0x0] =	wrdreg $0x60  }
0xb0: {  	[dreg:$0x2] =	wrdreg s24  }
0xb1: {  	[dreg:$0x3] =	wrdreg s2  }
0xb2: {  	[dreg:$0x4] =	wrdreg s18  }
0xb3: {  	[dreg:$0x5] =	wrdreg s4  }
0xb4: {  	[dreg:$0x6] =	wrdreg $0x9  }
0xb5: {  	_ =	task.clear_ibuf [dreg:s9], $0x7FFFF;
	_ =	strace $0x90000046  }
0xb6: {  	s29 =	simm.s32 $0x9;
	_ =	strace $0x80000048  }
0xb7: {  	_ =	swait.ge [sflag:s29], $0x1  }
0xb8: {  	[sflag:s29] =	ssyncadd.s32 $0xFFFFFFFF  }
0xb9: {  	_ =	strace $0x90000048  }
0xba: {  	_ =	sfence  }
0xbb: {  	s30 =	sld [smem:$0x0];
	_ =	sdelay $0x2  }
0xbc: {  	s31 =	sshll.u32 s1, $0xD;
	s1 =	sshrl.u32 s1, $0x2  }
0xbd: {  	s3 =	sand.u32 $0x4000, s31;
	s1 =	sadd.s32 s1, s30  }
0xbe: {  	s0 =	sor.u32 s3, s0;
	s1 =	sshll.u32 s1, $0x11  }
0xbf: {  	s0 =	sor.u32 s1, s0  }
0xc0: {  	s0 =	sadd.s32 $0x8F2B, s0  }
0xc1: {  	[sflag:s0] =	ssyncadd.remote.s32 $0x1  }
0xc2: {  	_ =	sfence.sel $0xFFFF  }
0xc3: {  	[dreg:$0x0] =	wrdreg $0xFFFFFFFF;
	(pc) =	sbr.abs _section_cstart, $3  }
0xc4: {  	[dreg:$0x1] =	wrdreg $0xFFFFFFFF  }
0xc5: {  	_ =	task.clear_ibuf [dreg:s9], $0x2FFFF;
	_ =	strace $0x9FFFFFFF  }
0xc6: {  	(tm) =	ssettm $0x7FFFFFFF  }
0xc7: {  	_ =	shalt  }
tec
execute0_lowered:
.L_overlay_start_1:
0x0: {  	(tag) =	ssettag $0x1  }
0x1: {  	s6 =	rddreg [dreg:$0x0]  }
0x2: {  	s1 =	rddreg [dreg:$0x1]  }
0x3: {  	s3 =	rddreg [dreg:$0x2]  }
0x4: {  	s4 =	rddreg [dreg:$0x3];
	s5 =	srdreg.scid  }
0x5: {  	s0 =	rddreg [dreg:$0x4];
	s2 =	stileid.u32;
	s11 =	simm.s32 $0x8000  }
0x6: {  	s12 =	simm.s32 $0x1980;
	s13 =	simm.s32 $0x3;
	s14 =	simm.s32 $0x80  }
0x7: {  	s15 =	simm.s32 $0x1D80;
	s16 =	simm.s32 $0x5D80;
	s17 =	simm.s32 $0x1  }
0x8: {  	s18 =	simm.s32 $0x2;
	s19 =	simm.s32 $0x0;
	s7 =	sand.u32 $0x1, s5  }
0x9: {  	s5 =	simm.s32 $0x0;
	s8 =	sshll.u32 s2, $0x8;
	s9 =	sshll.u32 s7, $0x7  }
0xa: {  	[smem:$0x7FF] =	sst s5;
	s7 =	ssub.s32 $0x2, s7;
	s8 =	sor.u32 s9, s8  }
0xb: {  	_ =	strace $0x80000047;
	s31 =	sshrl.u32 s7, $0x1;
	s9 =	sadd.s32 s8, s6  }
0xc: {  	s10 =	ssub.s32 s7, s31;
	s8 =	sshll.u32 s8, $0x7;
	s6 =	sadd.s32 $0x400, s9  }
0xd: {  	s7 =	sadd.s32 $0x6400, s9;
	s9 =	smax.u32 s10, $0x1;
	s10 =	simm.s32 $0x400  }
.LBB2_1:
0xe: {  	s20 =	simm.s32 $0x180  }
0xf: {  	[tilespmem:s20], [sflag:$0x3] =	stream.strided.gather [hbm4b:s6+s10], $0x1800, s11, s10, $0x38;
	[tilespmem:$0x9D80] =	vst v63  }
0x10: {  	_ = 	snop  }
0x11: {  	[tilespmem:s12], [sflag:$0x3] =	stream.linear.gather [hbm4b:s7+s5], $0x100, $0x38;
	[tilespmem:$0x9D80] =	vst v63  }
0x12: {  	_ =	swait.ge [sflag:s13], $0x1900  }
0x13: {  	[sflag:s13] =	ssyncset.done $0x0  }
0x14: {  	[sflag:s13] =	ssyncadd.s32 $0xFFFFE700  }
0x15: {  	[tilespmem:s5], [sflag:$0x3] =	stream.linear.gather [hbm4b:s1+s5], $0x80, $0x38;
	[tilespmem:$0x9D80] =	vst v63  }
0x16: {  	_ =	swait.ge [sflag:s13], $0x80  }
0x17: {  	[sflag:s13] =	ssyncset.done $0x0  }
0x18: {  	[sflag:s13] =	ssyncadd.s32 $0xFFFFFF80  }
0x19: {  	[tilespmem:s14], [sflag:$0x3] =	stream.linear.gather [hbm4b:s3+s5], $0x100, $0x38;
	[tilespmem:$0x9D80] =	vst v63  }
0x1a: {  	_ =	swait.ge [sflag:s13], $0x100  }
0x1b: {  	[sflag:s13] =	ssyncset.done $0x0  }
0x1c: {  	[sflag:s13] =	ssyncadd.s32 $0xFFFFFF00  }
0x1d: {  	v0 =	vld [tilespmem:$0x0]  }
0x1e: {  	v1 =	vld [tilespmem:$0x10]  }
0x1f: {  	v2 =	vld [tilespmem:$0x20]  }
0x20: {  	v3 =	vld [tilespmem:$0x30]  }
0x21: {  	v4 =	vld [tilespmem:$0x40]  }
0x22: {  	v5 =	vld [tilespmem:$0x50]  }
0x23: {  	v6 =	vld [tilespmem:$0x60]  }
0x24: {  	v7 =	vld [tilespmem:$0x70]  }
0x25: {  	v8 =	vld [tilespmem:$0x80]  }
0x26: {  	v9 =	vld [tilespmem:$0x90]  }
0x27: {  	v10 =	vld [tilespmem:$0xA0]  }
0x28: {  	v11 =	vld [tilespmem:$0xB0]  }
0x29: {  	v12 =	vld [tilespmem:$0xC0]  }
0x2a: {  	v13 =	vld [tilespmem:$0xD0]  }
0x2b: {  	v14 =	vld [tilespmem:$0xE0]  }
0x2c: {  	s21 =	simm.s32 $0x200;
	s22 =	simm.s32 $0x0;
	v15 =	vld [tilespmem:$0xF0]  }
.LBB2_2:
0x2d: {  	p0 =	seq.s32 s22, $0x0;
	v16 =	vmov s20  }
0x2e: {  	s23 =	simm.s32 @!p0 $0x1  }
0x2f: {  	_ =	swait.ge @!p0 [sflag:s23], $0x4000  }
0x30: {  	[sflag:s23] =	ssyncset.done @!p0 $0x0  }
0x31: {  	s31 =	simm.s32 $0x0;
	[sflag:s23] =	ssyncadd.s32 @!p0 $0xFFFFC000  }
0x32: {  	v17 =	vld.idx.msk [tilespmem:v16+s31+$0x0 ss:$0x1], $0xffff;
	_ =	sdelay $0x4  }
0x33: {  	v18 =	vbroadcast v17, $0x0;
	_ =	sdelay $0x1  }
0x34: {  	v19 =	vmul.f32 v18, v0  }
0x35: {  	v20 =	vmul.f32 v18, v1  }
0x36: {  	v21 =	vmul.f32 v18, v2;
	v19 =	vadd.f32 v19, v8  }
0x37: {  	s24 =	simm.s32 $0x2180;
	v23 =	vmul.f32 v18, v4;
	v20 =	vadd.f32 v20, v9  }
0x38: {  	v63 =	vmul.f32 v18, v5;
	v21 =	vadd.f32 v21, v10;
	[tilespmem:s24+$0xFFFFFC00] =	vst v19  }
0x39: {  	v28 =	vbroadcast v17, $0x1;
	v24 =	vmul.f32 v18, v6;
	v23 =	vadd.f32 v23, v12;
	[tilespmem:s24+$0xFFFFFC10] =	vst v20  }
0x3a: {  	v22 =	vmul.f32 v18, v3;
	v18 =	vmul.f32 v18, v7;
	v29 =	vadd.f32 v63, v13;
	[tilespmem:s24+$0xFFFFFC20] =	vst v21  }
0x3b: {  	v36 =	vbroadcast v17, $0x2;
	v31 =	vmul.f32 v28, v1;
	v30 =	vadd.f32 v24, v14;
	[tilespmem:s24+$0xFFFFFC40] =	vst v23  }
0x3c: {  	v37 =	vmul.f32 v28, v6;
	v18 =	vadd.f32 v18, v15;
	[tilespmem:s24+$0xFFFFFC50] =	vst v29  }
0x3d: {  	v43 =	vbroadcast v17, $0x3;
	v44 =	vmul.f32 v36, v6;
	v33 =	vadd.f32 v31, v9;
	[tilespmem:s24+$0xFFFFFC60] =	vst v30  }
0x3e: {  	v39 =	vadd.f32 v37, v14;
	[tilespmem:s24+$0xFFFFFC70] =	vst v18  }
0x3f: {  	v50 =	vmul.f32 v43, v5;
	v46 =	vadd.f32 v44, v14;
	[tilespmem:s24+$0xFFFFFC90] =	vst v33  }
0x40: {  	v32 =	vmul.f32 v28, v2;
	v19 =	vadd.f32 v22, v11;
	[tilespmem:s24+$0xFFFFFCE0] =	vst v39  }
0x41: {  	v34 =	vmul.f32 v28, v3;
	v53 =	vadd.f32 v50, v13;
	[tilespmem:s24+$0xFFFFFD60] =	vst v46  }
0x42: {  	v18 =	vadd.f32 v32, v10;
	[tilespmem:s24+$0xFFFFFC30] =	vst v19;
	v19 =	vmul.f32 v28, v0  }
0x43: {  	v35 =	vmul.f32 v28, v4;
	v23 =	vadd.f32 v34, v11;
	[tilespmem:s24+$0xFFFFFDD0] =	vst v53  }
0x44: {  	v41 =	vmul.f32 v36, v2;
	[tilespmem:s24+$0xFFFFFCA0] =	vst v18;
	v19 =	vadd.f32 v19, v8  }
0x45: {  	v48 =	vmul.f32 v43, v3;
	v21 =	vadd.f32 v35, v12;
	[tilespmem:s24+$0xFFFFFCB0] =	vst v23  }
0x46: {  	v20 =	vadd.f32 v41, v10;
	[tilespmem:s24+$0xFFFFFC80] =	vst v19;
	v19 =	vmul.f32 v28, v5  }
0x47: {  	v22 =	vadd.f32 v48, v11;
	v18 =	vmul.f32 v28, v7;
	[tilespmem:s24+$0xFFFFFCC0] =	vst v21  }
0x48: {  	v38 =	vmul.f32 v36, v0;
	[tilespmem:s24+$0xFFFFFD20] =	vst v20;
	v19 =	vadd.f32 v19, v13  }
0x49: {  	v40 =	vmul.f32 v36, v1;
	[tilespmem:s24+$0xFFFFFDB0] =	vst v22;
	v18 =	vadd.f32 v18, v15  }
0x4a: {  	v42 =	vmul.f32 v36, v3;
	[tilespmem:s24+$0xFFFFFCD0] =	vst v19;
	v19 =	vadd.f32 v38, v8  }
0x4b: {  	v21 =	vadd.f32 v40, v9;
	[tilespmem:s24+$0xFFFFFCF0] =	vst v18;
	v18 =	vmul.f32 v36, v4  }
0x4c: {  	v52 =	vbroadcast v17, $0x4;
	v23 =	vadd.f32 v42, v11;
	[tilespmem:s24+$0xFFFFFD00] =	vst v19;
	v19 =	vmul.f32 v36, v5  }
0x4d: {  	v45 =	vmul.f32 v36, v7;
	[tilespmem:s24+$0xFFFFFD10] =	vst v21;
	v18 =	vadd.f32 v18, v12  }
0x4e: {  	v54 =	vmul.f32 v52, v0;
	[tilespmem:s24+$0xFFFFFD30] =	vst v23;
	v19 =	vadd.f32 v19, v13  }
0x4f: {  	v20 =	vadd.f32 v45, v15;
	[tilespmem:s24+$0xFFFFFD40] =	vst v18;
	v18 =	vmul.f32 v43, v1  }
0x50: {  	v22 =	vadd.f32 v54, v8;
	[tilespmem:s24+$0xFFFFFD50] =	vst v19;
	v19 =	vmul.f32 v43, v2  }
0x51: {  	v47 =	vmul.f32 v43, v0;
	[tilespmem:s24+$0xFFFFFD70] =	vst v20;
	v18 =	vadd.f32 v18, v9  }
0x52: {  	v49 =	vmul.f32 v43, v4;
	[tilespmem:s24+$0xFFFFFE00] =	vst v22;
	v19 =	vadd.f32 v19, v10  }
0x53: {  	v51 =	vmul.f32 v43, v6;
	v23 =	vadd.f32 v47, v8;
	[tilespmem:s24+$0xFFFFFD90] =	vst v18  }
0x54: {  	v55 =	vmul.f32 v52, v2;
	v18 =	vadd.f32 v49, v12;
	[tilespmem:s24+$0xFFFFFDA0] =	vst v19;
	v19 =	vmul.f32 v43, v7  }
0x55: {  	v20 =	vadd.f32 v51, v14;
	[tilespmem:s24+$0xFFFFFD80] =	vst v23  }
0x56: {  	v21 =	vadd.f32 v55, v10;
	[tilespmem:s24+$0xFFFFFDC0] =	vst v18;
	v18 =	vadd.f32 v19, v15;
	v19 =	vmul.f32 v52, v1  }
0x57: {  	v57 =	vmul.f32 v52, v5;
	[tilespmem:s24+$0xFFFFFDE0] =	vst v20  }
0x58: {  	v56 =	vmul.f32 v52, v3;
	[tilespmem:s24+$0xFFFFFE20] =	vst v21;
	v19 =	vadd.f32 v19, v9  }
0x59: {  	v22 =	vadd.f32 v57, v13;
	[tilespmem:s24+$0xFFFFFDF0] =	vst v18;
	v18 =	vmul.f32 v52, v4  }
0x5a: {  	v58 =	vmul.f32 v52, v6;
	v20 =	vadd.f32 v56, v11;
	[tilespmem:s24+$0xFFFFFE10] =	vst v19;
	v19 =	vbroadcast v17, $0x5  }
0x5b: {  	v59 =	vmul.f32 v52, v7;
	[tilespmem:s24+$0xFFFFFE50] =	vst v22;
	v18 =	vadd.f32 v18, v12  }
0x5c: {  	v23 =	vadd.f32 v58, v14;
	[tilespmem:s24+$0xFFFFFE30] =	vst v20;
	v60 =	vmul.f32 v19, v0  }
0x5d: {  	v21 =	vadd.f32 v59, v15;
	[tilespmem:s24+$0xFFFFFE40] =	vst v18;
	v18 =	vmul.f32 v19, v1  }
0x5e: {  	[tilespmem:s24+$0xFFFFFE60] =	vst v23;
	v61 =	vmul.f32 v19, v2;
	v20 =	vadd.f32 v60, v8  }
0x5f: {  	[tilespmem:s24+$0xFFFFFE70] =	vst v21;
	v62 =	vmul.f32 v19, v3;
	v18 =	vadd.f32 v18, v9  }
0x60: {  	v28 =	vmul.f32 v19, v4;
	v63 =	vadd.f32 v61, v10;
	[tilespmem:s24+$0xFFFFFE80] =	vst v20  }
0x61: {  	v29 =	vmul.f32 v19, v5;
	v30 =	vmul.f32 v19, v6;
	v23 =	vadd.f32 v62, v11;
	[tilespmem:s24+$0xFFFFFE90] =	vst v18  }
0x62: {  	v19 =	vmul.f32 v19, v7;
	v22 =	vadd.f32 v28, v12;
	v18 =	vbroadcast v17, $0x6;
	[tilespmem:s24+$0xFFFFFEA0] =	vst v63  }
0x63: {  	v32 =	vadd.f32 v30, v14;
	[tilespmem:s24+$0xFFFFFEB0] =	vst v23  }
0x64: {  	v19 =	vadd.f32 v19, v15;
	[tilespmem:s24+$0xFFFFFEC0] =	vst v22;
	v31 =	vmul.f32 v18, v0  }
0x65: {  	v20 =	vadd.f32 v29, v13;
	[tilespmem:s24+$0xFFFFFEE0] =	vst v32;
	v33 =	vmul.f32 v18, v1  }
0x66: {  	[tilespmem:s24+$0xFFFFFEF0] =	vst v19;
	v35 =	vmul.f32 v18, v2;
	v34 =	vadd.f32 v31, v8  }
0x67: {  	[tilespmem:s24+$0xFFFFFED0] =	vst v20;
	v36 =	vmul.f32 v18, v3;
	v22 =	vadd.f32 v33, v9  }
0x68: {  	v19 =	vmul.f32 v18, v4;
	v21 =	vadd.f32 v35, v10;
	[tilespmem:s24+$0xFFFFFF00] =	vst v34  }
0x69: {  	v37 =	vmul.f32 v18, v5;
	v23 =	vadd.f32 v36, v11;
	[tilespmem:s24+$0xFFFFFF10] =	vst v22  }
0x6a: {  	v62 =	vbroadcast v17, $0xA;
	v38 =	vmul.f32 v18, v6;
	v19 =	vadd.f32 v19, v12;
	[tilespmem:s24+$0xFFFFFF20] =	vst v21  }
0x6b: {  	v39 =	vbroadcast v17, $0x7;
	v18 =	vmul.f32 v18, v7;
	v20 =	vadd.f32 v37, v13;
	[tilespmem:s24+$0xFFFFFF30] =	vst v23  }
0x6c: {  	v30 =	vmul.f32 v62, v5;
	v40 =	vadd.f32 v38, v14;
	[tilespmem:s24+$0xFFFFFF40] =	vst v19  }
0x6d: {  	v41 =	vmul.f32 v39, v0;
	v18 =	vadd.f32 v18, v15;
	[tilespmem:s24+$0xFFFFFF50] =	vst v20  }
0x6e: {  	v42 =	vmul.f32 v39, v2;
	v33 =	vadd.f32 v30, v13;
	[tilespmem:s24+$0xFFFFFF60] =	vst v40  }
0x6f: {  	v43 =	vmul.f32 v39, v3;
	v22 =	vadd.f32 v41, v8;
	[tilespmem:s24+$0xFFFFFF70] =	vst v18  }
0x70: {  	v19 =	vmul.f32 v39, v1;
	v20 =	vadd.f32 v42, v10;
	[tilespmem:s24+$0x150] =	vst v33  }
0x71: {  	v45 =	vmul.f32 v39, v6;
	v21 =	vadd.f32 v43, v11;
	[tilespmem:s24+$0xFFFFFF80] =	vst v22  }
0x72: {  	v18 =	vmul.f32 v39, v4;
	v19 =	vadd.f32 v19, v9;
	[tilespmem:s24+$0xFFFFFFA0] =	vst v20  }
0x73: {  	v44 =	vmul.f32 v39, v5;
	v38 =	vbroadcast v17, $0xC;
	v23 =	vadd.f32 v45, v14;
	[tilespmem:s24+$0xFFFFFFB0] =	vst v21  }
0x74: {  	v46 =	vmul.f32 v39, v7;
	v18 =	vadd.f32 v18, v12;
	[tilespmem:s24+$0xFFFFFF90] =	vst v19;
	v19 =	vbroadcast v17, $0x8  }
0x75: {  	v22 =	vadd.f32 v44, v13;
	[tilespmem:s24+$0xFFFFFFE0] =	vst v23;
	v44 =	vmul.f32 v38, v6  }
0x76: {  	v20 =	vadd.f32 v46, v15;
	[tilespmem:s24+$0xFFFFFFC0] =	vst v18;
	v47 =	vmul.f32 v19, v0  }
0x77: {  	[tilespmem:s24+$0xFFFFFFD0] =	vst v22;
	v46 =	vadd.f32 v44, v14;
	v18 =	vmul.f32 v19, v1  }
0x78: {  	[tilespmem:s24+$0xFFFFFFF0] =	vst v20;
	v48 =	vmul.f32 v19, v2;
	v21 =	vadd.f32 v47, v8  }
0x79: {  	v49 =	vmul.f32 v19, v3;
	[tilespmem:s24+$0x260] =	vst v46;
	v18 =	vadd.f32 v18, v9  }
0x7a: {  	v51 =	vmul.f32 v19, v4;
	v50 =	vadd.f32 v48, v10;
	[tilespmem:s24+$0x0] =	vst v21  }
0x7b: {  	v52 =	vmul.f32 v19, v5;
	v23 =	vadd.f32 v49, v11;
	[tilespmem:s24+$0x10] =	vst v18  }
0x7c: {  	v53 =	vmul.f32 v19, v6;
	v22 =	vadd.f32 v51, v12;
	v18 =	vbroadcast v17, $0x9;
	[tilespmem:s24+$0x20] =	vst v50  }
0x7d: {  	v19 =	vmul.f32 v19, v7;
	v54 =	vadd.f32 v52, v13;
	[tilespmem:s24+$0x30] =	vst v23  }
0x7e: {  	v56 =	vadd.f32 v53, v14;
	[tilespmem:s24+$0x40] =	vst v22;
	v55 =	vmul.f32 v18, v0  }
0x7f: {  	v19 =	vadd.f32 v19, v15;
	[tilespmem:s24+$0x50] =	vst v54;
	v57 =	vmul.f32 v18, v1  }
0x80: {  	[tilespmem:s24+$0x60] =	vst v56;
	v59 =	vmul.f32 v18, v2;
	v58 =	vadd.f32 v55, v8  }
0x81: {  	[tilespmem:s24+$0x70] =	vst v19;
	v60 =	vmul.f32 v18, v3;
	v22 =	vadd.f32 v57, v9  }
0x82: {  	v19 =	vmul.f32 v18, v4;
	v21 =	vadd.f32 v59, v10;
	[tilespmem:s24+$0x80] =	vst v58  }
0x83: {  	v61 =	vmul.f32 v18, v5;
	v23 =	vadd.f32 v60, v11;
	[tilespmem:s24+$0x90] =	vst v22  }
0x84: {  	v63 =	vmul.f32 v18, v6;
	v19 =	vadd.f32 v19, v12;
	[tilespmem:s24+$0xA0] =	vst v21  }
0x85: {  	v18 =	vmul.f32 v18, v7;
	v20 =	vadd.f32 v61, v13;
	[tilespmem:s24+$0xB0] =	vst v23  }
0x86: {  	v27 =	vmul.f32 v62, v0;
	v26 =	vadd.f32 v63, v14;
	[tilespmem:s24+$0xC0] =	vst v19  }
0x87: {  	v28 =	vmul.f32 v62, v2;
	v31 =	vbroadcast v17, $0xB;
	v18 =	vadd.f32 v18, v15;
	[tilespmem:s24+$0xD0] =	vst v20  }
0x88: {  	v29 =	vmul.f32 v62, v3;
	v23 =	vadd.f32 v27, v8;
	[tilespmem:s24+$0xE0] =	vst v26  }
0x89: {  	v36 =	vmul.f32 v31, v2;
	[tilespmem:s24+$0xF0] =	vst v18;
	v20 =	vadd.f32 v28, v10  }
0x8a: {  	v19 =	vmul.f32 v62, v1;
	v21 =	vadd.f32 v29, v11;
	[tilespmem:s24+$0x100] =	vst v23  }
0x8b: {  	v18 =	vmul.f32 v62, v4;
	v22 =	vadd.f32 v36, v10;
	[tilespmem:s24+$0x120] =	vst v20  }
0x8c: {  	v34 =	vmul.f32 v31, v0;
	v19 =	vadd.f32 v19, v9;
	[tilespmem:s24+$0x130] =	vst v21  }
0x8d: {  	v35 =	vmul.f32 v31, v1;
	v18 =	vadd.f32 v18, v12;
	[tilespmem:s24+$0x1A0] =	vst v22  }
0x8e: {  	v32 =	vmul.f32 v62, v7;
	v21 =	vadd.f32 v34, v8;
	[tilespmem:s24+$0x110] =	vst v19  }
0x8f: {  	v20 =	vadd.f32 v35, v9;
	v19 =	vmul.f32 v62, v6;
	[tilespmem:s24+$0x140] =	vst v18  }
0x90: {  	v39 =	vmul.f32 v31, v6;
	v18 =	vadd.f32 v32, v15;
	[tilespmem:s24+$0x180] =	vst v21  }
0x91: {  	v40 =	vmul.f32 v31, v7;
	[tilespmem:s24+$0x190] =	vst v20;
	v19 =	vadd.f32 v19, v14  }
0x92: {  	v23 =	vadd.f32 v39, v14;
	[tilespmem:s24+$0x170] =	vst v18;
	v18 =	vmul.f32 v31, v4  }
0x93: {  	v22 =	vadd.f32 v40, v15;
	[tilespmem:s24+$0x160] =	vst v19;
	v19 =	vmul.f32 v31, v3  }
0x94: {  	v37 =	vmul.f32 v31, v5;
	[tilespmem:s24+$0x1E0] =	vst v23;
	v18 =	vadd.f32 v18, v12  }
0x95: {  	v42 =	vmul.f32 v38, v3;
	[tilespmem:s24+$0x1F0] =	vst v22;
	v19 =	vadd.f32 v19, v11  }
0x96: {  	v21 =	vadd.f32 v37, v13;
	[tilespmem:s24+$0x1C0] =	vst v18;
	v18 =	vmul.f32 v38, v1  }
0x97: {  	v23 =	vadd.f32 v42, v11;
	[tilespmem:s24+$0x1B0] =	vst v19;
	v19 =	vmul.f32 v38, v0  }
0x98: {  	v43 =	vmul.f32 v38, v4;
	[tilespmem:s24+$0x1D0] =	vst v21;
	v18 =	vadd.f32 v18, v9  }
0x99: {  	v41 =	vmul.f32 v38, v2;
	[tilespmem:s24+$0x230] =	vst v23;
	v19 =	vadd.f32 v19, v8  }
0x9a: {  	v22 =	vadd.f32 v43, v12;
	v20 =	vmul.f32 v38, v7;
	[tilespmem:s24+$0x210] =	vst v18;
	v18 =	vbroadcast v17, $0xD  }
0x9b: {  	v21 =	vadd.f32 v41, v10;
	[tilespmem:s24+$0x200] =	vst v19;
	v19 =	vmul.f32 v38, v5  }
0x9c: {  	[tilespmem:s24+$0x240] =	vst v22;
	v20 =	vadd.f32 v20, v15;
	v47 =	vmul.f32 v18, v1  }
0x9d: {  	[tilespmem:s24+$0x220] =	vst v21;
	v48 =	vmul.f32 v18, v2;
	v19 =	vadd.f32 v19, v13  }
0x9e: {  	[tilespmem:s24+$0x270] =	vst v20;
	v49 =	vmul.f32 v18, v3;
	v22 =	vadd.f32 v47, v9  }
0x9f: {  	v50 =	vmul.f32 v18, v4;
	v21 =	vadd.f32 v48, v10;
	[tilespmem:s24+$0x250] =	vst v19  }
0xa0: {  	v52 =	vbroadcast v17, $0xE;
	v51 =	vmul.f32 v18, v6;
	v23 =	vadd.f32 v49, v11;
	[tilespmem:s24+$0x290] =	vst v22  }
0xa1: {  	v45 =	vmul.f32 v18, v0;
	v20 =	vadd.f32 v50, v12;
	[tilespmem:s24+$0x2A0] =	vst v21  }
0xa2: {  	v54 =	vmul.f32 v52, v0;
	v53 =	vadd.f32 v51, v14;
	[tilespmem:s24+$0x2B0] =	vst v23  }
0xa3: {  	v55 =	vmul.f32 v52, v1;
	v19 =	vadd.f32 v45, v8;
	[tilespmem:s24+$0x2C0] =	vst v20  }
0xa4: {  	v56 =	vmul.f32 v52, v3;
	v22 =	vadd.f32 v54, v8;
	[tilespmem:s24+$0x2E0] =	vst v53  }
0xa5: {  	v20 =	vadd.f32 v55, v9;
	[tilespmem:s24+$0x280] =	vst v19;
	v19 =	vmul.f32 v18, v5  }
0xa6: {  	v21 =	vadd.f32 v56, v11;
	v18 =	vmul.f32 v18, v7;
	[tilespmem:s24+$0x300] =	vst v22  }
0xa7: {  	v57 =	vmul.f32 v52, v5;
	[tilespmem:s24+$0x310] =	vst v20;
	v19 =	vadd.f32 v19, v13  }
0xa8: {  	v58 =	vmul.f32 v52, v6;
	[tilespmem:s24+$0x330] =	vst v21;
	v18 =	vadd.f32 v18, v15  }
0xa9: {  	v17 =	vbroadcast v17, $0xF;
	v22 =	vadd.f32 v57, v13;
	[tilespmem:s24+$0x2D0] =	vst v19;
	v19 =	vmul.f32 v52, v2  }
0xaa: {  	v20 =	vadd.f32 v58, v14;
	[tilespmem:s24+$0x2F0] =	vst v18;
	v18 =	vmul.f32 v52, v4  }
0xab: {  	v59 =	vmul.f32 v17, v0;
	[tilespmem:s24+$0x350] =	vst v22;
	v19 =	vadd.f32 v19, v10  }
0xac: {  	v61 =	vmul.f32 v17, v3;
	[tilespmem:s24+$0x360] =	vst v20;
	v18 =	vadd.f32 v18, v12  }
0xad: {  	v21 =	vadd.f32 v59, v8;
	[tilespmem:s24+$0x320] =	vst v19;
	v19 =	vmul.f32 v52, v7  }
0xae: {  	v20 =	vadd.f32 v61, v11;
	[tilespmem:s24+$0x340] =	vst v18;
	v18 =	vmul.f32 v17, v1  }
0xaf: {  	v60 =	vmul.f32 v17, v2;
	[tilespmem:s24+$0x380] =	vst v21;
	v19 =	vadd.f32 v19, v15  }
0xb0: {  	v62 =	vmul.f32 v17, v4;
	[tilespmem:s24+$0x3B0] =	vst v20;
	v18 =	vadd.f32 v18, v9  }
0xb1: {  	v63 =	vmul.f32 v17, v5;
	[tilespmem:s24+$0x370] =	vst v19;
	v19 =	vadd.f32 v60, v10  }
0xb2: {  	v22 =	vadd.f32 v62, v12;
	[tilespmem:s24+$0x390] =	vst v18;
	v18 =	vmul.f32 v17, v6  }
0xb3: {  	v17 =	vmul.f32 v17, v7;
	[tilespmem:s24+$0x3A0] =	vst v19;
	v19 =	vadd.f32 v63, v13  }
0xb4: {  	[tilespmem:s24+$0x3C0] =	vst v22;
	v18 =	vadd.f32 v18, v14  }
0xb5: {  	v17 =	vadd.f32 v17, v15;
	[tilespmem:s24+$0x3D0] =	vst v19  }
0xb6: {  	[tilespmem:s24+$0x3E0] =	vst v18  }
0xb7: {  	s26 =	simm.s32 $0x10;
	s25 =	simm.s32 $0x80;
	s23 =	sshll.u32 s22, $0x1;
	[tilespmem:s24+$0x3F0] =	vst v17  }
.LBB2_3:
0xb8: {  	p1 =	sne.s32 s25, $0x1C0;
	v17 =	vld.idx.msk [tilespmem:v16+s26+$0x0 ss:$0x1], $0xffff;
	_ =	sdelay $0x5  }
0xb9: {  	v18 =	vbroadcast v17, $0x0;
	v19 =	vbroadcast v17, $0x1  }
0xba: {  	v20 =	vbroadcast v17, $0x2;
	v21 =	vbroadcast v17, $0x3  }
0xbb: {  	v22 =	vmul.f32 v18, v0;
	v23 =	vmul.f32 v18, v1  }
0xbc: {  	v24 =	vmul.f32 v18, v2;
	v25 =	vmul.f32 v18, v3  }
0xbd: {  	v26 =	vmul.f32 v18, v4;
	v22 =	vadd.f32 v22, v8;
	v23 =	vadd.f32 v23, v9  }
0xbe: {  	s24 =	sadd.s32 $0x800, s24;
	v27 =	vmul.f32 v18, v5;
	v24 =	vadd.f32 v24, v10;
	v25 =	vadd.f32 v25, v11  }
0xbf: {  	[tilespmem:s24+$0xFFFFFC00] =	vst v22;
	v22 =	vadd.f32 v26, v12;
	v26 =	vmul.f32 v18, v6;
	v18 =	vmul.f32 v18, v7  }
0xc0: {  	v28 =	vmul.f32 v19, v1;
	[tilespmem:s24+$0xFFFFFC10] =	vst v23;
	v23 =	vadd.f32 v27, v13;
	v27 =	vmul.f32 v19, v0  }
0xc1: {  	[tilespmem:s24+$0xFFFFFC20] =	vst v24;
	v24 =	vadd.f32 v26, v14;
	v18 =	vadd.f32 v18, v15;
	v26 =	vmul.f32 v19, v2  }
0xc2: {  	[tilespmem:s24+$0xFFFFFC30] =	vst v25;
	v25 =	vadd.f32 v27, v8;
	v27 =	vadd.f32 v28, v9;
	v28 =	vmul.f32 v19, v3  }
0xc3: {  	v29 =	vmul.f32 v19, v5;
	[tilespmem:s24+$0xFFFFFC40] =	vst v22;
	v22 =	vadd.f32 v26, v10;
	v26 =	vmul.f32 v19, v4  }
0xc4: {  	[tilespmem:s24+$0xFFFFFC50] =	vst v23;
	v23 =	vadd.f32 v28, v11;
	v28 =	vmul.f32 v19, v6;
	v19 =	vmul.f32 v19, v7  }
0xc5: {  	[tilespmem:s24+$0xFFFFFC60] =	vst v24;
	v24 =	vadd.f32 v26, v12;
	v26 =	vadd.f32 v29, v13;
	v29 =	vmul.f32 v20, v0  }
0xc6: {  	[tilespmem:s24+$0xFFFFFC70] =	vst v18;
	v18 =	vadd.f32 v28, v14;
	v19 =	vadd.f32 v19, v15;
	v28 =	vmul.f32 v20, v1  }
0xc7: {  	v30 =	vmul.f32 v20, v3;
	[tilespmem:s24+$0xFFFFFC80] =	vst v25;
	v25 =	vadd.f32 v29, v8;
	v29 =	vmul.f32 v20, v2  }
0xc8: {  	v31 =	vmul.f32 v20, v5;
	[tilespmem:s24+$0xFFFFFC90] =	vst v27;
	v27 =	vadd.f32 v28, v9;
	v28 =	vmul.f32 v20, v4  }
0xc9: {  	[tilespmem:s24+$0xFFFFFCA0] =	vst v22;
	v22 =	vadd.f32 v29, v10;
	v29 =	vadd.f32 v30, v11;
	v30 =	vmul.f32 v20, v6  }
0xca: {  	v20 =	vmul.f32 v20, v7;
	[tilespmem:s24+$0xFFFFFCB0] =	vst v23;
	v23 =	vadd.f32 v28, v12;
	v28 =	vadd.f32 v31, v13  }
0xcb: {  	v31 =	vmul.f32 v21, v1;
	[tilespmem:s24+$0xFFFFFCC0] =	vst v24;
	v24 =	vadd.f32 v30, v14;
	v30 =	vmul.f32 v21, v0  }
0xcc: {  	v32 =	vmul.f32 v21, v3;
	v20 =	vadd.f32 v20, v15;
	[tilespmem:s24+$0xFFFFFCD0] =	vst v26;
	v26 =	vmul.f32 v21, v2  }
0xcd: {  	[tilespmem:s24+$0xFFFFFCE0] =	vst v18;
	v18 =	vadd.f32 v30, v8;
	v30 =	vadd.f32 v31, v9;
	v31 =	vmul.f32 v21, v4  }
0xce: {  	[tilespmem:s24+$0xFFFFFCF0] =	vst v19;
	v19 =	vadd.f32 v26, v10;
	v26 =	vadd.f32 v32, v11;
	v32 =	vmul.f32 v21, v5  }
0xcf: {  	[tilespmem:s24+$0xFFFFFD00] =	vst v25;
	v25 =	vadd.f32 v31, v12;
	v31 =	vmul.f32 v21, v6;
	v21 =	vmul.f32 v21, v7  }
0xd0: {  	v33 =	vbroadcast v17, $0x5;
	[tilespmem:s24+$0xFFFFFD10] =	vst v27;
	v27 =	vadd.f32 v32, v13;
	v32 =	vbroadcast v17, $0x4  }
0xd1: {  	[tilespmem:s24+$0xFFFFFD20] =	vst v22;
	v22 =	vadd.f32 v31, v14;
	v21 =	vadd.f32 v21, v15;
	v31 =	vbroadcast v17, $0x6  }
0xd2: {  	[tilespmem:s24+$0xFFFFFD30] =	vst v29;
	v29 =	vmul.f32 v32, v0;
	v34 =	vmul.f32 v32, v1  }
0xd3: {  	v35 =	vmul.f32 v32, v3;
	[tilespmem:s24+$0xFFFFFD40] =	vst v23;
	v23 =	vmul.f32 v32, v2  }
0xd4: {  	[tilespmem:s24+$0xFFFFFD50] =	vst v28;
	v28 =	vadd.f32 v29, v8;
	v29 =	vadd.f32 v34, v9;
	v34 =	vmul.f32 v32, v4  }
0xd5: {  	[tilespmem:s24+$0xFFFFFD60] =	vst v24;
	v23 =	vadd.f32 v23, v10;
	v24 =	vadd.f32 v35, v11;
	v35 =	vmul.f32 v32, v5  }
0xd6: {  	[tilespmem:s24+$0xFFFFFD70] =	vst v20;
	v20 =	vadd.f32 v34, v12;
	v34 =	vmul.f32 v32, v6;
	v32 =	vmul.f32 v32, v7  }
0xd7: {  	v36 =	vmul.f32 v33, v1;
	[tilespmem:s24+$0xFFFFFD80] =	vst v18;
	v18 =	vadd.f32 v35, v13;
	v35 =	vmul.f32 v33, v0  }
0xd8: {  	[tilespmem:s24+$0xFFFFFD90] =	vst v30;
	v30 =	vadd.f32 v34, v14;
	v32 =	vadd.f32 v32, v15;
	v34 =	vmul.f32 v33, v2  }
0xd9: {  	[tilespmem:s24+$0xFFFFFDA0] =	vst v19;
	v19 =	vadd.f32 v35, v8;
	v35 =	vadd.f32 v36, v9;
	v36 =	vmul.f32 v33, v3  }
0xda: {  	v37 =	vmul.f32 v33, v5;
	[tilespmem:s24+$0xFFFFFDB0] =	vst v26;
	v26 =	vadd.f32 v34, v10;
	v34 =	vmul.f32 v33, v4  }
0xdb: {  	[tilespmem:s24+$0xFFFFFDC0] =	vst v25;
	v25 =	vadd.f32 v36, v11;
	v36 =	vmul.f32 v33, v6;
	v33 =	vmul.f32 v33, v7  }
0xdc: {  	[tilespmem:s24+$0xFFFFFDD0] =	vst v27;
	v27 =	vadd.f32 v34, v12;
	v34 =	vadd.f32 v37, v13;
	v37 =	vmul.f32 v31, v0  }
0xdd: {  	[tilespmem:s24+$0xFFFFFDE0] =	vst v22;
	v22 =	vadd.f32 v36, v14;
	v33 =	vadd.f32 v33, v15;
	v36 =	vmul.f32 v31, v1  }
0xde: {  	v38 =	vmul.f32 v31, v3;
	[tilespmem:s24+$0xFFFFFDF0] =	vst v21;
	v21 =	vadd.f32 v37, v8;
	v37 =	vmul.f32 v31, v2  }
0xdf: {  	v39 =	vmul.f32 v31, v5;
	[tilespmem:s24+$0xFFFFFE00] =	vst v28;
	v28 =	vadd.f32 v36, v9;
	v36 =	vmul.f32 v31, v4  }
0xe0: {  	[tilespmem:s24+$0xFFFFFE10] =	vst v29;
	v29 =	vadd.f32 v37, v10;
	v37 =	vadd.f32 v38, v11;
	v38 =	vmul.f32 v31, v6  }
0xe1: {  	v31 =	vmul.f32 v31, v7;
	[tilespmem:s24+$0xFFFFFE20] =	vst v23;
	v23 =	vadd.f32 v36, v12;
	v36 =	vadd.f32 v39, v13  }
0xe2: {  	v39 =	vbroadcast v17, $0x8;
	[tilespmem:s24+$0xFFFFFE30] =	vst v24;
	v24 =	vadd.f32 v38, v14;
	v38 =	vbroadcast v17, $0x7  }
0xe3: {  	v40 =	vbroadcast v17, $0xA;
	[tilespmem:s24+$0xFFFFFE40] =	vst v20;
	v20 =	vadd.f32 v31, v15;
	v31 =	vbroadcast v17, $0x9  }
0xe4: {  	[tilespmem:s24+$0xFFFFFE50] =	vst v18;
	v18 =	vmul.f32 v38, v0;
	v41 =	vmul.f32 v38, v1  }
0xe5: {  	v42 =	vmul.f32 v38, v3;
	[tilespmem:s24+$0xFFFFFE60] =	vst v30;
	v30 =	vmul.f32 v38, v2  }
0xe6: {  	[tilespmem:s24+$0xFFFFFE70] =	vst v32;
	v18 =	vadd.f32 v18, v8;
	v32 =	vadd.f32 v41, v9;
	v41 =	vmul.f32 v38, v4  }
0xe7: {  	[tilespmem:s24+$0xFFFFFE80] =	vst v19;
	v19 =	vadd.f32 v30, v10;
	v30 =	vadd.f32 v42, v11;
	v42 =	vmul.f32 v38, v5  }
0xe8: {  	[tilespmem:s24+$0xFFFFFE90] =	vst v35;
	v35 =	vadd.f32 v41, v12;
	v41 =	vmul.f32 v38, v6;
	v38 =	vmul.f32 v38, v7  }
0xe9: {  	v43 =	vmul.f32 v39, v1;
	[tilespmem:s24+$0xFFFFFEA0] =	vst v26;
	v26 =	vadd.f32 v42, v13;
	v42 =	vmul.f32 v39, v0  }
0xea: {  	[tilespmem:s24+$0xFFFFFEB0] =	vst v25;
	v25 =	vadd.f32 v41, v14;
	v38 =	vadd.f32 v38, v15;
	v41 =	vmul.f32 v39, v2  }
0xeb: {  	[tilespmem:s24+$0xFFFFFEC0] =	vst v27;
	v27 =	vadd.f32 v42, v8;
	v42 =	vadd.f32 v43, v9;
	v43 =	vmul.f32 v39, v3  }
0xec: {  	v44 =	vmul.f32 v39, v5;
	[tilespmem:s24+$0xFFFFFED0] =	vst v34;
	v34 =	vadd.f32 v41, v10;
	v41 =	vmul.f32 v39, v4  }
0xed: {  	[tilespmem:s24+$0xFFFFFEE0] =	vst v22;
	v22 =	vadd.f32 v43, v11;
	v43 =	vmul.f32 v39, v6;
	v39 =	vmul.f32 v39, v7  }
0xee: {  	[tilespmem:s24+$0xFFFFFEF0] =	vst v33;
	v33 =	vadd.f32 v41, v12;
	v41 =	vadd.f32 v44, v13;
	v44 =	vmul.f32 v31, v0  }
0xef: {  	[tilespmem:s24+$0xFFFFFF00] =	vst v21;
	v21 =	vadd.f32 v43, v14;
	v39 =	vadd.f32 v39, v15;
	v43 =	vmul.f32 v31, v1  }
0xf0: {  	v45 =	vmul.f32 v31, v3;
	[tilespmem:s24+$0xFFFFFF10] =	vst v28;
	v28 =	vadd.f32 v44, v8;
	v44 =	vmul.f32 v31, v2  }
0xf1: {  	v46 =	vmul.f32 v31, v5;
	[tilespmem:s24+$0xFFFFFF20] =	vst v29;
	v29 =	vadd.f32 v43, v9;
	v43 =	vmul.f32 v31, v4  }
0xf2: {  	[tilespmem:s24+$0xFFFFFF30] =	vst v37;
	v37 =	vadd.f32 v44, v10;
	v44 =	vadd.f32 v45, v11;
	v45 =	vmul.f32 v31, v6  }
0xf3: {  	v31 =	vmul.f32 v31, v7;
	[tilespmem:s24+$0xFFFFFF40] =	vst v23;
	v23 =	vadd.f32 v43, v12;
	v43 =	vadd.f32 v46, v13  }
0xf4: {  	v46 =	vmul.f32 v40, v1;
	[tilespmem:s24+$0xFFFFFF50] =	vst v36;
	v36 =	vadd.f32 v45, v14;
	v45 =	vmul.f32 v40, v0  }
0xf5: {  	v47 =	vmul.f32 v40, v3;
	[tilespmem:s24+$0xFFFFFF60] =	vst v24;
	v24 =	vadd.f32 v31, v15;
	v31 =	vmul.f32 v40, v2  }
0xf6: {  	[tilespmem:s24+$0xFFFFFF70] =	vst v20;
	v20 =	vadd.f32 v45, v8;
	v45 =	vadd.f32 v46, v9;
	v46 =	vmul.f32 v40, v4  }
0xf7: {  	v47 =	vadd.f32 v47, v11;
	[tilespmem:s24+$0xFFFFFF80] =	vst v18;
	v31 =	vadd.f32 v31, v10;
	v18 =	vmul.f32 v40, v5  }
0xf8: {  	[tilespmem:s24+$0xFFFFFF90] =	vst v32;
	v32 =	vadd.f32 v46, v12;
	v46 =	vmul.f32 v40, v6;
	v40 =	vmul.f32 v40, v7  }
0xf9: {  	v49 =	vbroadcast v17, $0xB;
	v50 =	vbroadcast v17, $0xC;
	[tilespmem:s24+$0xFFFFFFA0] =	vst v19;
	v48 =	vadd.f32 v18, v13  }
0xfa: {  	[tilespmem:s24+$0xFFFFFFB0] =	vst v30;
	v30 =	vadd.f32 v46, v14;
	v18 =	vadd.f32 v40, v15;
	v40 =	vbroadcast v17, $0xD  }
0xfb: {  	v19 =	vmul.f32 v49, v0;
	[tilespmem:s24+$0xFFFFFFC0] =	vst v35;
	v35 =	vmul.f32 v49, v1  }
0xfc: {  	v46 =	vmul.f32 v49, v3;
	[tilespmem:s24+$0xFFFFFFD0] =	vst v26;
	v26 =	vmul.f32 v49, v2  }
0xfd: {  	v51 =	vmul.f32 v49, v4;
	[tilespmem:s24+$0xFFFFFFE0] =	vst v25;
	v25 =	vadd.f32 v19, v8;
	v35 =	vadd.f32 v35, v9  }
0xfe: {  	v19 =	vadd.f32 v46, v11;
	[tilespmem:s24+$0xFFFFFFF0] =	vst v38;
	v26 =	vadd.f32 v26, v10;
	v38 =	vmul.f32 v49, v5  }
0xff: {  	v46 =	vmul.f32 v49, v6;
	v49 =	vmul.f32 v49, v7;
	[tilespmem:s24+$0x0] =	vst v27;
	v27 =	vadd.f32 v51, v12  }
0x100: {  	v51 =	vmul.f32 v50, v1;
	[tilespmem:s24+$0x10] =	vst v42;
	v38 =	vadd.f32 v38, v13;
	v42 =	vmul.f32 v50, v0  }
0x101: {  	[tilespmem:s24+$0x20] =	vst v34;
	v34 =	vadd.f32 v46, v14;
	v46 =	vadd.f32 v49, v15;
	v49 =	vmul.f32 v50, v2  }
0x102: {  	[tilespmem:s24+$0x30] =	vst v22;
	v22 =	vadd.f32 v42, v8;
	v42 =	vadd.f32 v51, v9;
	v51 =	vmul.f32 v50, v3  }
0x103: {  	v52 =	vmul.f32 v50, v5;
	[tilespmem:s24+$0x40] =	vst v33;
	v33 =	vadd.f32 v49, v10;
	v49 =	vmul.f32 v50, v4  }
0x104: {  	[tilespmem:s24+$0x50] =	vst v41;
	v41 =	vadd.f32 v51, v11;
	v51 =	vmul.f32 v50, v6;
	v50 =	vmul.f32 v50, v7  }
0x105: {  	[tilespmem:s24+$0x60] =	vst v21;
	v21 =	vadd.f32 v49, v12;
	v49 =	vadd.f32 v52, v13;
	v52 =	vmul.f32 v40, v0  }
0x106: {  	[tilespmem:s24+$0x70] =	vst v39;
	v39 =	vadd.f32 v51, v14;
	v50 =	vadd.f32 v50, v15;
	v51 =	vmul.f32 v40, v1  }
0x107: {  	v53 =	vmul.f32 v40, v3;
	[tilespmem:s24+$0x80] =	vst v28;
	v28 =	vadd.f32 v52, v8;
	v52 =	vmul.f32 v40, v2  }
0x108: {  	v54 =	vmul.f32 v40, v5;
	[tilespmem:s24+$0x90] =	vst v29;
	v29 =	vadd.f32 v51, v9;
	v51 =	vmul.f32 v40, v4  }
0x109: {  	[tilespmem:s24+$0xA0] =	vst v37;
	v37 =	vadd.f32 v52, v10;
	v52 =	vadd.f32 v53, v11;
	v53 =	vmul.f32 v40, v6  }
0x10a: {  	v40 =	vmul.f32 v40, v7;
	[tilespmem:s24+$0xB0] =	vst v44;
	v44 =	vadd.f32 v51, v12;
	v51 =	vadd.f32 v54, v13  }
0x10b: {  	[tilespmem:s24+$0xC0] =	vst v23;
	v23 =	vadd.f32 v53, v14;
	v53 =	vbroadcast v17, $0xE;
	v17 =	vbroadcast v17, $0xF  }
0x10c: {  	v40 =	vadd.f32 v40, v15;
	[tilespmem:s24+$0xD0] =	vst v43  }
0x10d: {  	[tilespmem:s24+$0xE0] =	vst v36;
	v36 =	vmul.f32 v53, v0;
	v43 =	vmul.f32 v53, v1  }
0x10e: {  	v54 =	vmul.f32 v53, v3;
	[tilespmem:s24+$0xF0] =	vst v24;
	v24 =	vmul.f32 v53, v2  }
0x10f: {  	[tilespmem:s24+$0x100] =	vst v20;
	v20 =	vadd.f32 v36, v8;
	v36 =	vadd.f32 v43, v9;
	v43 =	vmul.f32 v53, v4  }
0x110: {  	[tilespmem:s24+$0x110] =	vst v45;
	v24 =	vadd.f32 v24, v10;
	v45 =	vadd.f32 v54, v11;
	v54 =	vmul.f32 v53, v5  }
0x111: {  	[tilespmem:s24+$0x120] =	vst v31;
	v31 =	vadd.f32 v43, v12;
	v43 =	vmul.f32 v53, v6;
	v53 =	vmul.f32 v53, v7  }
0x112: {  	v55 =	vmul.f32 v17, v1;
	[tilespmem:s24+$0x130] =	vst v47;
	v47 =	vadd.f32 v54, v13;
	v54 =	vmul.f32 v17, v0  }
0x113: {  	[tilespmem:s24+$0x140] =	vst v32;
	v32 =	vadd.f32 v43, v14;
	v43 =	vadd.f32 v53, v15;
	v53 =	vmul.f32 v17, v2  }
0x114: {  	[tilespmem:s24+$0x150] =	vst v48;
	v48 =	vadd.f32 v54, v8;
	v54 =	vadd.f32 v55, v9;
	v55 =	vmul.f32 v17, v3  }
0x115: {  	v56 =	vmul.f32 v17, v5;
	[tilespmem:s24+$0x160] =	vst v30;
	v30 =	vadd.f32 v53, v10;
	v53 =	vmul.f32 v17, v4  }
0x116: {  	[tilespmem:s24+$0x170] =	vst v18;
	v18 =	vadd.f32 v55, v11;
	v55 =	vmul.f32 v17, v6;
	v17 =	vmul.f32 v17, v7  }
0x117: {  	[tilespmem:s24+$0x180] =	vst v25;
	v25 =	vadd.f32 v53, v12;
	v53 =	vadd.f32 v56, v13  }
0x118: {  	[tilespmem:s24+$0x190] =	vst v35;
	v35 =	vadd.f32 v55, v14;
	v17 =	vadd.f32 v17, v15  }
0x119: {  	[tilespmem:s24+$0x1A0] =	vst v26  }
0x11a: {  	[tilespmem:s24+$0x1B0] =	vst v19  }
0x11b: {  	[tilespmem:s24+$0x1C0] =	vst v27  }
0x11c: {  	[tilespmem:s24+$0x1D0] =	vst v38  }
0x11d: {  	[tilespmem:s24+$0x1E0] =	vst v34  }
0x11e: {  	[tilespmem:s24+$0x1F0] =	vst v46  }
0x11f: {  	[tilespmem:s24+$0x200] =	vst v22  }
0x120: {  	[tilespmem:s24+$0x210] =	vst v42  }
0x121: {  	[tilespmem:s24+$0x220] =	vst v33  }
0x122: {  	[tilespmem:s24+$0x230] =	vst v41  }
0x123: {  	[tilespmem:s24+$0x240] =	vst v21  }
0x124: {  	[tilespmem:s24+$0x250] =	vst v49  }
0x125: {  	[tilespmem:s24+$0x260] =	vst v39  }
0x126: {  	[tilespmem:s24+$0x270] =	vst v50  }
0x127: {  	[tilespmem:s24+$0x280] =	vst v28  }
0x128: {  	[tilespmem:s24+$0x290] =	vst v29  }
0x129: {  	[tilespmem:s24+$0x2A0] =	vst v37  }
0x12a: {  	[tilespmem:s24+$0x2B0] =	vst v52  }
0x12b: {  	[tilespmem:s24+$0x2C0] =	vst v44  }
0x12c: {  	[tilespmem:s24+$0x2D0] =	vst v51  }
0x12d: {  	[tilespmem:s24+$0x2E0] =	vst v23  }
0x12e: {  	[tilespmem:s24+$0x2F0] =	vst v40  }
0x12f: {  	[tilespmem:s24+$0x300] =	vst v20  }
0x130: {  	[tilespmem:s24+$0x310] =	vst v36  }
0x131: {  	[tilespmem:s24+$0x320] =	vst v24  }
0x132: {  	[tilespmem:s24+$0x330] =	vst v45  }
0x133: {  	[tilespmem:s24+$0x340] =	vst v31  }
0x134: {  	[tilespmem:s24+$0x350] =	vst v47  }
0x135: {  	[tilespmem:s24+$0x360] =	vst v32  }
0x136: {  	[tilespmem:s24+$0x370] =	vst v43  }
0x137: {  	[tilespmem:s24+$0x380] =	vst v48  }
0x138: {  	[tilespmem:s24+$0x390] =	vst v54  }
0x139: {  	[tilespmem:s24+$0x3A0] =	vst v30  }
.Ltmp0:
0x13a: {  	[tilespmem:s24+$0x3B0] =	vst v18;
	(pc) =	sbr.rel @p1 .LBB2_3-.Ltmp0, $4  }
0x13b: {  	[tilespmem:s24+$0x3C0] =	vst v25  }
0x13c: {  	[tilespmem:s24+$0x3D0] =	vst v53  }
0x13d: {  	[tilespmem:s24+$0x3E0] =	vst v35  }
0x13e: {  	s26 =	sshra.s32 s25, $0x2;
	s25 =	sadd.s32 $0x40, s25;
	[tilespmem:s24+$0x3F0] =	vst v17  }
0x13f: {  	_ =	sdelay $0x3  }
0x140: {  	v16 =	vld.idx.msk [tilespmem:v16+s26+$0x0 ss:$0x1], $0xffff;
	_ =	sdelay $0x4  }
0x141: {  	v17 =	vbroadcast v16, $0x0;
	_ =	sdelay $0x1  }
0x142: {  	v18 =	vmul.f32 v17, v0  }
0x143: {  	v19 =	vmul.f32 v17, v1  }
0x144: {  	v20 =	vmul.f32 v17, v2;
	v18 =	vadd.f32 v18, v8  }
0x145: {  	s24 =	sadd.s32 $0x800, s24;
	v22 =	vmul.f32 v17, v4;
	v19 =	vadd.f32 v19, v9  }
0x146: {  	v53 =	vmul.f32 v17, v5;
	v20 =	vadd.f32 v20, v10;
	[tilespmem:s24+$0xFFFFFC00] =	vst v18  }
0x147: {  	v61 =	vbroadcast v16, $0x2;
	v23 =	vmul.f32 v17, v6;
	v22 =	vadd.f32 v22, v12;
	[tilespmem:s24+$0xFFFFFC10] =	vst v19  }
0x148: {  	v21 =	vmul.f32 v17, v3;
	v17 =	vmul.f32 v17, v7;
	v54 =	vadd.f32 v53, v13;
	[tilespmem:s24+$0xFFFFFC20] =	vst v20  }
0x149: {  	v26 =	vbroadcast v16, $0x3;
	v27 =	vmul.f32 v61, v6;
	v55 =	vadd.f32 v23, v14;
	[tilespmem:s24+$0xFFFFFC40] =	vst v22  }
0x14a: {  	v17 =	vadd.f32 v17, v15;
	[tilespmem:s24+$0xFFFFFC50] =	vst v54  }
0x14b: {  	v32 =	vbroadcast v16, $0x4;
	v30 =	vmul.f32 v26, v3;
	v28 =	vadd.f32 v27, v14;
	[tilespmem:s24+$0xFFFFFC60] =	vst v55  }
0x14c: {  	v31 =	vmul.f32 v26, v5;
	v18 =	vadd.f32 v21, v11;
	v19 =	vbroadcast v16, $0x1;
	[tilespmem:s24+$0xFFFFFC70] =	vst v17  }
0x14d: {  	v34 =	vmul.f32 v32, v0;
	[tilespmem:s24+$0xFFFFFD60] =	vst v28;
	v21 =	vadd.f32 v30, v11  }
0x14e: {  	v33 =	vadd.f32 v31, v13;
	[tilespmem:s24+$0xFFFFFC30] =	vst v18;
	v18 =	vmul.f32 v19, v0  }
0x14f: {  	v56 =	vmul.f32 v19, v1;
	[tilespmem:s24+$0xFFFFFDB0] =	vst v21;
	v21 =	vadd.f32 v34, v8  }
0x150: {  	[tilespmem:s24+$0xFFFFFDD0] =	vst v33;
	v57 =	vmul.f32 v19, v2;
	v18 =	vadd.f32 v18, v8  }
0x151: {  	v59 =	vmul.f32 v19, v3;
	v58 =	vadd.f32 v56, v9;
	[tilespmem:s24+$0xFFFFFE00] =	vst v21  }
0x152: {  	v60 =	vmul.f32 v19, v4;
	v17 =	vadd.f32 v57, v10;
	[tilespmem:s24+$0xFFFFFC80] =	vst v18  }
0x153: {  	v62 =	vmul.f32 v19, v6;
	v22 =	vadd.f32 v59, v11;
	[tilespmem:s24+$0xFFFFFC90] =	vst v58  }
0x154: {  	v36 =	vmul.f32 v32, v5;
	v20 =	vadd.f32 v60, v12;
	[tilespmem:s24+$0xFFFFFCA0] =	vst v17  }
0x155: {  	v63 =	vadd.f32 v62, v14;
	v18 =	vmul.f32 v19, v5;
	[tilespmem:s24+$0xFFFFFCB0] =	vst v22  }
0x156: {  	v21 =	vadd.f32 v36, v13;
	v17 =	vmul.f32 v19, v7;
	[tilespmem:s24+$0xFFFFFCC0] =	vst v20  }
0x157: {  	v19 =	vmul.f32 v61, v0;
	[tilespmem:s24+$0xFFFFFCE0] =	vst v63;
	v18 =	vadd.f32 v18, v13  }
0x158: {  	v24 =	vmul.f32 v61, v1;
	[tilespmem:s24+$0xFFFFFE50] =	vst v21;
	v17 =	vadd.f32 v17, v15  }
0x159: {  	[tilespmem:s24+$0xFFFFFCD0] =	vst v18;
	v18 =	vadd.f32 v19, v8;
	v19 =	vmul.f32 v61, v2  }
0x15a: {  	v20 =	vadd.f32 v24, v9;
	[tilespmem:s24+$0xFFFFFCF0] =	vst v17;
	v17 =	vmul.f32 v61, v4  }
0x15b: {  	v19 =	vadd.f32 v19, v10;
	[tilespmem:s24+$0xFFFFFD00] =	vst v18;
	v18 =	vmul.f32 v61, v5  }
0x15c: {  	v25 =	vmul.f32 v61, v3;
	[tilespmem:s24+$0xFFFFFD10] =	vst v20;
	v17 =	vadd.f32 v17, v12  }
0x15d: {  	[tilespmem:s24+$0xFFFFFD20] =	vst v19;
	v18 =	vadd.f32 v18, v13;
	v19 =	vmul.f32 v61, v7  }
0x15e: {  	v22 =	vadd.f32 v25, v11;
	[tilespmem:s24+$0xFFFFFD40] =	vst v17;
	v17 =	vmul.f32 v26, v1  }
0x15f: {  	v19 =	vadd.f32 v19, v15;
	[tilespmem:s24+$0xFFFFFD50] =	vst v18;
	v18 =	vmul.f32 v26, v2  }
0x160: {  	v29 =	vmul.f32 v26, v0;
	[tilespmem:s24+$0xFFFFFD30] =	vst v22;
	v17 =	vadd.f32 v17, v9  }
0x161: {  	[tilespmem:s24+$0xFFFFFD70] =	vst v19;
	v19 =	vmul.f32 v26, v4;
	v18 =	vadd.f32 v18, v10  }
0x162: {  	v35 =	vmul.f32 v32, v2;
	v22 =	vadd.f32 v29, v8;
	[tilespmem:s24+$0xFFFFFD90] =	vst v17  }
0x163: {  	v17 =	vadd.f32 v19, v12;
	v19 =	vmul.f32 v26, v6;
	[tilespmem:s24+$0xFFFFFDA0] =	vst v18;
	v18 =	vmul.f32 v26, v7  }
0x164: {  	v20 =	vadd.f32 v35, v10;
	[tilespmem:s24+$0xFFFFFD80] =	vst v22  }
0x165: {  	v19 =	vadd.f32 v19, v14;
	[tilespmem:s24+$0xFFFFFDC0] =	vst v17;
	v17 =	vadd.f32 v18, v15;
	v18 =	vmul.f32 v32, v1  }
0x166: {  	v37 =	vmul.f32 v32, v6;
	[tilespmem:s24+$0xFFFFFE20] =	vst v20  }
0x167: {  	[tilespmem:s24+$0xFFFFFDE0] =	vst v19;
	v19 =	vmul.f32 v32, v3;
	v18 =	vadd.f32 v18, v9  }
0x168: {  	v27 =	vbroadcast v16, $0xA;
	v22 =	vadd.f32 v37, v14;
	[tilespmem:s24+$0xFFFFFDF0] =	vst v17;
	v17 =	vmul.f32 v32, v4  }
0x169: {  	v38 =	vmul.f32 v32, v7;
	v19 =	vadd.f32 v19, v11;
	[tilespmem:s24+$0xFFFFFE10] =	vst v18;
	v18 =	vbroadcast v16, $0x5  }
0x16a: {  	[tilespmem:s24+$0xFFFFFE60] =	vst v22;
	v32 =	vmul.f32 v27, v5;
	v17 =	vadd.f32 v17, v12  }
0x16b: {  	v20 =	vadd.f32 v38, v15;
	[tilespmem:s24+$0xFFFFFE30] =	vst v19;
	v19 =	vmul.f32 v18, v0  }
0x16c: {  	v34 =	vadd.f32 v32, v13;
	[tilespmem:s24+$0xFFFFFE40] =	vst v17;
	v17 =	vmul.f32 v18, v1  }
0x16d: {  	[tilespmem:s24+$0xFFFFFE70] =	vst v20;
	v39 =	vmul.f32 v18, v2;
	v19 =	vadd.f32 v19, v8  }
0x16e: {  	v40 =	vmul.f32 v18, v3;
	[tilespmem:s24+$0x150] =	vst v34;
	v17 =	vadd.f32 v17, v9  }
0x16f: {  	v42 =	vmul.f32 v18, v4;
	v41 =	vadd.f32 v39, v10;
	[tilespmem:s24+$0xFFFFFE80] =	vst v19  }
0x170: {  	v43 =	vmul.f32 v18, v6;
	v22 =	vadd.f32 v40, v11;
	[tilespmem:s24+$0xFFFFFE90] =	vst v17  }
0x171: {  	v21 =	vadd.f32 v42, v12;
	v19 =	vmul.f32 v18, v5;
	v17 =	vbroadcast v16, $0x6;
	[tilespmem:s24+$0xFFFFFEA0] =	vst v41  }
0x172: {  	v45 =	vadd.f32 v43, v14;
	v18 =	vmul.f32 v18, v7;
	[tilespmem:s24+$0xFFFFFEB0] =	vst v22  }
0x173: {  	[tilespmem:s24+$0xFFFFFEC0] =	vst v21;
	v19 =	vadd.f32 v19, v13;
	v44 =	vmul.f32 v17, v0  }
0x174: {  	[tilespmem:s24+$0xFFFFFEE0] =	vst v45;
	v18 =	vadd.f32 v18, v15;
	v46 =	vmul.f32 v17, v1  }
0x175: {  	v47 =	vmul.f32 v17, v2;
	[tilespmem:s24+$0xFFFFFED0] =	vst v19;
	v19 =	vadd.f32 v44, v8  }
0x176: {  	v48 =	vmul.f32 v17, v3;
	v21 =	vadd.f32 v46, v9;
	[tilespmem:s24+$0xFFFFFEF0] =	vst v18  }
0x177: {  	v50 =	vbroadcast v16, $0x7;
	v49 =	vmul.f32 v17, v6;
	v20 =	vadd.f32 v47, v10;
	[tilespmem:s24+$0xFFFFFF00] =	vst v19  }
0x178: {  	v18 =	vmul.f32 v17, v4;
	v22 =	vadd.f32 v48, v11;
	[tilespmem:s24+$0xFFFFFF10] =	vst v21  }
0x179: {  	v52 =	vmul.f32 v50, v0;
	v51 =	vadd.f32 v49, v14;
	[tilespmem:s24+$0xFFFFFF20] =	vst v20  }
0x17a: {  	v19 =	vmul.f32 v17, v5;
	v18 =	vadd.f32 v18, v12;
	[tilespmem:s24+$0xFFFFFF30] =	vst v22  }
0x17b: {  	v53 =	vmul.f32 v50, v3;
	v21 =	vadd.f32 v52, v8;
	[tilespmem:s24+$0xFFFFFF60] =	vst v51  }
0x17c: {  	v17 =	vmul.f32 v17, v7;
	v19 =	vadd.f32 v19, v13;
	[tilespmem:s24+$0xFFFFFF40] =	vst v18  }
0x17d: {  	v20 =	vadd.f32 v53, v11;
	v18 =	vmul.f32 v50, v1;
	[tilespmem:s24+$0xFFFFFF80] =	vst v21  }
0x17e: {  	v17 =	vadd.f32 v17, v15;
	[tilespmem:s24+$0xFFFFFF50] =	vst v19;
	v19 =	vmul.f32 v50, v2  }
0x17f: {  	v55 =	vmul.f32 v50, v6;
	[tilespmem:s24+$0xFFFFFFB0] =	vst v20;
	v18 =	vadd.f32 v18, v9  }
0x180: {  	[tilespmem:s24+$0xFFFFFF70] =	vst v17;
	v17 =	vmul.f32 v50, v4;
	v19 =	vadd.f32 v19, v10  }
0x181: {  	v54 =	vmul.f32 v50, v5;
	v22 =	vadd.f32 v55, v14;
	[tilespmem:s24+$0xFFFFFF90] =	vst v18;
	v18 =	vbroadcast v16, $0x8  }
0x182: {  	v17 =	vadd.f32 v17, v12;
	[tilespmem:s24+$0xFFFFFFA0] =	vst v19;
	v19 =	vmul.f32 v50, v7  }
0x183: {  	v21 =	vadd.f32 v54, v13;
	[tilespmem:s24+$0xFFFFFFE0] =	vst v22;
	v56 =	vmul.f32 v18, v0  }
0x184: {  	[tilespmem:s24+$0xFFFFFFC0] =	vst v17;
	v17 =	vmul.f32 v18, v1;
	v19 =	vadd.f32 v19, v15  }
0x185: {  	[tilespmem:s24+$0xFFFFFFD0] =	vst v21;
	v58 =	vmul.f32 v18, v3;
	v20 =	vadd.f32 v56, v8  }
0x186: {  	v59 =	vmul.f32 v18, v4;
	v17 =	vadd.f32 v17, v9;
	[tilespmem:s24+$0xFFFFFFF0] =	vst v19  }
0x187: {  	v57 =	vmul.f32 v18, v2;
	v22 =	vadd.f32 v58, v11;
	[tilespmem:s24+$0x0] =	vst v20  }
0x188: {  	v61 =	vmul.f32 v18, v6;
	v21 =	vadd.f32 v59, v12;
	[tilespmem:s24+$0x10] =	vst v17  }
0x189: {  	v60 =	vmul.f32 v18, v5;
	v19 =	vadd.f32 v57, v10;
	v17 =	vbroadcast v16, $0x9;
	[tilespmem:s24+$0x30] =	vst v22  }
0x18a: {  	v18 =	vmul.f32 v18, v7;
	v63 =	vadd.f32 v61, v14;
	[tilespmem:s24+$0x40] =	vst v21  }
0x18b: {  	[tilespmem:s24+$0x20] =	vst v19;
	v19 =	vadd.f32 v60, v13;
	v62 =	vmul.f32 v17, v0  }
0x18c: {  	v18 =	vadd.f32 v18, v15;
	[tilespmem:s24+$0x60] =	vst v63;
	v24 =	vmul.f32 v17, v1  }
0x18d: {  	v25 =	vmul.f32 v17, v2;
	[tilespmem:s24+$0x50] =	vst v19;
	v19 =	vadd.f32 v62, v8  }
0x18e: {  	[tilespmem:s24+$0x70] =	vst v18;
	v26 =	vmul.f32 v17, v3;
	v21 =	vadd.f32 v24, v9  }
0x18f: {  	v18 =	vmul.f32 v17, v4;
	v20 =	vadd.f32 v25, v10;
	[tilespmem:s24+$0x80] =	vst v19  }
0x190: {  	v28 =	vmul.f32 v17, v6;
	v22 =	vadd.f32 v26, v11;
	[tilespmem:s24+$0x90] =	vst v21  }
0x191: {  	v30 =	vmul.f32 v27, v0;
	v18 =	vadd.f32 v18, v12;
	[tilespmem:s24+$0xA0] =	vst v20  }
0x192: {  	v29 =	vadd.f32 v28, v14;
	v19 =	vmul.f32 v17, v5;
	[tilespmem:s24+$0xB0] =	vst v22  }
0x193: {  	v31 =	vmul.f32 v27, v3;
	[tilespmem:s24+$0xC0] =	vst v18;
	v22 =	vadd.f32 v30, v8  }
0x194: {  	v17 =	vmul.f32 v17, v7;
	[tilespmem:s24+$0xE0] =	vst v29;
	v19 =	vadd.f32 v19, v13  }
0x195: {  	v33 =	vbroadcast v16, $0xB;
	v18 =	vmul.f32 v27, v1;
	v20 =	vadd.f32 v31, v11;
	[tilespmem:s24+$0x100] =	vst v22  }
0x196: {  	v17 =	vadd.f32 v17, v15;
	[tilespmem:s24+$0xD0] =	vst v19;
	v19 =	vmul.f32 v27, v2  }
0x197: {  	v36 =	vmul.f32 v33, v2;
	v18 =	vadd.f32 v18, v9;
	[tilespmem:s24+$0x130] =	vst v20  }
0x198: {  	[tilespmem:s24+$0xF0] =	vst v17;
	v17 =	vmul.f32 v27, v4;
	v19 =	vadd.f32 v19, v10  }
0x199: {  	v35 =	vmul.f32 v33, v0;
	v21 =	vadd.f32 v36, v10;
	[tilespmem:s24+$0x110] =	vst v18  }
0x19a: {  	v18 =	vmul.f32 v27, v6;
	v17 =	vadd.f32 v17, v12;
	[tilespmem:s24+$0x120] =	vst v19;
	v19 =	vmul.f32 v27, v7  }
0x19b: {  	v20 =	vadd.f32 v35, v8;
	[tilespmem:s24+$0x1A0] =	vst v21  }
0x19c: {  	v18 =	vadd.f32 v18, v14;
	[tilespmem:s24+$0x140] =	vst v17;
	v17 =	vadd.f32 v19, v15;
	v19 =	vmul.f32 v33, v1  }
0x19d: {  	v38 =	vmul.f32 v33, v6;
	[tilespmem:s24+$0x180] =	vst v20  }
0x19e: {  	[tilespmem:s24+$0x160] =	vst v18;
	v18 =	vmul.f32 v33, v3;
	v19 =	vadd.f32 v19, v9  }
0x19f: {  	v22 =	vadd.f32 v38, v14;
	[tilespmem:s24+$0x170] =	vst v17;
	v17 =	vmul.f32 v33, v4  }
0x1a0: {  	v39 =	vmul.f32 v33, v7;
	v18 =	vadd.f32 v18, v11;
	[tilespmem:s24+$0x190] =	vst v19;
	v19 =	vbroadcast v16, $0xC  }
0x1a1: {  	v37 =	vmul.f32 v33, v5;
	[tilespmem:s24+$0x1E0] =	vst v22;
	v17 =	vadd.f32 v17, v12  }
0x1a2: {  	v21 =	vadd.f32 v39, v15;
	[tilespmem:s24+$0x1B0] =	vst v18;
	v18 =	vmul.f32 v19, v0  }
0x1a3: {  	v20 =	vadd.f32 v37, v13;
	[tilespmem:s24+$0x1C0] =	vst v17;
	v17 =	vmul.f32 v19, v1  }
0x1a4: {  	[tilespmem:s24+$0x1F0] =	vst v21;
	v40 =	vmul.f32 v19, v2;
	v18 =	vadd.f32 v18, v8  }
0x1a5: {  	[tilespmem:s24+$0x1D0] =	vst v20;
	v41 =	vmul.f32 v19, v3;
	v17 =	vadd.f32 v17, v9  }
0x1a6: {  	v42 =	vmul.f32 v19, v4;
	v20 =	vadd.f32 v40, v10;
	[tilespmem:s24+$0x200] =	vst v18  }
0x1a7: {  	v43 =	vmul.f32 v19, v6;
	v22 =	vadd.f32 v41, v11;
	[tilespmem:s24+$0x210] =	vst v17  }
0x1a8: {  	v21 =	vadd.f32 v42, v12;
	v18 =	vmul.f32 v19, v5;
	v17 =	vbroadcast v16, $0xD;
	[tilespmem:s24+$0x220] =	vst v20  }
0x1a9: {  	v45 =	vadd.f32 v43, v14;
	v19 =	vmul.f32 v19, v7;
	[tilespmem:s24+$0x230] =	vst v22  }
0x1aa: {  	[tilespmem:s24+$0x240] =	vst v21;
	v18 =	vadd.f32 v18, v13;
	v44 =	vmul.f32 v17, v0  }
0x1ab: {  	[tilespmem:s24+$0x260] =	vst v45;
	v19 =	vadd.f32 v19, v15;
	v46 =	vmul.f32 v17, v1  }
0x1ac: {  	v47 =	vmul.f32 v17, v2;
	[tilespmem:s24+$0x250] =	vst v18;
	v18 =	vadd.f32 v44, v8  }
0x1ad: {  	v48 =	vmul.f32 v17, v3;
	v21 =	vadd.f32 v46, v9;
	[tilespmem:s24+$0x270] =	vst v19  }
0x1ae: {  	v50 =	vbroadcast v16, $0xE;
	v49 =	vmul.f32 v17, v6;
	v20 =	vadd.f32 v47, v10;
	[tilespmem:s24+$0x280] =	vst v18  }
0x1af: {  	v19 =	vmul.f32 v17, v4;
	v22 =	vadd.f32 v48, v11;
	[tilespmem:s24+$0x290] =	vst v21  }
0x1b0: {  	v52 =	vmul.f32 v50, v0;
	v51 =	vadd.f32 v49, v14;
	[tilespmem:s24+$0x2A0] =	vst v20  }
0x1b1: {  	v53 =	vmul.f32 v50, v3;
	v19 =	vadd.f32 v19, v12;
	[tilespmem:s24+$0x2B0] =	vst v22  }
0x1b2: {  	v18 =	vmul.f32 v17, v5;
	v21 =	vadd.f32 v52, v8;
	[tilespmem:s24+$0x2E0] =	vst v51  }
0x1b3: {  	v16 =	vbroadcast v16, $0xF;
	v17 =	vmul.f32 v17, v7;
	v20 =	vadd.f32 v53, v11;
	[tilespmem:s24+$0x2C0] =	vst v19  }
0x1b4: {  	v54 =	vmul.f32 v50, v5;
	v18 =	vadd.f32 v18, v13;
	[tilespmem:s24+$0x300] =	vst v21  }
0x1b5: {  	v55 =	vmul.f32 v16, v0;
	v17 =	vadd.f32 v17, v15;
	[tilespmem:s24+$0x330] =	vst v20  }
0x1b6: {  	v19 =	vmul.f32 v50, v1;
	v21 =	vadd.f32 v54, v13;
	[tilespmem:s24+$0x2D0] =	vst v18  }
0x1b7: {  	v20 =	vadd.f32 v55, v8;
	v18 =	vmul.f32 v50, v2;
	[tilespmem:s24+$0x2F0] =	vst v17  }
0x1b8: {  	v19 =	vadd.f32 v19, v9;
	v17 =	vmul.f32 v50, v4;
	[tilespmem:s24+$0x350] =	vst v21  }
0x1b9: {  	v57 =	vmul.f32 v16, v4;
	[tilespmem:s24+$0x380] =	vst v20;
	v18 =	vadd.f32 v18, v10  }
0x1ba: {  	[tilespmem:s24+$0x310] =	vst v19;
	v17 =	vadd.f32 v17, v12;
	v19 =	vmul.f32 v50, v6  }
0x1bb: {  	v21 =	vadd.f32 v57, v12;
	[tilespmem:s24+$0x320] =	vst v18;
	v18 =	vmul.f32 v50, v7  }
0x1bc: {  	v19 =	vadd.f32 v19, v14;
	[tilespmem:s24+$0x340] =	vst v17;
	v17 =	vmul.f32 v16, v1  }
0x1bd: {  	v56 =	vmul.f32 v16, v2;
	[tilespmem:s24+$0x3C0] =	vst v21;
	v18 =	vadd.f32 v18, v15  }
0x1be: {  	[tilespmem:s24+$0x360] =	vst v19;
	v17 =	vadd.f32 v17, v9;
	v19 =	vmul.f32 v16, v3  }
0x1bf: {  	v58 =	vmul.f32 v16, v5;
	[tilespmem:s24+$0x370] =	vst v18;
	v18 =	vadd.f32 v56, v10  }
0x1c0: {  	v19 =	vadd.f32 v19, v11;
	[tilespmem:s24+$0x390] =	vst v17;
	v17 =	vmul.f32 v16, v6  }
0x1c1: {  	v16 =	vmul.f32 v16, v7;
	[tilespmem:s24+$0x3A0] =	vst v18;
	v18 =	vadd.f32 v58, v13  }
0x1c2: {  	s25 =	sshll.u32 s22, $0x14;
	[tilespmem:s24+$0x3B0] =	vst v19;
	v17 =	vadd.f32 v17, v14  }
0x1c3: {  	s25 =	sor.u32 s8, s25;
	v16 =	vadd.f32 v16, v15;
	[tilespmem:s24+$0x3D0] =	vst v18  }
0x1c4: {  	s25 =	sshrl.u32 s25, $0x3;
	[tilespmem:s24+$0x3E0] =	vst v17  }
0x1c5: {  	s30 =	sadd.s32 s4, s25;
	[tilespmem:s24+$0x3F0] =	vst v16;
	v16 =	vmov s21;
	s24 =	simm.s32 @!p0 $0x2  }
0x1c6: {  	[hbm4b:s30+s5] =	stream.linear.scatter [tilespmem:s15], [sflag:$0x1], $0x4000, $0x38;
	[tilespmem:$0x9D80] =	vst v63  }
0x1c7: {  	_ =	swait.ge @!p0 [sflag:s24], $0x4000  }
0x1c8: {  	[sflag:s24] =	ssyncset.done @!p0 $0x0  }
0x1c9: {  	s31 =	simm.s32 $0x0;
	[sflag:s24] =	ssyncadd.s32 @!p0 $0xFFFFC000  }
0x1ca: {  	v17 =	vld.idx.msk [tilespmem:v16+s31+$0x0 ss:$0x1], $0xffff;
	_ =	sdelay $0x4  }
0x1cb: {  	v18 =	vbroadcast v17, $0x0;
	_ =	sdelay $0x1  }
0x1cc: {  	v19 =	vmul.f32 v18, v0  }
0x1cd: {  	v59 =	vmul.f32 v18, v1  }
0x1ce: {  	v60 =	vmul.f32 v18, v2;
	v19 =	vadd.f32 v19, v8  }
0x1cf: {  	s24 =	simm.s32 $0x6180;
	v62 =	vmul.f32 v18, v4;
	v20 =	vadd.f32 v59, v9  }
0x1d0: {  	v63 =	vmul.f32 v18, v5;
	v21 =	vadd.f32 v60, v10;
	[tilespmem:s24+$0xFFFFFC00] =	vst v19  }
0x1d1: {  	v28 =	vbroadcast v17, $0x1;
	v24 =	vmul.f32 v18, v6;
	v23 =	vadd.f32 v62, v12;
	[tilespmem:s24+$0xFFFFFC10] =	vst v20  }
0x1d2: {  	v61 =	vmul.f32 v18, v3;
	v18 =	vmul.f32 v18, v7;
	v29 =	vadd.f32 v63, v13;
	[tilespmem:s24+$0xFFFFFC20] =	vst v21  }
0x1d3: {  	v36 =	vbroadcast v17, $0x2;
	v31 =	vmul.f32 v28, v1;
	v30 =	vadd.f32 v24, v14;
	[tilespmem:s24+$0xFFFFFC40] =	vst v23  }
0x1d4: {  	v37 =	vmul.f32 v28, v6;
	v18 =	vadd.f32 v18, v15;
	[tilespmem:s24+$0xFFFFFC50] =	vst v29  }
0x1d5: {  	v43 =	vbroadcast v17, $0x3;
	v44 =	vmul.f32 v36, v6;
	v33 =	vadd.f32 v31, v9;
	[tilespmem:s24+$0xFFFFFC60] =	vst v30  }
0x1d6: {  	v39 =	vadd.f32 v37, v14;
	[tilespmem:s24+$0xFFFFFC70] =	vst v18  }
0x1d7: {  	v48 =	vmul.f32 v43, v3;
	v46 =	vadd.f32 v44, v14;
	[tilespmem:s24+$0xFFFFFC90] =	vst v33  }
0x1d8: {  	v50 =	vmul.f32 v43, v5;
	v19 =	vadd.f32 v61, v11;
	[tilespmem:s24+$0xFFFFFCE0] =	vst v39  }
0x1d9: {  	v32 =	vmul.f32 v28, v2;
	v22 =	vadd.f32 v48, v11;
	[tilespmem:s24+$0xFFFFFD60] =	vst v46  }
0x1da: {  	v53 =	vadd.f32 v50, v13;
	[tilespmem:s24+$0xFFFFFC30] =	vst v19;
	v19 =	vmul.f32 v28, v0  }
0x1db: {  	v34 =	vmul.f32 v28, v3;
	v18 =	vadd.f32 v32, v10;
	[tilespmem:s24+$0xFFFFFDB0] =	vst v22  }
0x1dc: {  	v35 =	vmul.f32 v28, v4;
	[tilespmem:s24+$0xFFFFFDD0] =	vst v53;
	v19 =	vadd.f32 v19, v8  }
0x1dd: {  	v41 =	vmul.f32 v36, v2;
	v23 =	vadd.f32 v34, v11;
	[tilespmem:s24+$0xFFFFFCA0] =	vst v18  }
0x1de: {  	v21 =	vadd.f32 v35, v12;
	[tilespmem:s24+$0xFFFFFC80] =	vst v19;
	v19 =	vmul.f32 v28, v5  }
0x1df: {  	v52 =	vbroadcast v17, $0x4;
	v20 =	vadd.f32 v41, v10;
	v18 =	vmul.f32 v28, v7;
	[tilespmem:s24+$0xFFFFFCB0] =	vst v23  }
0x1e0: {  	v38 =	vmul.f32 v36, v0;
	[tilespmem:s24+$0xFFFFFCC0] =	vst v21;
	v19 =	vadd.f32 v19, v13  }
0x1e1: {  	v54 =	vmul.f32 v52, v0;
	[tilespmem:s24+$0xFFFFFD20] =	vst v20;
	v18 =	vadd.f32 v18, v15  }
0x1e2: {  	v40 =	vmul.f32 v36, v1;
	[tilespmem:s24+$0xFFFFFCD0] =	vst v19;
	v19 =	vadd.f32 v38, v8  }
0x1e3: {  	v22 =	vadd.f32 v54, v8;
	[tilespmem:s24+$0xFFFFFCF0] =	vst v18;
	v18 =	vmul.f32 v36, v4  }
0x1e4: {  	v21 =	vadd.f32 v40, v9;
	[tilespmem:s24+$0xFFFFFD00] =	vst v19;
	v19 =	vmul.f32 v36, v5  }
0x1e5: {  	v42 =	vmul.f32 v36, v3;
	[tilespmem:s24+$0xFFFFFE00] =	vst v22;
	v18 =	vadd.f32 v18, v12  }
0x1e6: {  	v45 =	vmul.f32 v36, v7;
	[tilespmem:s24+$0xFFFFFD10] =	vst v21;
	v19 =	vadd.f32 v19, v13  }
0x1e7: {  	v23 =	vadd.f32 v42, v11;
	[tilespmem:s24+$0xFFFFFD40] =	vst v18;
	v18 =	vmul.f32 v43, v1  }
0x1e8: {  	v20 =	vadd.f32 v45, v15;
	[tilespmem:s24+$0xFFFFFD50] =	vst v19;
	v19 =	vmul.f32 v43, v2  }
0x1e9: {  	v57 =	vmul.f32 v52, v5;
	[tilespmem:s24+$0xFFFFFD30] =	vst v23;
	v18 =	vadd.f32 v18, v9  }
0x1ea: {  	v49 =	vmul.f32 v43, v4;
	[tilespmem:s24+$0xFFFFFD70] =	vst v20;
	v19 =	vadd.f32 v19, v10  }
0x1eb: {  	v47 =	vmul.f32 v43, v0;
	v22 =	vadd.f32 v57, v13;
	[tilespmem:s24+$0xFFFFFD90] =	vst v18  }
0x1ec: {  	v51 =	vmul.f32 v43, v6;
	v18 =	vadd.f32 v49, v12;
	[tilespmem:s24+$0xFFFFFDA0] =	vst v19;
	v19 =	vmul.f32 v43, v7  }
0x1ed: {  	v23 =	vadd.f32 v47, v8;
	[tilespmem:s24+$0xFFFFFE50] =	vst v22  }
0x1ee: {  	v20 =	vadd.f32 v51, v14;
	[tilespmem:s24+$0xFFFFFDC0] =	vst v18;
	v18 =	vadd.f32 v19, v15;
	v19 =	vmul.f32 v52, v1  }
0x1ef: {  	v55 =	vmul.f32 v52, v2;
	[tilespmem:s24+$0xFFFFFD80] =	vst v23  }
0x1f0: {  	v56 =	vmul.f32 v52, v3;
	[tilespmem:s24+$0xFFFFFDE0] =	vst v20;
	v19 =	vadd.f32 v19, v9  }
0x1f1: {  	v21 =	vadd.f32 v55, v10;
	[tilespmem:s24+$0xFFFFFDF0] =	vst v18;
	v18 =	vmul.f32 v52, v4  }
0x1f2: {  	v58 =	vmul.f32 v52, v6;
	v20 =	vadd.f32 v56, v11;
	[tilespmem:s24+$0xFFFFFE10] =	vst v19;
	v19 =	vbroadcast v17, $0x5  }
0x1f3: {  	v59 =	vmul.f32 v52, v7;
	[tilespmem:s24+$0xFFFFFE20] =	vst v21;
	v18 =	vadd.f32 v18, v12  }
0x1f4: {  	v23 =	vadd.f32 v58, v14;
	[tilespmem:s24+$0xFFFFFE30] =	vst v20;
	v60 =	vmul.f32 v19, v0  }
0x1f5: {  	v21 =	vadd.f32 v59, v15;
	[tilespmem:s24+$0xFFFFFE40] =	vst v18;
	v18 =	vmul.f32 v19, v1  }
0x1f6: {  	[tilespmem:s24+$0xFFFFFE60] =	vst v23;
	v61 =	vmul.f32 v19, v2;
	v20 =	vadd.f32 v60, v8  }
0x1f7: {  	[tilespmem:s24+$0xFFFFFE70] =	vst v21;
	v62 =	vmul.f32 v19, v3;
	v18 =	vadd.f32 v18, v9  }
0x1f8: {  	v28 =	vmul.f32 v19, v4;
	v63 =	vadd.f32 v61, v10;
	[tilespmem:s24+$0xFFFFFE80] =	vst v20  }
0x1f9: {  	v29 =	vmul.f32 v19, v5;
	v30 =	vmul.f32 v19, v6;
	v23 =	vadd.f32 v62, v11;
	[tilespmem:s24+$0xFFFFFE90] =	vst v18  }
0x1fa: {  	v19 =	vmul.f32 v19, v7;
	v22 =	vadd.f32 v28, v12;
	v18 =	vbroadcast v17, $0x6;
	[tilespmem:s24+$0xFFFFFEA0] =	vst v63  }
0x1fb: {  	v32 =	vadd.f32 v30, v14;
	[tilespmem:s24+$0xFFFFFEB0] =	vst v23  }
0x1fc: {  	v19 =	vadd.f32 v19, v15;
	[tilespmem:s24+$0xFFFFFEC0] =	vst v22;
	v31 =	vmul.f32 v18, v0  }
0x1fd: {  	v20 =	vadd.f32 v29, v13;
	[tilespmem:s24+$0xFFFFFEE0] =	vst v32;
	v33 =	vmul.f32 v18, v1  }
0x1fe: {  	[tilespmem:s24+$0xFFFFFEF0] =	vst v19;
	v35 =	vmul.f32 v18, v2;
	v34 =	vadd.f32 v31, v8  }
0x1ff: {  	[tilespmem:s24+$0xFFFFFED0] =	vst v20;
	v36 =	vmul.f32 v18, v3;
	v22 =	vadd.f32 v33, v9  }
0x200: {  	v19 =	vmul.f32 v18, v4;
	v21 =	vadd.f32 v35, v10;
	[tilespmem:s24+$0xFFFFFF00] =	vst v34  }
0x201: {  	v37 =	vmul.f32 v18, v5;
	v23 =	vadd.f32 v36, v11;
	[tilespmem:s24+$0xFFFFFF10] =	vst v22  }
0x202: {  	v62 =	vbroadcast v17, $0xA;
	v38 =	vmul.f32 v18, v6;
	v19 =	vadd.f32 v19, v12;
	[tilespmem:s24+$0xFFFFFF20] =	vst v21  }
0x203: {  	v39 =	vbroadcast v17, $0x7;
	v18 =	vmul.f32 v18, v7;
	v20 =	vadd.f32 v37, v13;
	[tilespmem:s24+$0xFFFFFF30] =	vst v23  }
0x204: {  	v30 =	vmul.f32 v62, v5;
	v40 =	vadd.f32 v38, v14;
	[tilespmem:s24+$0xFFFFFF40] =	vst v19  }
0x205: {  	v41 =	vmul.f32 v39, v0;
	v18 =	vadd.f32 v18, v15;
	[tilespmem:s24+$0xFFFFFF50] =	vst v20  }
0x206: {  	v42 =	vmul.f32 v39, v2;
	v33 =	vadd.f32 v30, v13;
	[tilespmem:s24+$0xFFFFFF60] =	vst v40  }
0x207: {  	v43 =	vmul.f32 v39, v3;
	v22 =	vadd.f32 v41, v8;
	[tilespmem:s24+$0xFFFFFF70] =	vst v18  }
0x208: {  	v19 =	vmul.f32 v39, v1;
	v20 =	vadd.f32 v42, v10;
	[tilespmem:s24+$0x150] =	vst v33  }
0x209: {  	v45 =	vmul.f32 v39, v6;
	v21 =	vadd.f32 v43, v11;
	[tilespmem:s24+$0xFFFFFF80] =	vst v22  }
0x20a: {  	v18 =	vmul.f32 v39, v4;
	v19 =	vadd.f32 v19, v9;
	[tilespmem:s24+$0xFFFFFFA0] =	vst v20  }
0x20b: {  	v44 =	vmul.f32 v39, v5;
	v38 =	vbroadcast v17, $0xC;
	v23 =	vadd.f32 v45, v14;
	[tilespmem:s24+$0xFFFFFFB0] =	vst v21  }
0x20c: {  	v46 =	vmul.f32 v39, v7;
	v18 =	vadd.f32 v18, v12;
	[tilespmem:s24+$0xFFFFFF90] =	vst v19;
	v19 =	vbroadcast v17, $0x8  }
0x20d: {  	v22 =	vadd.f32 v44, v13;
	[tilespmem:s24+$0xFFFFFFE0] =	vst v23;
	v44 =	vmul.f32 v38, v6  }
0x20e: {  	v20 =	vadd.f32 v46, v15;
	[tilespmem:s24+$0xFFFFFFC0] =	vst v18;
	v47 =	vmul.f32 v19, v0  }
0x20f: {  	[tilespmem:s24+$0xFFFFFFD0] =	vst v22;
	v46 =	vadd.f32 v44, v14;
	v18 =	vmul.f32 v19, v1  }
0x210: {  	[tilespmem:s24+$0xFFFFFFF0] =	vst v20;
	v48 =	vmul.f32 v19, v2;
	v21 =	vadd.f32 v47, v8  }
0x211: {  	v49 =	vmul.f32 v19, v3;
	[tilespmem:s24+$0x260] =	vst v46;
	v18 =	vadd.f32 v18, v9  }
0x212: {  	v51 =	vmul.f32 v19, v4;
	v50 =	vadd.f32 v48, v10;
	[tilespmem:s24+$0x0] =	vst v21  }
0x213: {  	v52 =	vmul.f32 v19, v5;
	v23 =	vadd.f32 v49, v11;
	[tilespmem:s24+$0x10] =	vst v18  }
0x214: {  	v53 =	vmul.f32 v19, v6;
	v22 =	vadd.f32 v51, v12;
	v18 =	vbroadcast v17, $0x9;
	[tilespmem:s24+$0x20] =	vst v50  }
0x215: {  	v19 =	vmul.f32 v19, v7;
	v54 =	vadd.f32 v52, v13;
	[tilespmem:s24+$0x30] =	vst v23  }
0x216: {  	v56 =	vadd.f32 v53, v14;
	[tilespmem:s24+$0x40] =	vst v22;
	v55 =	vmul.f32 v18, v0  }
0x217: {  	v19 =	vadd.f32 v19, v15;
	[tilespmem:s24+$0x50] =	vst v54;
	v57 =	vmul.f32 v18, v1  }
0x218: {  	[tilespmem:s24+$0x60] =	vst v56;
	v59 =	vmul.f32 v18, v2;
	v58 =	vadd.f32 v55, v8  }
0x219: {  	[tilespmem:s24+$0x70] =	vst v19;
	v60 =	vmul.f32 v18, v3;
	v22 =	vadd.f32 v57, v9  }
0x21a: {  	v19 =	vmul.f32 v18, v4;
	v21 =	vadd.f32 v59, v10;
	[tilespmem:s24+$0x80] =	vst v58  }
0x21b: {  	v61 =	vmul.f32 v18, v5;
	v23 =	vadd.f32 v60, v11;
	[tilespmem:s24+$0x90] =	vst v22  }
0x21c: {  	v63 =	vmul.f32 v18, v6;
	v19 =	vadd.f32 v19, v12;
	[tilespmem:s24+$0xA0] =	vst v21  }
0x21d: {  	v18 =	vmul.f32 v18, v7;
	v20 =	vadd.f32 v61, v13;
	[tilespmem:s24+$0xB0] =	vst v23  }
0x21e: {  	v27 =	vmul.f32 v62, v0;
	v26 =	vadd.f32 v63, v14;
	[tilespmem:s24+$0xC0] =	vst v19  }
0x21f: {  	v28 =	vmul.f32 v62, v2;
	v31 =	vbroadcast v17, $0xB;
	v18 =	vadd.f32 v18, v15;
	[tilespmem:s24+$0xD0] =	vst v20  }
0x220: {  	v29 =	vmul.f32 v62, v3;
	v23 =	vadd.f32 v27, v8;
	[tilespmem:s24+$0xE0] =	vst v26  }
0x221: {  	v36 =	vmul.f32 v31, v2;
	[tilespmem:s24+$0xF0] =	vst v18;
	v20 =	vadd.f32 v28, v10  }
0x222: {  	v19 =	vmul.f32 v62, v1;
	v21 =	vadd.f32 v29, v11;
	[tilespmem:s24+$0x100] =	vst v23  }
0x223: {  	v18 =	vmul.f32 v62, v4;
	v22 =	vadd.f32 v36, v10;
	[tilespmem:s24+$0x120] =	vst v20  }
0x224: {  	v34 =	vmul.f32 v31, v0;
	v19 =	vadd.f32 v19, v9;
	[tilespmem:s24+$0x130] =	vst v21  }
0x225: {  	v35 =	vmul.f32 v31, v1;
	v18 =	vadd.f32 v18, v12;
	[tilespmem:s24+$0x1A0] =	vst v22  }
0x226: {  	v32 =	vmul.f32 v62, v7;
	v21 =	vadd.f32 v34, v8;
	[tilespmem:s24+$0x110] =	vst v19  }
0x227: {  	v20 =	vadd.f32 v35, v9;
	v19 =	vmul.f32 v62, v6;
	[tilespmem:s24+$0x140] =	vst v18  }
0x228: {  	v39 =	vmul.f32 v31, v6;
	v18 =	vadd.f32 v32, v15;
	[tilespmem:s24+$0x180] =	vst v21  }
0x229: {  	v40 =	vmul.f32 v31, v7;
	[tilespmem:s24+$0x190] =	vst v20;
	v19 =	vadd.f32 v19, v14  }
0x22a: {  	v23 =	vadd.f32 v39, v14;
	[tilespmem:s24+$0x170] =	vst v18;
	v18 =	vmul.f32 v31, v4  }
0x22b: {  	v22 =	vadd.f32 v40, v15;
	[tilespmem:s24+$0x160] =	vst v19;
	v19 =	vmul.f32 v31, v3  }
0x22c: {  	v37 =	vmul.f32 v31, v5;
	[tilespmem:s24+$0x1E0] =	vst v23;
	v18 =	vadd.f32 v18, v12  }
0x22d: {  	v42 =	vmul.f32 v38, v3;
	[tilespmem:s24+$0x1F0] =	vst v22;
	v19 =	vadd.f32 v19, v11  }
0x22e: {  	v21 =	vadd.f32 v37, v13;
	[tilespmem:s24+$0x1C0] =	vst v18;
	v18 =	vmul.f32 v38, v1  }
0x22f: {  	v23 =	vadd.f32 v42, v11;
	[tilespmem:s24+$0x1B0] =	vst v19;
	v19 =	vmul.f32 v38, v0  }
0x230: {  	v43 =	vmul.f32 v38, v4;
	[tilespmem:s24+$0x1D0] =	vst v21;
	v18 =	vadd.f32 v18, v9  }
0x231: {  	v41 =	vmul.f32 v38, v2;
	[tilespmem:s24+$0x230] =	vst v23;
	v19 =	vadd.f32 v19, v8  }
0x232: {  	v22 =	vadd.f32 v43, v12;
	v20 =	vmul.f32 v38, v7;
	[tilespmem:s24+$0x210] =	vst v18;
	v18 =	vbroadcast v17, $0xD  }
0x233: {  	v21 =	vadd.f32 v41, v10;
	[tilespmem:s24+$0x200] =	vst v19;
	v19 =	vmul.f32 v38, v5  }
0x234: {  	[tilespmem:s24+$0x240] =	vst v22;
	v20 =	vadd.f32 v20, v15;
	v47 =	vmul.f32 v18, v1  }
0x235: {  	[tilespmem:s24+$0x220] =	vst v21;
	v48 =	vmul.f32 v18, v2;
	v19 =	vadd.f32 v19, v13  }
0x236: {  	[tilespmem:s24+$0x270] =	vst v20;
	v49 =	vmul.f32 v18, v3;
	v22 =	vadd.f32 v47, v9  }
0x237: {  	v50 =	vmul.f32 v18, v4;
	v21 =	vadd.f32 v48, v10;
	[tilespmem:s24+$0x250] =	vst v19  }
0x238: {  	v52 =	vbroadcast v17, $0xE;
	v51 =	vmul.f32 v18, v6;
	v23 =	vadd.f32 v49, v11;
	[tilespmem:s24+$0x290] =	vst v22  }
0x239: {  	v45 =	vmul.f32 v18, v0;
	v20 =	vadd.f32 v50, v12;
	[tilespmem:s24+$0x2A0] =	vst v21  }
0x23a: {  	v54 =	vmul.f32 v52, v0;
	v53 =	vadd.f32 v51, v14;
	[tilespmem:s24+$0x2B0] =	vst v23  }
0x23b: {  	v55 =	vmul.f32 v52, v1;
	v19 =	vadd.f32 v45, v8;
	[tilespmem:s24+$0x2C0] =	vst v20  }
0x23c: {  	v56 =	vmul.f32 v52, v3;
	v22 =	vadd.f32 v54, v8;
	[tilespmem:s24+$0x2E0] =	vst v53  }
0x23d: {  	v20 =	vadd.f32 v55, v9;
	[tilespmem:s24+$0x280] =	vst v19;
	v19 =	vmul.f32 v18, v5  }
0x23e: {  	v21 =	vadd.f32 v56, v11;
	v18 =	vmul.f32 v18, v7;
	[tilespmem:s24+$0x300] =	vst v22  }
0x23f: {  	v57 =	vmul.f32 v52, v5;
	[tilespmem:s24+$0x310] =	vst v20;
	v19 =	vadd.f32 v19, v13  }
0x240: {  	v58 =	vmul.f32 v52, v6;
	[tilespmem:s24+$0x330] =	vst v21;
	v18 =	vadd.f32 v18, v15  }
0x241: {  	v17 =	vbroadcast v17, $0xF;
	v22 =	vadd.f32 v57, v13;
	[tilespmem:s24+$0x2D0] =	vst v19;
	v19 =	vmul.f32 v52, v2  }
0x242: {  	v20 =	vadd.f32 v58, v14;
	[tilespmem:s24+$0x2F0] =	vst v18;
	v18 =	vmul.f32 v52, v4  }
0x243: {  	v59 =	vmul.f32 v17, v0;
	[tilespmem:s24+$0x350] =	vst v22;
	v19 =	vadd.f32 v19, v10  }
0x244: {  	v61 =	vmul.f32 v17, v3;
	[tilespmem:s24+$0x360] =	vst v20;
	v18 =	vadd.f32 v18, v12  }
0x245: {  	v21 =	vadd.f32 v59, v8;
	[tilespmem:s24+$0x320] =	vst v19;
	v19 =	vmul.f32 v52, v7  }
0x246: {  	v20 =	vadd.f32 v61, v11;
	[tilespmem:s24+$0x340] =	vst v18;
	v18 =	vmul.f32 v17, v1  }
0x247: {  	v60 =	vmul.f32 v17, v2;
	[tilespmem:s24+$0x380] =	vst v21;
	v19 =	vadd.f32 v19, v15  }
0x248: {  	v62 =	vmul.f32 v17, v4;
	[tilespmem:s24+$0x3B0] =	vst v20;
	v18 =	vadd.f32 v18, v9  }
0x249: {  	v63 =	vmul.f32 v17, v5;
	[tilespmem:s24+$0x370] =	vst v19;
	v19 =	vadd.f32 v60, v10  }
0x24a: {  	v22 =	vadd.f32 v62, v12;
	[tilespmem:s24+$0x390] =	vst v18;
	v18 =	vmul.f32 v17, v6  }
0x24b: {  	v17 =	vmul.f32 v17, v7;
	[tilespmem:s24+$0x3A0] =	vst v19;
	v19 =	vadd.f32 v63, v13  }
0x24c: {  	[tilespmem:s24+$0x3C0] =	vst v22;
	v18 =	vadd.f32 v18, v14  }
0x24d: {  	v17 =	vadd.f32 v17, v15;
	[tilespmem:s24+$0x3D0] =	vst v19  }
0x24e: {  	[tilespmem:s24+$0x3E0] =	vst v18  }
0x24f: {  	s23 =	sor.u32 $0x1, s23;
	s26 =	simm.s32 $0x10;
	s25 =	simm.s32 $0x80;
	[tilespmem:s24+$0x3F0] =	vst v17  }
.LBB2_5:
0x250: {  	p0 =	sne.s32 s25, $0x1C0;
	v17 =	vld.idx.msk [tilespmem:v16+s26+$0x0 ss:$0x1], $0xffff;
	_ =	sdelay $0x5  }
0x251: {  	v18 =	vbroadcast v17, $0x0;
	v19 =	vbroadcast v17, $0x1  }
0x252: {  	v20 =	vbroadcast v17, $0x2;
	v21 =	vbroadcast v17, $0x3  }
0x253: {  	v22 =	vmul.f32 v18, v0;
	v23 =	vmul.f32 v18, v1  }
0x254: {  	v24 =	vmul.f32 v18, v2;
	v25 =	vmul.f32 v18, v3  }
0x255: {  	v26 =	vmul.f32 v18, v4;
	v22 =	vadd.f32 v22, v8;
	v23 =	vadd.f32 v23, v9  }
0x256: {  	s24 =	sadd.s32 $0x800, s24;
	v27 =	vmul.f32 v18, v5;
	v24 =	vadd.f32 v24, v10;
	v25 =	vadd.f32 v25, v11  }
0x257: {  	[tilespmem:s24+$0xFFFFFC00] =	vst v22;
	v22 =	vadd.f32 v26, v12;
	v26 =	vmul.f32 v18, v6;
	v18 =	vmul.f32 v18, v7  }
0x258: {  	v28 =	vmul.f32 v19, v1;
	[tilespmem:s24+$0xFFFFFC10] =	vst v23;
	v23 =	vadd.f32 v27, v13;
	v27 =	vmul.f32 v19, v0  }
0x259: {  	[tilespmem:s24+$0xFFFFFC20] =	vst v24;
	v24 =	vadd.f32 v26, v14;
	v18 =	vadd.f32 v18, v15;
	v26 =	vmul.f32 v19, v2  }
0x25a: {  	[tilespmem:s24+$0xFFFFFC30] =	vst v25;
	v25 =	vadd.f32 v27, v8;
	v27 =	vadd.f32 v28, v9;
	v28 =	vmul.f32 v19, v3  }
0x25b: {  	v29 =	vmul.f32 v19, v5;
	[tilespmem:s24+$0xFFFFFC40] =	vst v22;
	v22 =	vadd.f32 v26, v10;
	v26 =	vmul.f32 v19, v4  }
0x25c: {  	[tilespmem:s24+$0xFFFFFC50] =	vst v23;
	v23 =	vadd.f32 v28, v11;
	v28 =	vmul.f32 v19, v6;
	v19 =	vmul.f32 v19, v7  }
0x25d: {  	[tilespmem:s24+$0xFFFFFC60] =	vst v24;
	v24 =	vadd.f32 v26, v12;
	v26 =	vadd.f32 v29, v13;
	v29 =	vmul.f32 v20, v0  }
0x25e: {  	[tilespmem:s24+$0xFFFFFC70] =	vst v18;
	v18 =	vadd.f32 v28, v14;
	v19 =	vadd.f32 v19, v15;
	v28 =	vmul.f32 v20, v1  }
0x25f: {  	v30 =	vmul.f32 v20, v3;
	[tilespmem:s24+$0xFFFFFC80] =	vst v25;
	v25 =	vadd.f32 v29, v8;
	v29 =	vmul.f32 v20, v2  }
0x260: {  	v31 =	vmul.f32 v20, v5;
	[tilespmem:s24+$0xFFFFFC90] =	vst v27;
	v27 =	vadd.f32 v28, v9;
	v28 =	vmul.f32 v20, v4  }
0x261: {  	[tilespmem:s24+$0xFFFFFCA0] =	vst v22;
	v22 =	vadd.f32 v29, v10;
	v29 =	vadd.f32 v30, v11;
	v30 =	vmul.f32 v20, v6  }
0x262: {  	v20 =	vmul.f32 v20, v7;
	[tilespmem:s24+$0xFFFFFCB0] =	vst v23;
	v23 =	vadd.f32 v28, v12;
	v28 =	vadd.f32 v31, v13  }
0x263: {  	v31 =	vmul.f32 v21, v1;
	[tilespmem:s24+$0xFFFFFCC0] =	vst v24;
	v24 =	vadd.f32 v30, v14;
	v30 =	vmul.f32 v21, v0  }
0x264: {  	v32 =	vmul.f32 v21, v3;
	v20 =	vadd.f32 v20, v15;
	[tilespmem:s24+$0xFFFFFCD0] =	vst v26;
	v26 =	vmul.f32 v21, v2  }
0x265: {  	[tilespmem:s24+$0xFFFFFCE0] =	vst v18;
	v18 =	vadd.f32 v30, v8;
	v30 =	vadd.f32 v31, v9;
	v31 =	vmul.f32 v21, v4  }
0x266: {  	[tilespmem:s24+$0xFFFFFCF0] =	vst v19;
	v19 =	vadd.f32 v26, v10;
	v26 =	vadd.f32 v32, v11;
	v32 =	vmul.f32 v21, v5  }
0x267: {  	[tilespmem:s24+$0xFFFFFD00] =	vst v25;
	v25 =	vadd.f32 v31, v12;
	v31 =	vmul.f32 v21, v6;
	v21 =	vmul.f32 v21, v7  }
0x268: {  	v33 =	vbroadcast v17, $0x5;
	[tilespmem:s24+$0xFFFFFD10] =	vst v27;
	v27 =	vadd.f32 v32, v13;
	v32 =	vbroadcast v17, $0x4  }
0x269: {  	[tilespmem:s24+$0xFFFFFD20] =	vst v22;
	v22 =	vadd.f32 v31, v14;
	v21 =	vadd.f32 v21, v15;
	v31 =	vbroadcast v17, $0x6  }
0x26a: {  	[tilespmem:s24+$0xFFFFFD30] =	vst v29;
	v29 =	vmul.f32 v32, v0;
	v34 =	vmul.f32 v32, v1  }
0x26b: {  	v35 =	vmul.f32 v32, v3;
	[tilespmem:s24+$0xFFFFFD40] =	vst v23;
	v23 =	vmul.f32 v32, v2  }
0x26c: {  	[tilespmem:s24+$0xFFFFFD50] =	vst v28;
	v28 =	vadd.f32 v29, v8;
	v29 =	vadd.f32 v34, v9;
	v34 =	vmul.f32 v32, v4  }
0x26d: {  	[tilespmem:s24+$0xFFFFFD60] =	vst v24;
	v23 =	vadd.f32 v23, v10;
	v24 =	vadd.f32 v35, v11;
	v35 =	vmul.f32 v32, v5  }
0x26e: {  	[tilespmem:s24+$0xFFFFFD70] =	vst v20;
	v20 =	vadd.f32 v34, v12;
	v34 =	vmul.f32 v32, v6;
	v32 =	vmul.f32 v32, v7  }
0x26f: {  	v36 =	vmul.f32 v33, v1;
	[tilespmem:s24+$0xFFFFFD80] =	vst v18;
	v18 =	vadd.f32 v35, v13;
	v35 =	vmul.f32 v33, v0  }
0x270: {  	[tilespmem:s24+$0xFFFFFD90] =	vst v30;
	v30 =	vadd.f32 v34, v14;
	v32 =	vadd.f32 v32, v15;
	v34 =	vmul.f32 v33, v2  }
0x271: {  	[tilespmem:s24+$0xFFFFFDA0] =	vst v19;
	v19 =	vadd.f32 v35, v8;
	v35 =	vadd.f32 v36, v9;
	v36 =	vmul.f32 v33, v3  }
0x272: {  	v37 =	vmul.f32 v33, v5;
	[tilespmem:s24+$0xFFFFFDB0] =	vst v26;
	v26 =	vadd.f32 v34, v10;
	v34 =	vmul.f32 v33, v4  }
0x273: {  	[tilespmem:s24+$0xFFFFFDC0] =	vst v25;
	v25 =	vadd.f32 v36, v11;
	v36 =	vmul.f32 v33, v6;
	v33 =	vmul.f32 v33, v7  }
0x274: {  	[tilespmem:s24+$0xFFFFFDD0] =	vst v27;
	v27 =	vadd.f32 v34, v12;
	v34 =	vadd.f32 v37, v13;
	v37 =	vmul.f32 v31, v0  }
0x275: {  	[tilespmem:s24+$0xFFFFFDE0] =	vst v22;
	v22 =	vadd.f32 v36, v14;
	v33 =	vadd.f32 v33, v15;
	v36 =	vmul.f32 v31, v1  }
0x276: {  	v38 =	vmul.f32 v31, v3;
	[tilespmem:s24+$0xFFFFFDF0] =	vst v21;
	v21 =	vadd.f32 v37, v8;
	v37 =	vmul.f32 v31, v2  }
0x277: {  	v39 =	vmul.f32 v31, v5;
	[tilespmem:s24+$0xFFFFFE00] =	vst v28;
	v28 =	vadd.f32 v36, v9;
	v36 =	vmul.f32 v31, v4  }
0x278: {  	[tilespmem:s24+$0xFFFFFE10] =	vst v29;
	v29 =	vadd.f32 v37, v10;
	v37 =	vadd.f32 v38, v11;
	v38 =	vmul.f32 v31, v6  }
0x279: {  	v31 =	vmul.f32 v31, v7;
	[tilespmem:s24+$0xFFFFFE20] =	vst v23;
	v23 =	vadd.f32 v36, v12;
	v36 =	vadd.f32 v39, v13  }
0x27a: {  	v39 =	vbroadcast v17, $0x8;
	[tilespmem:s24+$0xFFFFFE30] =	vst v24;
	v24 =	vadd.f32 v38, v14;
	v38 =	vbroadcast v17, $0x7  }
0x27b: {  	v40 =	vbroadcast v17, $0xA;
	[tilespmem:s24+$0xFFFFFE40] =	vst v20;
	v20 =	vadd.f32 v31, v15;
	v31 =	vbroadcast v17, $0x9  }
0x27c: {  	[tilespmem:s24+$0xFFFFFE50] =	vst v18;
	v18 =	vmul.f32 v38, v0;
	v41 =	vmul.f32 v38, v1  }
0x27d: {  	v42 =	vmul.f32 v38, v3;
	[tilespmem:s24+$0xFFFFFE60] =	vst v30;
	v30 =	vmul.f32 v38, v2  }
0x27e: {  	[tilespmem:s24+$0xFFFFFE70] =	vst v32;
	v18 =	vadd.f32 v18, v8;
	v32 =	vadd.f32 v41, v9;
	v41 =	vmul.f32 v38, v4  }
0x27f: {  	[tilespmem:s24+$0xFFFFFE80] =	vst v19;
	v19 =	vadd.f32 v30, v10;
	v30 =	vadd.f32 v42, v11;
	v42 =	vmul.f32 v38, v5  }
0x280: {  	[tilespmem:s24+$0xFFFFFE90] =	vst v35;
	v35 =	vadd.f32 v41, v12;
	v41 =	vmul.f32 v38, v6;
	v38 =	vmul.f32 v38, v7  }
0x281: {  	v43 =	vmul.f32 v39, v1;
	[tilespmem:s24+$0xFFFFFEA0] =	vst v26;
	v26 =	vadd.f32 v42, v13;
	v42 =	vmul.f32 v39, v0  }
0x282: {  	[tilespmem:s24+$0xFFFFFEB0] =	vst v25;
	v25 =	vadd.f32 v41, v14;
	v38 =	vadd.f32 v38, v15;
	v41 =	vmul.f32 v39, v2  }
0x283: {  	[tilespmem:s24+$0xFFFFFEC0] =	vst v27;
	v27 =	vadd.f32 v42, v8;
	v42 =	vadd.f32 v43, v9;
	v43 =	vmul.f32 v39, v3  }
0x284: {  	v44 =	vmul.f32 v39, v5;
	[tilespmem:s24+$0xFFFFFED0] =	vst v34;
	v34 =	vadd.f32 v41, v10;
	v41 =	vmul.f32 v39, v4  }
0x285: {  	[tilespmem:s24+$0xFFFFFEE0] =	vst v22;
	v22 =	vadd.f32 v43, v11;
	v43 =	vmul.f32 v39, v6;
	v39 =	vmul.f32 v39, v7  }
0x286: {  	[tilespmem:s24+$0xFFFFFEF0] =	vst v33;
	v33 =	vadd.f32 v41, v12;
	v41 =	vadd.f32 v44, v13;
	v44 =	vmul.f32 v31, v0  }
0x287: {  	[tilespmem:s24+$0xFFFFFF00] =	vst v21;
	v21 =	vadd.f32 v43, v14;
	v39 =	vadd.f32 v39, v15;
	v43 =	vmul.f32 v31, v1  }
0x288: {  	v45 =	vmul.f32 v31, v3;
	[tilespmem:s24+$0xFFFFFF10] =	vst v28;
	v28 =	vadd.f32 v44, v8;
	v44 =	vmul.f32 v31, v2  }
0x289: {  	v46 =	vmul.f32 v31, v5;
	[tilespmem:s24+$0xFFFFFF20] =	vst v29;
	v29 =	vadd.f32 v43, v9;
	v43 =	vmul.f32 v31, v4  }
0x28a: {  	[tilespmem:s24+$0xFFFFFF30] =	vst v37;
	v37 =	vadd.f32 v44, v10;
	v44 =	vadd.f32 v45, v11;
	v45 =	vmul.f32 v31, v6  }
0x28b: {  	v31 =	vmul.f32 v31, v7;
	[tilespmem:s24+$0xFFFFFF40] =	vst v23;
	v23 =	vadd.f32 v43, v12;
	v43 =	vadd.f32 v46, v13  }
0x28c: {  	v46 =	vmul.f32 v40, v1;
	[tilespmem:s24+$0xFFFFFF50] =	vst v36;
	v36 =	vadd.f32 v45, v14;
	v45 =	vmul.f32 v40, v0  }
0x28d: {  	v47 =	vmul.f32 v40, v3;
	[tilespmem:s24+$0xFFFFFF60] =	vst v24;
	v24 =	vadd.f32 v31, v15;
	v31 =	vmul.f32 v40, v2  }
0x28e: {  	[tilespmem:s24+$0xFFFFFF70] =	vst v20;
	v20 =	vadd.f32 v45, v8;
	v45 =	vadd.f32 v46, v9;
	v46 =	vmul.f32 v40, v4  }
0x28f: {  	v47 =	vadd.f32 v47, v11;
	[tilespmem:s24+$0xFFFFFF80] =	vst v18;
	v31 =	vadd.f32 v31, v10;
	v18 =	vmul.f32 v40, v5  }
0x290: {  	[tilespmem:s24+$0xFFFFFF90] =	vst v32;
	v32 =	vadd.f32 v46, v12;
	v46 =	vmul.f32 v40, v6;
	v40 =	vmul.f32 v40, v7  }
0x291: {  	v49 =	vbroadcast v17, $0xB;
	v50 =	vbroadcast v17, $0xC;
	[tilespmem:s24+$0xFFFFFFA0] =	vst v19;
	v48 =	vadd.f32 v18, v13  }
0x292: {  	[tilespmem:s24+$0xFFFFFFB0] =	vst v30;
	v30 =	vadd.f32 v46, v14;
	v18 =	vadd.f32 v40, v15;
	v40 =	vbroadcast v17, $0xD  }
0x293: {  	v19 =	vmul.f32 v49, v0;
	[tilespmem:s24+$0xFFFFFFC0] =	vst v35;
	v35 =	vmul.f32 v49, v1  }
0x294: {  	v46 =	vmul.f32 v49, v3;
	[tilespmem:s24+$0xFFFFFFD0] =	vst v26;
	v26 =	vmul.f32 v49, v2  }
0x295: {  	v51 =	vmul.f32 v49, v4;
	[tilespmem:s24+$0xFFFFFFE0] =	vst v25;
	v25 =	vadd.f32 v19, v8;
	v35 =	vadd.f32 v35, v9  }
0x296: {  	v19 =	vadd.f32 v46, v11;
	[tilespmem:s24+$0xFFFFFFF0] =	vst v38;
	v26 =	vadd.f32 v26, v10;
	v38 =	vmul.f32 v49, v5  }
0x297: {  	v46 =	vmul.f32 v49, v6;
	v49 =	vmul.f32 v49, v7;
	[tilespmem:s24+$0x0] =	vst v27;
	v27 =	vadd.f32 v51, v12  }
0x298: {  	v51 =	vmul.f32 v50, v1;
	[tilespmem:s24+$0x10] =	vst v42;
	v38 =	vadd.f32 v38, v13;
	v42 =	vmul.f32 v50, v0  }
0x299: {  	[tilespmem:s24+$0x20] =	vst v34;
	v34 =	vadd.f32 v46, v14;
	v46 =	vadd.f32 v49, v15;
	v49 =	vmul.f32 v50, v2  }
0x29a: {  	[tilespmem:s24+$0x30] =	vst v22;
	v22 =	vadd.f32 v42, v8;
	v42 =	vadd.f32 v51, v9;
	v51 =	vmul.f32 v50, v3  }
0x29b: {  	v52 =	vmul.f32 v50, v5;
	[tilespmem:s24+$0x40] =	vst v33;
	v33 =	vadd.f32 v49, v10;
	v49 =	vmul.f32 v50, v4  }
0x29c: {  	[tilespmem:s24+$0x50] =	vst v41;
	v41 =	vadd.f32 v51, v11;
	v51 =	vmul.f32 v50, v6;
	v50 =	vmul.f32 v50, v7  }
0x29d: {  	[tilespmem:s24+$0x60] =	vst v21;
	v21 =	vadd.f32 v49, v12;
	v49 =	vadd.f32 v52, v13;
	v52 =	vmul.f32 v40, v0  }
0x29e: {  	[tilespmem:s24+$0x70] =	vst v39;
	v39 =	vadd.f32 v51, v14;
	v50 =	vadd.f32 v50, v15;
	v51 =	vmul.f32 v40, v1  }
0x29f: {  	v53 =	vmul.f32 v40, v3;
	[tilespmem:s24+$0x80] =	vst v28;
	v28 =	vadd.f32 v52, v8;
	v52 =	vmul.f32 v40, v2  }
0x2a0: {  	v54 =	vmul.f32 v40, v5;
	[tilespmem:s24+$0x90] =	vst v29;
	v29 =	vadd.f32 v51, v9;
	v51 =	vmul.f32 v40, v4  }
0x2a1: {  	[tilespmem:s24+$0xA0] =	vst v37;
	v37 =	vadd.f32 v52, v10;
	v52 =	vadd.f32 v53, v11;
	v53 =	vmul.f32 v40, v6  }
0x2a2: {  	v40 =	vmul.f32 v40, v7;
	[tilespmem:s24+$0xB0] =	vst v44;
	v44 =	vadd.f32 v51, v12;
	v51 =	vadd.f32 v54, v13  }
0x2a3: {  	[tilespmem:s24+$0xC0] =	vst v23;
	v23 =	vadd.f32 v53, v14;
	v53 =	vbroadcast v17, $0xE;
	v17 =	vbroadcast v17, $0xF  }
0x2a4: {  	v40 =	vadd.f32 v40, v15;
	[tilespmem:s24+$0xD0] =	vst v43  }
0x2a5: {  	[tilespmem:s24+$0xE0] =	vst v36;
	v36 =	vmul.f32 v53, v0;
	v43 =	vmul.f32 v53, v1  }
0x2a6: {  	v54 =	vmul.f32 v53, v3;
	[tilespmem:s24+$0xF0] =	vst v24;
	v24 =	vmul.f32 v53, v2  }
0x2a7: {  	[tilespmem:s24+$0x100] =	vst v20;
	v20 =	vadd.f32 v36, v8;
	v36 =	vadd.f32 v43, v9;
	v43 =	vmul.f32 v53, v4  }
0x2a8: {  	[tilespmem:s24+$0x110] =	vst v45;
	v24 =	vadd.f32 v24, v10;
	v45 =	vadd.f32 v54, v11;
	v54 =	vmul.f32 v53, v5  }
0x2a9: {  	[tilespmem:s24+$0x120] =	vst v31;
	v31 =	vadd.f32 v43, v12;
	v43 =	vmul.f32 v53, v6;
	v53 =	vmul.f32 v53, v7  }
0x2aa: {  	v55 =	vmul.f32 v17, v1;
	[tilespmem:s24+$0x130] =	vst v47;
	v47 =	vadd.f32 v54, v13;
	v54 =	vmul.f32 v17, v0  }
0x2ab: {  	[tilespmem:s24+$0x140] =	vst v32;
	v32 =	vadd.f32 v43, v14;
	v43 =	vadd.f32 v53, v15;
	v53 =	vmul.f32 v17, v2  }
0x2ac: {  	[tilespmem:s24+$0x150] =	vst v48;
	v48 =	vadd.f32 v54, v8;
	v54 =	vadd.f32 v55, v9;
	v55 =	vmul.f32 v17, v3  }
0x2ad: {  	v56 =	vmul.f32 v17, v5;
	[tilespmem:s24+$0x160] =	vst v30;
	v30 =	vadd.f32 v53, v10;
	v53 =	vmul.f32 v17, v4  }
0x2ae: {  	[tilespmem:s24+$0x170] =	vst v18;
	v18 =	vadd.f32 v55, v11;
	v55 =	vmul.f32 v17, v6;
	v17 =	vmul.f32 v17, v7  }
0x2af: {  	[tilespmem:s24+$0x180] =	vst v25;
	v25 =	vadd.f32 v53, v12;
	v53 =	vadd.f32 v56, v13  }
0x2b0: {  	[tilespmem:s24+$0x190] =	vst v35;
	v35 =	vadd.f32 v55, v14;
	v17 =	vadd.f32 v17, v15  }
0x2b1: {  	[tilespmem:s24+$0x1A0] =	vst v26  }
0x2b2: {  	[tilespmem:s24+$0x1B0] =	vst v19  }
0x2b3: {  	[tilespmem:s24+$0x1C0] =	vst v27  }
0x2b4: {  	[tilespmem:s24+$0x1D0] =	vst v38  }
0x2b5: {  	[tilespmem:s24+$0x1E0] =	vst v34  }
0x2b6: {  	[tilespmem:s24+$0x1F0] =	vst v46  }
0x2b7: {  	[tilespmem:s24+$0x200] =	vst v22  }
0x2b8: {  	[tilespmem:s24+$0x210] =	vst v42  }
0x2b9: {  	[tilespmem:s24+$0x220] =	vst v33  }
0x2ba: {  	[tilespmem:s24+$0x230] =	vst v41  }
0x2bb: {  	[tilespmem:s24+$0x240] =	vst v21  }
0x2bc: {  	[tilespmem:s24+$0x250] =	vst v49  }
0x2bd: {  	[tilespmem:s24+$0x260] =	vst v39  }
0x2be: {  	[tilespmem:s24+$0x270] =	vst v50  }
0x2bf: {  	[tilespmem:s24+$0x280] =	vst v28  }
0x2c0: {  	[tilespmem:s24+$0x290] =	vst v29  }
0x2c1: {  	[tilespmem:s24+$0x2A0] =	vst v37  }
0x2c2: {  	[tilespmem:s24+$0x2B0] =	vst v52  }
0x2c3: {  	[tilespmem:s24+$0x2C0] =	vst v44  }
0x2c4: {  	[tilespmem:s24+$0x2D0] =	vst v51  }
0x2c5: {  	[tilespmem:s24+$0x2E0] =	vst v23  }
0x2c6: {  	[tilespmem:s24+$0x2F0] =	vst v40  }
0x2c7: {  	[tilespmem:s24+$0x300] =	vst v20  }
0x2c8: {  	[tilespmem:s24+$0x310] =	vst v36  }
0x2c9: {  	[tilespmem:s24+$0x320] =	vst v24  }
0x2ca: {  	[tilespmem:s24+$0x330] =	vst v45  }
0x2cb: {  	[tilespmem:s24+$0x340] =	vst v31  }
0x2cc: {  	[tilespmem:s24+$0x350] =	vst v47  }
0x2cd: {  	[tilespmem:s24+$0x360] =	vst v32  }
0x2ce: {  	[tilespmem:s24+$0x370] =	vst v43  }
0x2cf: {  	[tilespmem:s24+$0x380] =	vst v48  }
0x2d0: {  	[tilespmem:s24+$0x390] =	vst v54  }
0x2d1: {  	[tilespmem:s24+$0x3A0] =	vst v30  }
.Ltmp1:
0x2d2: {  	[tilespmem:s24+$0x3B0] =	vst v18;
	(pc) =	sbr.rel @p0 .LBB2_5-.Ltmp1, $4  }
0x2d3: {  	[tilespmem:s24+$0x3C0] =	vst v25  }
0x2d4: {  	[tilespmem:s24+$0x3D0] =	vst v53  }
0x2d5: {  	[tilespmem:s24+$0x3E0] =	vst v35  }
0x2d6: {  	s26 =	sshra.s32 s25, $0x2;
	s25 =	sadd.s32 $0x40, s25;
	[tilespmem:s24+$0x3F0] =	vst v17  }
0x2d7: {  	_ =	sdelay $0x3  }
0x2d8: {  	v16 =	vld.idx.msk [tilespmem:v16+s26+$0x0 ss:$0x1], $0xffff;
	_ =	sdelay $0x4  }
0x2d9: {  	v17 =	vbroadcast v16, $0x0;
	_ =	sdelay $0x1  }
0x2da: {  	v18 =	vmul.f32 v17, v0  }
0x2db: {  	v19 =	vmul.f32 v17, v1  }
0x2dc: {  	v20 =	vmul.f32 v17, v2;
	v18 =	vadd.f32 v18, v8  }
0x2dd: {  	s24 =	sadd.s32 $0x800, s24;
	v21 =	vmul.f32 v17, v3;
	v19 =	vadd.f32 v19, v9  }
0x2de: {  	v22 =	vmul.f32 v17, v4;
	v20 =	vadd.f32 v20, v10;
	[tilespmem:s24+$0xFFFFFC00] =	vst v18  }
0x2df: {  	v50 =	vmul.f32 v17, v5;
	v49 =	vadd.f32 v21, v11;
	[tilespmem:s24+$0xFFFFFC10] =	vst v19  }
0x2e0: {  	v51 =	vbroadcast v16, $0x1;
	v23 =	vmul.f32 v17, v6;
	v22 =	vadd.f32 v22, v12;
	[tilespmem:s24+$0xFFFFFC20] =	vst v20  }
0x2e1: {  	v17 =	vmul.f32 v17, v7;
	v52 =	vadd.f32 v50, v13;
	[tilespmem:s24+$0xFFFFFC30] =	vst v49  }
0x2e2: {  	v61 =	vbroadcast v16, $0x2;
	v55 =	vmul.f32 v51, v1;
	v54 =	vadd.f32 v23, v14;
	[tilespmem:s24+$0xFFFFFC40] =	vst v22  }
0x2e3: {  	v62 =	vmul.f32 v51, v6;
	v17 =	vadd.f32 v17, v15;
	[tilespmem:s24+$0xFFFFFC50] =	vst v52  }
0x2e4: {  	v30 =	vbroadcast v16, $0x3;
	v63 =	vmul.f32 v61, v0;
	v57 =	vadd.f32 v55, v9;
	[tilespmem:s24+$0xFFFFFC60] =	vst v54  }
0x2e5: {  	v31 =	vmul.f32 v61, v6;
	v24 =	vadd.f32 v62, v14;
	[tilespmem:s24+$0xFFFFFC70] =	vst v17  }
0x2e6: {  	v36 =	vmul.f32 v30, v3;
	v26 =	vadd.f32 v63, v8;
	[tilespmem:s24+$0xFFFFFC90] =	vst v57  }
0x2e7: {  	v38 =	vmul.f32 v30, v5;
	v33 =	vadd.f32 v31, v14;
	[tilespmem:s24+$0xFFFFFCE0] =	vst v24  }
0x2e8: {  	v53 =	vmul.f32 v51, v0;
	v21 =	vadd.f32 v36, v11;
	[tilespmem:s24+$0xFFFFFD00] =	vst v26  }
0x2e9: {  	v56 =	vmul.f32 v51, v2;
	v42 =	vadd.f32 v38, v13;
	[tilespmem:s24+$0xFFFFFD60] =	vst v33  }
0x2ea: {  	v58 =	vmul.f32 v51, v3;
	v18 =	vadd.f32 v53, v8;
	[tilespmem:s24+$0xFFFFFDB0] =	vst v21  }
0x2eb: {  	v40 =	vbroadcast v16, $0x4;
	v59 =	vmul.f32 v51, v4;
	v17 =	vadd.f32 v56, v10;
	[tilespmem:s24+$0xFFFFFDD0] =	vst v42  }
0x2ec: {  	v27 =	vmul.f32 v61, v2;
	v22 =	vadd.f32 v58, v11;
	[tilespmem:s24+$0xFFFFFC80] =	vst v18  }
0x2ed: {  	v43 =	vmul.f32 v40, v0;
	v20 =	vadd.f32 v59, v12;
	[tilespmem:s24+$0xFFFFFCA0] =	vst v17  }
0x2ee: {  	v60 =	vmul.f32 v51, v5;
	v19 =	vadd.f32 v27, v10;
	[tilespmem:s24+$0xFFFFFCB0] =	vst v22  }
0x2ef: {  	v25 =	vmul.f32 v61, v1;
	v21 =	vadd.f32 v43, v8;
	[tilespmem:s24+$0xFFFFFCC0] =	vst v20  }
0x2f0: {  	v28 =	vmul.f32 v61, v3;
	v18 =	vadd.f32 v60, v13;
	[tilespmem:s24+$0xFFFFFD20] =	vst v19  }
0x2f1: {  	v32 =	vmul.f32 v61, v7;
	v20 =	vadd.f32 v25, v9;
	[tilespmem:s24+$0xFFFFFE00] =	vst v21  }
0x2f2: {  	v48 =	vbroadcast v16, $0x5;
	v47 =	vmul.f32 v40, v5;
	v22 =	vadd.f32 v28, v11;
	[tilespmem:s24+$0xFFFFFCD0] =	vst v18  }
0x2f3: {  	v17 =	vmul.f32 v51, v7;
	v19 =	vadd.f32 v32, v15;
	[tilespmem:s24+$0xFFFFFD10] =	vst v20  }
0x2f4: {  	v52 =	vmul.f32 v48, v2;
	v21 =	vadd.f32 v47, v13;
	[tilespmem:s24+$0xFFFFFD30] =	vst v22  }
0x2f5: {  	v57 =	vmul.f32 v48, v6;
	v17 =	vadd.f32 v17, v15;
	[tilespmem:s24+$0xFFFFFD70] =	vst v19  }
0x2f6: {  	v29 =	vmul.f32 v61, v5;
	v54 =	vadd.f32 v52, v10;
	[tilespmem:s24+$0xFFFFFE50] =	vst v21  }
0x2f7: {  	v59 =	vadd.f32 v57, v14;
	[tilespmem:s24+$0xFFFFFCF0] =	vst v17;
	v17 =	vmul.f32 v61, v4  }
0x2f8: {  	v34 =	vmul.f32 v30, v0;
	v18 =	vadd.f32 v29, v13;
	[tilespmem:s24+$0xFFFFFEA0] =	vst v54  }
0x2f9: {  	v39 =	vmul.f32 v30, v6;
	[tilespmem:s24+$0xFFFFFEE0] =	vst v59;
	v17 =	vadd.f32 v17, v12  }
0x2fa: {  	v45 =	vmul.f32 v40, v2;
	v22 =	vadd.f32 v34, v8;
	[tilespmem:s24+$0xFFFFFD50] =	vst v18  }
0x2fb: {  	v19 =	vadd.f32 v39, v14;
	[tilespmem:s24+$0xFFFFFD40] =	vst v17;
	v17 =	vmul.f32 v30, v1  }
0x2fc: {  	v55 =	vmul.f32 v48, v4;
	v20 =	vadd.f32 v45, v10;
	[tilespmem:s24+$0xFFFFFD80] =	vst v22  }
0x2fd: {  	v37 =	vmul.f32 v30, v4;
	[tilespmem:s24+$0xFFFFFDE0] =	vst v19;
	v17 =	vadd.f32 v17, v9  }
0x2fe: {  	v35 =	vmul.f32 v30, v2;
	v21 =	vadd.f32 v55, v12;
	[tilespmem:s24+$0xFFFFFE20] =	vst v20  }
0x2ff: {  	v41 =	vmul.f32 v30, v7;
	[tilespmem:s24+$0xFFFFFD90] =	vst v17;
	v17 =	vadd.f32 v37, v12  }
0x300: {  	v46 =	vmul.f32 v40, v3;
	v18 =	vadd.f32 v35, v10;
	[tilespmem:s24+$0xFFFFFEC0] =	vst v21  }
0x301: {  	v49 =	vmul.f32 v40, v6;
	[tilespmem:s24+$0xFFFFFDC0] =	vst v17;
	v17 =	vadd.f32 v41, v15  }
0x302: {  	v50 =	vmul.f32 v40, v7;
	v19 =	vadd.f32 v46, v11;
	[tilespmem:s24+$0xFFFFFDA0] =	vst v18  }
0x303: {  	v22 =	vadd.f32 v49, v14;
	[tilespmem:s24+$0xFFFFFDF0] =	vst v17;
	v17 =	vmul.f32 v40, v4  }
0x304: {  	v44 =	vmul.f32 v40, v1;
	v20 =	vadd.f32 v50, v15;
	[tilespmem:s24+$0xFFFFFE30] =	vst v19  }
0x305: {  	v51 =	vmul.f32 v48, v0;
	[tilespmem:s24+$0xFFFFFE60] =	vst v22;
	v17 =	vadd.f32 v17, v12  }
0x306: {  	v53 =	vmul.f32 v48, v3;
	v34 =	vbroadcast v16, $0x8;
	v18 =	vadd.f32 v44, v9;
	[tilespmem:s24+$0xFFFFFE70] =	vst v20  }
0x307: {  	v19 =	vadd.f32 v51, v8;
	[tilespmem:s24+$0xFFFFFE40] =	vst v17;
	v17 =	vmul.f32 v48, v1  }
0x308: {  	v42 =	vmul.f32 v34, v5;
	v22 =	vadd.f32 v53, v11;
	[tilespmem:s24+$0xFFFFFE10] =	vst v18  }
0x309: {  	v43 =	vmul.f32 v34, v6;
	[tilespmem:s24+$0xFFFFFE80] =	vst v19;
	v17 =	vadd.f32 v17, v9  }
0x30a: {  	v56 =	vmul.f32 v48, v5;
	v44 =	vadd.f32 v42, v13;
	[tilespmem:s24+$0xFFFFFEB0] =	vst v22  }
0x30b: {  	v46 =	vadd.f32 v43, v14;
	v18 =	vmul.f32 v48, v7;
	[tilespmem:s24+$0xFFFFFE90] =	vst v17;
	v17 =	vbroadcast v16, $0x6  }
0x30c: {  	v38 =	vmul.f32 v34, v2;
	v19 =	vadd.f32 v56, v13;
	[tilespmem:s24+$0x50] =	vst v44  }
0x30d: {  	[tilespmem:s24+$0x60] =	vst v46;
	v18 =	vadd.f32 v18, v15;
	v58 =	vmul.f32 v17, v0  }
0x30e: {  	[tilespmem:s24+$0xFFFFFED0] =	vst v19;
	v40 =	vadd.f32 v38, v10;
	v60 =	vmul.f32 v17, v1  }
0x30f: {  	[tilespmem:s24+$0xFFFFFEF0] =	vst v18;
	v62 =	vmul.f32 v17, v2;
	v61 =	vadd.f32 v58, v8  }
0x310: {  	[tilespmem:s24+$0x20] =	vst v40;
	v63 =	vmul.f32 v17, v3;
	v21 =	vadd.f32 v60, v9  }
0x311: {  	v24 =	vmul.f32 v17, v4;
	v20 =	vadd.f32 v62, v10;
	[tilespmem:s24+$0xFFFFFF00] =	vst v61  }
0x312: {  	v25 =	vmul.f32 v17, v5;
	v22 =	vadd.f32 v63, v11;
	[tilespmem:s24+$0xFFFFFF10] =	vst v21  }
0x313: {  	v27 =	vbroadcast v16, $0x7;
	v26 =	vmul.f32 v17, v6;
	v18 =	vadd.f32 v24, v12;
	[tilespmem:s24+$0xFFFFFF20] =	vst v20  }
0x314: {  	v17 =	vmul.f32 v17, v7;
	v19 =	vadd.f32 v25, v13;
	[tilespmem:s24+$0xFFFFFF30] =	vst v22  }
0x315: {  	v29 =	vmul.f32 v27, v0;
	v28 =	vadd.f32 v26, v14;
	[tilespmem:s24+$0xFFFFFF40] =	vst v18  }
0x316: {  	v30 =	vmul.f32 v27, v1;
	v17 =	vadd.f32 v17, v15;
	[tilespmem:s24+$0xFFFFFF50] =	vst v19  }
0x317: {  	v31 =	vmul.f32 v27, v2;
	v21 =	vadd.f32 v29, v8;
	[tilespmem:s24+$0xFFFFFF60] =	vst v28  }
0x318: {  	v32 =	vmul.f32 v27, v3;
	v18 =	vadd.f32 v30, v9;
	[tilespmem:s24+$0xFFFFFF70] =	vst v17  }
0x319: {  	v35 =	vmul.f32 v27, v6;
	v53 =	vbroadcast v16, $0xA;
	v19 =	vadd.f32 v31, v10;
	[tilespmem:s24+$0xFFFFFF80] =	vst v21  }
0x31a: {  	v17 =	vmul.f32 v27, v4;
	v20 =	vadd.f32 v32, v11;
	[tilespmem:s24+$0xFFFFFF90] =	vst v18  }
0x31b: {  	v60 =	vmul.f32 v53, v5;
	v22 =	vadd.f32 v35, v14;
	[tilespmem:s24+$0xFFFFFFA0] =	vst v19  }
0x31c: {  	v33 =	vmul.f32 v27, v5;
	v17 =	vadd.f32 v17, v12;
	[tilespmem:s24+$0xFFFFFFB0] =	vst v20  }
0x31d: {  	v36 =	vmul.f32 v27, v7;
	v24 =	vadd.f32 v60, v13;
	[tilespmem:s24+$0xFFFFFFE0] =	vst v22  }
0x31e: {  	v21 =	vadd.f32 v33, v13;
	[tilespmem:s24+$0xFFFFFFC0] =	vst v17;
	v17 =	vmul.f32 v34, v1  }
0x31f: {  	v37 =	vmul.f32 v34, v0;
	v19 =	vadd.f32 v36, v15;
	[tilespmem:s24+$0x150] =	vst v24  }
0x320: {  	v39 =	vmul.f32 v34, v3;
	[tilespmem:s24+$0xFFFFFFD0] =	vst v21;
	v17 =	vadd.f32 v17, v9  }
0x321: {  	v41 =	vmul.f32 v34, v4;
	v30 =	vbroadcast v16, $0xC;
	v20 =	vadd.f32 v37, v8;
	[tilespmem:s24+$0xFFFFFFF0] =	vst v19  }
0x322: {  	v22 =	vadd.f32 v39, v11;
	v18 =	vmul.f32 v34, v7;
	[tilespmem:s24+$0x10] =	vst v17;
	v17 =	vbroadcast v16, $0x9  }
0x323: {  	v38 =	vmul.f32 v30, v6;
	[tilespmem:s24+$0x0] =	vst v20;
	v21 =	vadd.f32 v41, v12  }
0x324: {  	[tilespmem:s24+$0x30] =	vst v22;
	v18 =	vadd.f32 v18, v15;
	v45 =	vmul.f32 v17, v0  }
0x325: {  	v40 =	vadd.f32 v38, v14;
	[tilespmem:s24+$0x40] =	vst v21;
	v47 =	vmul.f32 v17, v1  }
0x326: {  	[tilespmem:s24+$0x70] =	vst v18;
	v49 =	vmul.f32 v17, v2;
	v48 =	vadd.f32 v45, v8  }
0x327: {  	[tilespmem:s24+$0x260] =	vst v40;
	v50 =	vmul.f32 v17, v3;
	v21 =	vadd.f32 v47, v9  }
0x328: {  	v51 =	vmul.f32 v17, v4;
	v20 =	vadd.f32 v49, v10;
	[tilespmem:s24+$0x80] =	vst v48  }
0x329: {  	v52 =	vmul.f32 v17, v5;
	v22 =	vadd.f32 v50, v11;
	[tilespmem:s24+$0x90] =	vst v21  }
0x32a: {  	v54 =	vmul.f32 v17, v6;
	v18 =	vadd.f32 v51, v12;
	[tilespmem:s24+$0xA0] =	vst v20  }
0x32b: {  	v17 =	vmul.f32 v17, v7;
	v19 =	vadd.f32 v52, v13;
	[tilespmem:s24+$0xB0] =	vst v22  }
0x32c: {  	v56 =	vmul.f32 v53, v0;
	v55 =	vadd.f32 v54, v14;
	[tilespmem:s24+$0xC0] =	vst v18  }
0x32d: {  	v57 =	vmul.f32 v53, v1;
	v17 =	vadd.f32 v17, v15;
	[tilespmem:s24+$0xD0] =	vst v19  }
0x32e: {  	v58 =	vmul.f32 v53, v2;
	v62 =	vbroadcast v16, $0xB;
	v22 =	vadd.f32 v56, v8;
	[tilespmem:s24+$0xE0] =	vst v55  }
0x32f: {  	v59 =	vmul.f32 v53, v3;
	v18 =	vadd.f32 v57, v9;
	[tilespmem:s24+$0xF0] =	vst v17  }
0x330: {  	v27 =	vmul.f32 v62, v2;
	v19 =	vadd.f32 v58, v10;
	[tilespmem:s24+$0x100] =	vst v22  }
0x331: {  	v17 =	vmul.f32 v53, v4;
	v20 =	vadd.f32 v59, v11;
	[tilespmem:s24+$0x110] =	vst v18  }
0x332: {  	v61 =	vmul.f32 v53, v6;
	v21 =	vadd.f32 v27, v10;
	[tilespmem:s24+$0x120] =	vst v19  }
0x333: {  	v25 =	vmul.f32 v62, v0;
	v17 =	vadd.f32 v17, v12;
	[tilespmem:s24+$0x130] =	vst v20  }
0x334: {  	v63 =	vmul.f32 v53, v7;
	v18 =	vadd.f32 v61, v14;
	[tilespmem:s24+$0x1A0] =	vst v21  }
0x335: {  	v26 =	vmul.f32 v62, v1;
	v20 =	vadd.f32 v25, v8;
	[tilespmem:s24+$0x140] =	vst v17  }
0x336: {  	v31 =	vmul.f32 v62, v6;
	v17 =	vadd.f32 v63, v15;
	[tilespmem:s24+$0x160] =	vst v18  }
0x337: {  	v32 =	vmul.f32 v62, v7;
	v19 =	vadd.f32 v26, v9;
	[tilespmem:s24+$0x180] =	vst v20  }
0x338: {  	v22 =	vadd.f32 v31, v14;
	[tilespmem:s24+$0x170] =	vst v17;
	v17 =	vmul.f32 v62, v4  }
0x339: {  	v28 =	vmul.f32 v62, v3;
	v21 =	vadd.f32 v32, v15;
	[tilespmem:s24+$0x190] =	vst v19  }
0x33a: {  	v29 =	vmul.f32 v62, v5;
	[tilespmem:s24+$0x1E0] =	vst v22;
	v17 =	vadd.f32 v17, v12  }
0x33b: {  	v35 =	vmul.f32 v30, v3;
	v18 =	vadd.f32 v28, v11;
	[tilespmem:s24+$0x1F0] =	vst v21  }
0x33c: {  	v20 =	vadd.f32 v29, v13;
	[tilespmem:s24+$0x1C0] =	vst v17;
	v17 =	vmul.f32 v30, v1  }
0x33d: {  	v36 =	vmul.f32 v30, v4;
	v22 =	vadd.f32 v35, v11;
	[tilespmem:s24+$0x1B0] =	vst v18  }
0x33e: {  	v33 =	vmul.f32 v30, v0;
	[tilespmem:s24+$0x1D0] =	vst v20;
	v17 =	vadd.f32 v17, v9  }
0x33f: {  	v34 =	vmul.f32 v30, v2;
	v21 =	vadd.f32 v36, v12;
	[tilespmem:s24+$0x230] =	vst v22  }
0x340: {  	v19 =	vmul.f32 v30, v7;
	v18 =	vadd.f32 v33, v8;
	[tilespmem:s24+$0x210] =	vst v17;
	v17 =	vbroadcast v16, $0xD  }
0x341: {  	v37 =	vmul.f32 v30, v5;
	v20 =	vadd.f32 v34, v10;
	[tilespmem:s24+$0x240] =	vst v21  }
0x342: {  	v19 =	vadd.f32 v19, v15;
	[tilespmem:s24+$0x200] =	vst v18;
	v39 =	vmul.f32 v17, v0  }
0x343: {  	[tilespmem:s24+$0x220] =	vst v20;
	v18 =	vadd.f32 v37, v13;
	v41 =	vmul.f32 v17, v1  }
0x344: {  	[tilespmem:s24+$0x270] =	vst v19;
	v43 =	vmul.f32 v17, v2;
	v42 =	vadd.f32 v39, v8  }
0x345: {  	[tilespmem:s24+$0x250] =	vst v18;
	v44 =	vmul.f32 v17, v3;
	v21 =	vadd.f32 v41, v9  }
0x346: {  	v45 =	vmul.f32 v17, v4;
	v20 =	vadd.f32 v43, v10;
	[tilespmem:s24+$0x280] =	vst v42  }
0x347: {  	v48 =	vbroadcast v16, $0xE;
	v46 =	vmul.f32 v17, v5;
	v22 =	vadd.f32 v44, v11;
	[tilespmem:s24+$0x290] =	vst v21  }
0x348: {  	v16 =	vbroadcast v16, $0xF;
	v47 =	vmul.f32 v17, v6;
	v19 =	vadd.f32 v45, v12;
	[tilespmem:s24+$0x2A0] =	vst v20  }
0x349: {  	v17 =	vmul.f32 v17, v7;
	v18 =	vadd.f32 v46, v13;
	[tilespmem:s24+$0x2B0] =	vst v22  }
0x34a: {  	v58 =	vmul.f32 v16, v2;
	v49 =	vadd.f32 v47, v14;
	[tilespmem:s24+$0x2C0] =	vst v19  }
0x34b: {  	v62 =	vmul.f32 v16, v5;
	v17 =	vadd.f32 v17, v15;
	[tilespmem:s24+$0x2D0] =	vst v18  }
0x34c: {  	v50 =	vmul.f32 v48, v0;
	v60 =	vadd.f32 v58, v10;
	[tilespmem:s24+$0x2E0] =	vst v49  }
0x34d: {  	v51 =	vmul.f32 v48, v1;
	v63 =	vadd.f32 v62, v13;
	[tilespmem:s24+$0x2F0] =	vst v17  }
0x34e: {  	v52 =	vmul.f32 v48, v2;
	v21 =	vadd.f32 v50, v8;
	[tilespmem:s24+$0x3A0] =	vst v60  }
0x34f: {  	v53 =	vmul.f32 v48, v3;
	v19 =	vadd.f32 v51, v9;
	[tilespmem:s24+$0x3D0] =	vst v63  }
0x350: {  	v17 =	vmul.f32 v48, v4;
	v18 =	vadd.f32 v52, v10;
	[tilespmem:s24+$0x300] =	vst v21  }
0x351: {  	v54 =	vmul.f32 v48, v5;
	v20 =	vadd.f32 v53, v11;
	[tilespmem:s24+$0x310] =	vst v19  }
0x352: {  	v55 =	vmul.f32 v48, v6;
	v17 =	vadd.f32 v17, v12;
	[tilespmem:s24+$0x320] =	vst v18  }
0x353: {  	v56 =	vmul.f32 v48, v7;
	v21 =	vadd.f32 v54, v13;
	[tilespmem:s24+$0x330] =	vst v20  }
0x354: {  	v19 =	vadd.f32 v55, v14;
	[tilespmem:s24+$0x340] =	vst v17;
	v17 =	vmul.f32 v16, v1  }
0x355: {  	v57 =	vmul.f32 v16, v0;
	v18 =	vadd.f32 v56, v15;
	[tilespmem:s24+$0x350] =	vst v21  }
0x356: {  	v59 =	vmul.f32 v16, v3;
	[tilespmem:s24+$0x360] =	vst v19;
	v17 =	vadd.f32 v17, v9  }
0x357: {  	v61 =	vmul.f32 v16, v4;
	v20 =	vadd.f32 v57, v8;
	[tilespmem:s24+$0x370] =	vst v18  }
0x358: {  	s22 =	sadd.s32 $0x1, s22;
	v19 =	vadd.f32 v59, v11;
	[tilespmem:s24+$0x390] =	vst v17;
	v17 =	vmul.f32 v16, v6  }
0x359: {  	p0 =	sne.s32 s22, $0x19;
	[tilespmem:s24+$0x380] =	vst v20;
	v21 =	vadd.f32 v61, v12;
	v16 =	vmul.f32 v16, v7  }
.Ltmp2:
0x35a: {  	s23 =	sshll.u32 s23, $0x13;
	[tilespmem:s24+$0x3B0] =	vst v19;
	v17 =	vadd.f32 v17, v14;
	(pc) =	sbr.rel @p0 .LBB2_2-.Ltmp2, $4  }
0x35b: {  	s23 =	sor.u32 s8, s23;
	[tilespmem:s24+$0x3C0] =	vst v21;
	v16 =	vadd.f32 v16, v15  }
0x35c: {  	s23 =	sshrl.u32 s23, $0x3;
	[tilespmem:s24+$0x3E0] =	vst v17  }
0x35d: {  	s20 =	sadd.s32 $0x100, s20;
	s21 =	sadd.s32 $0x100, s21;
	s23 =	sadd.s32 s4, s23;
	[tilespmem:s24+$0x3F0] =	vst v16  }
0x35e: {  	[hbm4b:s23+s5] =	stream.linear.scatter [tilespmem:s16], [sflag:$0x2], $0x4000, $0x38;
	[tilespmem:$0x9D80] =	vst v63  }
0x35f: {  	s19 =	sadd.s32 $0x1, s19  }
0x360: {  	_ =	swait.ge [sflag:s17], $0x4000;
	p0 =	sne.s32 s19, s9  }
.Ltmp3:
0x361: {  	[sflag:s17] =	ssyncset.done $0x0;
	(pc) =	sbr.rel @p0 .LBB2_1-.Ltmp3, $4  }
0x362: {  	[sflag:s17] =	ssyncadd.s32 $0xFFFFC000  }
0x363: {  	_ =	swait.ge [sflag:s18], $0x4000  }
0x364: {  	[sflag:s18] =	ssyncset.done $0x0  }
0x365: {  	[sflag:s18] =	ssyncadd.s32 $0xFFFFC000  }
0x366: {  	_ =	sfence.sel $0x180000  }
0x367: {  	[bflag:$0x0] =	sbarrier.arrive $0xFFFF  }
0x368: {  	p0 =	sne.s32 s2, $0x0;
	_ =	strace $0x90000047  }
0x369: {  	s0 =	sadd.s32 @!p0 $0x100000, s0;
	[bflag:$0x2] =	sbarrier.arrive $0xFFFF  }
0x36a: {  	[sflag:s0] =	ssyncadd.tile.s32 @!p0 $0x1;
	_ =	shalt  }
.Lfunc_end2:
_tile_overlayer_lowered:
.L_overlay_start_2:
0x36b: {  	(tag) =	ssettag $0x2  }
0x36c: {  	s0 =	rddreg [dreg:$0x0];
	s2 =	stileid.u32  }
0x36d: {  	s1 =	rddreg [dreg:$0x1];
	p0 =	sne.s32 s2, $0x0  }
0x36e: {  	s3 =	rddreg [dreg:$0x2];
	[bflag:$0x3] =	sbarrier.arrive $0xFFFF;
	s2 =	simm.s32 @!p0 $0x1C03  }
0x36f: {  	[timem:s3], [sflag:s2] =	dma.local @!p0 [hbm:s0], s1  }
0x370: {  	s0 =	simm.s32 @!p0 $0x3  }
0x371: {  	_ =	swait.ge @!p0 [sflag:s0], s1  }
0x372: {  	s1 =	ssub.s32 @!p0 $0x0, s1;
	[sflag:s0] =	ssyncset.done @!p0 $0x0  }
0x373: {  	[sflag:s0] =	ssyncadd.s32 @!p0 s1  }
0x374: {  	[bflag:$0x3] =	sbarrier.arrive $0xFFFF  }
0x375: {  	_ =	shalt  }

</sc_bundles>
